<compile_context>
chip_gen: v7x
topology: tpu7x:2x2x1
jax: 0.10.2.dev20260603
libtpu: 0.0.44.dev20260713+nightly
codegen_flags: <defaults>
</compile_context>

<pallas_src>
import functools

import jax
import jax.numpy as jnp
from jax import lax
from jax.experimental import pallas as pl
from jax.experimental.pallas import tpu as pltpu
from jax.experimental.pallas import tpu_sc as plsc

NC, NS = 2, 16
NW = NC * NS
CHUNK = 8


def _sc_body(B, S, D, x_hbm, tid_hbm, p_hbm, o_hbm,
             buf0, buf1, idx_v, prow_v, insem, outsem, psem):
    wid = lax.axis_index("s") * NC + lax.axis_index("c")
    rows_w = S // NW
    base = wid * rows_w
    n_chunks = rows_w // CHUNK
    bufs = (buf0, buf1)

    @pl.when(wid == 0)
    def _lookup_start():
        idx_cp = pltpu.make_async_copy(tid_hbm, idx_v, psem)
        idx_cp.start()
        idx_cp.wait()
        pltpu.make_async_copy(p_hbm.at[idx_v], prow_v, psem).start()

    def in_cp(k, b):
        return pltpu.make_async_copy(
            x_hbm.at[b, pl.ds(base + k * CHUNK, CHUNK), :],
            bufs[k % 2].at[:, b, :], insem.at[k % 2])

    def out_cp(k):
        return pltpu.make_async_copy(
            bufs[k % 2],
            o_hbm.at[pl.ds(base + k * CHUNK, CHUNK), :, :],
            outsem.at[k % 2])

    def start_in(k):
        for b in range(B):
            in_cp(k, b).start()

    def wait_in(k):
        for b in range(B):
            in_cp(k, b).wait()

    start_in(0)
    if n_chunks > 1:
        start_in(1)
    for k in range(n_chunks):
        wait_in(k)
        out_cp(k).start()
        if k + 2 < n_chunks:
            out_cp(k).wait()
            start_in(k + 2)
    if n_chunks > 1:
        out_cp(n_chunks - 2).wait()
    out_cp(n_chunks - 1).wait()

    @pl.when(wid == 0)
    def _lookup_finish():
        pltpu.make_async_copy(p_hbm.at[idx_v], prow_v, psem).wait()
        pltpu.sync_copy(prow_v, o_hbm.at[S, :, :])


def kernel(x, task_id, prompt):
    B, S, D = x.shape

    body = functools.partial(_sc_body, B, S, D)
    run = pl.kernel(
        body,
        out_type=jax.ShapeDtypeStruct((S + 1, B, D), x.dtype),
        mesh=plsc.VectorSubcoreMesh(
            core_axis_name="c", subcore_axis_name="s",
            num_cores=NC, num_subcores=NS),
        scratch_types=[
            pltpu.VMEM((CHUNK, B, D), jnp.float32),
            pltpu.VMEM((CHUNK, B, D), jnp.float32),
            pltpu.VMEM((B,), jnp.int32),
            pltpu.VMEM((B, D), jnp.float32),
            pltpu.SemaphoreType.DMA((2,)),
            pltpu.SemaphoreType.DMA((2,)),
            pltpu.SemaphoreType.DMA,
        ],
    )
    out_t = run(x, task_id, prompt)
    out = jnp.transpose(out_t, (1, 0, 2))
    return (out, task_id)

# --- scband reference (transcript-rebuilt; emitter-appended) ---
"""Pipeline reference for scband-task-prompter-1623497638485 (READ-ONLY COPY).

The authoritative reference and input builder live on the scoring server;
editing this copy changes nothing except your own understanding.
"""

import jax, jax.numpy as jnp
import numpy as np

N_TASKS = 1000
EMBED_DIM = 1024
BATCH = 4
SEQ = 2048

def setup_inputs(seed: int = 0) -> dict:
    key = jax.random.key(seed)
    k_x, k_id, k_p = jax.random.split(key, 3)
    x = jax.random.normal(k_x, (BATCH, SEQ, EMBED_DIM), dtype=jnp.float32)
    task_id = jax.random.randint(k_id, (BATCH,), 0, N_TASKS, dtype=jnp.int64 if jax.config.jax_enable_x64 else jnp.int32)
    # learned prompt parameter, uniform(-1, 1) per torch init
    prompt = jax.random.uniform(k_p, (N_TASKS, EMBED_DIM), dtype=jnp.float32, minval=-1.0, maxval=1.0)
    return {"x": x, "task_id": task_id, "prompt": prompt}

def reference(x, task_id, prompt):
    # prompt lookup: [B, D]
    p = jnp.take(prompt, task_id, axis=0)
    # unsqueeze seq dim and concat: [B, S+1, D]
    out = jnp.concatenate([x, p[:, None, :]], axis=1)
    return (out, task_id)

if __name__ == "__main__":
    import jax
    _d = setup_inputs()
    print(jax.jit(kernel)(*tuple(_d.values())))

</pallas_src>

<mosaic_0001>
#map = affine_map<(d0, d1) -> (0, 0, 0)>
#map1 = affine_map<(d0, d1) -> (0)>
#map2 = affine_map<(d0, d1) -> (0, 0)>
module attributes {stable_mosaic.version = 14 : i64} {
  func.func @_sc_body(%arg0: i32, %arg1: i32, %arg2: memref<4x2048x1024xf32, #tpu.memory_space<hbm>>, %arg3: memref<4xi32, #tpu.memory_space<hbm>>, %arg4: memref<1000x1024xf32, #tpu.memory_space<hbm>>, %arg5: memref<2049x4x1024xf32, #tpu.memory_space<hbm>>, %arg6: memref<8x4x1024xf32, #tpu.memory_space<vmem>>, %arg7: memref<8x4x1024xf32, #tpu.memory_space<vmem>>, %arg8: memref<4xi32, #tpu.memory_space<vmem>>, %arg9: memref<4x1024xf32, #tpu.memory_space<vmem>>, %arg10: memref<2x!tpu.dma_semaphore, #tpu.memory_space<semaphore_mem>>, %arg11: memref<2x!tpu.dma_semaphore, #tpu.memory_space<semaphore_mem>>, %arg12: memref<!tpu.dma_semaphore, #tpu.memory_space<semaphore_mem>>) attributes {dimension_semantics = [#tpu.dimension_semantics<core_parallel>, #tpu.dimension_semantics<subcore_parallel>], iteration_bounds = array<i64: 2, 16>, scalar_prefetch = 0 : i64, scratch_operands = 7 : i64, tpu.core_type = #tpu.core_type<sc_vector_subcore>, window_params = [{transform_indices = #map}, {transform_indices = #map1}, {transform_indices = #map2}, {transform_indices = #map}]} {
    %mul3A = arith.constant 2 : i32
    %mul3A_0 = arith.muli %arg1, %mul3A : i32
    %add3A = arith.addi %mul3A_0, %arg0 : i32
    %mul3A_1 = arith.constant 64 : i32
    %mul3A_2 = arith.muli %add3A, %mul3A_1 : i32
    %eq3A = arith.constant 0 : i32
    %eq3A_3 = arith.cmpi eq, %add3A, %eq3A : i32
    %convert_element_type3A = arith.extui %eq3A_3 : i1 to i32
    %cond3A = arith.constant 0 : i32
    %cond3A_4 = arith.cmpi ne, %convert_element_type3A, %cond3A : i32
    scf.if %cond3A_4 {
      tpu.enqueue_dma source(%arg3 : memref<4xi32, #tpu.memory_space<hbm>>) target(%arg8 : memref<4xi32, #tpu.memory_space<vmem>>) target_semaphore(%arg12 : memref<!tpu.dma_semaphore, #tpu.memory_space<semaphore_mem>>)
      tpu.wait_dma2 semaphore(%arg12 : memref<!tpu.dma_semaphore, #tpu.memory_space<semaphore_mem>>) src(%arg3 : memref<4xi32, #tpu.memory_space<hbm>>) dst(%arg8 : memref<4xi32, #tpu.memory_space<vmem>>)
      %dma_start3A_1528 = arith.constant 0 : i32
      %dma_start3A_1529 = arith.constant 0 : i32
      %dma_start3A_1530 = tpu.memref_slice %arg4[%dma_start3A_1528, %dma_start3A_1529] : memref<1000x1024xf32, #tpu.memory_space<hbm>> -> memref<1000x1024xf32, #tpu.memory_space<hbm>>
      tpu.enqueue_indirect_dma source(%dma_start3A_1530 : memref<1000x1024xf32, #tpu.memory_space<hbm>>) target(%arg9 : memref<4x1024xf32, #tpu.memory_space<vmem>>) offsets(%arg8 : memref<4xi32, #tpu.memory_space<vmem>>) semaphore(%arg12 : memref<!tpu.dma_semaphore, #tpu.memory_space<semaphore_mem>>)
    } else {
    }
    %add3A_5 = arith.constant 0 : i32
    %add3A_6 = arith.addi %mul3A_2, %add3A_5 : i32
    %dma_start3A = arith.constant 0 : i32
    %dma_start3A_7 = arith.constant 0 : i32
    %dma_start3A_8 = arith.constant 0 : i32
    %dma_start3A_9 = arith.constant 0 : i32
    %dma_start3A_10 = arith.constant 0 : i32
    %dma_start3A_11 = tpu.memref_slice %arg6[%dma_start3A_9, %dma_start3A_7, %dma_start3A_10] : memref<8x4x1024xf32, #tpu.memory_space<vmem>> -> memref<8x1x1024xf32, #tpu.memory_space<vmem>>
    %dma_start3A_12 = tpu.memref_squeeze %dma_start3A_11 : memref<8x1x1024xf32, #tpu.memory_space<vmem>> -> memref<8x1024xf32, #tpu.memory_space<vmem>>
    %dma_start3A_13 = arith.constant 0 : i32
    %dma_start3A_14 = tpu.memref_slice %arg2[%dma_start3A, %add3A_6, %dma_start3A_13] : memref<4x2048x1024xf32, #tpu.memory_space<hbm>> -> memref<1x8x1024xf32, #tpu.memory_space<hbm>>
    %dma_start3A_15 = tpu.memref_squeeze %dma_start3A_14 : memref<1x8x1024xf32, #tpu.memory_space<hbm>> -> memref<8x1024xf32, #tpu.memory_space<hbm>>
    %dma_start3A_16 = tpu.memref_slice %arg10[%dma_start3A_8] : memref<2x!tpu.dma_semaphore, #tpu.memory_space<semaphore_mem>> -> memref<1x!tpu.dma_semaphore, #tpu.memory_space<semaphore_mem>>
    %dma_start3A_17 = tpu.memref_squeeze %dma_start3A_16 : memref<1x!tpu.dma_semaphore, #tpu.memory_space<semaphore_mem>> -> memref<!tpu.dma_semaphore, #tpu.memory_space<semaphore_mem>>
    %dma_start3A_18 = arith.constant 0 : i32
    %dma_start3A_19 = arith.constant 0 : i32
    %dma_start3A_20 = tpu.memref_slice %arg6[%dma_start3A_18, %dma_start3A_7, %dma_start3A_19] : memref<8x4x1024xf32, #tpu.memory_space<vmem>> -> memref<8x1x1024xf32, #tpu.memory_space<vmem>>
    %dma_start3A_21 = tpu.memref_squeeze %dma_start3A_20 : memref<8x1x1024xf32, #tpu.memory_space<vmem>> -> memref<8x1024xf32, #tpu.memory_space<vmem>>
    %dma_start3A_22 = arith.constant 0 : i32
    %dma_start3A_23 = tpu.memref_slice %arg2[%dma_start3A, %add3A_6, %dma_start3A_22] : memref<4x2048x1024xf32, #tpu.memory_space<hbm>> -> memref<1x8x1024xf32, #tpu.memory_space<hbm>>
    %dma_start3A_24 = tpu.memref_squeeze %dma_start3A_23 : memref<1x8x1024xf32, #tpu.memory_space<hbm>> -> memref<8x1024xf32, #tpu.memory_space<hbm>>
    tpu.enqueue_dma source(%dma_start3A_24 : memref<8x1024xf32, #tpu.memory_space<hbm>>) target(%dma_start3A_21 : memref<8x1024xf32, #tpu.memory_space<vmem>>) target_semaphore(%dma_start3A_17 : memref<!tpu.dma_semaphore, #tpu.memory_space<semaphore_mem>>)
    %add3A_25 = arith.constant 0 : i32
    %add3A_26 = arith.addi %mul3A_2, %add3A_25 : i32
    %dma_start3A_27 = arith.constant 1 : i32
    %dma_start3A_28 = arith.constant 1 : i32
    %dma_start3A_29 = arith.constant 0 : i32
    %dma_start3A_30 = arith.constant 0 : i32
    %dma_start3A_31 = arith.constant 0 : i32
    %dma_start3A_32 = tpu.memref_slice %arg6[%dma_start3A_30, %dma_start3A_28, %dma_start3A_31] : memref<8x4x1024xf32, #tpu.memory_space<vmem>> -> memref<8x1x1024xf32, #tpu.memory_space<vmem>>
    %dma_start3A_33 = tpu.memref_squeeze %dma_start3A_32 : memref<8x1x1024xf32, #tpu.memory_space<vmem>> -> memref<8x1024xf32, #tpu.memory_space<vmem>>
    %dma_start3A_34 = arith.constant 0 : i32
    %dma_start3A_35 = tpu.memref_slice %arg2[%dma_start3A_27, %add3A_26, %dma_start3A_34] : memref<4x2048x1024xf32, #tpu.memory_space<hbm>> -> memref<1x8x1024xf32, #tpu.memory_space<hbm>>
    %dma_start3A_36 = tpu.memref_squeeze %dma_start3A_35 : memref<1x8x1024xf32, #tpu.memory_space<hbm>> -> memref<8x1024xf32, #tpu.memory_space<hbm>>
    %dma_start3A_37 = tpu.memref_slice %arg10[%dma_start3A_29] : memref<2x!tpu.dma_semaphore, #tpu.memory_space<semaphore_mem>> -> memref<1x!tpu.dma_semaphore, #tpu.memory_space<semaphore_mem>>
    %dma_start3A_38 = tpu.memref_squeeze %dma_start3A_37 : memref<1x!tpu.dma_semaphore, #tpu.memory_space<semaphore_mem>> -> memref<!tpu.dma_semaphore, #tpu.memory_space<semaphore_mem>>
    %dma_start3A_39 = arith.constant 0 : i32
    %dma_start3A_40 = arith.constant 0 : i32
    %dma_start3A_41 = tpu.memref_slice %arg6[%dma_start3A_39, %dma_start3A_28, %dma_start3A_40] : memref<8x4x1024xf32, #tpu.memory_space<vmem>> -> memref<8x1x1024xf32, #tpu.memory_space<vmem>>
    %dma_start3A_42 = tpu.memref_squeeze %dma_start3A_41 : memref<8x1x1024xf32, #tpu.memory_space<vmem>> -> memref<8x1024xf32, #tpu.memory_space<vmem>>
    %dma_start3A_43 = arith.constant 0 : i32
    %dma_start3A_44 = tpu.memref_slice %arg2[%dma_start3A_27, %add3A_26, %dma_start3A_43] : memref<4x2048x1024xf32, #tpu.memory_space<hbm>> -> memref<1x8x1024xf32, #tpu.memory_space<hbm>>
    %dma_start3A_45 = tpu.memref_squeeze %dma_start3A_44 : memref<1x8x1024xf32, #tpu.memory_space<hbm>> -> memref<8x1024xf32, #tpu.memory_space<hbm>>
    tpu.enqueue_dma source(%dma_start3A_45 : memref<8x1024xf32, #tpu.memory_space<hbm>>) target(%dma_start3A_42 : memref<8x1024xf32, #tpu.memory_space<vmem>>) target_semaphore(%dma_start3A_38 : memref<!tpu.dma_semaphore, #tpu.memory_space<semaphore_mem>>)
    %add3A_46 = arith.constant 0 : i32
    %add3A_47 = arith.addi %mul3A_2, %add3A_46 : i32
    %dma_start3A_48 = arith.constant 2 : i32
    %dma_start3A_49 = arith.constant 2 : i32
    %dma_start3A_50 = arith.constant 0 : i32
    %dma_start3A_51 = arith.constant 0 : i32
    %dma_start3A_52 = arith.constant 0 : i32
    %dma_start3A_53 = tpu.memref_slice %arg6[%dma_start3A_51, %dma_start3A_49, %dma_start3A_52] : memref<8x4x1024xf32, #tpu.memory_space<vmem>> -> memref<8x1x1024xf32, #tpu.memory_space<vmem>>
    %dma_start3A_54 = tpu.memref_squeeze %dma_start3A_53 : memref<8x1x1024xf32, #tpu.memory_space<vmem>> -> memref<8x1024xf32, #tpu.memory_space<vmem>>
    %dma_start3A_55 = arith.constant 0 : i32
    %dma_start3A_56 = tpu.memref_slice %arg2[%dma_start3A_48, %add3A_47, %dma_start3A_55] : memref<4x2048x1024xf32, #tpu.memory_space<hbm>> -> memref<1x8x1024xf32, #tpu.memory_space<hbm>>
    %dma_start3A_57 = tpu.memref_squeeze %dma_start3A_56 : memref<1x8x1024xf32, #tpu.memory_space<hbm>> -> memref<8x1024xf32, #tpu.memory_space<hbm>>
    %dma_start3A_58 = tpu.memref_slice %arg10[%dma_start3A_50] : memref<2x!tpu.dma_semaphore, #tpu.memory_space<semaphore_mem>> -> memref<1x!tpu.dma_semaphore, #tpu.memory_space<semaphore_mem>>
    %dma_start3A_59 = tpu.memref_squeeze %dma_start3A_58 : memref<1x!tpu.dma_semaphore, #tpu.memory_space<semaphore_mem>> -> memref<!tpu.dma_semaphore, #tpu.memory_space<semaphore_mem>>
    %dma_start3A_60 = arith.constant 0 : i32
    %dma_start3A_61 = arith.constant 0 : i32
    %dma_start3A_62 = tpu.memref_slice %arg6[%dma_start3A_60, %dma_start3A_49, %dma_start3A_61] : memref<8x4x1024xf32, #tpu.memory_space<vmem>> -> memref<8x1x1024xf32, #tpu.memory_space<vmem>>
    %dma_start3A_63 = tpu.memref_squeeze %dma_start3A_62 : memref<8x1x1024xf32, #tpu.memory_space<vmem>> -> memref<8x1024xf32, #tpu.memory_space<vmem>>
    %dma_start3A_64 = arith.constant 0 : i32
    %dma_start3A_65 = tpu.memref_slice %arg2[%dma_start3A_48, %add3A_47, %dma_start3A_64] : memref<4x2048x1024xf32, #tpu.memory_space<hbm>> -> memref<1x8x1024xf32, #tpu.memory_space<hbm>>
    %dma_start3A_66 = tpu.memref_squeeze %dma_start3A_65 : memref<1x8x1024xf32, #tpu.memory_space<hbm>> -> memref<8x1024xf32, #tpu.memory_space<hbm>>
    tpu.enqueue_dma source(%dma_start3A_66 : memref<8x1024xf32, #tpu.memory_space<hbm>>) target(%dma_start3A_63 : memref<8x1024xf32, #tpu.memory_space<vmem>>) target_semaphore(%dma_start3A_59 : memref<!tpu.dma_semaphore, #tpu.memory_space<semaphore_mem>>)
    %add3A_67 = arith.constant 0 : i32
    %add3A_68 = arith.addi %mul3A_2, %add3A_67 : i32
    %dma_start3A_69 = arith.constant 3 : i32
    %dma_start3A_70 = arith.constant 3 : i32
    %dma_start3A_71 = arith.constant 0 : i32
    %dma_start3A_72 = arith.constant 0 : i32
    %dma_start3A_73 = arith.constant 0 : i32
    %dma_start3A_74 = tpu.memref_slice %arg6[%dma_start3A_72, %dma_start3A_70, %dma_start3A_73] : memref<8x4x1024xf32, #tpu.memory_space<vmem>> -> memref<8x1x1024xf32, #tpu.memory_space<vmem>>
    %dma_start3A_75 = tpu.memref_squeeze %dma_start3A_74 : memref<8x1x1024xf32, #tpu.memory_space<vmem>> -> memref<8x1024xf32, #tpu.memory_space<vmem>>
    %dma_start3A_76 = arith.constant 0 : i32
    %dma_start3A_77 = tpu.memref_slice %arg2[%dma_start3A_69, %add3A_68, %dma_start3A_76] : memref<4x2048x1024xf32, #tpu.memory_space<hbm>> -> memref<1x8x1024xf32, #tpu.memory_space<hbm>>
    %dma_start3A_78 = tpu.memref_squeeze %dma_start3A_77 : memref<1x8x1024xf32, #tpu.memory_space<hbm>> -> memref<8x1024xf32, #tpu.memory_space<hbm>>
    %dma_start3A_79 = tpu.memref_slice %arg10[%dma_start3A_71] : memref<2x!tpu.dma_semaphore, #tpu.memory_space<semaphore_mem>> -> memref<1x!tpu.dma_semaphore, #tpu.memory_space<semaphore_mem>>
    %dma_start3A_80 = tpu.memref_squeeze %dma_start3A_79 : memref<1x!tpu.dma_semaphore, #tpu.memory_space<semaphore_mem>> -> memref<!tpu.dma_semaphore, #tpu.memory_space<semaphore_mem>>
    %dma_start3A_81 = arith.constant 0 : i32
    %dma_start3A_82 = arith.constant 0 : i32
    %dma_start3A_83 = tpu.memref_slice %arg6[%dma_start3A_81, %dma_start3A_70, %dma_start3A_82] : memref<8x4x1024xf32, #tpu.memory_space<vmem>> -> memref<8x1x1024xf32, #tpu.memory_space<vmem>>
    %dma_start3A_84 = tpu.memref_squeeze %dma_start3A_83 : memref<8x1x1024xf32, #tpu.memory_space<vmem>> -> memref<8x1024xf32, #tpu.memory_space<vmem>>
    %dma_start3A_85 = arith.constant 0 : i32
    %dma_start3A_86 = tpu.memref_slice %arg2[%dma_start3A_69, %add3A_68, %dma_start3A_85] : memref<4x2048x1024xf32, #tpu.memory_space<hbm>> -> memref<1x8x1024xf32, #tpu.memory_space<hbm>>
    %dma_start3A_87 = tpu.memref_squeeze %dma_start3A_86 : memref<1x8x1024xf32, #tpu.memory_space<hbm>> -> memref<8x1024xf32, #tpu.memory_space<hbm>>
    tpu.enqueue_dma source(%dma_start3A_87 : memref<8x1024xf32, #tpu.memory_space<hbm>>) target(%dma_start3A_84 : memref<8x1024xf32, #tpu.memory_space<vmem>>) target_semaphore(%dma_start3A_80 : memref<!tpu.dma_semaphore, #tpu.memory_space<semaphore_mem>>)
    %add3A_88 = arith.constant 8 : i32
    %add3A_89 = arith.addi %mul3A_2, %add3A_88 : i32
    %dma_start3A_90 = arith.constant 0 : i32
    %dma_start3A_91 = arith.constant 0 : i32
    %dma_start3A_92 = arith.constant 1 : i32
    %dma_start3A_93 = arith.constant 0 : i32
    %dma_start3A_94 = arith.constant 0 : i32
    %dma_start3A_95 = tpu.memref_slice %arg7[%dma_start3A_93, %dma_start3A_91, %dma_start3A_94] : memref<8x4x1024xf32, #tpu.memory_space<vmem>> -> memref<8x1x1024xf32, #tpu.memory_space<vmem>>
    %dma_start3A_96 = tpu.memref_squeeze %dma_start3A_95 : memref<8x1x1024xf32, #tpu.memory_space<vmem>> -> memref<8x1024xf32, #tpu.memory_space<vmem>>
    %dma_start3A_97 = arith.constant 0 : i32
    %dma_start3A_98 = tpu.memref_slice %arg2[%dma_start3A_90, %add3A_89, %dma_start3A_97] : memref<4x2048x1024xf32, #tpu.memory_space<hbm>> -> memref<1x8x1024xf32, #tpu.memory_space<hbm>>
    %dma_start3A_99 = tpu.memref_squeeze %dma_start3A_98 : memref<1x8x1024xf32, #tpu.memory_space<hbm>> -> memref<8x1024xf32, #tpu.memory_space<hbm>>
    %dma_start3A_100 = tpu.memref_slice %arg10[%dma_start3A_92] : memref<2x!tpu.dma_semaphore, #tpu.memory_space<semaphore_mem>> -> memref<1x!tpu.dma_semaphore, #tpu.memory_space<semaphore_mem>>
    %dma_start3A_101 = tpu.memref_squeeze %dma_start3A_100 : memref<1x!tpu.dma_semaphore, #tpu.memory_space<semaphore_mem>> -> memref<!tpu.dma_semaphore, #tpu.memory_space<semaphore_mem>>
    %dma_start3A_102 = arith.constant 0 : i32
    %dma_start3A_103 = arith.constant 0 : i32
    %dma_start3A_104 = tpu.memref_slice %arg7[%dma_start3A_102, %dma_start3A_91, %dma_start3A_103] : memref<8x4x1024xf32, #tpu.memory_space<vmem>> -> memref<8x1x1024xf32, #tpu.memory_space<vmem>>
    %dma_start3A_105 = tpu.memref_squeeze %dma_start3A_104 : memref<8x1x1024xf32, #tpu.memory_space<vmem>> -> memref<8x1024xf32, #tpu.memory_space<vmem>>
    %dma_start3A_106 = arith.constant 0 : i32
    %dma_start3A_107 = tpu.memref_slice %arg2[%dma_start3A_90, %add3A_89, %dma_start3A_106] : memref<4x2048x1024xf32, #tpu.memory_space<hbm>> -> memref<1x8x1024xf32, #tpu.memory_space<hbm>>
    %dma_start3A_108 = tpu.memref_squeeze %dma_start3A_107 : memref<1x8x1024xf32, #tpu.memory_space<hbm>> -> memref<8x1024xf32, #tpu.memory_space<hbm>>
    tpu.enqueue_dma source(%dma_start3A_108 : memref<8x1024xf32, #tpu.memory_space<hbm>>) target(%dma_start3A_105 : memref<8x1024xf32, #tpu.memory_space<vmem>>) target_semaphore(%dma_start3A_101 : memref<!tpu.dma_semaphore, #tpu.memory_space<semaphore_mem>>)
    %add3A_109 = arith.constant 8 : i32
    %add3A_110 = arith.addi %mul3A_2, %add3A_109 : i32
    %dma_start3A_111 = arith.constant 1 : i32
    %dma_start3A_112 = arith.constant 1 : i32
    %dma_start3A_113 = arith.constant 1 : i32
    %dma_start3A_114 = arith.constant 0 : i32
    %dma_start3A_115 = arith.constant 0 : i32
    %dma_start3A_116 = tpu.memref_slice %arg7[%dma_start3A_114, %dma_start3A_112, %dma_start3A_115] : memref<8x4x1024xf32, #tpu.memory_space<vmem>> -> memref<8x1x1024xf32, #tpu.memory_space<vmem>>
    %dma_start3A_117 = tpu.memref_squeeze %dma_start3A_116 : memref<8x1x1024xf32, #tpu.memory_space<vmem>> -> memref<8x1024xf32, #tpu.memory_space<vmem>>
    %dma_start3A_118 = arith.constant 0 : i32
    %dma_start3A_119 = tpu.memref_slice %arg2[%dma_start3A_111, %add3A_110, %dma_start3A_118] : memref<4x2048x1024xf32, #tpu.memory_space<hbm>> -> memref<1x8x1024xf32, #tpu.memory_space<hbm>>
    %dma_start3A_120 = tpu.memref_squeeze %dma_start3A_119 : memref<1x8x1024xf32, #tpu.memory_space<hbm>> -> memref<8x1024xf32, #tpu.memory_space<hbm>>
    %dma_start3A_121 = tpu.memref_slice %arg10[%dma_start3A_113] : memref<2x!tpu.dma_semaphore, #tpu.memory_space<semaphore_mem>> -> memref<1x!tpu.dma_semaphore, #tpu.memory_space<semaphore_mem>>
    %dma_start3A_122 = tpu.memref_squeeze %dma_start3A_121 : memref<1x!tpu.dma_semaphore, #tpu.memory_space<semaphore_mem>> -> memref<!tpu.dma_semaphore, #tpu.memory_space<semaphore_mem>>
    %dma_start3A_123 = arith.constant 0 : i32
    %dma_start3A_124 = arith.constant 0 : i32
    %dma_start3A_125 = tpu.memref_slice %arg7[%dma_start3A_123, %dma_start3A_112, %dma_start3A_124] : memref<8x4x1024xf32, #tpu.memory_space<vmem>> -> memref<8x1x1024xf32, #tpu.memory_space<vmem>>
    %dma_start3A_126 = tpu.memref_squeeze %dma_start3A_125 : memref<8x1x1024xf32, #tpu.memory_space<vmem>> -> memref<8x1024xf32, #tpu.memory_space<vmem>>
    %dma_start3A_127 = arith.constant 0 : i32
    %dma_start3A_128 = tpu.memref_slice %arg2[%dma_start3A_111, %add3A_110, %dma_start3A_127] : memref<4x2048x1024xf32, #tpu.memory_space<hbm>> -> memref<1x8x1024xf32, #tpu.memory_space<hbm>>
    %dma_start3A_129 = tpu.memref_squeeze %dma_start3A_128 : memref<1x8x1024xf32, #tpu.memory_space<hbm>> -> memref<8x1024xf32, #tpu.memory_space<hbm>>
    tpu.enqueue_dma source(%dma_start3A_129 : memref<8x1024xf32, #tpu.memory_space<hbm>>) target(%dma_start3A_126 : memref<8x1024xf32, #tpu.memory_space<vmem>>) target_semaphore(%dma_start3A_122 : memref<!tpu.dma_semaphore, #tpu.memory_space<semaphore_mem>>)
    %add3A_130 = arith.constant 8 : i32
    %add3A_131 = arith.addi %mul3A_2, %add3A_130 : i32
    %dma_start3A_132 = arith.constant 2 : i32
    %dma_start3A_133 = arith.constant 2 : i32
    %dma_start3A_134 = arith.constant 1 : i32
    %dma_start3A_135 = arith.constant 0 : i32
    %dma_start3A_136 = arith.constant 0 : i32
    %dma_start3A_137 = tpu.memref_slice %arg7[%dma_start3A_135, %dma_start3A_133, %dma_start3A_136] : memref<8x4x1024xf32, #tpu.memory_space<vmem>> -> memref<8x1x1024xf32, #tpu.memory_space<vmem>>
    %dma_start3A_138 = tpu.memref_squeeze %dma_start3A_137 : memref<8x1x1024xf32, #tpu.memory_space<vmem>> -> memref<8x1024xf32, #tpu.memory_space<vmem>>
    %dma_start3A_139 = arith.constant 0 : i32
    %dma_start3A_140 = tpu.memref_slice %arg2[%dma_start3A_132, %add3A_131, %dma_start3A_139] : memref<4x2048x1024xf32, #tpu.memory_space<hbm>> -> memref<1x8x1024xf32, #tpu.memory_space<hbm>>
    %dma_start3A_141 = tpu.memref_squeeze %dma_start3A_140 : memref<1x8x1024xf32, #tpu.memory_space<hbm>> -> memref<8x1024xf32, #tpu.memory_space<hbm>>
    %dma_start3A_142 = tpu.memref_slice %arg10[%dma_start3A_134] : memref<2x!tpu.dma_semaphore, #tpu.memory_space<semaphore_mem>> -> memref<1x!tpu.dma_semaphore, #tpu.memory_space<semaphore_mem>>
    %dma_start3A_143 = tpu.memref_squeeze %dma_start3A_142 : memref<1x!tpu.dma_semaphore, #tpu.memory_space<semaphore_mem>> -> memref<!tpu.dma_semaphore, #tpu.memory_space<semaphore_mem>>
    %dma_start3A_144 = arith.constant 0 : i32
    %dma_start3A_145 = arith.constant 0 : i32
    %dma_start3A_146 = tpu.memref_slice %arg7[%dma_start3A_144, %dma_start3A_133, %dma_start3A_145] : memref<8x4x1024xf32, #tpu.memory_space<vmem>> -> memref<8x1x1024xf32, #tpu.memory_space<vmem>>
    %dma_start3A_147 = tpu.memref_squeeze %dma_start3A_146 : memref<8x1x1024xf32, #tpu.memory_space<vmem>> -> memref<8x1024xf32, #tpu.memory_space<vmem>>
    %dma_start3A_148 = arith.constant 0 : i32
    %dma_start3A_149 = tpu.memref_slice %arg2[%dma_start3A_132, %add3A_131, %dma_start3A_148] : memref<4x2048x1024xf32, #tpu.memory_space<hbm>> -> memref<1x8x1024xf32, #tpu.memory_space<hbm>>
    %dma_start3A_150 = tpu.memref_squeeze %dma_start3A_149 : memref<1x8x1024xf32, #tpu.memory_space<hbm>> -> memref<8x1024xf32, #tpu.memory_space<hbm>>
    tpu.enqueue_dma source(%dma_start3A_150 : memref<8x1024xf32, #tpu.memory_space<hbm>>) target(%dma_start3A_147 : memref<8x1024xf32, #tpu.memory_space<vmem>>) target_semaphore(%dma_start3A_143 : memref<!tpu.dma_semaphore, #tpu.memory_space<semaphore_mem>>)
    %add3A_151 = arith.constant 8 : i32
    %add3A_152 = arith.addi %mul3A_2, %add3A_151 : i32
    %dma_start3A_153 = arith.constant 3 : i32
    %dma_start3A_154 = arith.constant 3 : i32
    %dma_start3A_155 = arith.constant 1 : i32
    %dma_start3A_156 = arith.constant 0 : i32
    %dma_start3A_157 = arith.constant 0 : i32
    %dma_start3A_158 = tpu.memref_slice %arg7[%dma_start3A_156, %dma_start3A_154, %dma_start3A_157] : memref<8x4x1024xf32, #tpu.memory_space<vmem>> -> memref<8x1x1024xf32, #tpu.memory_space<vmem>>
    %dma_start3A_159 = tpu.memref_squeeze %dma_start3A_158 : memref<8x1x1024xf32, #tpu.memory_space<vmem>> -> memref<8x1024xf32, #tpu.memory_space<vmem>>
    %dma_start3A_160 = arith.constant 0 : i32
    %dma_start3A_161 = tpu.memref_slice %arg2[%dma_start3A_153, %add3A_152, %dma_start3A_160] : memref<4x2048x1024xf32, #tpu.memory_space<hbm>> -> memref<1x8x1024xf32, #tpu.memory_space<hbm>>
    %dma_start3A_162 = tpu.memref_squeeze %dma_start3A_161 : memref<1x8x1024xf32, #tpu.memory_space<hbm>> -> memref<8x1024xf32, #tpu.memory_space<hbm>>
    %dma_start3A_163 = tpu.memref_slice %arg10[%dma_start3A_155] : memref<2x!tpu.dma_semaphore, #tpu.memory_space<semaphore_mem>> -> memref<1x!tpu.dma_semaphore, #tpu.memory_space<semaphore_mem>>
    %dma_start3A_164 = tpu.memref_squeeze %dma_start3A_163 : memref<1x!tpu.dma_semaphore, #tpu.memory_space<semaphore_mem>> -> memref<!tpu.dma_semaphore, #tpu.memory_space<semaphore_mem>>
    %dma_start3A_165 = arith.constant 0 : i32
    %dma_start3A_166 = arith.constant 0 : i32
    %dma_start3A_167 = tpu.memref_slice %arg7[%dma_start3A_165, %dma_start3A_154, %dma_start3A_166] : memref<8x4x1024xf32, #tpu.memory_space<vmem>> -> memref<8x1x1024xf32, #tpu.memory_space<vmem>>
    %dma_start3A_168 = tpu.memref_squeeze %dma_start3A_167 : memref<8x1x1024xf32, #tpu.memory_space<vmem>> -> memref<8x1024xf32, #tpu.memory_space<vmem>>
    %dma_start3A_169 = arith.constant 0 : i32
    %dma_start3A_170 = tpu.memref_slice %arg2[%dma_start3A_153, %add3A_152, %dma_start3A_169] : memref<4x2048x1024xf32, #tpu.memory_space<hbm>> -> memref<1x8x1024xf32, #tpu.memory_space<hbm>>
    %dma_start3A_171 = tpu.memref_squeeze %dma_start3A_170 : memref<1x8x1024xf32, #tpu.memory_space<hbm>> -> memref<8x1024xf32, #tpu.memory_space<hbm>>
    tpu.enqueue_dma source(%dma_start3A_171 : memref<8x1024xf32, #tpu.memory_space<hbm>>) target(%dma_start3A_168 : memref<8x1024xf32, #tpu.memory_space<vmem>>) target_semaphore(%dma_start3A_164 : memref<!tpu.dma_semaphore, #tpu.memory_space<semaphore_mem>>)
    %add3A_172 = arith.constant 0 : i32
    %add3A_173 = arith.addi %mul3A_2, %add3A_172 : i32
    %dma_wait3A = arith.constant 0 : i32
    %dma_wait3A_174 = arith.constant 0 : i32
    %dma_wait3A_175 = arith.constant 0 : i32
    %dma_wait3A_176 = arith.constant 0 : i32
    %dma_wait3A_177 = arith.constant 0 : i32
    %dma_wait3A_178 = tpu.memref_slice %arg6[%dma_wait3A_176, %dma_wait3A_174, %dma_wait3A_177] : memref<8x4x1024xf32, #tpu.memory_space<vmem>> -> memref<8x1x1024xf32, #tpu.memory_space<vmem>>
    %dma_wait3A_179 = tpu.memref_squeeze %dma_wait3A_178 : memref<8x1x1024xf32, #tpu.memory_space<vmem>> -> memref<8x1024xf32, #tpu.memory_space<vmem>>
    %dma_wait3A_180 = arith.constant 0 : i32
    %dma_wait3A_181 = tpu.memref_slice %arg2[%dma_wait3A, %add3A_173, %dma_wait3A_180] : memref<4x2048x1024xf32, #tpu.memory_space<hbm>> -> memref<1x8x1024xf32, #tpu.memory_space<hbm>>
    %dma_wait3A_182 = tpu.memref_squeeze %dma_wait3A_181 : memref<1x8x1024xf32, #tpu.memory_space<hbm>> -> memref<8x1024xf32, #tpu.memory_space<hbm>>
    %dma_wait3A_183 = tpu.memref_slice %arg10[%dma_wait3A_175] : memref<2x!tpu.dma_semaphore, #tpu.memory_space<semaphore_mem>> -> memref<1x!tpu.dma_semaphore, #tpu.memory_space<semaphore_mem>>
    %dma_wait3A_184 = tpu.memref_squeeze %dma_wait3A_183 : memref<1x!tpu.dma_semaphore, #tpu.memory_space<semaphore_mem>> -> memref<!tpu.dma_semaphore, #tpu.memory_space<semaphore_mem>>
    %dma_wait3A_185 = arith.constant 0 : i32
    %dma_wait3A_186 = arith.constant 0 : i32
    %dma_wait3A_187 = tpu.memref_slice %arg6[%dma_wait3A_185, %dma_wait3A_174, %dma_wait3A_186] : memref<8x4x1024xf32, #tpu.memory_space<vmem>> -> memref<8x1x1024xf32, #tpu.memory_space<vmem>>
    %dma_wait3A_188 = tpu.memref_squeeze %dma_wait3A_187 : memref<8x1x1024xf32, #tpu.memory_space<vmem>> -> memref<8x1024xf32, #tpu.memory_space<vmem>>
    %dma_wait3A_189 = arith.constant 0 : i32
    %dma_wait3A_190 = tpu.memref_slice %arg2[%dma_wait3A, %add3A_173, %dma_wait3A_189] : memref<4x2048x1024xf32, #tpu.memory_space<hbm>> -> memref<1x8x1024xf32, #tpu.memory_space<hbm>>
    %dma_wait3A_191 = tpu.memref_squeeze %dma_wait3A_190 : memref<1x8x1024xf32, #tpu.memory_space<hbm>> -> memref<8x1024xf32, #tpu.memory_space<hbm>>
    tpu.wait_dma2 semaphore(%dma_wait3A_184 : memref<!tpu.dma_semaphore, #tpu.memory_space<semaphore_mem>>) src(%dma_wait3A_191 : memref<8x1024xf32, #tpu.memory_space<hbm>>) dst(%dma_wait3A_188 : memref<8x1024xf32, #tpu.memory_space<vmem>>)
    %add3A_192 = arith.constant 0 : i32
    %add3A_193 = arith.addi %mul3A_2, %add3A_192 : i32
    %dma_wait3A_194 = arith.constant 1 : i32
    %dma_wait3A_195 = arith.constant 1 : i32
    %dma_wait3A_196 = arith.constant 0 : i32
    %dma_wait3A_197 = arith.constant 0 : i32
    %dma_wait3A_198 = arith.constant 0 : i32
    %dma_wait3A_199 = tpu.memref_slice %arg6[%dma_wait3A_197, %dma_wait3A_195, %dma_wait3A_198] : memref<8x4x1024xf32, #tpu.memory_space<vmem>> -> memref<8x1x1024xf32, #tpu.memory_space<vmem>>
    %dma_wait3A_200 = tpu.memref_squeeze %dma_wait3A_199 : memref<8x1x1024xf32, #tpu.memory_space<vmem>> -> memref<8x1024xf32, #tpu.memory_space<vmem>>
    %dma_wait3A_201 = arith.constant 0 : i32
    %dma_wait3A_202 = tpu.memref_slice %arg2[%dma_wait3A_194, %add3A_193, %dma_wait3A_201] : memref<4x2048x1024xf32, #tpu.memory_space<hbm>> -> memref<1x8x1024xf32, #tpu.memory_space<hbm>>
    %dma_wait3A_203 = tpu.memref_squeeze %dma_wait3A_202 : memref<1x8x1024xf32, #tpu.memory_space<hbm>> -> memref<8x1024xf32, #tpu.memory_space<hbm>>
    %dma_wait3A_204 = tpu.memref_slice %arg10[%dma_wait3A_196] : memref<2x!tpu.dma_semaphore, #tpu.memory_space<semaphore_mem>> -> memref<1x!tpu.dma_semaphore, #tpu.memory_space<semaphore_mem>>
    %dma_wait3A_205 = tpu.memref_squeeze %dma_wait3A_204 : memref<1x!tpu.dma_semaphore, #tpu.memory_space<semaphore_mem>> -> memref<!tpu.dma_semaphore, #tpu.memory_space<semaphore_mem>>
    %dma_wait3A_206 = arith.constant 0 : i32
    %dma_wait3A_207 = arith.constant 0 : i32
    %dma_wait3A_208 = tpu.memref_slice %arg6[%dma_wait3A_206, %dma_wait3A_195, %dma_wait3A_207] : memref<8x4x1024xf32, #tpu.memory_space<vmem>> -> memref<8x1x1024xf32, #tpu.memory_space<vmem>>
    %dma_wait3A_209 = tpu.memref_squeeze %dma_wait3A_208 : memref<8x1x1024xf32, #tpu.memory_space<vmem>> -> memref<8x1024xf32, #tpu.memory_space<vmem>>
    %dma_wait3A_210 = arith.constant 0 : i32
    %dma_wait3A_211 = tpu.memref_slice %arg2[%dma_wait3A_194, %add3A_193, %dma_wait3A_210] : memref<4x2048x1024xf32, #tpu.memory_space<hbm>> -> memref<1x8x1024xf32, #tpu.memory_space<hbm>>
    %dma_wait3A_212 = tpu.memref_squeeze %dma_wait3A_211 : memref<1x8x1024xf32, #tpu.memory_space<hbm>> -> memref<8x1024xf32, #tpu.memory_space<hbm>>
    tpu.wait_dma2 semaphore(%dma_wait3A_205 : memref<!tpu.dma_semaphore, #tpu.memory_space<semaphore_mem>>) src(%dma_wait3A_212 : memref<8x1024xf32, #tpu.memory_space<hbm>>) dst(%dma_wait3A_209 : memref<8x1024xf32, #tpu.memory_space<vmem>>)
    %add3A_213 = arith.constant 0 : i32
    %add3A_214 = arith.addi %mul3A_2, %add3A_213 : i32
    %dma_wait3A_215 = arith.constant 2 : i32
    %dma_wait3A_216 = arith.constant 2 : i32
    %dma_wait3A_217 = arith.constant 0 : i32
    %dma_wait3A_218 = arith.constant 0 : i32
    %dma_wait3A_219 = arith.constant 0 : i32
    %dma_wait3A_220 = tpu.memref_slice %arg6[%dma_wait3A_218, %dma_wait3A_216, %dma_wait3A_219] : memref<8x4x1024xf32, #tpu.memory_space<vmem>> -> memref<8x1x1024xf32, #tpu.memory_space<vmem>>
    %dma_wait3A_221 = tpu.memref_squeeze %dma_wait3A_220 : memref<8x1x1024xf32, #tpu.memory_space<vmem>> -> memref<8x1024xf32, #tpu.memory_space<vmem>>
    %dma_wait3A_222 = arith.constant 0 : i32
    %dma_wait3A_223 = tpu.memref_slice %arg2[%dma_wait3A_215, %add3A_214, %dma_wait3A_222] : memref<4x2048x1024xf32, #tpu.memory_space<hbm>> -> memref<1x8x1024xf32, #tpu.memory_space<hbm>>
    %dma_wait3A_224 = tpu.memref_squeeze %dma_wait3A_223 : memref<1x8x1024xf32, #tpu.memory_space<hbm>> -> memref<8x1024xf32, #tpu.memory_space<hbm>>
    %dma_wait3A_225 = tpu.memref_slice %arg10[%dma_wait3A_217] : memref<2x!tpu.dma_semaphore, #tpu.memory_space<semaphore_mem>> -> memref<1x!tpu.dma_semaphore, #tpu.memory_space<semaphore_mem>>
    %dma_wait3A_226 = tpu.memref_squeeze %dma_wait3A_225 : memref<1x!tpu.dma_semaphore, #tpu.memory_space<semaphore_mem>> -> memref<!tpu.dma_semaphore, #tpu.memory_space<semaphore_mem>>
    %dma_wait3A_227 = arith.constant 0 : i32
    %dma_wait3A_228 = arith.constant 0 : i32
    %dma_wait3A_229 = tpu.memref_slice %arg6[%dma_wait3A_227, %dma_wait3A_216, %dma_wait3A_228] : memref<8x4x1024xf32, #tpu.memory_space<vmem>> -> memref<8x1x1024xf32, #tpu.memory_space<vmem>>
    %dma_wait3A_230 = tpu.memref_squeeze %dma_wait3A_229 : memref<8x1x1024xf32, #tpu.memory_space<vmem>> -> memref<8x1024xf32, #tpu.memory_space<vmem>>
    %dma_wait3A_231 = arith.constant 0 : i32
    %dma_wait3A_232 = tpu.memref_slice %arg2[%dma_wait3A_215, %add3A_214, %dma_wait3A_231] : memref<4x2048x1024xf32, #tpu.memory_space<hbm>> -> memref<1x8x1024xf32, #tpu.memory_space<hbm>>
    %dma_wait3A_233 = tpu.memref_squeeze %dma_wait3A_232 : memref<1x8x1024xf32, #tpu.memory_space<hbm>> -> memref<8x1024xf32, #tpu.memory_space<hbm>>
    tpu.wait_dma2 semaphore(%dma_wait3A_226 : memref<!tpu.dma_semaphore, #tpu.memory_space<semaphore_mem>>) src(%dma_wait3A_233 : memref<8x1024xf32, #tpu.memory_space<hbm>>) dst(%dma_wait3A_230 : memref<8x1024xf32, #tpu.memory_space<vmem>>)
    %add3A_234 = arith.constant 0 : i32
    %add3A_235 = arith.addi %mul3A_2, %add3A_234 : i32
    %dma_wait3A_236 = arith.constant 3 : i32
    %dma_wait3A_237 = arith.constant 3 : i32
    %dma_wait3A_238 = arith.constant 0 : i32
    %dma_wait3A_239 = arith.constant 0 : i32
    %dma_wait3A_240 = arith.constant 0 : i32
    %dma_wait3A_241 = tpu.memref_slice %arg6[%dma_wait3A_239, %dma_wait3A_237, %dma_wait3A_240] : memref<8x4x1024xf32, #tpu.memory_space<vmem>> -> memref<8x1x1024xf32, #tpu.memory_space<vmem>>
    %dma_wait3A_242 = tpu.memref_squeeze %dma_wait3A_241 : memref<8x1x1024xf32, #tpu.memory_space<vmem>> -> memref<8x1024xf32, #tpu.memory_space<vmem>>
    %dma_wait3A_243 = arith.constant 0 : i32
    %dma_wait3A_244 = tpu.memref_slice %arg2[%dma_wait3A_236, %add3A_235, %dma_wait3A_243] : memref<4x2048x1024xf32, #tpu.memory_space<hbm>> -> memref<1x8x1024xf32, #tpu.memory_space<hbm>>
    %dma_wait3A_245 = tpu.memref_squeeze %dma_wait3A_244 : memref<1x8x1024xf32, #tpu.memory_space<hbm>> -> memref<8x1024xf32, #tpu.memory_space<hbm>>
    %dma_wait3A_246 = tpu.memref_slice %arg10[%dma_wait3A_238] : memref<2x!tpu.dma_semaphore, #tpu.memory_space<semaphore_mem>> -> memref<1x!tpu.dma_semaphore, #tpu.memory_space<semaphore_mem>>
    %dma_wait3A_247 = tpu.memref_squeeze %dma_wait3A_246 : memref<1x!tpu.dma_semaphore, #tpu.memory_space<semaphore_mem>> -> memref<!tpu.dma_semaphore, #tpu.memory_space<semaphore_mem>>
    %dma_wait3A_248 = arith.constant 0 : i32
    %dma_wait3A_249 = arith.constant 0 : i32
    %dma_wait3A_250 = tpu.memref_slice %arg6[%dma_wait3A_248, %dma_wait3A_237, %dma_wait3A_249] : memref<8x4x1024xf32, #tpu.memory_space<vmem>> -> memref<8x1x1024xf32, #tpu.memory_space<vmem>>
    %dma_wait3A_251 = tpu.memref_squeeze %dma_wait3A_250 : memref<8x1x1024xf32, #tpu.memory_space<vmem>> -> memref<8x1024xf32, #tpu.memory_space<vmem>>
    %dma_wait3A_252 = arith.constant 0 : i32
    %dma_wait3A_253 = tpu.memref_slice %arg2[%dma_wait3A_236, %add3A_235, %dma_wait3A_252] : memref<4x2048x1024xf32, #tpu.memory_space<hbm>> -> memref<1x8x1024xf32, #tpu.memory_space<hbm>>
    %dma_wait3A_254 = tpu.memref_squeeze %dma_wait3A_253 : memref<1x8x1024xf32, #tpu.memory_space<hbm>> -> memref<8x1024xf32, #tpu.memory_space<hbm>>
    tpu.wait_dma2 semaphore(%dma_wait3A_247 : memref<!tpu.dma_semaphore, #tpu.memory_space<semaphore_mem>>) src(%dma_wait3A_254 : memref<8x1024xf32, #tpu.memory_space<hbm>>) dst(%dma_wait3A_251 : memref<8x1024xf32, #tpu.memory_space<vmem>>)
    %add3A_255 = arith.constant 0 : i32
    %add3A_256 = arith.addi %mul3A_2, %add3A_255 : i32
    %dma_start3A_257 = arith.constant 0 : i32
    %dma_start3A_258 = arith.constant 0 : i32
    %dma_start3A_259 = arith.constant 0 : i32
    %dma_start3A_260 = tpu.memref_slice %arg5[%add3A_256, %dma_start3A_258, %dma_start3A_259] : memref<2049x4x1024xf32, #tpu.memory_space<hbm>> -> memref<8x4x1024xf32, #tpu.memory_space<hbm>>
    %dma_start3A_261 = tpu.memref_slice %arg11[%dma_start3A_257] : memref<2x!tpu.dma_semaphore, #tpu.memory_space<semaphore_mem>> -> memref<1x!tpu.dma_semaphore, #tpu.memory_space<semaphore_mem>>
    %dma_start3A_262 = tpu.memref_squeeze %dma_start3A_261 : memref<1x!tpu.dma_semaphore, #tpu.memory_space<semaphore_mem>> -> memref<!tpu.dma_semaphore, #tpu.memory_space<semaphore_mem>>
    %dma_start3A_263 = arith.constant 0 : i32
    %dma_start3A_264 = arith.constant 0 : i32
    %dma_start3A_265 = tpu.memref_slice %arg5[%add3A_256, %dma_start3A_263, %dma_start3A_264] : memref<2049x4x1024xf32, #tpu.memory_space<hbm>> -> memref<8x4x1024xf32, #tpu.memory_space<hbm>>
    tpu.enqueue_dma source(%arg6 : memref<8x4x1024xf32, #tpu.memory_space<vmem>>) target(%dma_start3A_265 : memref<8x4x1024xf32, #tpu.memory_space<hbm>>) target_semaphore(%dma_start3A_262 : memref<!tpu.dma_semaphore, #tpu.memory_space<semaphore_mem>>)
    %add3A_266 = arith.constant 0 : i32
    %add3A_267 = arith.addi %mul3A_2, %add3A_266 : i32
    %dma_wait3A_268 = arith.constant 0 : i32
    %dma_wait3A_269 = arith.constant 0 : i32
    %dma_wait3A_270 = arith.constant 0 : i32
    %dma_wait3A_271 = tpu.memref_slice %arg5[%add3A_267, %dma_wait3A_269, %dma_wait3A_270] : memref<2049x4x1024xf32, #tpu.memory_space<hbm>> -> memref<8x4x1024xf32, #tpu.memory_space<hbm>>
    %dma_wait3A_272 = tpu.memref_slice %arg11[%dma_wait3A_268] : memref<2x!tpu.dma_semaphore, #tpu.memory_space<semaphore_mem>> -> memref<1x!tpu.dma_semaphore, #tpu.memory_space<semaphore_mem>>
    %dma_wait3A_273 = tpu.memref_squeeze %dma_wait3A_272 : memref<1x!tpu.dma_semaphore, #tpu.memory_space<semaphore_mem>> -> memref<!tpu.dma_semaphore, #tpu.memory_space<semaphore_mem>>
    %dma_wait3A_274 = arith.constant 0 : i32
    %dma_wait3A_275 = arith.constant 0 : i32
    %dma_wait3A_276 = tpu.memref_slice %arg5[%add3A_267, %dma_wait3A_274, %dma_wait3A_275] : memref<2049x4x1024xf32, #tpu.memory_space<hbm>> -> memref<8x4x1024xf32, #tpu.memory_space<hbm>>
    tpu.wait_dma2 semaphore(%dma_wait3A_273 : memref<!tpu.dma_semaphore, #tpu.memory_space<semaphore_mem>>) src(%arg6 : memref<8x4x1024xf32, #tpu.memory_space<vmem>>) dst(%dma_wait3A_276 : memref<8x4x1024xf32, #tpu.memory_space<hbm>>)
    %add3A_277 = arith.constant 16 : i32
    %add3A_278 = arith.addi %mul3A_2, %add3A_277 : i32
    %dma_start3A_279 = arith.constant 0 : i32
    %dma_start3A_280 = arith.constant 0 : i32
    %dma_start3A_281 = arith.constant 0 : i32
    %dma_start3A_282 = arith.constant 0 : i32
    %dma_start3A_283 = arith.constant 0 : i32
    %dma_start3A_284 = tpu.memref_slice %arg6[%dma_start3A_282, %dma_start3A_280, %dma_start3A_283] : memref<8x4x1024xf32, #tpu.memory_space<vmem>> -> memref<8x1x1024xf32, #tpu.memory_space<vmem>>
    %dma_start3A_285 = tpu.memref_squeeze %dma_start3A_284 : memref<8x1x1024xf32, #tpu.memory_space<vmem>> -> memref<8x1024xf32, #tpu.memory_space<vmem>>
    %dma_start3A_286 = arith.constant 0 : i32
    %dma_start3A_287 = tpu.memref_slice %arg2[%dma_start3A_279, %add3A_278, %dma_start3A_286] : memref<4x2048x1024xf32, #tpu.memory_space<hbm>> -> memref<1x8x1024xf32, #tpu.memory_space<hbm>>
    %dma_start3A_288 = tpu.memref_squeeze %dma_start3A_287 : memref<1x8x1024xf32, #tpu.memory_space<hbm>> -> memref<8x1024xf32, #tpu.memory_space<hbm>>
    %dma_start3A_289 = tpu.memref_slice %arg10[%dma_start3A_281] : memref<2x!tpu.dma_semaphore, #tpu.memory_space<semaphore_mem>> -> memref<1x!tpu.dma_semaphore, #tpu.memory_space<semaphore_mem>>
    %dma_start3A_290 = tpu.memref_squeeze %dma_start3A_289 : memref<1x!tpu.dma_semaphore, #tpu.memory_space<semaphore_mem>> -> memref<!tpu.dma_semaphore, #tpu.memory_space<semaphore_mem>>
    %dma_start3A_291 = arith.constant 0 : i32
    %dma_start3A_292 = arith.constant 0 : i32
    %dma_start3A_293 = tpu.memref_slice %arg6[%dma_start3A_291, %dma_start3A_280, %dma_start3A_292] : memref<8x4x1024xf32, #tpu.memory_space<vmem>> -> memref<8x1x1024xf32, #tpu.memory_space<vmem>>
    %dma_start3A_294 = tpu.memref_squeeze %dma_start3A_293 : memref<8x1x1024xf32, #tpu.memory_space<vmem>> -> memref<8x1024xf32, #tpu.memory_space<vmem>>
    %dma_start3A_295 = arith.constant 0 : i32
    %dma_start3A_296 = tpu.memref_slice %arg2[%dma_start3A_279, %add3A_278, %dma_start3A_295] : memref<4x2048x1024xf32, #tpu.memory_space<hbm>> -> memref<1x8x1024xf32, #tpu.memory_space<hbm>>
    %dma_start3A_297 = tpu.memref_squeeze %dma_start3A_296 : memref<1x8x1024xf32, #tpu.memory_space<hbm>> -> memref<8x1024xf32, #tpu.memory_space<hbm>>
    tpu.enqueue_dma source(%dma_start3A_297 : memref<8x1024xf32, #tpu.memory_space<hbm>>) target(%dma_start3A_294 : memref<8x1024xf32, #tpu.memory_space<vmem>>) target_semaphore(%dma_start3A_290 : memref<!tpu.dma_semaphore, #tpu.memory_space<semaphore_mem>>)
    %add3A_298 = arith.constant 16 : i32
    %add3A_299 = arith.addi %mul3A_2, %add3A_298 : i32
    %dma_start3A_300 = arith.constant 1 : i32
    %dma_start3A_301 = arith.constant 1 : i32
    %dma_start3A_302 = arith.constant 0 : i32
    %dma_start3A_303 = arith.constant 0 : i32
    %dma_start3A_304 = arith.constant 0 : i32
    %dma_start3A_305 = tpu.memref_slice %arg6[%dma_start3A_303, %dma_start3A_301, %dma_start3A_304] : memref<8x4x1024xf32, #tpu.memory_space<vmem>> -> memref<8x1x1024xf32, #tpu.memory_space<vmem>>
    %dma_start3A_306 = tpu.memref_squeeze %dma_start3A_305 : memref<8x1x1024xf32, #tpu.memory_space<vmem>> -> memref<8x1024xf32, #tpu.memory_space<vmem>>
    %dma_start3A_307 = arith.constant 0 : i32
    %dma_start3A_308 = tpu.memref_slice %arg2[%dma_start3A_300, %add3A_299, %dma_start3A_307] : memref<4x2048x1024xf32, #tpu.memory_space<hbm>> -> memref<1x8x1024xf32, #tpu.memory_space<hbm>>
    %dma_start3A_309 = tpu.memref_squeeze %dma_start3A_308 : memref<1x8x1024xf32, #tpu.memory_space<hbm>> -> memref<8x1024xf32, #tpu.memory_space<hbm>>
    %dma_start3A_310 = tpu.memref_slice %arg10[%dma_start3A_302] : memref<2x!tpu.dma_semaphore, #tpu.memory_space<semaphore_mem>> -> memref<1x!tpu.dma_semaphore, #tpu.memory_space<semaphore_mem>>
    %dma_start3A_311 = tpu.memref_squeeze %dma_start3A_310 : memref<1x!tpu.dma_semaphore, #tpu.memory_space<semaphore_mem>> -> memref<!tpu.dma_semaphore, #tpu.memory_space<semaphore_mem>>
    %dma_start3A_312 = arith.constant 0 : i32
    %dma_start3A_313 = arith.constant 0 : i32
    %dma_start3A_314 = tpu.memref_slice %arg6[%dma_start3A_312, %dma_start3A_301, %dma_start3A_313] : memref<8x4x1024xf32, #tpu.memory_space<vmem>> -> memref<8x1x1024xf32, #tpu.memory_space<vmem>>
    %dma_start3A_315 = tpu.memref_squeeze %dma_start3A_314 : memref<8x1x1024xf32, #tpu.memory_space<vmem>> -> memref<8x1024xf32, #tpu.memory_space<vmem>>
    %dma_start3A_316 = arith.constant 0 : i32
    %dma_start3A_317 = tpu.memref_slice %arg2[%dma_start3A_300, %add3A_299, %dma_start3A_316] : memref<4x2048x1024xf32, #tpu.memory_space<hbm>> -> memref<1x8x1024xf32, #tpu.memory_space<hbm>>
    %dma_start3A_318 = tpu.memref_squeeze %dma_start3A_317 : memref<1x8x1024xf32, #tpu.memory_space<hbm>> -> memref<8x1024xf32, #tpu.memory_space<hbm>>
    tpu.enqueue_dma source(%dma_start3A_318 : memref<8x1024xf32, #tpu.memory_space<hbm>>) target(%dma_start3A_315 : memref<8x1024xf32, #tpu.memory_space<vmem>>) target_semaphore(%dma_start3A_311 : memref<!tpu.dma_semaphore, #tpu.memory_space<semaphore_mem>>)
    %add3A_319 = arith.constant 16 : i32
    %add3A_320 = arith.addi %mul3A_2, %add3A_319 : i32
    %dma_start3A_321 = arith.constant 2 : i32
    %dma_start3A_322 = arith.constant 2 : i32
    %dma_start3A_323 = arith.constant 0 : i32
    %dma_start3A_324 = arith.constant 0 : i32
    %dma_start3A_325 = arith.constant 0 : i32
    %dma_start3A_326 = tpu.memref_slice %arg6[%dma_start3A_324, %dma_start3A_322, %dma_start3A_325] : memref<8x4x1024xf32, #tpu.memory_space<vmem>> -> memref<8x1x1024xf32, #tpu.memory_space<vmem>>
    %dma_start3A_327 = tpu.memref_squeeze %dma_start3A_326 : memref<8x1x1024xf32, #tpu.memory_space<vmem>> -> memref<8x1024xf32, #tpu.memory_space<vmem>>
    %dma_start3A_328 = arith.constant 0 : i32
    %dma_start3A_329 = tpu.memref_slice %arg2[%dma_start3A_321, %add3A_320, %dma_start3A_328] : memref<4x2048x1024xf32, #tpu.memory_space<hbm>> -> memref<1x8x1024xf32, #tpu.memory_space<hbm>>
    %dma_start3A_330 = tpu.memref_squeeze %dma_start3A_329 : memref<1x8x1024xf32, #tpu.memory_space<hbm>> -> memref<8x1024xf32, #tpu.memory_space<hbm>>
    %dma_start3A_331 = tpu.memref_slice %arg10[%dma_start3A_323] : memref<2x!tpu.dma_semaphore, #tpu.memory_space<semaphore_mem>> -> memref<1x!tpu.dma_semaphore, #tpu.memory_space<semaphore_mem>>
    %dma_start3A_332 = tpu.memref_squeeze %dma_start3A_331 : memref<1x!tpu.dma_semaphore, #tpu.memory_space<semaphore_mem>> -> memref<!tpu.dma_semaphore, #tpu.memory_space<semaphore_mem>>
    %dma_start3A_333 = arith.constant 0 : i32
    %dma_start3A_334 = arith.constant 0 : i32
    %dma_start3A_335 = tpu.memref_slice %arg6[%dma_start3A_333, %dma_start3A_322, %dma_start3A_334] : memref<8x4x1024xf32, #tpu.memory_space<vmem>> -> memref<8x1x1024xf32, #tpu.memory_space<vmem>>
    %dma_start3A_336 = tpu.memref_squeeze %dma_start3A_335 : memref<8x1x1024xf32, #tpu.memory_space<vmem>> -> memref<8x1024xf32, #tpu.memory_space<vmem>>
    %dma_start3A_337 = arith.constant 0 : i32
    %dma_start3A_338 = tpu.memref_slice %arg2[%dma_start3A_321, %add3A_320, %dma_start3A_337] : memref<4x2048x1024xf32, #tpu.memory_space<hbm>> -> memref<1x8x1024xf32, #tpu.memory_space<hbm>>
    %dma_start3A_339 = tpu.memref_squeeze %dma_start3A_338 : memref<1x8x1024xf32, #tpu.memory_space<hbm>> -> memref<8x1024xf32, #tpu.memory_space<hbm>>
    tpu.enqueue_dma source(%dma_start3A_339 : memref<8x1024xf32, #tpu.memory_space<hbm>>) target(%dma_start3A_336 : memref<8x1024xf32, #tpu.memory_space<vmem>>) target_semaphore(%dma_start3A_332 : memref<!tpu.dma_semaphore, #tpu.memory_space<semaphore_mem>>)
    %add3A_340 = arith.constant 16 : i32
    %add3A_341 = arith.addi %mul3A_2, %add3A_340 : i32
    %dma_start3A_342 = arith.constant 3 : i32
    %dma_start3A_343 = arith.constant 3 : i32
    %dma_start3A_344 = arith.constant 0 : i32
    %dma_start3A_345 = arith.constant 0 : i32
    %dma_start3A_346 = arith.constant 0 : i32
    %dma_start3A_347 = tpu.memref_slice %arg6[%dma_start3A_345, %dma_start3A_343, %dma_start3A_346] : memref<8x4x1024xf32, #tpu.memory_space<vmem>> -> memref<8x1x1024xf32, #tpu.memory_space<vmem>>
    %dma_start3A_348 = tpu.memref_squeeze %dma_start3A_347 : memref<8x1x1024xf32, #tpu.memory_space<vmem>> -> memref<8x1024xf32, #tpu.memory_space<vmem>>
    %dma_start3A_349 = arith.constant 0 : i32
    %dma_start3A_350 = tpu.memref_slice %arg2[%dma_start3A_342, %add3A_341, %dma_start3A_349] : memref<4x2048x1024xf32, #tpu.memory_space<hbm>> -> memref<1x8x1024xf32, #tpu.memory_space<hbm>>
    %dma_start3A_351 = tpu.memref_squeeze %dma_start3A_350 : memref<1x8x1024xf32, #tpu.memory_space<hbm>> -> memref<8x1024xf32, #tpu.memory_space<hbm>>
    %dma_start3A_352 = tpu.memref_slice %arg10[%dma_start3A_344] : memref<2x!tpu.dma_semaphore, #tpu.memory_space<semaphore_mem>> -> memref<1x!tpu.dma_semaphore, #tpu.memory_space<semaphore_mem>>
    %dma_start3A_353 = tpu.memref_squeeze %dma_start3A_352 : memref<1x!tpu.dma_semaphore, #tpu.memory_space<semaphore_mem>> -> memref<!tpu.dma_semaphore, #tpu.memory_space<semaphore_mem>>
    %dma_start3A_354 = arith.constant 0 : i32
    %dma_start3A_355 = arith.constant 0 : i32
    %dma_start3A_356 = tpu.memref_slice %arg6[%dma_start3A_354, %dma_start3A_343, %dma_start3A_355] : memref<8x4x1024xf32, #tpu.memory_space<vmem>> -> memref<8x1x1024xf32, #tpu.memory_space<vmem>>
    %dma_start3A_357 = tpu.memref_squeeze %dma_start3A_356 : memref<8x1x1024xf32, #tpu.memory_space<vmem>> -> memref<8x1024xf32, #tpu.memory_space<vmem>>
    %dma_start3A_358 = arith.constant 0 : i32
    %dma_start3A_359 = tpu.memref_slice %arg2[%dma_start3A_342, %add3A_341, %dma_start3A_358] : memref<4x2048x1024xf32, #tpu.memory_space<hbm>> -> memref<1x8x1024xf32, #tpu.memory_space<hbm>>
    %dma_start3A_360 = tpu.memref_squeeze %dma_start3A_359 : memref<1x8x1024xf32, #tpu.memory_space<hbm>> -> memref<8x1024xf32, #tpu.memory_space<hbm>>
    tpu.enqueue_dma source(%dma_start3A_360 : memref<8x1024xf32, #tpu.memory_space<hbm>>) target(%dma_start3A_357 : memref<8x1024xf32, #tpu.memory_space<vmem>>) target_semaphore(%dma_start3A_353 : memref<!tpu.dma_semaphore, #tpu.memory_space<semaphore_mem>>)
    %add3A_361 = arith.constant 8 : i32
    %add3A_362 = arith.addi %mul3A_2, %add3A_361 : i32
    %dma_wait3A_363 = arith.constant 0 : i32
    %dma_wait3A_364 = arith.constant 0 : i32
    %dma_wait3A_365 = arith.constant 1 : i32
    %dma_wait3A_366 = arith.constant 0 : i32
    %dma_wait3A_367 = arith.constant 0 : i32
    %dma_wait3A_368 = tpu.memref_slice %arg7[%dma_wait3A_366, %dma_wait3A_364, %dma_wait3A_367] : memref<8x4x1024xf32, #tpu.memory_space<vmem>> -> memref<8x1x1024xf32, #tpu.memory_space<vmem>>
    %dma_wait3A_369 = tpu.memref_squeeze %dma_wait3A_368 : memref<8x1x1024xf32, #tpu.memory_space<vmem>> -> memref<8x1024xf32, #tpu.memory_space<vmem>>
    %dma_wait3A_370 = arith.constant 0 : i32
    %dma_wait3A_371 = tpu.memref_slice %arg2[%dma_wait3A_363, %add3A_362, %dma_wait3A_370] : memref<4x2048x1024xf32, #tpu.memory_space<hbm>> -> memref<1x8x1024xf32, #tpu.memory_space<hbm>>
    %dma_wait3A_372 = tpu.memref_squeeze %dma_wait3A_371 : memref<1x8x1024xf32, #tpu.memory_space<hbm>> -> memref<8x1024xf32, #tpu.memory_space<hbm>>
    %dma_wait3A_373 = tpu.memref_slice %arg10[%dma_wait3A_365] : memref<2x!tpu.dma_semaphore, #tpu.memory_space<semaphore_mem>> -> memref<1x!tpu.dma_semaphore, #tpu.memory_space<semaphore_mem>>
    %dma_wait3A_374 = tpu.memref_squeeze %dma_wait3A_373 : memref<1x!tpu.dma_semaphore, #tpu.memory_space<semaphore_mem>> -> memref<!tpu.dma_semaphore, #tpu.memory_space<semaphore_mem>>
    %dma_wait3A_375 = arith.constant 0 : i32
    %dma_wait3A_376 = arith.constant 0 : i32
    %dma_wait3A_377 = tpu.memref_slice %arg7[%dma_wait3A_375, %dma_wait3A_364, %dma_wait3A_376] : memref<8x4x1024xf32, #tpu.memory_space<vmem>> -> memref<8x1x1024xf32, #tpu.memory_space<vmem>>
    %dma_wait3A_378 = tpu.memref_squeeze %dma_wait3A_377 : memref<8x1x1024xf32, #tpu.memory_space<vmem>> -> memref<8x1024xf32, #tpu.memory_space<vmem>>
    %dma_wait3A_379 = arith.constant 0 : i32
    %dma_wait3A_380 = tpu.memref_slice %arg2[%dma_wait3A_363, %add3A_362, %dma_wait3A_379] : memref<4x2048x1024xf32, #tpu.memory_space<hbm>> -> memref<1x8x1024xf32, #tpu.memory_space<hbm>>
    %dma_wait3A_381 = tpu.memref_squeeze %dma_wait3A_380 : memref<1x8x1024xf32, #tpu.memory_space<hbm>> -> memref<8x1024xf32, #tpu.memory_space<hbm>>
    tpu.wait_dma2 semaphore(%dma_wait3A_374 : memref<!tpu.dma_semaphore, #tpu.memory_space<semaphore_mem>>) src(%dma_wait3A_381 : memref<8x1024xf32, #tpu.memory_space<hbm>>) dst(%dma_wait3A_378 : memref<8x1024xf32, #tpu.memory_space<vmem>>)
    %add3A_382 = arith.constant 8 : i32
    %add3A_383 = arith.addi %mul3A_2, %add3A_382 : i32
    %dma_wait3A_384 = arith.constant 1 : i32
    %dma_wait3A_385 = arith.constant 1 : i32
    %dma_wait3A_386 = arith.constant 1 : i32
    %dma_wait3A_387 = arith.constant 0 : i32
    %dma_wait3A_388 = arith.constant 0 : i32
    %dma_wait3A_389 = tpu.memref_slice %arg7[%dma_wait3A_387, %dma_wait3A_385, %dma_wait3A_388] : memref<8x4x1024xf32, #tpu.memory_space<vmem>> -> memref<8x1x1024xf32, #tpu.memory_space<vmem>>
    %dma_wait3A_390 = tpu.memref_squeeze %dma_wait3A_389 : memref<8x1x1024xf32, #tpu.memory_space<vmem>> -> memref<8x1024xf32, #tpu.memory_space<vmem>>
    %dma_wait3A_391 = arith.constant 0 : i32
    %dma_wait3A_392 = tpu.memref_slice %arg2[%dma_wait3A_384, %add3A_383, %dma_wait3A_391] : memref<4x2048x1024xf32, #tpu.memory_space<hbm>> -> memref<1x8x1024xf32, #tpu.memory_space<hbm>>
    %dma_wait3A_393 = tpu.memref_squeeze %dma_wait3A_392 : memref<1x8x1024xf32, #tpu.memory_space<hbm>> -> memref<8x1024xf32, #tpu.memory_space<hbm>>
    %dma_wait3A_394 = tpu.memref_slice %arg10[%dma_wait3A_386] : memref<2x!tpu.dma_semaphore, #tpu.memory_space<semaphore_mem>> -> memref<1x!tpu.dma_semaphore, #tpu.memory_space<semaphore_mem>>
    %dma_wait3A_395 = tpu.memref_squeeze %dma_wait3A_394 : memref<1x!tpu.dma_semaphore, #tpu.memory_space<semaphore_mem>> -> memref<!tpu.dma_semaphore, #tpu.memory_space<semaphore_mem>>
    %dma_wait3A_396 = arith.constant 0 : i32
    %dma_wait3A_397 = arith.constant 0 : i32
    %dma_wait3A_398 = tpu.memref_slice %arg7[%dma_wait3A_396, %dma_wait3A_385, %dma_wait3A_397] : memref<8x4x1024xf32, #tpu.memory_space<vmem>> -> memref<8x1x1024xf32, #tpu.memory_space<vmem>>
    %dma_wait3A_399 = tpu.memref_squeeze %dma_wait3A_398 : memref<8x1x1024xf32, #tpu.memory_space<vmem>> -> memref<8x1024xf32, #tpu.memory_space<vmem>>
    %dma_wait3A_400 = arith.constant 0 : i32
    %dma_wait3A_401 = tpu.memref_slice %arg2[%dma_wait3A_384, %add3A_383, %dma_wait3A_400] : memref<4x2048x1024xf32, #tpu.memory_space<hbm>> -> memref<1x8x1024xf32, #tpu.memory_space<hbm>>
    %dma_wait3A_402 = tpu.memref_squeeze %dma_wait3A_401 : memref<1x8x1024xf32, #tpu.memory_space<hbm>> -> memref<8x1024xf32, #tpu.memory_space<hbm>>
    tpu.wait_dma2 semaphore(%dma_wait3A_395 : memref<!tpu.dma_semaphore, #tpu.memory_space<semaphore_mem>>) src(%dma_wait3A_402 : memref<8x1024xf32, #tpu.memory_space<hbm>>) dst(%dma_wait3A_399 : memref<8x1024xf32, #tpu.memory_space<vmem>>)
    %add3A_403 = arith.constant 8 : i32
    %add3A_404 = arith.addi %mul3A_2, %add3A_403 : i32
    %dma_wait3A_405 = arith.constant 2 : i32
    %dma_wait3A_406 = arith.constant 2 : i32
    %dma_wait3A_407 = arith.constant 1 : i32
    %dma_wait3A_408 = arith.constant 0 : i32
    %dma_wait3A_409 = arith.constant 0 : i32
    %dma_wait3A_410 = tpu.memref_slice %arg7[%dma_wait3A_408, %dma_wait3A_406, %dma_wait3A_409] : memref<8x4x1024xf32, #tpu.memory_space<vmem>> -> memref<8x1x1024xf32, #tpu.memory_space<vmem>>
    %dma_wait3A_411 = tpu.memref_squeeze %dma_wait3A_410 : memref<8x1x1024xf32, #tpu.memory_space<vmem>> -> memref<8x1024xf32, #tpu.memory_space<vmem>>
    %dma_wait3A_412 = arith.constant 0 : i32
    %dma_wait3A_413 = tpu.memref_slice %arg2[%dma_wait3A_405, %add3A_404, %dma_wait3A_412] : memref<4x2048x1024xf32, #tpu.memory_space<hbm>> -> memref<1x8x1024xf32, #tpu.memory_space<hbm>>
    %dma_wait3A_414 = tpu.memref_squeeze %dma_wait3A_413 : memref<1x8x1024xf32, #tpu.memory_space<hbm>> -> memref<8x1024xf32, #tpu.memory_space<hbm>>
    %dma_wait3A_415 = tpu.memref_slice %arg10[%dma_wait3A_407] : memref<2x!tpu.dma_semaphore, #tpu.memory_space<semaphore_mem>> -> memref<1x!tpu.dma_semaphore, #tpu.memory_space<semaphore_mem>>
    %dma_wait3A_416 = tpu.memref_squeeze %dma_wait3A_415 : memref<1x!tpu.dma_semaphore, #tpu.memory_space<semaphore_mem>> -> memref<!tpu.dma_semaphore, #tpu.memory_space<semaphore_mem>>
    %dma_wait3A_417 = arith.constant 0 : i32
    %dma_wait3A_418 = arith.constant 0 : i32
    %dma_wait3A_419 = tpu.memref_slice %arg7[%dma_wait3A_417, %dma_wait3A_406, %dma_wait3A_418] : memref<8x4x1024xf32, #tpu.memory_space<vmem>> -> memref<8x1x1024xf32, #tpu.memory_space<vmem>>
    %dma_wait3A_420 = tpu.memref_squeeze %dma_wait3A_419 : memref<8x1x1024xf32, #tpu.memory_space<vmem>> -> memref<8x1024xf32, #tpu.memory_space<vmem>>
    %dma_wait3A_421 = arith.constant 0 : i32
    %dma_wait3A_422 = tpu.memref_slice %arg2[%dma_wait3A_405, %add3A_404, %dma_wait3A_421] : memref<4x2048x1024xf32, #tpu.memory_space<hbm>> -> memref<1x8x1024xf32, #tpu.memory_space<hbm>>
    %dma_wait3A_423 = tpu.memref_squeeze %dma_wait3A_422 : memref<1x8x1024xf32, #tpu.memory_space<hbm>> -> memref<8x1024xf32, #tpu.memory_space<hbm>>
    tpu.wait_dma2 semaphore(%dma_wait3A_416 : memref<!tpu.dma_semaphore, #tpu.memory_space<semaphore_mem>>) src(%dma_wait3A_423 : memref<8x1024xf32, #tpu.memory_space<hbm>>) dst(%dma_wait3A_420 : memref<8x1024xf32, #tpu.memory_space<vmem>>)
    %add3A_424 = arith.constant 8 : i32
    %add3A_425 = arith.addi %mul3A_2, %add3A_424 : i32
    %dma_wait3A_426 = arith.constant 3 : i32
    %dma_wait3A_427 = arith.constant 3 : i32
    %dma_wait3A_428 = arith.constant 1 : i32
    %dma_wait3A_429 = arith.constant 0 : i32
    %dma_wait3A_430 = arith.constant 0 : i32
    %dma_wait3A_431 = tpu.memref_slice %arg7[%dma_wait3A_429, %dma_wait3A_427, %dma_wait3A_430] : memref<8x4x1024xf32, #tpu.memory_space<vmem>> -> memref<8x1x1024xf32, #tpu.memory_space<vmem>>
    %dma_wait3A_432 = tpu.memref_squeeze %dma_wait3A_431 : memref<8x1x1024xf32, #tpu.memory_space<vmem>> -> memref<8x1024xf32, #tpu.memory_space<vmem>>
    %dma_wait3A_433 = arith.constant 0 : i32
    %dma_wait3A_434 = tpu.memref_slice %arg2[%dma_wait3A_426, %add3A_425, %dma_wait3A_433] : memref<4x2048x1024xf32, #tpu.memory_space<hbm>> -> memref<1x8x1024xf32, #tpu.memory_space<hbm>>
    %dma_wait3A_435 = tpu.memref_squeeze %dma_wait3A_434 : memref<1x8x1024xf32, #tpu.memory_space<hbm>> -> memref<8x1024xf32, #tpu.memory_space<hbm>>
    %dma_wait3A_436 = tpu.memref_slice %arg10[%dma_wait3A_428] : memref<2x!tpu.dma_semaphore, #tpu.memory_space<semaphore_mem>> -> memref<1x!tpu.dma_semaphore, #tpu.memory_space<semaphore_mem>>
    %dma_wait3A_437 = tpu.memref_squeeze %dma_wait3A_436 : memref<1x!tpu.dma_semaphore, #tpu.memory_space<semaphore_mem>> -> memref<!tpu.dma_semaphore, #tpu.memory_space<semaphore_mem>>
    %dma_wait3A_438 = arith.constant 0 : i32
    %dma_wait3A_439 = arith.constant 0 : i32
    %dma_wait3A_440 = tpu.memref_slice %arg7[%dma_wait3A_438, %dma_wait3A_427, %dma_wait3A_439] : memref<8x4x1024xf32, #tpu.memory_space<vmem>> -> memref<8x1x1024xf32, #tpu.memory_space<vmem>>
    %dma_wait3A_441 = tpu.memref_squeeze %dma_wait3A_440 : memref<8x1x1024xf32, #tpu.memory_space<vmem>> -> memref<8x1024xf32, #tpu.memory_space<vmem>>
    %dma_wait3A_442 = arith.constant 0 : i32
    %dma_wait3A_443 = tpu.memref_slice %arg2[%dma_wait3A_426, %add3A_425, %dma_wait3A_442] : memref<4x2048x1024xf32, #tpu.memory_space<hbm>> -> memref<1x8x1024xf32, #tpu.memory_space<hbm>>
    %dma_wait3A_444 = tpu.memref_squeeze %dma_wait3A_443 : memref<1x8x1024xf32, #tpu.memory_space<hbm>> -> memref<8x1024xf32, #tpu.memory_space<hbm>>
    tpu.wait_dma2 semaphore(%dma_wait3A_437 : memref<!tpu.dma_semaphore, #tpu.memory_space<semaphore_mem>>) src(%dma_wait3A_444 : memref<8x1024xf32, #tpu.memory_space<hbm>>) dst(%dma_wait3A_441 : memref<8x1024xf32, #tpu.memory_space<vmem>>)
    %add3A_445 = arith.constant 8 : i32
    %add3A_446 = arith.addi %mul3A_2, %add3A_445 : i32
    %dma_start3A_447 = arith.constant 1 : i32
    %dma_start3A_448 = arith.constant 0 : i32
    %dma_start3A_449 = arith.constant 0 : i32
    %dma_start3A_450 = tpu.memref_slice %arg5[%add3A_446, %dma_start3A_448, %dma_start3A_449] : memref<2049x4x1024xf32, #tpu.memory_space<hbm>> -> memref<8x4x1024xf32, #tpu.memory_space<hbm>>
    %dma_start3A_451 = tpu.memref_slice %arg11[%dma_start3A_447] : memref<2x!tpu.dma_semaphore, #tpu.memory_space<semaphore_mem>> -> memref<1x!tpu.dma_semaphore, #tpu.memory_space<semaphore_mem>>
    %dma_start3A_452 = tpu.memref_squeeze %dma_start3A_451 : memref<1x!tpu.dma_semaphore, #tpu.memory_space<semaphore_mem>> -> memref<!tpu.dma_semaphore, #tpu.memory_space<semaphore_mem>>
    %dma_start3A_453 = arith.constant 0 : i32
    %dma_start3A_454 = arith.constant 0 : i32
    %dma_start3A_455 = tpu.memref_slice %arg5[%add3A_446, %dma_start3A_453, %dma_start3A_454] : memref<2049x4x1024xf32, #tpu.memory_space<hbm>> -> memref<8x4x1024xf32, #tpu.memory_space<hbm>>
    tpu.enqueue_dma source(%arg7 : memref<8x4x1024xf32, #tpu.memory_space<vmem>>) target(%dma_start3A_455 : memref<8x4x1024xf32, #tpu.memory_space<hbm>>) target_semaphore(%dma_start3A_452 : memref<!tpu.dma_semaphore, #tpu.memory_space<semaphore_mem>>)
    %add3A_456 = arith.constant 8 : i32
    %add3A_457 = arith.addi %mul3A_2, %add3A_456 : i32
    %dma_wait3A_458 = arith.constant 1 : i32
    %dma_wait3A_459 = arith.constant 0 : i32
    %dma_wait3A_460 = arith.constant 0 : i32
    %dma_wait3A_461 = tpu.memref_slice %arg5[%add3A_457, %dma_wait3A_459, %dma_wait3A_460] : memref<2049x4x1024xf32, #tpu.memory_space<hbm>> -> memref<8x4x1024xf32, #tpu.memory_space<hbm>>
    %dma_wait3A_462 = tpu.memref_slice %arg11[%dma_wait3A_458] : memref<2x!tpu.dma_semaphore, #tpu.memory_space<semaphore_mem>> -> memref<1x!tpu.dma_semaphore, #tpu.memory_space<semaphore_mem>>
    %dma_wait3A_463 = tpu.memref_squeeze %dma_wait3A_462 : memref<1x!tpu.dma_semaphore, #tpu.memory_space<semaphore_mem>> -> memref<!tpu.dma_semaphore, #tpu.memory_space<semaphore_mem>>
    %dma_wait3A_464 = arith.constant 0 : i32
    %dma_wait3A_465 = arith.constant 0 : i32
    %dma_wait3A_466 = tpu.memref_slice %arg5[%add3A_457, %dma_wait3A_464, %dma_wait3A_465] : memref<2049x4x1024xf32, #tpu.memory_space<hbm>> -> memref<8x4x1024xf32, #tpu.memory_space<hbm>>
    tpu.wait_dma2 semaphore(%dma_wait3A_463 : memref<!tpu.dma_semaphore, #tpu.memory_space<semaphore_mem>>) src(%arg7 : memref<8x4x1024xf32, #tpu.memory_space<vmem>>) dst(%dma_wait3A_466 : memref<8x4x1024xf32, #tpu.memory_space<hbm>>)
    %add3A_467 = arith.constant 24 : i32
    %add3A_468 = arith.addi %mul3A_2, %add3A_467 : i32
    %dma_start3A_469 = arith.constant 0 : i32
    %dma_start3A_470 = arith.constant 0 : i32
    %dma_start3A_471 = arith.constant 1 : i32
    %dma_start3A_472 = arith.constant 0 : i32
    %dma_start3A_473 = arith.constant 0 : i32
    %dma_start3A_474 = tpu.memref_slice %arg7[%dma_start3A_472, %dma_start3A_470, %dma_start3A_473] : memref<8x4x1024xf32, #tpu.memory_space<vmem>> -> memref<8x1x1024xf32, #tpu.memory_space<vmem>>
    %dma_start3A_475 = tpu.memref_squeeze %dma_start3A_474 : memref<8x1x1024xf32, #tpu.memory_space<vmem>> -> memref<8x1024xf32, #tpu.memory_space<vmem>>
    %dma_start3A_476 = arith.constant 0 : i32
    %dma_start3A_477 = tpu.memref_slice %arg2[%dma_start3A_469, %add3A_468, %dma_start3A_476] : memref<4x2048x1024xf32, #tpu.memory_space<hbm>> -> memref<1x8x1024xf32, #tpu.memory_space<hbm>>
    %dma_start3A_478 = tpu.memref_squeeze %dma_start3A_477 : memref<1x8x1024xf32, #tpu.memory_space<hbm>> -> memref<8x1024xf32, #tpu.memory_space<hbm>>
    %dma_start3A_479 = tpu.memref_slice %arg10[%dma_start3A_471] : memref<2x!tpu.dma_semaphore, #tpu.memory_space<semaphore_mem>> -> memref<1x!tpu.dma_semaphore, #tpu.memory_space<semaphore_mem>>
    %dma_start3A_480 = tpu.memref_squeeze %dma_start3A_479 : memref<1x!tpu.dma_semaphore, #tpu.memory_space<semaphore_mem>> -> memref<!tpu.dma_semaphore, #tpu.memory_space<semaphore_mem>>
    %dma_start3A_481 = arith.constant 0 : i32
    %dma_start3A_482 = arith.constant 0 : i32
    %dma_start3A_483 = tpu.memref_slice %arg7[%dma_start3A_481, %dma_start3A_470, %dma_start3A_482] : memref<8x4x1024xf32, #tpu.memory_space<vmem>> -> memref<8x1x1024xf32, #tpu.memory_space<vmem>>
    %dma_start3A_484 = tpu.memref_squeeze %dma_start3A_483 : memref<8x1x1024xf32, #tpu.memory_space<vmem>> -> memref<8x1024xf32, #tpu.memory_space<vmem>>
    %dma_start3A_485 = arith.constant 0 : i32
    %dma_start3A_486 = tpu.memref_slice %arg2[%dma_start3A_469, %add3A_468, %dma_start3A_485] : memref<4x2048x1024xf32, #tpu.memory_space<hbm>> -> memref<1x8x1024xf32, #tpu.memory_space<hbm>>
    %dma_start3A_487 = tpu.memref_squeeze %dma_start3A_486 : memref<1x8x1024xf32, #tpu.memory_space<hbm>> -> memref<8x1024xf32, #tpu.memory_space<hbm>>
    tpu.enqueue_dma source(%dma_start3A_487 : memref<8x1024xf32, #tpu.memory_space<hbm>>) target(%dma_start3A_484 : memref<8x1024xf32, #tpu.memory_space<vmem>>) target_semaphore(%dma_start3A_480 : memref<!tpu.dma_semaphore, #tpu.memory_space<semaphore_mem>>)
    %add3A_488 = arith.constant 24 : i32
    %add3A_489 = arith.addi %mul3A_2, %add3A_488 : i32
    %dma_start3A_490 = arith.constant 1 : i32
    %dma_start3A_491 = arith.constant 1 : i32
    %dma_start3A_492 = arith.constant 1 : i32
    %dma_start3A_493 = arith.constant 0 : i32
    %dma_start3A_494 = arith.constant 0 : i32
    %dma_start3A_495 = tpu.memref_slice %arg7[%dma_start3A_493, %dma_start3A_491, %dma_start3A_494] : memref<8x4x1024xf32, #tpu.memory_space<vmem>> -> memref<8x1x1024xf32, #tpu.memory_space<vmem>>
    %dma_start3A_496 = tpu.memref_squeeze %dma_start3A_495 : memref<8x1x1024xf32, #tpu.memory_space<vmem>> -> memref<8x1024xf32, #tpu.memory_space<vmem>>
    %dma_start3A_497 = arith.constant 0 : i32
    %dma_start3A_498 = tpu.memref_slice %arg2[%dma_start3A_490, %add3A_489, %dma_start3A_497] : memref<4x2048x1024xf32, #tpu.memory_space<hbm>> -> memref<1x8x1024xf32, #tpu.memory_space<hbm>>
    %dma_start3A_499 = tpu.memref_squeeze %dma_start3A_498 : memref<1x8x1024xf32, #tpu.memory_space<hbm>> -> memref<8x1024xf32, #tpu.memory_space<hbm>>
    %dma_start3A_500 = tpu.memref_slice %arg10[%dma_start3A_492] : memref<2x!tpu.dma_semaphore, #tpu.memory_space<semaphore_mem>> -> memref<1x!tpu.dma_semaphore, #tpu.memory_space<semaphore_mem>>
    %dma_start3A_501 = tpu.memref_squeeze %dma_start3A_500 : memref<1x!tpu.dma_semaphore, #tpu.memory_space<semaphore_mem>> -> memref<!tpu.dma_semaphore, #tpu.memory_space<semaphore_mem>>
    %dma_start3A_502 = arith.constant 0 : i32
    %dma_start3A_503 = arith.constant 0 : i32
    %dma_start3A_504 = tpu.memref_slice %arg7[%dma_start3A_502, %dma_start3A_491, %dma_start3A_503] : memref<8x4x1024xf32, #tpu.memory_space<vmem>> -> memref<8x1x1024xf32, #tpu.memory_space<vmem>>
    %dma_start3A_505 = tpu.memref_squeeze %dma_start3A_504 : memref<8x1x1024xf32, #tpu.memory_space<vmem>> -> memref<8x1024xf32, #tpu.memory_space<vmem>>
    %dma_start3A_506 = arith.constant 0 : i32
    %dma_start3A_507 = tpu.memref_slice %arg2[%dma_start3A_490, %add3A_489, %dma_start3A_506] : memref<4x2048x1024xf32, #tpu.memory_space<hbm>> -> memref<1x8x1024xf32, #tpu.memory_space<hbm>>
    %dma_start3A_508 = tpu.memref_squeeze %dma_start3A_507 : memref<1x8x1024xf32, #tpu.memory_space<hbm>> -> memref<8x1024xf32, #tpu.memory_space<hbm>>
    tpu.enqueue_dma source(%dma_start3A_508 : memref<8x1024xf32, #tpu.memory_space<hbm>>) target(%dma_start3A_505 : memref<8x1024xf32, #tpu.memory_space<vmem>>) target_semaphore(%dma_start3A_501 : memref<!tpu.dma_semaphore, #tpu.memory_space<semaphore_mem>>)
    %add3A_509 = arith.constant 24 : i32
    %add3A_510 = arith.addi %mul3A_2, %add3A_509 : i32
    %dma_start3A_511 = arith.constant 2 : i32
    %dma_start3A_512 = arith.constant 2 : i32
    %dma_start3A_513 = arith.constant 1 : i32
    %dma_start3A_514 = arith.constant 0 : i32
    %dma_start3A_515 = arith.constant 0 : i32
    %dma_start3A_516 = tpu.memref_slice %arg7[%dma_start3A_514, %dma_start3A_512, %dma_start3A_515] : memref<8x4x1024xf32, #tpu.memory_space<vmem>> -> memref<8x1x1024xf32, #tpu.memory_space<vmem>>
    %dma_start3A_517 = tpu.memref_squeeze %dma_start3A_516 : memref<8x1x1024xf32, #tpu.memory_space<vmem>> -> memref<8x1024xf32, #tpu.memory_space<vmem>>
    %dma_start3A_518 = arith.constant 0 : i32
    %dma_start3A_519 = tpu.memref_slice %arg2[%dma_start3A_511, %add3A_510, %dma_start3A_518] : memref<4x2048x1024xf32, #tpu.memory_space<hbm>> -> memref<1x8x1024xf32, #tpu.memory_space<hbm>>
    %dma_start3A_520 = tpu.memref_squeeze %dma_start3A_519 : memref<1x8x1024xf32, #tpu.memory_space<hbm>> -> memref<8x1024xf32, #tpu.memory_space<hbm>>
    %dma_start3A_521 = tpu.memref_slice %arg10[%dma_start3A_513] : memref<2x!tpu.dma_semaphore, #tpu.memory_space<semaphore_mem>> -> memref<1x!tpu.dma_semaphore, #tpu.memory_space<semaphore_mem>>
    %dma_start3A_522 = tpu.memref_squeeze %dma_start3A_521 : memref<1x!tpu.dma_semaphore, #tpu.memory_space<semaphore_mem>> -> memref<!tpu.dma_semaphore, #tpu.memory_space<semaphore_mem>>
    %dma_start3A_523 = arith.constant 0 : i32
    %dma_start3A_524 = arith.constant 0 : i32
    %dma_start3A_525 = tpu.memref_slice %arg7[%dma_start3A_523, %dma_start3A_512, %dma_start3A_524] : memref<8x4x1024xf32, #tpu.memory_space<vmem>> -> memref<8x1x1024xf32, #tpu.memory_space<vmem>>
    %dma_start3A_526 = tpu.memref_squeeze %dma_start3A_525 : memref<8x1x1024xf32, #tpu.memory_space<vmem>> -> memref<8x1024xf32, #tpu.memory_space<vmem>>
    %dma_start3A_527 = arith.constant 0 : i32
    %dma_start3A_528 = tpu.memref_slice %arg2[%dma_start3A_511, %add3A_510, %dma_start3A_527] : memref<4x2048x1024xf32, #tpu.memory_space<hbm>> -> memref<1x8x1024xf32, #tpu.memory_space<hbm>>
    %dma_start3A_529 = tpu.memref_squeeze %dma_start3A_528 : memref<1x8x1024xf32, #tpu.memory_space<hbm>> -> memref<8x1024xf32, #tpu.memory_space<hbm>>
    tpu.enqueue_dma source(%dma_start3A_529 : memref<8x1024xf32, #tpu.memory_space<hbm>>) target(%dma_start3A_526 : memref<8x1024xf32, #tpu.memory_space<vmem>>) target_semaphore(%dma_start3A_522 : memref<!tpu.dma_semaphore, #tpu.memory_space<semaphore_mem>>)
    %add3A_530 = arith.constant 24 : i32
    %add3A_531 = arith.addi %mul3A_2, %add3A_530 : i32
    %dma_start3A_532 = arith.constant 3 : i32
    %dma_start3A_533 = arith.constant 3 : i32
    %dma_start3A_534 = arith.constant 1 : i32
    %dma_start3A_535 = arith.constant 0 : i32
    %dma_start3A_536 = arith.constant 0 : i32
    %dma_start3A_537 = tpu.memref_slice %arg7[%dma_start3A_535, %dma_start3A_533, %dma_start3A_536] : memref<8x4x1024xf32, #tpu.memory_space<vmem>> -> memref<8x1x1024xf32, #tpu.memory_space<vmem>>
    %dma_start3A_538 = tpu.memref_squeeze %dma_start3A_537 : memref<8x1x1024xf32, #tpu.memory_space<vmem>> -> memref<8x1024xf32, #tpu.memory_space<vmem>>
    %dma_start3A_539 = arith.constant 0 : i32
    %dma_start3A_540 = tpu.memref_slice %arg2[%dma_start3A_532, %add3A_531, %dma_start3A_539] : memref<4x2048x1024xf32, #tpu.memory_space<hbm>> -> memref<1x8x1024xf32, #tpu.memory_space<hbm>>
    %dma_start3A_541 = tpu.memref_squeeze %dma_start3A_540 : memref<1x8x1024xf32, #tpu.memory_space<hbm>> -> memref<8x1024xf32, #tpu.memory_space<hbm>>
    %dma_start3A_542 = tpu.memref_slice %arg10[%dma_start3A_534] : memref<2x!tpu.dma_semaphore, #tpu.memory_space<semaphore_mem>> -> memref<1x!tpu.dma_semaphore, #tpu.memory_space<semaphore_mem>>
    %dma_start3A_543 = tpu.memref_squeeze %dma_start3A_542 : memref<1x!tpu.dma_semaphore, #tpu.memory_space<semaphore_mem>> -> memref<!tpu.dma_semaphore, #tpu.memory_space<semaphore_mem>>
    %dma_start3A_544 = arith.constant 0 : i32
    %dma_start3A_545 = arith.constant 0 : i32
    %dma_start3A_546 = tpu.memref_slice %arg7[%dma_start3A_544, %dma_start3A_533, %dma_start3A_545] : memref<8x4x1024xf32, #tpu.memory_space<vmem>> -> memref<8x1x1024xf32, #tpu.memory_space<vmem>>
    %dma_start3A_547 = tpu.memref_squeeze %dma_start3A_546 : memref<8x1x1024xf32, #tpu.memory_space<vmem>> -> memref<8x1024xf32, #tpu.memory_space<vmem>>
    %dma_start3A_548 = arith.constant 0 : i32
    %dma_start3A_549 = tpu.memref_slice %arg2[%dma_start3A_532, %add3A_531, %dma_start3A_548] : memref<4x2048x1024xf32, #tpu.memory_space<hbm>> -> memref<1x8x1024xf32, #tpu.memory_space<hbm>>
    %dma_start3A_550 = tpu.memref_squeeze %dma_start3A_549 : memref<1x8x1024xf32, #tpu.memory_space<hbm>> -> memref<8x1024xf32, #tpu.memory_space<hbm>>
    tpu.enqueue_dma source(%dma_start3A_550 : memref<8x1024xf32, #tpu.memory_space<hbm>>) target(%dma_start3A_547 : memref<8x1024xf32, #tpu.memory_space<vmem>>) target_semaphore(%dma_start3A_543 : memref<!tpu.dma_semaphore, #tpu.memory_space<semaphore_mem>>)
    %add3A_551 = arith.constant 16 : i32
    %add3A_552 = arith.addi %mul3A_2, %add3A_551 : i32
    %dma_wait3A_553 = arith.constant 0 : i32
    %dma_wait3A_554 = arith.constant 0 : i32
    %dma_wait3A_555 = arith.constant 0 : i32
    %dma_wait3A_556 = arith.constant 0 : i32
    %dma_wait3A_557 = arith.constant 0 : i32
    %dma_wait3A_558 = tpu.memref_slice %arg6[%dma_wait3A_556, %dma_wait3A_554, %dma_wait3A_557] : memref<8x4x1024xf32, #tpu.memory_space<vmem>> -> memref<8x1x1024xf32, #tpu.memory_space<vmem>>
    %dma_wait3A_559 = tpu.memref_squeeze %dma_wait3A_558 : memref<8x1x1024xf32, #tpu.memory_space<vmem>> -> memref<8x1024xf32, #tpu.memory_space<vmem>>
    %dma_wait3A_560 = arith.constant 0 : i32
    %dma_wait3A_561 = tpu.memref_slice %arg2[%dma_wait3A_553, %add3A_552, %dma_wait3A_560] : memref<4x2048x1024xf32, #tpu.memory_space<hbm>> -> memref<1x8x1024xf32, #tpu.memory_space<hbm>>
    %dma_wait3A_562 = tpu.memref_squeeze %dma_wait3A_561 : memref<1x8x1024xf32, #tpu.memory_space<hbm>> -> memref<8x1024xf32, #tpu.memory_space<hbm>>
    %dma_wait3A_563 = tpu.memref_slice %arg10[%dma_wait3A_555] : memref<2x!tpu.dma_semaphore, #tpu.memory_space<semaphore_mem>> -> memref<1x!tpu.dma_semaphore, #tpu.memory_space<semaphore_mem>>
    %dma_wait3A_564 = tpu.memref_squeeze %dma_wait3A_563 : memref<1x!tpu.dma_semaphore, #tpu.memory_space<semaphore_mem>> -> memref<!tpu.dma_semaphore, #tpu.memory_space<semaphore_mem>>
    %dma_wait3A_565 = arith.constant 0 : i32
    %dma_wait3A_566 = arith.constant 0 : i32
    %dma_wait3A_567 = tpu.memref_slice %arg6[%dma_wait3A_565, %dma_wait3A_554, %dma_wait3A_566] : memref<8x4x1024xf32, #tpu.memory_space<vmem>> -> memref<8x1x1024xf32, #tpu.memory_space<vmem>>
    %dma_wait3A_568 = tpu.memref_squeeze %dma_wait3A_567 : memref<8x1x1024xf32, #tpu.memory_space<vmem>> -> memref<8x1024xf32, #tpu.memory_space<vmem>>
    %dma_wait3A_569 = arith.constant 0 : i32
    %dma_wait3A_570 = tpu.memref_slice %arg2[%dma_wait3A_553, %add3A_552, %dma_wait3A_569] : memref<4x2048x1024xf32, #tpu.memory_space<hbm>> -> memref<1x8x1024xf32, #tpu.memory_space<hbm>>
    %dma_wait3A_571 = tpu.memref_squeeze %dma_wait3A_570 : memref<1x8x1024xf32, #tpu.memory_space<hbm>> -> memref<8x1024xf32, #tpu.memory_space<hbm>>
    tpu.wait_dma2 semaphore(%dma_wait3A_564 : memref<!tpu.dma_semaphore, #tpu.memory_space<semaphore_mem>>) src(%dma_wait3A_571 : memref<8x1024xf32, #tpu.memory_space<hbm>>) dst(%dma_wait3A_568 : memref<8x1024xf32, #tpu.memory_space<vmem>>)
    %add3A_572 = arith.constant 16 : i32
    %add3A_573 = arith.addi %mul3A_2, %add3A_572 : i32
    %dma_wait3A_574 = arith.constant 1 : i32
    %dma_wait3A_575 = arith.constant 1 : i32
    %dma_wait3A_576 = arith.constant 0 : i32
    %dma_wait3A_577 = arith.constant 0 : i32
    %dma_wait3A_578 = arith.constant 0 : i32
    %dma_wait3A_579 = tpu.memref_slice %arg6[%dma_wait3A_577, %dma_wait3A_575, %dma_wait3A_578] : memref<8x4x1024xf32, #tpu.memory_space<vmem>> -> memref<8x1x1024xf32, #tpu.memory_space<vmem>>
    %dma_wait3A_580 = tpu.memref_squeeze %dma_wait3A_579 : memref<8x1x1024xf32, #tpu.memory_space<vmem>> -> memref<8x1024xf32, #tpu.memory_space<vmem>>
    %dma_wait3A_581 = arith.constant 0 : i32
    %dma_wait3A_582 = tpu.memref_slice %arg2[%dma_wait3A_574, %add3A_573, %dma_wait3A_581] : memref<4x2048x1024xf32, #tpu.memory_space<hbm>> -> memref<1x8x1024xf32, #tpu.memory_space<hbm>>
    %dma_wait3A_583 = tpu.memref_squeeze %dma_wait3A_582 : memref<1x8x1024xf32, #tpu.memory_space<hbm>> -> memref<8x1024xf32, #tpu.memory_space<hbm>>
    %dma_wait3A_584 = tpu.memref_slice %arg10[%dma_wait3A_576] : memref<2x!tpu.dma_semaphore, #tpu.memory_space<semaphore_mem>> -> memref<1x!tpu.dma_semaphore, #tpu.memory_space<semaphore_mem>>
    %dma_wait3A_585 = tpu.memref_squeeze %dma_wait3A_584 : memref<1x!tpu.dma_semaphore, #tpu.memory_space<semaphore_mem>> -> memref<!tpu.dma_semaphore, #tpu.memory_space<semaphore_mem>>
    %dma_wait3A_586 = arith.constant 0 : i32
    %dma_wait3A_587 = arith.constant 0 : i32
    %dma_wait3A_588 = tpu.memref_slice %arg6[%dma_wait3A_586, %dma_wait3A_575, %dma_wait3A_587] : memref<8x4x1024xf32, #tpu.memory_space<vmem>> -> memref<8x1x1024xf32, #tpu.memory_space<vmem>>
    %dma_wait3A_589 = tpu.memref_squeeze %dma_wait3A_588 : memref<8x1x1024xf32, #tpu.memory_space<vmem>> -> memref<8x1024xf32, #tpu.memory_space<vmem>>
    %dma_wait3A_590 = arith.constant 0 : i32
    %dma_wait3A_591 = tpu.memref_slice %arg2[%dma_wait3A_574, %add3A_573, %dma_wait3A_590] : memref<4x2048x1024xf32, #tpu.memory_space<hbm>> -> memref<1x8x1024xf32, #tpu.memory_space<hbm>>
    %dma_wait3A_592 = tpu.memref_squeeze %dma_wait3A_591 : memref<1x8x1024xf32, #tpu.memory_space<hbm>> -> memref<8x1024xf32, #tpu.memory_space<hbm>>
    tpu.wait_dma2 semaphore(%dma_wait3A_585 : memref<!tpu.dma_semaphore, #tpu.memory_space<semaphore_mem>>) src(%dma_wait3A_592 : memref<8x1024xf32, #tpu.memory_space<hbm>>) dst(%dma_wait3A_589 : memref<8x1024xf32, #tpu.memory_space<vmem>>)
    %add3A_593 = arith.constant 16 : i32
    %add3A_594 = arith.addi %mul3A_2, %add3A_593 : i32
    %dma_wait3A_595 = arith.constant 2 : i32
    %dma_wait3A_596 = arith.constant 2 : i32
    %dma_wait3A_597 = arith.constant 0 : i32
    %dma_wait3A_598 = arith.constant 0 : i32
    %dma_wait3A_599 = arith.constant 0 : i32
    %dma_wait3A_600 = tpu.memref_slice %arg6[%dma_wait3A_598, %dma_wait3A_596, %dma_wait3A_599] : memref<8x4x1024xf32, #tpu.memory_space<vmem>> -> memref<8x1x1024xf32, #tpu.memory_space<vmem>>
    %dma_wait3A_601 = tpu.memref_squeeze %dma_wait3A_600 : memref<8x1x1024xf32, #tpu.memory_space<vmem>> -> memref<8x1024xf32, #tpu.memory_space<vmem>>
    %dma_wait3A_602 = arith.constant 0 : i32
    %dma_wait3A_603 = tpu.memref_slice %arg2[%dma_wait3A_595, %add3A_594, %dma_wait3A_602] : memref<4x2048x1024xf32, #tpu.memory_space<hbm>> -> memref<1x8x1024xf32, #tpu.memory_space<hbm>>
    %dma_wait3A_604 = tpu.memref_squeeze %dma_wait3A_603 : memref<1x8x1024xf32, #tpu.memory_space<hbm>> -> memref<8x1024xf32, #tpu.memory_space<hbm>>
    %dma_wait3A_605 = tpu.memref_slice %arg10[%dma_wait3A_597] : memref<2x!tpu.dma_semaphore, #tpu.memory_space<semaphore_mem>> -> memref<1x!tpu.dma_semaphore, #tpu.memory_space<semaphore_mem>>
    %dma_wait3A_606 = tpu.memref_squeeze %dma_wait3A_605 : memref<1x!tpu.dma_semaphore, #tpu.memory_space<semaphore_mem>> -> memref<!tpu.dma_semaphore, #tpu.memory_space<semaphore_mem>>
    %dma_wait3A_607 = arith.constant 0 : i32
    %dma_wait3A_608 = arith.constant 0 : i32
    %dma_wait3A_609 = tpu.memref_slice %arg6[%dma_wait3A_607, %dma_wait3A_596, %dma_wait3A_608] : memref<8x4x1024xf32, #tpu.memory_space<vmem>> -> memref<8x1x1024xf32, #tpu.memory_space<vmem>>
    %dma_wait3A_610 = tpu.memref_squeeze %dma_wait3A_609 : memref<8x1x1024xf32, #tpu.memory_space<vmem>> -> memref<8x1024xf32, #tpu.memory_space<vmem>>
    %dma_wait3A_611 = arith.constant 0 : i32
    %dma_wait3A_612 = tpu.memref_slice %arg2[%dma_wait3A_595, %add3A_594, %dma_wait3A_611] : memref<4x2048x1024xf32, #tpu.memory_space<hbm>> -> memref<1x8x1024xf32, #tpu.memory_space<hbm>>
    %dma_wait3A_613 = tpu.memref_squeeze %dma_wait3A_612 : memref<1x8x1024xf32, #tpu.memory_space<hbm>> -> memref<8x1024xf32, #tpu.memory_space<hbm>>
    tpu.wait_dma2 semaphore(%dma_wait3A_606 : memref<!tpu.dma_semaphore, #tpu.memory_space<semaphore_mem>>) src(%dma_wait3A_613 : memref<8x1024xf32, #tpu.memory_space<hbm>>) dst(%dma_wait3A_610 : memref<8x1024xf32, #tpu.memory_space<vmem>>)
    %add3A_614 = arith.constant 16 : i32
    %add3A_615 = arith.addi %mul3A_2, %add3A_614 : i32
    %dma_wait3A_616 = arith.constant 3 : i32
    %dma_wait3A_617 = arith.constant 3 : i32
    %dma_wait3A_618 = arith.constant 0 : i32
    %dma_wait3A_619 = arith.constant 0 : i32
    %dma_wait3A_620 = arith.constant 0 : i32
    %dma_wait3A_621 = tpu.memref_slice %arg6[%dma_wait3A_619, %dma_wait3A_617, %dma_wait3A_620] : memref<8x4x1024xf32, #tpu.memory_space<vmem>> -> memref<8x1x1024xf32, #tpu.memory_space<vmem>>
    %dma_wait3A_622 = tpu.memref_squeeze %dma_wait3A_621 : memref<8x1x1024xf32, #tpu.memory_space<vmem>> -> memref<8x1024xf32, #tpu.memory_space<vmem>>
    %dma_wait3A_623 = arith.constant 0 : i32
    %dma_wait3A_624 = tpu.memref_slice %arg2[%dma_wait3A_616, %add3A_615, %dma_wait3A_623] : memref<4x2048x1024xf32, #tpu.memory_space<hbm>> -> memref<1x8x1024xf32, #tpu.memory_space<hbm>>
    %dma_wait3A_625 = tpu.memref_squeeze %dma_wait3A_624 : memref<1x8x1024xf32, #tpu.memory_space<hbm>> -> memref<8x1024xf32, #tpu.memory_space<hbm>>
    %dma_wait3A_626 = tpu.memref_slice %arg10[%dma_wait3A_618] : memref<2x!tpu.dma_semaphore, #tpu.memory_space<semaphore_mem>> -> memref<1x!tpu.dma_semaphore, #tpu.memory_space<semaphore_mem>>
    %dma_wait3A_627 = tpu.memref_squeeze %dma_wait3A_626 : memref<1x!tpu.dma_semaphore, #tpu.memory_space<semaphore_mem>> -> memref<!tpu.dma_semaphore, #tpu.memory_space<semaphore_mem>>
    %dma_wait3A_628 = arith.constant 0 : i32
    %dma_wait3A_629 = arith.constant 0 : i32
    %dma_wait3A_630 = tpu.memref_slice %arg6[%dma_wait3A_628, %dma_wait3A_617, %dma_wait3A_629] : memref<8x4x1024xf32, #tpu.memory_space<vmem>> -> memref<8x1x1024xf32, #tpu.memory_space<vmem>>
    %dma_wait3A_631 = tpu.memref_squeeze %dma_wait3A_630 : memref<8x1x1024xf32, #tpu.memory_space<vmem>> -> memref<8x1024xf32, #tpu.memory_space<vmem>>
    %dma_wait3A_632 = arith.constant 0 : i32
    %dma_wait3A_633 = tpu.memref_slice %arg2[%dma_wait3A_616, %add3A_615, %dma_wait3A_632] : memref<4x2048x1024xf32, #tpu.memory_space<hbm>> -> memref<1x8x1024xf32, #tpu.memory_space<hbm>>
    %dma_wait3A_634 = tpu.memref_squeeze %dma_wait3A_633 : memref<1x8x1024xf32, #tpu.memory_space<hbm>> -> memref<8x1024xf32, #tpu.memory_space<hbm>>
    tpu.wait_dma2 semaphore(%dma_wait3A_627 : memref<!tpu.dma_semaphore, #tpu.memory_space<semaphore_mem>>) src(%dma_wait3A_634 : memref<8x1024xf32, #tpu.memory_space<hbm>>) dst(%dma_wait3A_631 : memref<8x1024xf32, #tpu.memory_space<vmem>>)
    %add3A_635 = arith.constant 16 : i32
    %add3A_636 = arith.addi %mul3A_2, %add3A_635 : i32
    %dma_start3A_637 = arith.constant 0 : i32
    %dma_start3A_638 = arith.constant 0 : i32
    %dma_start3A_639 = arith.constant 0 : i32
    %dma_start3A_640 = tpu.memref_slice %arg5[%add3A_636, %dma_start3A_638, %dma_start3A_639] : memref<2049x4x1024xf32, #tpu.memory_space<hbm>> -> memref<8x4x1024xf32, #tpu.memory_space<hbm>>
    %dma_start3A_641 = tpu.memref_slice %arg11[%dma_start3A_637] : memref<2x!tpu.dma_semaphore, #tpu.memory_space<semaphore_mem>> -> memref<1x!tpu.dma_semaphore, #tpu.memory_space<semaphore_mem>>
    %dma_start3A_642 = tpu.memref_squeeze %dma_start3A_641 : memref<1x!tpu.dma_semaphore, #tpu.memory_space<semaphore_mem>> -> memref<!tpu.dma_semaphore, #tpu.memory_space<semaphore_mem>>
    %dma_start3A_643 = arith.constant 0 : i32
    %dma_start3A_644 = arith.constant 0 : i32
    %dma_start3A_645 = tpu.memref_slice %arg5[%add3A_636, %dma_start3A_643, %dma_start3A_644] : memref<2049x4x1024xf32, #tpu.memory_space<hbm>> -> memref<8x4x1024xf32, #tpu.memory_space<hbm>>
    tpu.enqueue_dma source(%arg6 : memref<8x4x1024xf32, #tpu.memory_space<vmem>>) target(%dma_start3A_645 : memref<8x4x1024xf32, #tpu.memory_space<hbm>>) target_semaphore(%dma_start3A_642 : memref<!tpu.dma_semaphore, #tpu.memory_space<semaphore_mem>>)
    %add3A_646 = arith.constant 16 : i32
    %add3A_647 = arith.addi %mul3A_2, %add3A_646 : i32
    %dma_wait3A_648 = arith.constant 0 : i32
    %dma_wait3A_649 = arith.constant 0 : i32
    %dma_wait3A_650 = arith.constant 0 : i32
    %dma_wait3A_651 = tpu.memref_slice %arg5[%add3A_647, %dma_wait3A_649, %dma_wait3A_650] : memref<2049x4x1024xf32, #tpu.memory_space<hbm>> -> memref<8x4x1024xf32, #tpu.memory_space<hbm>>
    %dma_wait3A_652 = tpu.memref_slice %arg11[%dma_wait3A_648] : memref<2x!tpu.dma_semaphore, #tpu.memory_space<semaphore_mem>> -> memref<1x!tpu.dma_semaphore, #tpu.memory_space<semaphore_mem>>
    %dma_wait3A_653 = tpu.memref_squeeze %dma_wait3A_652 : memref<1x!tpu.dma_semaphore, #tpu.memory_space<semaphore_mem>> -> memref<!tpu.dma_semaphore, #tpu.memory_space<semaphore_mem>>
    %dma_wait3A_654 = arith.constant 0 : i32
    %dma_wait3A_655 = arith.constant 0 : i32
    %dma_wait3A_656 = tpu.memref_slice %arg5[%add3A_647, %dma_wait3A_654, %dma_wait3A_655] : memref<2049x4x1024xf32, #tpu.memory_space<hbm>> -> memref<8x4x1024xf32, #tpu.memory_space<hbm>>
    tpu.wait_dma2 semaphore(%dma_wait3A_653 : memref<!tpu.dma_semaphore, #tpu.memory_space<semaphore_mem>>) src(%arg6 : memref<8x4x1024xf32, #tpu.memory_space<vmem>>) dst(%dma_wait3A_656 : memref<8x4x1024xf32, #tpu.memory_space<hbm>>)
    %add3A_657 = arith.constant 32 : i32
    %add3A_658 = arith.addi %mul3A_2, %add3A_657 : i32
    %dma_start3A_659 = arith.constant 0 : i32
    %dma_start3A_660 = arith.constant 0 : i32
    %dma_start3A_661 = arith.constant 0 : i32
    %dma_start3A_662 = arith.constant 0 : i32
    %dma_start3A_663 = arith.constant 0 : i32
    %dma_start3A_664 = tpu.memref_slice %arg6[%dma_start3A_662, %dma_start3A_660, %dma_start3A_663] : memref<8x4x1024xf32, #tpu.memory_space<vmem>> -> memref<8x1x1024xf32, #tpu.memory_space<vmem>>
    %dma_start3A_665 = tpu.memref_squeeze %dma_start3A_664 : memref<8x1x1024xf32, #tpu.memory_space<vmem>> -> memref<8x1024xf32, #tpu.memory_space<vmem>>
    %dma_start3A_666 = arith.constant 0 : i32
    %dma_start3A_667 = tpu.memref_slice %arg2[%dma_start3A_659, %add3A_658, %dma_start3A_666] : memref<4x2048x1024xf32, #tpu.memory_space<hbm>> -> memref<1x8x1024xf32, #tpu.memory_space<hbm>>
    %dma_start3A_668 = tpu.memref_squeeze %dma_start3A_667 : memref<1x8x1024xf32, #tpu.memory_space<hbm>> -> memref<8x1024xf32, #tpu.memory_space<hbm>>
    %dma_start3A_669 = tpu.memref_slice %arg10[%dma_start3A_661] : memref<2x!tpu.dma_semaphore, #tpu.memory_space<semaphore_mem>> -> memref<1x!tpu.dma_semaphore, #tpu.memory_space<semaphore_mem>>
    %dma_start3A_670 = tpu.memref_squeeze %dma_start3A_669 : memref<1x!tpu.dma_semaphore, #tpu.memory_space<semaphore_mem>> -> memref<!tpu.dma_semaphore, #tpu.memory_space<semaphore_mem>>
    %dma_start3A_671 = arith.constant 0 : i32
    %dma_start3A_672 = arith.constant 0 : i32
    %dma_start3A_673 = tpu.memref_slice %arg6[%dma_start3A_671, %dma_start3A_660, %dma_start3A_672] : memref<8x4x1024xf32, #tpu.memory_space<vmem>> -> memref<8x1x1024xf32, #tpu.memory_space<vmem>>
    %dma_start3A_674 = tpu.memref_squeeze %dma_start3A_673 : memref<8x1x1024xf32, #tpu.memory_space<vmem>> -> memref<8x1024xf32, #tpu.memory_space<vmem>>
    %dma_start3A_675 = arith.constant 0 : i32
    %dma_start3A_676 = tpu.memref_slice %arg2[%dma_start3A_659, %add3A_658, %dma_start3A_675] : memref<4x2048x1024xf32, #tpu.memory_space<hbm>> -> memref<1x8x1024xf32, #tpu.memory_space<hbm>>
    %dma_start3A_677 = tpu.memref_squeeze %dma_start3A_676 : memref<1x8x1024xf32, #tpu.memory_space<hbm>> -> memref<8x1024xf32, #tpu.memory_space<hbm>>
    tpu.enqueue_dma source(%dma_start3A_677 : memref<8x1024xf32, #tpu.memory_space<hbm>>) target(%dma_start3A_674 : memref<8x1024xf32, #tpu.memory_space<vmem>>) target_semaphore(%dma_start3A_670 : memref<!tpu.dma_semaphore, #tpu.memory_space<semaphore_mem>>)
    %add3A_678 = arith.constant 32 : i32
    %add3A_679 = arith.addi %mul3A_2, %add3A_678 : i32
    %dma_start3A_680 = arith.constant 1 : i32
    %dma_start3A_681 = arith.constant 1 : i32
    %dma_start3A_682 = arith.constant 0 : i32
    %dma_start3A_683 = arith.constant 0 : i32
    %dma_start3A_684 = arith.constant 0 : i32
    %dma_start3A_685 = tpu.memref_slice %arg6[%dma_start3A_683, %dma_start3A_681, %dma_start3A_684] : memref<8x4x1024xf32, #tpu.memory_space<vmem>> -> memref<8x1x1024xf32, #tpu.memory_space<vmem>>
    %dma_start3A_686 = tpu.memref_squeeze %dma_start3A_685 : memref<8x1x1024xf32, #tpu.memory_space<vmem>> -> memref<8x1024xf32, #tpu.memory_space<vmem>>
    %dma_start3A_687 = arith.constant 0 : i32
    %dma_start3A_688 = tpu.memref_slice %arg2[%dma_start3A_680, %add3A_679, %dma_start3A_687] : memref<4x2048x1024xf32, #tpu.memory_space<hbm>> -> memref<1x8x1024xf32, #tpu.memory_space<hbm>>
    %dma_start3A_689 = tpu.memref_squeeze %dma_start3A_688 : memref<1x8x1024xf32, #tpu.memory_space<hbm>> -> memref<8x1024xf32, #tpu.memory_space<hbm>>
    %dma_start3A_690 = tpu.memref_slice %arg10[%dma_start3A_682] : memref<2x!tpu.dma_semaphore, #tpu.memory_space<semaphore_mem>> -> memref<1x!tpu.dma_semaphore, #tpu.memory_space<semaphore_mem>>
    %dma_start3A_691 = tpu.memref_squeeze %dma_start3A_690 : memref<1x!tpu.dma_semaphore, #tpu.memory_space<semaphore_mem>> -> memref<!tpu.dma_semaphore, #tpu.memory_space<semaphore_mem>>
    %dma_start3A_692 = arith.constant 0 : i32
    %dma_start3A_693 = arith.constant 0 : i32
    %dma_start3A_694 = tpu.memref_slice %arg6[%dma_start3A_692, %dma_start3A_681, %dma_start3A_693] : memref<8x4x1024xf32, #tpu.memory_space<vmem>> -> memref<8x1x1024xf32, #tpu.memory_space<vmem>>
    %dma_start3A_695 = tpu.memref_squeeze %dma_start3A_694 : memref<8x1x1024xf32, #tpu.memory_space<vmem>> -> memref<8x1024xf32, #tpu.memory_space<vmem>>
    %dma_start3A_696 = arith.constant 0 : i32
    %dma_start3A_697 = tpu.memref_slice %arg2[%dma_start3A_680, %add3A_679, %dma_start3A_696] : memref<4x2048x1024xf32, #tpu.memory_space<hbm>> -> memref<1x8x1024xf32, #tpu.memory_space<hbm>>
    %dma_start3A_698 = tpu.memref_squeeze %dma_start3A_697 : memref<1x8x1024xf32, #tpu.memory_space<hbm>> -> memref<8x1024xf32, #tpu.memory_space<hbm>>
    tpu.enqueue_dma source(%dma_start3A_698 : memref<8x1024xf32, #tpu.memory_space<hbm>>) target(%dma_start3A_695 : memref<8x1024xf32, #tpu.memory_space<vmem>>) target_semaphore(%dma_start3A_691 : memref<!tpu.dma_semaphore, #tpu.memory_space<semaphore_mem>>)
    %add3A_699 = arith.constant 32 : i32
    %add3A_700 = arith.addi %mul3A_2, %add3A_699 : i32
    %dma_start3A_701 = arith.constant 2 : i32
    %dma_start3A_702 = arith.constant 2 : i32
    %dma_start3A_703 = arith.constant 0 : i32
    %dma_start3A_704 = arith.constant 0 : i32
    %dma_start3A_705 = arith.constant 0 : i32
    %dma_start3A_706 = tpu.memref_slice %arg6[%dma_start3A_704, %dma_start3A_702, %dma_start3A_705] : memref<8x4x1024xf32, #tpu.memory_space<vmem>> -> memref<8x1x1024xf32, #tpu.memory_space<vmem>>
    %dma_start3A_707 = tpu.memref_squeeze %dma_start3A_706 : memref<8x1x1024xf32, #tpu.memory_space<vmem>> -> memref<8x1024xf32, #tpu.memory_space<vmem>>
    %dma_start3A_708 = arith.constant 0 : i32
    %dma_start3A_709 = tpu.memref_slice %arg2[%dma_start3A_701, %add3A_700, %dma_start3A_708] : memref<4x2048x1024xf32, #tpu.memory_space<hbm>> -> memref<1x8x1024xf32, #tpu.memory_space<hbm>>
    %dma_start3A_710 = tpu.memref_squeeze %dma_start3A_709 : memref<1x8x1024xf32, #tpu.memory_space<hbm>> -> memref<8x1024xf32, #tpu.memory_space<hbm>>
    %dma_start3A_711 = tpu.memref_slice %arg10[%dma_start3A_703] : memref<2x!tpu.dma_semaphore, #tpu.memory_space<semaphore_mem>> -> memref<1x!tpu.dma_semaphore, #tpu.memory_space<semaphore_mem>>
    %dma_start3A_712 = tpu.memref_squeeze %dma_start3A_711 : memref<1x!tpu.dma_semaphore, #tpu.memory_space<semaphore_mem>> -> memref<!tpu.dma_semaphore, #tpu.memory_space<semaphore_mem>>
    %dma_start3A_713 = arith.constant 0 : i32
    %dma_start3A_714 = arith.constant 0 : i32
    %dma_start3A_715 = tpu.memref_slice %arg6[%dma_start3A_713, %dma_start3A_702, %dma_start3A_714] : memref<8x4x1024xf32, #tpu.memory_space<vmem>> -> memref<8x1x1024xf32, #tpu.memory_space<vmem>>
    %dma_start3A_716 = tpu.memref_squeeze %dma_start3A_715 : memref<8x1x1024xf32, #tpu.memory_space<vmem>> -> memref<8x1024xf32, #tpu.memory_space<vmem>>
    %dma_start3A_717 = arith.constant 0 : i32
    %dma_start3A_718 = tpu.memref_slice %arg2[%dma_start3A_701, %add3A_700, %dma_start3A_717] : memref<4x2048x1024xf32, #tpu.memory_space<hbm>> -> memref<1x8x1024xf32, #tpu.memory_space<hbm>>
    %dma_start3A_719 = tpu.memref_squeeze %dma_start3A_718 : memref<1x8x1024xf32, #tpu.memory_space<hbm>> -> memref<8x1024xf32, #tpu.memory_space<hbm>>
    tpu.enqueue_dma source(%dma_start3A_719 : memref<8x1024xf32, #tpu.memory_space<hbm>>) target(%dma_start3A_716 : memref<8x1024xf32, #tpu.memory_space<vmem>>) target_semaphore(%dma_start3A_712 : memref<!tpu.dma_semaphore, #tpu.memory_space<semaphore_mem>>)
    %add3A_720 = arith.constant 32 : i32
    %add3A_721 = arith.addi %mul3A_2, %add3A_720 : i32
    %dma_start3A_722 = arith.constant 3 : i32
    %dma_start3A_723 = arith.constant 3 : i32
    %dma_start3A_724 = arith.constant 0 : i32
    %dma_start3A_725 = arith.constant 0 : i32
    %dma_start3A_726 = arith.constant 0 : i32
    %dma_start3A_727 = tpu.memref_slice %arg6[%dma_start3A_725, %dma_start3A_723, %dma_start3A_726] : memref<8x4x1024xf32, #tpu.memory_space<vmem>> -> memref<8x1x1024xf32, #tpu.memory_space<vmem>>
    %dma_start3A_728 = tpu.memref_squeeze %dma_start3A_727 : memref<8x1x1024xf32, #tpu.memory_space<vmem>> -> memref<8x1024xf32, #tpu.memory_space<vmem>>
    %dma_start3A_729 = arith.constant 0 : i32
    %dma_start3A_730 = tpu.memref_slice %arg2[%dma_start3A_722, %add3A_721, %dma_start3A_729] : memref<4x2048x1024xf32, #tpu.memory_space<hbm>> -> memref<1x8x1024xf32, #tpu.memory_space<hbm>>
    %dma_start3A_731 = tpu.memref_squeeze %dma_start3A_730 : memref<1x8x1024xf32, #tpu.memory_space<hbm>> -> memref<8x1024xf32, #tpu.memory_space<hbm>>
    %dma_start3A_732 = tpu.memref_slice %arg10[%dma_start3A_724] : memref<2x!tpu.dma_semaphore, #tpu.memory_space<semaphore_mem>> -> memref<1x!tpu.dma_semaphore, #tpu.memory_space<semaphore_mem>>
    %dma_start3A_733 = tpu.memref_squeeze %dma_start3A_732 : memref<1x!tpu.dma_semaphore, #tpu.memory_space<semaphore_mem>> -> memref<!tpu.dma_semaphore, #tpu.memory_space<semaphore_mem>>
    %dma_start3A_734 = arith.constant 0 : i32
    %dma_start3A_735 = arith.constant 0 : i32
    %dma_start3A_736 = tpu.memref_slice %arg6[%dma_start3A_734, %dma_start3A_723, %dma_start3A_735] : memref<8x4x1024xf32, #tpu.memory_space<vmem>> -> memref<8x1x1024xf32, #tpu.memory_space<vmem>>
    %dma_start3A_737 = tpu.memref_squeeze %dma_start3A_736 : memref<8x1x1024xf32, #tpu.memory_space<vmem>> -> memref<8x1024xf32, #tpu.memory_space<vmem>>
    %dma_start3A_738 = arith.constant 0 : i32
    %dma_start3A_739 = tpu.memref_slice %arg2[%dma_start3A_722, %add3A_721, %dma_start3A_738] : memref<4x2048x1024xf32, #tpu.memory_space<hbm>> -> memref<1x8x1024xf32, #tpu.memory_space<hbm>>
    %dma_start3A_740 = tpu.memref_squeeze %dma_start3A_739 : memref<1x8x1024xf32, #tpu.memory_space<hbm>> -> memref<8x1024xf32, #tpu.memory_space<hbm>>
    tpu.enqueue_dma source(%dma_start3A_740 : memref<8x1024xf32, #tpu.memory_space<hbm>>) target(%dma_start3A_737 : memref<8x1024xf32, #tpu.memory_space<vmem>>) target_semaphore(%dma_start3A_733 : memref<!tpu.dma_semaphore, #tpu.memory_space<semaphore_mem>>)
    %add3A_741 = arith.constant 24 : i32
    %add3A_742 = arith.addi %mul3A_2, %add3A_741 : i32
    %dma_wait3A_743 = arith.constant 0 : i32
    %dma_wait3A_744 = arith.constant 0 : i32
    %dma_wait3A_745 = arith.constant 1 : i32
    %dma_wait3A_746 = arith.constant 0 : i32
    %dma_wait3A_747 = arith.constant 0 : i32
    %dma_wait3A_748 = tpu.memref_slice %arg7[%dma_wait3A_746, %dma_wait3A_744, %dma_wait3A_747] : memref<8x4x1024xf32, #tpu.memory_space<vmem>> -> memref<8x1x1024xf32, #tpu.memory_space<vmem>>
    %dma_wait3A_749 = tpu.memref_squeeze %dma_wait3A_748 : memref<8x1x1024xf32, #tpu.memory_space<vmem>> -> memref<8x1024xf32, #tpu.memory_space<vmem>>
    %dma_wait3A_750 = arith.constant 0 : i32
    %dma_wait3A_751 = tpu.memref_slice %arg2[%dma_wait3A_743, %add3A_742, %dma_wait3A_750] : memref<4x2048x1024xf32, #tpu.memory_space<hbm>> -> memref<1x8x1024xf32, #tpu.memory_space<hbm>>
    %dma_wait3A_752 = tpu.memref_squeeze %dma_wait3A_751 : memref<1x8x1024xf32, #tpu.memory_space<hbm>> -> memref<8x1024xf32, #tpu.memory_space<hbm>>
    %dma_wait3A_753 = tpu.memref_slice %arg10[%dma_wait3A_745] : memref<2x!tpu.dma_semaphore, #tpu.memory_space<semaphore_mem>> -> memref<1x!tpu.dma_semaphore, #tpu.memory_space<semaphore_mem>>
    %dma_wait3A_754 = tpu.memref_squeeze %dma_wait3A_753 : memref<1x!tpu.dma_semaphore, #tpu.memory_space<semaphore_mem>> -> memref<!tpu.dma_semaphore, #tpu.memory_space<semaphore_mem>>
    %dma_wait3A_755 = arith.constant 0 : i32
    %dma_wait3A_756 = arith.constant 0 : i32
    %dma_wait3A_757 = tpu.memref_slice %arg7[%dma_wait3A_755, %dma_wait3A_744, %dma_wait3A_756] : memref<8x4x1024xf32, #tpu.memory_space<vmem>> -> memref<8x1x1024xf32, #tpu.memory_space<vmem>>
    %dma_wait3A_758 = tpu.memref_squeeze %dma_wait3A_757 : memref<8x1x1024xf32, #tpu.memory_space<vmem>> -> memref<8x1024xf32, #tpu.memory_space<vmem>>
    %dma_wait3A_759 = arith.constant 0 : i32
    %dma_wait3A_760 = tpu.memref_slice %arg2[%dma_wait3A_743, %add3A_742, %dma_wait3A_759] : memref<4x2048x1024xf32, #tpu.memory_space<hbm>> -> memref<1x8x1024xf32, #tpu.memory_space<hbm>>
    %dma_wait3A_761 = tpu.memref_squeeze %dma_wait3A_760 : memref<1x8x1024xf32, #tpu.memory_space<hbm>> -> memref<8x1024xf32, #tpu.memory_space<hbm>>
    tpu.wait_dma2 semaphore(%dma_wait3A_754 : memref<!tpu.dma_semaphore, #tpu.memory_space<semaphore_mem>>) src(%dma_wait3A_761 : memref<8x1024xf32, #tpu.memory_space<hbm>>) dst(%dma_wait3A_758 : memref<8x1024xf32, #tpu.memory_space<vmem>>)
    %add3A_762 = arith.constant 24 : i32
    %add3A_763 = arith.addi %mul3A_2, %add3A_762 : i32
    %dma_wait3A_764 = arith.constant 1 : i32
    %dma_wait3A_765 = arith.constant 1 : i32
    %dma_wait3A_766 = arith.constant 1 : i32
    %dma_wait3A_767 = arith.constant 0 : i32
    %dma_wait3A_768 = arith.constant 0 : i32
    %dma_wait3A_769 = tpu.memref_slice %arg7[%dma_wait3A_767, %dma_wait3A_765, %dma_wait3A_768] : memref<8x4x1024xf32, #tpu.memory_space<vmem>> -> memref<8x1x1024xf32, #tpu.memory_space<vmem>>
    %dma_wait3A_770 = tpu.memref_squeeze %dma_wait3A_769 : memref<8x1x1024xf32, #tpu.memory_space<vmem>> -> memref<8x1024xf32, #tpu.memory_space<vmem>>
    %dma_wait3A_771 = arith.constant 0 : i32
    %dma_wait3A_772 = tpu.memref_slice %arg2[%dma_wait3A_764, %add3A_763, %dma_wait3A_771] : memref<4x2048x1024xf32, #tpu.memory_space<hbm>> -> memref<1x8x1024xf32, #tpu.memory_space<hbm>>
    %dma_wait3A_773 = tpu.memref_squeeze %dma_wait3A_772 : memref<1x8x1024xf32, #tpu.memory_space<hbm>> -> memref<8x1024xf32, #tpu.memory_space<hbm>>
    %dma_wait3A_774 = tpu.memref_slice %arg10[%dma_wait3A_766] : memref<2x!tpu.dma_semaphore, #tpu.memory_space<semaphore_mem>> -> memref<1x!tpu.dma_semaphore, #tpu.memory_space<semaphore_mem>>
    %dma_wait3A_775 = tpu.memref_squeeze %dma_wait3A_774 : memref<1x!tpu.dma_semaphore, #tpu.memory_space<semaphore_mem>> -> memref<!tpu.dma_semaphore, #tpu.memory_space<semaphore_mem>>
    %dma_wait3A_776 = arith.constant 0 : i32
    %dma_wait3A_777 = arith.constant 0 : i32
    %dma_wait3A_778 = tpu.memref_slice %arg7[%dma_wait3A_776, %dma_wait3A_765, %dma_wait3A_777] : memref<8x4x1024xf32, #tpu.memory_space<vmem>> -> memref<8x1x1024xf32, #tpu.memory_space<vmem>>
    %dma_wait3A_779 = tpu.memref_squeeze %dma_wait3A_778 : memref<8x1x1024xf32, #tpu.memory_space<vmem>> -> memref<8x1024xf32, #tpu.memory_space<vmem>>
    %dma_wait3A_780 = arith.constant 0 : i32
    %dma_wait3A_781 = tpu.memref_slice %arg2[%dma_wait3A_764, %add3A_763, %dma_wait3A_780] : memref<4x2048x1024xf32, #tpu.memory_space<hbm>> -> memref<1x8x1024xf32, #tpu.memory_space<hbm>>
    %dma_wait3A_782 = tpu.memref_squeeze %dma_wait3A_781 : memref<1x8x1024xf32, #tpu.memory_space<hbm>> -> memref<8x1024xf32, #tpu.memory_space<hbm>>
    tpu.wait_dma2 semaphore(%dma_wait3A_775 : memref<!tpu.dma_semaphore, #tpu.memory_space<semaphore_mem>>) src(%dma_wait3A_782 : memref<8x1024xf32, #tpu.memory_space<hbm>>) dst(%dma_wait3A_779 : memref<8x1024xf32, #tpu.memory_space<vmem>>)
    %add3A_783 = arith.constant 24 : i32
    %add3A_784 = arith.addi %mul3A_2, %add3A_783 : i32
    %dma_wait3A_785 = arith.constant 2 : i32
    %dma_wait3A_786 = arith.constant 2 : i32
    %dma_wait3A_787 = arith.constant 1 : i32
    %dma_wait3A_788 = arith.constant 0 : i32
    %dma_wait3A_789 = arith.constant 0 : i32
    %dma_wait3A_790 = tpu.memref_slice %arg7[%dma_wait3A_788, %dma_wait3A_786, %dma_wait3A_789] : memref<8x4x1024xf32, #tpu.memory_space<vmem>> -> memref<8x1x1024xf32, #tpu.memory_space<vmem>>
    %dma_wait3A_791 = tpu.memref_squeeze %dma_wait3A_790 : memref<8x1x1024xf32, #tpu.memory_space<vmem>> -> memref<8x1024xf32, #tpu.memory_space<vmem>>
    %dma_wait3A_792 = arith.constant 0 : i32
    %dma_wait3A_793 = tpu.memref_slice %arg2[%dma_wait3A_785, %add3A_784, %dma_wait3A_792] : memref<4x2048x1024xf32, #tpu.memory_space<hbm>> -> memref<1x8x1024xf32, #tpu.memory_space<hbm>>
    %dma_wait3A_794 = tpu.memref_squeeze %dma_wait3A_793 : memref<1x8x1024xf32, #tpu.memory_space<hbm>> -> memref<8x1024xf32, #tpu.memory_space<hbm>>
    %dma_wait3A_795 = tpu.memref_slice %arg10[%dma_wait3A_787] : memref<2x!tpu.dma_semaphore, #tpu.memory_space<semaphore_mem>> -> memref<1x!tpu.dma_semaphore, #tpu.memory_space<semaphore_mem>>
    %dma_wait3A_796 = tpu.memref_squeeze %dma_wait3A_795 : memref<1x!tpu.dma_semaphore, #tpu.memory_space<semaphore_mem>> -> memref<!tpu.dma_semaphore, #tpu.memory_space<semaphore_mem>>
    %dma_wait3A_797 = arith.constant 0 : i32
    %dma_wait3A_798 = arith.constant 0 : i32
    %dma_wait3A_799 = tpu.memref_slice %arg7[%dma_wait3A_797, %dma_wait3A_786, %dma_wait3A_798] : memref<8x4x1024xf32, #tpu.memory_space<vmem>> -> memref<8x1x1024xf32, #tpu.memory_space<vmem>>
    %dma_wait3A_800 = tpu.memref_squeeze %dma_wait3A_799 : memref<8x1x1024xf32, #tpu.memory_space<vmem>> -> memref<8x1024xf32, #tpu.memory_space<vmem>>
    %dma_wait3A_801 = arith.constant 0 : i32
    %dma_wait3A_802 = tpu.memref_slice %arg2[%dma_wait3A_785, %add3A_784, %dma_wait3A_801] : memref<4x2048x1024xf32, #tpu.memory_space<hbm>> -> memref<1x8x1024xf32, #tpu.memory_space<hbm>>
    %dma_wait3A_803 = tpu.memref_squeeze %dma_wait3A_802 : memref<1x8x1024xf32, #tpu.memory_space<hbm>> -> memref<8x1024xf32, #tpu.memory_space<hbm>>
    tpu.wait_dma2 semaphore(%dma_wait3A_796 : memref<!tpu.dma_semaphore, #tpu.memory_space<semaphore_mem>>) src(%dma_wait3A_803 : memref<8x1024xf32, #tpu.memory_space<hbm>>) dst(%dma_wait3A_800 : memref<8x1024xf32, #tpu.memory_space<vmem>>)
    %add3A_804 = arith.constant 24 : i32
    %add3A_805 = arith.addi %mul3A_2, %add3A_804 : i32
    %dma_wait3A_806 = arith.constant 3 : i32
    %dma_wait3A_807 = arith.constant 3 : i32
    %dma_wait3A_808 = arith.constant 1 : i32
    %dma_wait3A_809 = arith.constant 0 : i32
    %dma_wait3A_810 = arith.constant 0 : i32
    %dma_wait3A_811 = tpu.memref_slice %arg7[%dma_wait3A_809, %dma_wait3A_807, %dma_wait3A_810] : memref<8x4x1024xf32, #tpu.memory_space<vmem>> -> memref<8x1x1024xf32, #tpu.memory_space<vmem>>
    %dma_wait3A_812 = tpu.memref_squeeze %dma_wait3A_811 : memref<8x1x1024xf32, #tpu.memory_space<vmem>> -> memref<8x1024xf32, #tpu.memory_space<vmem>>
    %dma_wait3A_813 = arith.constant 0 : i32
    %dma_wait3A_814 = tpu.memref_slice %arg2[%dma_wait3A_806, %add3A_805, %dma_wait3A_813] : memref<4x2048x1024xf32, #tpu.memory_space<hbm>> -> memref<1x8x1024xf32, #tpu.memory_space<hbm>>
    %dma_wait3A_815 = tpu.memref_squeeze %dma_wait3A_814 : memref<1x8x1024xf32, #tpu.memory_space<hbm>> -> memref<8x1024xf32, #tpu.memory_space<hbm>>
    %dma_wait3A_816 = tpu.memref_slice %arg10[%dma_wait3A_808] : memref<2x!tpu.dma_semaphore, #tpu.memory_space<semaphore_mem>> -> memref<1x!tpu.dma_semaphore, #tpu.memory_space<semaphore_mem>>
    %dma_wait3A_817 = tpu.memref_squeeze %dma_wait3A_816 : memref<1x!tpu.dma_semaphore, #tpu.memory_space<semaphore_mem>> -> memref<!tpu.dma_semaphore, #tpu.memory_space<semaphore_mem>>
    %dma_wait3A_818 = arith.constant 0 : i32
    %dma_wait3A_819 = arith.constant 0 : i32
    %dma_wait3A_820 = tpu.memref_slice %arg7[%dma_wait3A_818, %dma_wait3A_807, %dma_wait3A_819] : memref<8x4x1024xf32, #tpu.memory_space<vmem>> -> memref<8x1x1024xf32, #tpu.memory_space<vmem>>
    %dma_wait3A_821 = tpu.memref_squeeze %dma_wait3A_820 : memref<8x1x1024xf32, #tpu.memory_space<vmem>> -> memref<8x1024xf32, #tpu.memory_space<vmem>>
    %dma_wait3A_822 = arith.constant 0 : i32
    %dma_wait3A_823 = tpu.memref_slice %arg2[%dma_wait3A_806, %add3A_805, %dma_wait3A_822] : memref<4x2048x1024xf32, #tpu.memory_space<hbm>> -> memref<1x8x1024xf32, #tpu.memory_space<hbm>>
    %dma_wait3A_824 = tpu.memref_squeeze %dma_wait3A_823 : memref<1x8x1024xf32, #tpu.memory_space<hbm>> -> memref<8x1024xf32, #tpu.memory_space<hbm>>
    tpu.wait_dma2 semaphore(%dma_wait3A_817 : memref<!tpu.dma_semaphore, #tpu.memory_space<semaphore_mem>>) src(%dma_wait3A_824 : memref<8x1024xf32, #tpu.memory_space<hbm>>) dst(%dma_wait3A_821 : memref<8x1024xf32, #tpu.memory_space<vmem>>)
    %add3A_825 = arith.constant 24 : i32
    %add3A_826 = arith.addi %mul3A_2, %add3A_825 : i32
    %dma_start3A_827 = arith.constant 1 : i32
    %dma_start3A_828 = arith.constant 0 : i32
    %dma_start3A_829 = arith.constant 0 : i32
    %dma_start3A_830 = tpu.memref_slice %arg5[%add3A_826, %dma_start3A_828, %dma_start3A_829] : memref<2049x4x1024xf32, #tpu.memory_space<hbm>> -> memref<8x4x1024xf32, #tpu.memory_space<hbm>>
    %dma_start3A_831 = tpu.memref_slice %arg11[%dma_start3A_827] : memref<2x!tpu.dma_semaphore, #tpu.memory_space<semaphore_mem>> -> memref<1x!tpu.dma_semaphore, #tpu.memory_space<semaphore_mem>>
    %dma_start3A_832 = tpu.memref_squeeze %dma_start3A_831 : memref<1x!tpu.dma_semaphore, #tpu.memory_space<semaphore_mem>> -> memref<!tpu.dma_semaphore, #tpu.memory_space<semaphore_mem>>
    %dma_start3A_833 = arith.constant 0 : i32
    %dma_start3A_834 = arith.constant 0 : i32
    %dma_start3A_835 = tpu.memref_slice %arg5[%add3A_826, %dma_start3A_833, %dma_start3A_834] : memref<2049x4x1024xf32, #tpu.memory_space<hbm>> -> memref<8x4x1024xf32, #tpu.memory_space<hbm>>
    tpu.enqueue_dma source(%arg7 : memref<8x4x1024xf32, #tpu.memory_space<vmem>>) target(%dma_start3A_835 : memref<8x4x1024xf32, #tpu.memory_space<hbm>>) target_semaphore(%dma_start3A_832 : memref<!tpu.dma_semaphore, #tpu.memory_space<semaphore_mem>>)
    %add3A_836 = arith.constant 24 : i32
    %add3A_837 = arith.addi %mul3A_2, %add3A_836 : i32
    %dma_wait3A_838 = arith.constant 1 : i32
    %dma_wait3A_839 = arith.constant 0 : i32
    %dma_wait3A_840 = arith.constant 0 : i32
    %dma_wait3A_841 = tpu.memref_slice %arg5[%add3A_837, %dma_wait3A_839, %dma_wait3A_840] : memref<2049x4x1024xf32, #tpu.memory_space<hbm>> -> memref<8x4x1024xf32, #tpu.memory_space<hbm>>
    %dma_wait3A_842 = tpu.memref_slice %arg11[%dma_wait3A_838] : memref<2x!tpu.dma_semaphore, #tpu.memory_space<semaphore_mem>> -> memref<1x!tpu.dma_semaphore, #tpu.memory_space<semaphore_mem>>
    %dma_wait3A_843 = tpu.memref_squeeze %dma_wait3A_842 : memref<1x!tpu.dma_semaphore, #tpu.memory_space<semaphore_mem>> -> memref<!tpu.dma_semaphore, #tpu.memory_space<semaphore_mem>>
    %dma_wait3A_844 = arith.constant 0 : i32
    %dma_wait3A_845 = arith.constant 0 : i32
    %dma_wait3A_846 = tpu.memref_slice %arg5[%add3A_837, %dma_wait3A_844, %dma_wait3A_845] : memref<2049x4x1024xf32, #tpu.memory_space<hbm>> -> memref<8x4x1024xf32, #tpu.memory_space<hbm>>
    tpu.wait_dma2 semaphore(%dma_wait3A_843 : memref<!tpu.dma_semaphore, #tpu.memory_space<semaphore_mem>>) src(%arg7 : memref<8x4x1024xf32, #tpu.memory_space<vmem>>) dst(%dma_wait3A_846 : memref<8x4x1024xf32, #tpu.memory_space<hbm>>)
    %add3A_847 = arith.constant 40 : i32
    %add3A_848 = arith.addi %mul3A_2, %add3A_847 : i32
    %dma_start3A_849 = arith.constant 0 : i32
    %dma_start3A_850 = arith.constant 0 : i32
    %dma_start3A_851 = arith.constant 1 : i32
    %dma_start3A_852 = arith.constant 0 : i32
    %dma_start3A_853 = arith.constant 0 : i32
    %dma_start3A_854 = tpu.memref_slice %arg7[%dma_start3A_852, %dma_start3A_850, %dma_start3A_853] : memref<8x4x1024xf32, #tpu.memory_space<vmem>> -> memref<8x1x1024xf32, #tpu.memory_space<vmem>>
    %dma_start3A_855 = tpu.memref_squeeze %dma_start3A_854 : memref<8x1x1024xf32, #tpu.memory_space<vmem>> -> memref<8x1024xf32, #tpu.memory_space<vmem>>
    %dma_start3A_856 = arith.constant 0 : i32
    %dma_start3A_857 = tpu.memref_slice %arg2[%dma_start3A_849, %add3A_848, %dma_start3A_856] : memref<4x2048x1024xf32, #tpu.memory_space<hbm>> -> memref<1x8x1024xf32, #tpu.memory_space<hbm>>
    %dma_start3A_858 = tpu.memref_squeeze %dma_start3A_857 : memref<1x8x1024xf32, #tpu.memory_space<hbm>> -> memref<8x1024xf32, #tpu.memory_space<hbm>>
    %dma_start3A_859 = tpu.memref_slice %arg10[%dma_start3A_851] : memref<2x!tpu.dma_semaphore, #tpu.memory_space<semaphore_mem>> -> memref<1x!tpu.dma_semaphore, #tpu.memory_space<semaphore_mem>>
    %dma_start3A_860 = tpu.memref_squeeze %dma_start3A_859 : memref<1x!tpu.dma_semaphore, #tpu.memory_space<semaphore_mem>> -> memref<!tpu.dma_semaphore, #tpu.memory_space<semaphore_mem>>
    %dma_start3A_861 = arith.constant 0 : i32
    %dma_start3A_862 = arith.constant 0 : i32
    %dma_start3A_863 = tpu.memref_slice %arg7[%dma_start3A_861, %dma_start3A_850, %dma_start3A_862] : memref<8x4x1024xf32, #tpu.memory_space<vmem>> -> memref<8x1x1024xf32, #tpu.memory_space<vmem>>
    %dma_start3A_864 = tpu.memref_squeeze %dma_start3A_863 : memref<8x1x1024xf32, #tpu.memory_space<vmem>> -> memref<8x1024xf32, #tpu.memory_space<vmem>>
    %dma_start3A_865 = arith.constant 0 : i32
    %dma_start3A_866 = tpu.memref_slice %arg2[%dma_start3A_849, %add3A_848, %dma_start3A_865] : memref<4x2048x1024xf32, #tpu.memory_space<hbm>> -> memref<1x8x1024xf32, #tpu.memory_space<hbm>>
    %dma_start3A_867 = tpu.memref_squeeze %dma_start3A_866 : memref<1x8x1024xf32, #tpu.memory_space<hbm>> -> memref<8x1024xf32, #tpu.memory_space<hbm>>
    tpu.enqueue_dma source(%dma_start3A_867 : memref<8x1024xf32, #tpu.memory_space<hbm>>) target(%dma_start3A_864 : memref<8x1024xf32, #tpu.memory_space<vmem>>) target_semaphore(%dma_start3A_860 : memref<!tpu.dma_semaphore, #tpu.memory_space<semaphore_mem>>)
    %add3A_868 = arith.constant 40 : i32
    %add3A_869 = arith.addi %mul3A_2, %add3A_868 : i32
    %dma_start3A_870 = arith.constant 1 : i32
    %dma_start3A_871 = arith.constant 1 : i32
    %dma_start3A_872 = arith.constant 1 : i32
    %dma_start3A_873 = arith.constant 0 : i32
    %dma_start3A_874 = arith.constant 0 : i32
    %dma_start3A_875 = tpu.memref_slice %arg7[%dma_start3A_873, %dma_start3A_871, %dma_start3A_874] : memref<8x4x1024xf32, #tpu.memory_space<vmem>> -> memref<8x1x1024xf32, #tpu.memory_space<vmem>>
    %dma_start3A_876 = tpu.memref_squeeze %dma_start3A_875 : memref<8x1x1024xf32, #tpu.memory_space<vmem>> -> memref<8x1024xf32, #tpu.memory_space<vmem>>
    %dma_start3A_877 = arith.constant 0 : i32
    %dma_start3A_878 = tpu.memref_slice %arg2[%dma_start3A_870, %add3A_869, %dma_start3A_877] : memref<4x2048x1024xf32, #tpu.memory_space<hbm>> -> memref<1x8x1024xf32, #tpu.memory_space<hbm>>
    %dma_start3A_879 = tpu.memref_squeeze %dma_start3A_878 : memref<1x8x1024xf32, #tpu.memory_space<hbm>> -> memref<8x1024xf32, #tpu.memory_space<hbm>>
    %dma_start3A_880 = tpu.memref_slice %arg10[%dma_start3A_872] : memref<2x!tpu.dma_semaphore, #tpu.memory_space<semaphore_mem>> -> memref<1x!tpu.dma_semaphore, #tpu.memory_space<semaphore_mem>>
    %dma_start3A_881 = tpu.memref_squeeze %dma_start3A_880 : memref<1x!tpu.dma_semaphore, #tpu.memory_space<semaphore_mem>> -> memref<!tpu.dma_semaphore, #tpu.memory_space<semaphore_mem>>
    %dma_start3A_882 = arith.constant 0 : i32
    %dma_start3A_883 = arith.constant 0 : i32
    %dma_start3A_884 = tpu.memref_slice %arg7[%dma_start3A_882, %dma_start3A_871, %dma_start3A_883] : memref<8x4x1024xf32, #tpu.memory_space<vmem>> -> memref<8x1x1024xf32, #tpu.memory_space<vmem>>
    %dma_start3A_885 = tpu.memref_squeeze %dma_start3A_884 : memref<8x1x1024xf32, #tpu.memory_space<vmem>> -> memref<8x1024xf32, #tpu.memory_space<vmem>>
    %dma_start3A_886 = arith.constant 0 : i32
    %dma_start3A_887 = tpu.memref_slice %arg2[%dma_start3A_870, %add3A_869, %dma_start3A_886] : memref<4x2048x1024xf32, #tpu.memory_space<hbm>> -> memref<1x8x1024xf32, #tpu.memory_space<hbm>>
    %dma_start3A_888 = tpu.memref_squeeze %dma_start3A_887 : memref<1x8x1024xf32, #tpu.memory_space<hbm>> -> memref<8x1024xf32, #tpu.memory_space<hbm>>
    tpu.enqueue_dma source(%dma_start3A_888 : memref<8x1024xf32, #tpu.memory_space<hbm>>) target(%dma_start3A_885 : memref<8x1024xf32, #tpu.memory_space<vmem>>) target_semaphore(%dma_start3A_881 : memref<!tpu.dma_semaphore, #tpu.memory_space<semaphore_mem>>)
    %add3A_889 = arith.constant 40 : i32
    %add3A_890 = arith.addi %mul3A_2, %add3A_889 : i32
    %dma_start3A_891 = arith.constant 2 : i32
    %dma_start3A_892 = arith.constant 2 : i32
    %dma_start3A_893 = arith.constant 1 : i32
    %dma_start3A_894 = arith.constant 0 : i32
    %dma_start3A_895 = arith.constant 0 : i32
    %dma_start3A_896 = tpu.memref_slice %arg7[%dma_start3A_894, %dma_start3A_892, %dma_start3A_895] : memref<8x4x1024xf32, #tpu.memory_space<vmem>> -> memref<8x1x1024xf32, #tpu.memory_space<vmem>>
    %dma_start3A_897 = tpu.memref_squeeze %dma_start3A_896 : memref<8x1x1024xf32, #tpu.memory_space<vmem>> -> memref<8x1024xf32, #tpu.memory_space<vmem>>
    %dma_start3A_898 = arith.constant 0 : i32
    %dma_start3A_899 = tpu.memref_slice %arg2[%dma_start3A_891, %add3A_890, %dma_start3A_898] : memref<4x2048x1024xf32, #tpu.memory_space<hbm>> -> memref<1x8x1024xf32, #tpu.memory_space<hbm>>
    %dma_start3A_900 = tpu.memref_squeeze %dma_start3A_899 : memref<1x8x1024xf32, #tpu.memory_space<hbm>> -> memref<8x1024xf32, #tpu.memory_space<hbm>>
    %dma_start3A_901 = tpu.memref_slice %arg10[%dma_start3A_893] : memref<2x!tpu.dma_semaphore, #tpu.memory_space<semaphore_mem>> -> memref<1x!tpu.dma_semaphore, #tpu.memory_space<semaphore_mem>>
    %dma_start3A_902 = tpu.memref_squeeze %dma_start3A_901 : memref<1x!tpu.dma_semaphore, #tpu.memory_space<semaphore_mem>> -> memref<!tpu.dma_semaphore, #tpu.memory_space<semaphore_mem>>
    %dma_start3A_903 = arith.constant 0 : i32
    %dma_start3A_904 = arith.constant 0 : i32
    %dma_start3A_905 = tpu.memref_slice %arg7[%dma_start3A_903, %dma_start3A_892, %dma_start3A_904] : memref<8x4x1024xf32, #tpu.memory_space<vmem>> -> memref<8x1x1024xf32, #tpu.memory_space<vmem>>
    %dma_start3A_906 = tpu.memref_squeeze %dma_start3A_905 : memref<8x1x1024xf32, #tpu.memory_space<vmem>> -> memref<8x1024xf32, #tpu.memory_space<vmem>>
    %dma_start3A_907 = arith.constant 0 : i32
    %dma_start3A_908 = tpu.memref_slice %arg2[%dma_start3A_891, %add3A_890, %dma_start3A_907] : memref<4x2048x1024xf32, #tpu.memory_space<hbm>> -> memref<1x8x1024xf32, #tpu.memory_space<hbm>>
    %dma_start3A_909 = tpu.memref_squeeze %dma_start3A_908 : memref<1x8x1024xf32, #tpu.memory_space<hbm>> -> memref<8x1024xf32, #tpu.memory_space<hbm>>
    tpu.enqueue_dma source(%dma_start3A_909 : memref<8x1024xf32, #tpu.memory_space<hbm>>) target(%dma_start3A_906 : memref<8x1024xf32, #tpu.memory_space<vmem>>) target_semaphore(%dma_start3A_902 : memref<!tpu.dma_semaphore, #tpu.memory_space<semaphore_mem>>)
    %add3A_910 = arith.constant 40 : i32
    %add3A_911 = arith.addi %mul3A_2, %add3A_910 : i32
    %dma_start3A_912 = arith.constant 3 : i32
    %dma_start3A_913 = arith.constant 3 : i32
    %dma_start3A_914 = arith.constant 1 : i32
    %dma_start3A_915 = arith.constant 0 : i32
    %dma_start3A_916 = arith.constant 0 : i32
    %dma_start3A_917 = tpu.memref_slice %arg7[%dma_start3A_915, %dma_start3A_913, %dma_start3A_916] : memref<8x4x1024xf32, #tpu.memory_space<vmem>> -> memref<8x1x1024xf32, #tpu.memory_space<vmem>>
    %dma_start3A_918 = tpu.memref_squeeze %dma_start3A_917 : memref<8x1x1024xf32, #tpu.memory_space<vmem>> -> memref<8x1024xf32, #tpu.memory_space<vmem>>
    %dma_start3A_919 = arith.constant 0 : i32
    %dma_start3A_920 = tpu.memref_slice %arg2[%dma_start3A_912, %add3A_911, %dma_start3A_919] : memref<4x2048x1024xf32, #tpu.memory_space<hbm>> -> memref<1x8x1024xf32, #tpu.memory_space<hbm>>
    %dma_start3A_921 = tpu.memref_squeeze %dma_start3A_920 : memref<1x8x1024xf32, #tpu.memory_space<hbm>> -> memref<8x1024xf32, #tpu.memory_space<hbm>>
    %dma_start3A_922 = tpu.memref_slice %arg10[%dma_start3A_914] : memref<2x!tpu.dma_semaphore, #tpu.memory_space<semaphore_mem>> -> memref<1x!tpu.dma_semaphore, #tpu.memory_space<semaphore_mem>>
    %dma_start3A_923 = tpu.memref_squeeze %dma_start3A_922 : memref<1x!tpu.dma_semaphore, #tpu.memory_space<semaphore_mem>> -> memref<!tpu.dma_semaphore, #tpu.memory_space<semaphore_mem>>
    %dma_start3A_924 = arith.constant 0 : i32
    %dma_start3A_925 = arith.constant 0 : i32
    %dma_start3A_926 = tpu.memref_slice %arg7[%dma_start3A_924, %dma_start3A_913, %dma_start3A_925] : memref<8x4x1024xf32, #tpu.memory_space<vmem>> -> memref<8x1x1024xf32, #tpu.memory_space<vmem>>
    %dma_start3A_927 = tpu.memref_squeeze %dma_start3A_926 : memref<8x1x1024xf32, #tpu.memory_space<vmem>> -> memref<8x1024xf32, #tpu.memory_space<vmem>>
    %dma_start3A_928 = arith.constant 0 : i32
    %dma_start3A_929 = tpu.memref_slice %arg2[%dma_start3A_912, %add3A_911, %dma_start3A_928] : memref<4x2048x1024xf32, #tpu.memory_space<hbm>> -> memref<1x8x1024xf32, #tpu.memory_space<hbm>>
    %dma_start3A_930 = tpu.memref_squeeze %dma_start3A_929 : memref<1x8x1024xf32, #tpu.memory_space<hbm>> -> memref<8x1024xf32, #tpu.memory_space<hbm>>
    tpu.enqueue_dma source(%dma_start3A_930 : memref<8x1024xf32, #tpu.memory_space<hbm>>) target(%dma_start3A_927 : memref<8x1024xf32, #tpu.memory_space<vmem>>) target_semaphore(%dma_start3A_923 : memref<!tpu.dma_semaphore, #tpu.memory_space<semaphore_mem>>)
    %add3A_931 = arith.constant 32 : i32
    %add3A_932 = arith.addi %mul3A_2, %add3A_931 : i32
    %dma_wait3A_933 = arith.constant 0 : i32
    %dma_wait3A_934 = arith.constant 0 : i32
    %dma_wait3A_935 = arith.constant 0 : i32
    %dma_wait3A_936 = arith.constant 0 : i32
    %dma_wait3A_937 = arith.constant 0 : i32
    %dma_wait3A_938 = tpu.memref_slice %arg6[%dma_wait3A_936, %dma_wait3A_934, %dma_wait3A_937] : memref<8x4x1024xf32, #tpu.memory_space<vmem>> -> memref<8x1x1024xf32, #tpu.memory_space<vmem>>
    %dma_wait3A_939 = tpu.memref_squeeze %dma_wait3A_938 : memref<8x1x1024xf32, #tpu.memory_space<vmem>> -> memref<8x1024xf32, #tpu.memory_space<vmem>>
    %dma_wait3A_940 = arith.constant 0 : i32
    %dma_wait3A_941 = tpu.memref_slice %arg2[%dma_wait3A_933, %add3A_932, %dma_wait3A_940] : memref<4x2048x1024xf32, #tpu.memory_space<hbm>> -> memref<1x8x1024xf32, #tpu.memory_space<hbm>>
    %dma_wait3A_942 = tpu.memref_squeeze %dma_wait3A_941 : memref<1x8x1024xf32, #tpu.memory_space<hbm>> -> memref<8x1024xf32, #tpu.memory_space<hbm>>
    %dma_wait3A_943 = tpu.memref_slice %arg10[%dma_wait3A_935] : memref<2x!tpu.dma_semaphore, #tpu.memory_space<semaphore_mem>> -> memref<1x!tpu.dma_semaphore, #tpu.memory_space<semaphore_mem>>
    %dma_wait3A_944 = tpu.memref_squeeze %dma_wait3A_943 : memref<1x!tpu.dma_semaphore, #tpu.memory_space<semaphore_mem>> -> memref<!tpu.dma_semaphore, #tpu.memory_space<semaphore_mem>>
    %dma_wait3A_945 = arith.constant 0 : i32
    %dma_wait3A_946 = arith.constant 0 : i32
    %dma_wait3A_947 = tpu.memref_slice %arg6[%dma_wait3A_945, %dma_wait3A_934, %dma_wait3A_946] : memref<8x4x1024xf32, #tpu.memory_space<vmem>> -> memref<8x1x1024xf32, #tpu.memory_space<vmem>>
    %dma_wait3A_948 = tpu.memref_squeeze %dma_wait3A_947 : memref<8x1x1024xf32, #tpu.memory_space<vmem>> -> memref<8x1024xf32, #tpu.memory_space<vmem>>
    %dma_wait3A_949 = arith.constant 0 : i32
    %dma_wait3A_950 = tpu.memref_slice %arg2[%dma_wait3A_933, %add3A_932, %dma_wait3A_949] : memref<4x2048x1024xf32, #tpu.memory_space<hbm>> -> memref<1x8x1024xf32, #tpu.memory_space<hbm>>
    %dma_wait3A_951 = tpu.memref_squeeze %dma_wait3A_950 : memref<1x8x1024xf32, #tpu.memory_space<hbm>> -> memref<8x1024xf32, #tpu.memory_space<hbm>>
    tpu.wait_dma2 semaphore(%dma_wait3A_944 : memref<!tpu.dma_semaphore, #tpu.memory_space<semaphore_mem>>) src(%dma_wait3A_951 : memref<8x1024xf32, #tpu.memory_space<hbm>>) dst(%dma_wait3A_948 : memref<8x1024xf32, #tpu.memory_space<vmem>>)
    %add3A_952 = arith.constant 32 : i32
    %add3A_953 = arith.addi %mul3A_2, %add3A_952 : i32
    %dma_wait3A_954 = arith.constant 1 : i32
    %dma_wait3A_955 = arith.constant 1 : i32
    %dma_wait3A_956 = arith.constant 0 : i32
    %dma_wait3A_957 = arith.constant 0 : i32
    %dma_wait3A_958 = arith.constant 0 : i32
    %dma_wait3A_959 = tpu.memref_slice %arg6[%dma_wait3A_957, %dma_wait3A_955, %dma_wait3A_958] : memref<8x4x1024xf32, #tpu.memory_space<vmem>> -> memref<8x1x1024xf32, #tpu.memory_space<vmem>>
    %dma_wait3A_960 = tpu.memref_squeeze %dma_wait3A_959 : memref<8x1x1024xf32, #tpu.memory_space<vmem>> -> memref<8x1024xf32, #tpu.memory_space<vmem>>
    %dma_wait3A_961 = arith.constant 0 : i32
    %dma_wait3A_962 = tpu.memref_slice %arg2[%dma_wait3A_954, %add3A_953, %dma_wait3A_961] : memref<4x2048x1024xf32, #tpu.memory_space<hbm>> -> memref<1x8x1024xf32, #tpu.memory_space<hbm>>
    %dma_wait3A_963 = tpu.memref_squeeze %dma_wait3A_962 : memref<1x8x1024xf32, #tpu.memory_space<hbm>> -> memref<8x1024xf32, #tpu.memory_space<hbm>>
    %dma_wait3A_964 = tpu.memref_slice %arg10[%dma_wait3A_956] : memref<2x!tpu.dma_semaphore, #tpu.memory_space<semaphore_mem>> -> memref<1x!tpu.dma_semaphore, #tpu.memory_space<semaphore_mem>>
    %dma_wait3A_965 = tpu.memref_squeeze %dma_wait3A_964 : memref<1x!tpu.dma_semaphore, #tpu.memory_space<semaphore_mem>> -> memref<!tpu.dma_semaphore, #tpu.memory_space<semaphore_mem>>
    %dma_wait3A_966 = arith.constant 0 : i32
    %dma_wait3A_967 = arith.constant 0 : i32
    %dma_wait3A_968 = tpu.memref_slice %arg6[%dma_wait3A_966, %dma_wait3A_955, %dma_wait3A_967] : memref<8x4x1024xf32, #tpu.memory_space<vmem>> -> memref<8x1x1024xf32, #tpu.memory_space<vmem>>
    %dma_wait3A_969 = tpu.memref_squeeze %dma_wait3A_968 : memref<8x1x1024xf32, #tpu.memory_space<vmem>> -> memref<8x1024xf32, #tpu.memory_space<vmem>>
    %dma_wait3A_970 = arith.constant 0 : i32
    %dma_wait3A_971 = tpu.memref_slice %arg2[%dma_wait3A_954, %add3A_953, %dma_wait3A_970] : memref<4x2048x1024xf32, #tpu.memory_space<hbm>> -> memref<1x8x1024xf32, #tpu.memory_space<hbm>>
    %dma_wait3A_972 = tpu.memref_squeeze %dma_wait3A_971 : memref<1x8x1024xf32, #tpu.memory_space<hbm>> -> memref<8x1024xf32, #tpu.memory_space<hbm>>
    tpu.wait_dma2 semaphore(%dma_wait3A_965 : memref<!tpu.dma_semaphore, #tpu.memory_space<semaphore_mem>>) src(%dma_wait3A_972 : memref<8x1024xf32, #tpu.memory_space<hbm>>) dst(%dma_wait3A_969 : memref<8x1024xf32, #tpu.memory_space<vmem>>)
    %add3A_973 = arith.constant 32 : i32
    %add3A_974 = arith.addi %mul3A_2, %add3A_973 : i32
    %dma_wait3A_975 = arith.constant 2 : i32
    %dma_wait3A_976 = arith.constant 2 : i32
    %dma_wait3A_977 = arith.constant 0 : i32
    %dma_wait3A_978 = arith.constant 0 : i32
    %dma_wait3A_979 = arith.constant 0 : i32
    %dma_wait3A_980 = tpu.memref_slice %arg6[%dma_wait3A_978, %dma_wait3A_976, %dma_wait3A_979] : memref<8x4x1024xf32, #tpu.memory_space<vmem>> -> memref<8x1x1024xf32, #tpu.memory_space<vmem>>
    %dma_wait3A_981 = tpu.memref_squeeze %dma_wait3A_980 : memref<8x1x1024xf32, #tpu.memory_space<vmem>> -> memref<8x1024xf32, #tpu.memory_space<vmem>>
    %dma_wait3A_982 = arith.constant 0 : i32
    %dma_wait3A_983 = tpu.memref_slice %arg2[%dma_wait3A_975, %add3A_974, %dma_wait3A_982] : memref<4x2048x1024xf32, #tpu.memory_space<hbm>> -> memref<1x8x1024xf32, #tpu.memory_space<hbm>>
    %dma_wait3A_984 = tpu.memref_squeeze %dma_wait3A_983 : memref<1x8x1024xf32, #tpu.memory_space<hbm>> -> memref<8x1024xf32, #tpu.memory_space<hbm>>
    %dma_wait3A_985 = tpu.memref_slice %arg10[%dma_wait3A_977] : memref<2x!tpu.dma_semaphore, #tpu.memory_space<semaphore_mem>> -> memref<1x!tpu.dma_semaphore, #tpu.memory_space<semaphore_mem>>
    %dma_wait3A_986 = tpu.memref_squeeze %dma_wait3A_985 : memref<1x!tpu.dma_semaphore, #tpu.memory_space<semaphore_mem>> -> memref<!tpu.dma_semaphore, #tpu.memory_space<semaphore_mem>>
    %dma_wait3A_987 = arith.constant 0 : i32
    %dma_wait3A_988 = arith.constant 0 : i32
    %dma_wait3A_989 = tpu.memref_slice %arg6[%dma_wait3A_987, %dma_wait3A_976, %dma_wait3A_988] : memref<8x4x1024xf32, #tpu.memory_space<vmem>> -> memref<8x1x1024xf32, #tpu.memory_space<vmem>>
    %dma_wait3A_990 = tpu.memref_squeeze %dma_wait3A_989 : memref<8x1x1024xf32, #tpu.memory_space<vmem>> -> memref<8x1024xf32, #tpu.memory_space<vmem>>
    %dma_wait3A_991 = arith.constant 0 : i32
    %dma_wait3A_992 = tpu.memref_slice %arg2[%dma_wait3A_975, %add3A_974, %dma_wait3A_991] : memref<4x2048x1024xf32, #tpu.memory_space<hbm>> -> memref<1x8x1024xf32, #tpu.memory_space<hbm>>
    %dma_wait3A_993 = tpu.memref_squeeze %dma_wait3A_992 : memref<1x8x1024xf32, #tpu.memory_space<hbm>> -> memref<8x1024xf32, #tpu.memory_space<hbm>>
    tpu.wait_dma2 semaphore(%dma_wait3A_986 : memref<!tpu.dma_semaphore, #tpu.memory_space<semaphore_mem>>) src(%dma_wait3A_993 : memref<8x1024xf32, #tpu.memory_space<hbm>>) dst(%dma_wait3A_990 : memref<8x1024xf32, #tpu.memory_space<vmem>>)
    %add3A_994 = arith.constant 32 : i32
    %add3A_995 = arith.addi %mul3A_2, %add3A_994 : i32
    %dma_wait3A_996 = arith.constant 3 : i32
    %dma_wait3A_997 = arith.constant 3 : i32
    %dma_wait3A_998 = arith.constant 0 : i32
    %dma_wait3A_999 = arith.constant 0 : i32
    %dma_wait3A_1000 = arith.constant 0 : i32
    %dma_wait3A_1001 = tpu.memref_slice %arg6[%dma_wait3A_999, %dma_wait3A_997, %dma_wait3A_1000] : memref<8x4x1024xf32, #tpu.memory_space<vmem>> -> memref<8x1x1024xf32, #tpu.memory_space<vmem>>
    %dma_wait3A_1002 = tpu.memref_squeeze %dma_wait3A_1001 : memref<8x1x1024xf32, #tpu.memory_space<vmem>> -> memref<8x1024xf32, #tpu.memory_space<vmem>>
    %dma_wait3A_1003 = arith.constant 0 : i32
    %dma_wait3A_1004 = tpu.memref_slice %arg2[%dma_wait3A_996, %add3A_995, %dma_wait3A_1003] : memref<4x2048x1024xf32, #tpu.memory_space<hbm>> -> memref<1x8x1024xf32, #tpu.memory_space<hbm>>
    %dma_wait3A_1005 = tpu.memref_squeeze %dma_wait3A_1004 : memref<1x8x1024xf32, #tpu.memory_space<hbm>> -> memref<8x1024xf32, #tpu.memory_space<hbm>>
    %dma_wait3A_1006 = tpu.memref_slice %arg10[%dma_wait3A_998] : memref<2x!tpu.dma_semaphore, #tpu.memory_space<semaphore_mem>> -> memref<1x!tpu.dma_semaphore, #tpu.memory_space<semaphore_mem>>
    %dma_wait3A_1007 = tpu.memref_squeeze %dma_wait3A_1006 : memref<1x!tpu.dma_semaphore, #tpu.memory_space<semaphore_mem>> -> memref<!tpu.dma_semaphore, #tpu.memory_space<semaphore_mem>>
    %dma_wait3A_1008 = arith.constant 0 : i32
    %dma_wait3A_1009 = arith.constant 0 : i32
    %dma_wait3A_1010 = tpu.memref_slice %arg6[%dma_wait3A_1008, %dma_wait3A_997, %dma_wait3A_1009] : memref<8x4x1024xf32, #tpu.memory_space<vmem>> -> memref<8x1x1024xf32, #tpu.memory_space<vmem>>
    %dma_wait3A_1011 = tpu.memref_squeeze %dma_wait3A_1010 : memref<8x1x1024xf32, #tpu.memory_space<vmem>> -> memref<8x1024xf32, #tpu.memory_space<vmem>>
    %dma_wait3A_1012 = arith.constant 0 : i32
    %dma_wait3A_1013 = tpu.memref_slice %arg2[%dma_wait3A_996, %add3A_995, %dma_wait3A_1012] : memref<4x2048x1024xf32, #tpu.memory_space<hbm>> -> memref<1x8x1024xf32, #tpu.memory_space<hbm>>
    %dma_wait3A_1014 = tpu.memref_squeeze %dma_wait3A_1013 : memref<1x8x1024xf32, #tpu.memory_space<hbm>> -> memref<8x1024xf32, #tpu.memory_space<hbm>>
    tpu.wait_dma2 semaphore(%dma_wait3A_1007 : memref<!tpu.dma_semaphore, #tpu.memory_space<semaphore_mem>>) src(%dma_wait3A_1014 : memref<8x1024xf32, #tpu.memory_space<hbm>>) dst(%dma_wait3A_1011 : memref<8x1024xf32, #tpu.memory_space<vmem>>)
    %add3A_1015 = arith.constant 32 : i32
    %add3A_1016 = arith.addi %mul3A_2, %add3A_1015 : i32
    %dma_start3A_1017 = arith.constant 0 : i32
    %dma_start3A_1018 = arith.constant 0 : i32
    %dma_start3A_1019 = arith.constant 0 : i32
    %dma_start3A_1020 = tpu.memref_slice %arg5[%add3A_1016, %dma_start3A_1018, %dma_start3A_1019] : memref<2049x4x1024xf32, #tpu.memory_space<hbm>> -> memref<8x4x1024xf32, #tpu.memory_space<hbm>>
    %dma_start3A_1021 = tpu.memref_slice %arg11[%dma_start3A_1017] : memref<2x!tpu.dma_semaphore, #tpu.memory_space<semaphore_mem>> -> memref<1x!tpu.dma_semaphore, #tpu.memory_space<semaphore_mem>>
    %dma_start3A_1022 = tpu.memref_squeeze %dma_start3A_1021 : memref<1x!tpu.dma_semaphore, #tpu.memory_space<semaphore_mem>> -> memref<!tpu.dma_semaphore, #tpu.memory_space<semaphore_mem>>
    %dma_start3A_1023 = arith.constant 0 : i32
    %dma_start3A_1024 = arith.constant 0 : i32
    %dma_start3A_1025 = tpu.memref_slice %arg5[%add3A_1016, %dma_start3A_1023, %dma_start3A_1024] : memref<2049x4x1024xf32, #tpu.memory_space<hbm>> -> memref<8x4x1024xf32, #tpu.memory_space<hbm>>
    tpu.enqueue_dma source(%arg6 : memref<8x4x1024xf32, #tpu.memory_space<vmem>>) target(%dma_start3A_1025 : memref<8x4x1024xf32, #tpu.memory_space<hbm>>) target_semaphore(%dma_start3A_1022 : memref<!tpu.dma_semaphore, #tpu.memory_space<semaphore_mem>>)
    %add3A_1026 = arith.constant 32 : i32
    %add3A_1027 = arith.addi %mul3A_2, %add3A_1026 : i32
    %dma_wait3A_1028 = arith.constant 0 : i32
    %dma_wait3A_1029 = arith.constant 0 : i32
    %dma_wait3A_1030 = arith.constant 0 : i32
    %dma_wait3A_1031 = tpu.memref_slice %arg5[%add3A_1027, %dma_wait3A_1029, %dma_wait3A_1030] : memref<2049x4x1024xf32, #tpu.memory_space<hbm>> -> memref<8x4x1024xf32, #tpu.memory_space<hbm>>
    %dma_wait3A_1032 = tpu.memref_slice %arg11[%dma_wait3A_1028] : memref<2x!tpu.dma_semaphore, #tpu.memory_space<semaphore_mem>> -> memref<1x!tpu.dma_semaphore, #tpu.memory_space<semaphore_mem>>
    %dma_wait3A_1033 = tpu.memref_squeeze %dma_wait3A_1032 : memref<1x!tpu.dma_semaphore, #tpu.memory_space<semaphore_mem>> -> memref<!tpu.dma_semaphore, #tpu.memory_space<semaphore_mem>>
    %dma_wait3A_1034 = arith.constant 0 : i32
    %dma_wait3A_1035 = arith.constant 0 : i32
    %dma_wait3A_1036 = tpu.memref_slice %arg5[%add3A_1027, %dma_wait3A_1034, %dma_wait3A_1035] : memref<2049x4x1024xf32, #tpu.memory_space<hbm>> -> memref<8x4x1024xf32, #tpu.memory_space<hbm>>
    tpu.wait_dma2 semaphore(%dma_wait3A_1033 : memref<!tpu.dma_semaphore, #tpu.memory_space<semaphore_mem>>) src(%arg6 : memref<8x4x1024xf32, #tpu.memory_space<vmem>>) dst(%dma_wait3A_1036 : memref<8x4x1024xf32, #tpu.memory_space<hbm>>)
    %add3A_1037 = arith.constant 48 : i32
    %add3A_1038 = arith.addi %mul3A_2, %add3A_1037 : i32
    %dma_start3A_1039 = arith.constant 0 : i32
    %dma_start3A_1040 = arith.constant 0 : i32
    %dma_start3A_1041 = arith.constant 0 : i32
    %dma_start3A_1042 = arith.constant 0 : i32
    %dma_start3A_1043 = arith.constant 0 : i32
    %dma_start3A_1044 = tpu.memref_slice %arg6[%dma_start3A_1042, %dma_start3A_1040, %dma_start3A_1043] : memref<8x4x1024xf32, #tpu.memory_space<vmem>> -> memref<8x1x1024xf32, #tpu.memory_space<vmem>>
    %dma_start3A_1045 = tpu.memref_squeeze %dma_start3A_1044 : memref<8x1x1024xf32, #tpu.memory_space<vmem>> -> memref<8x1024xf32, #tpu.memory_space<vmem>>
    %dma_start3A_1046 = arith.constant 0 : i32
    %dma_start3A_1047 = tpu.memref_slice %arg2[%dma_start3A_1039, %add3A_1038, %dma_start3A_1046] : memref<4x2048x1024xf32, #tpu.memory_space<hbm>> -> memref<1x8x1024xf32, #tpu.memory_space<hbm>>
    %dma_start3A_1048 = tpu.memref_squeeze %dma_start3A_1047 : memref<1x8x1024xf32, #tpu.memory_space<hbm>> -> memref<8x1024xf32, #tpu.memory_space<hbm>>
    %dma_start3A_1049 = tpu.memref_slice %arg10[%dma_start3A_1041] : memref<2x!tpu.dma_semaphore, #tpu.memory_space<semaphore_mem>> -> memref<1x!tpu.dma_semaphore, #tpu.memory_space<semaphore_mem>>
    %dma_start3A_1050 = tpu.memref_squeeze %dma_start3A_1049 : memref<1x!tpu.dma_semaphore, #tpu.memory_space<semaphore_mem>> -> memref<!tpu.dma_semaphore, #tpu.memory_space<semaphore_mem>>
    %dma_start3A_1051 = arith.constant 0 : i32
    %dma_start3A_1052 = arith.constant 0 : i32
    %dma_start3A_1053 = tpu.memref_slice %arg6[%dma_start3A_1051, %dma_start3A_1040, %dma_start3A_1052] : memref<8x4x1024xf32, #tpu.memory_space<vmem>> -> memref<8x1x1024xf32, #tpu.memory_space<vmem>>
    %dma_start3A_1054 = tpu.memref_squeeze %dma_start3A_1053 : memref<8x1x1024xf32, #tpu.memory_space<vmem>> -> memref<8x1024xf32, #tpu.memory_space<vmem>>
    %dma_start3A_1055 = arith.constant 0 : i32
    %dma_start3A_1056 = tpu.memref_slice %arg2[%dma_start3A_1039, %add3A_1038, %dma_start3A_1055] : memref<4x2048x1024xf32, #tpu.memory_space<hbm>> -> memref<1x8x1024xf32, #tpu.memory_space<hbm>>
    %dma_start3A_1057 = tpu.memref_squeeze %dma_start3A_1056 : memref<1x8x1024xf32, #tpu.memory_space<hbm>> -> memref<8x1024xf32, #tpu.memory_space<hbm>>
    tpu.enqueue_dma source(%dma_start3A_1057 : memref<8x1024xf32, #tpu.memory_space<hbm>>) target(%dma_start3A_1054 : memref<8x1024xf32, #tpu.memory_space<vmem>>) target_semaphore(%dma_start3A_1050 : memref<!tpu.dma_semaphore, #tpu.memory_space<semaphore_mem>>)
    %add3A_1058 = arith.constant 48 : i32
    %add3A_1059 = arith.addi %mul3A_2, %add3A_1058 : i32
    %dma_start3A_1060 = arith.constant 1 : i32
    %dma_start3A_1061 = arith.constant 1 : i32
    %dma_start3A_1062 = arith.constant 0 : i32
    %dma_start3A_1063 = arith.constant 0 : i32
    %dma_start3A_1064 = arith.constant 0 : i32
    %dma_start3A_1065 = tpu.memref_slice %arg6[%dma_start3A_1063, %dma_start3A_1061, %dma_start3A_1064] : memref<8x4x1024xf32, #tpu.memory_space<vmem>> -> memref<8x1x1024xf32, #tpu.memory_space<vmem>>
    %dma_start3A_1066 = tpu.memref_squeeze %dma_start3A_1065 : memref<8x1x1024xf32, #tpu.memory_space<vmem>> -> memref<8x1024xf32, #tpu.memory_space<vmem>>
    %dma_start3A_1067 = arith.constant 0 : i32
    %dma_start3A_1068 = tpu.memref_slice %arg2[%dma_start3A_1060, %add3A_1059, %dma_start3A_1067] : memref<4x2048x1024xf32, #tpu.memory_space<hbm>> -> memref<1x8x1024xf32, #tpu.memory_space<hbm>>
    %dma_start3A_1069 = tpu.memref_squeeze %dma_start3A_1068 : memref<1x8x1024xf32, #tpu.memory_space<hbm>> -> memref<8x1024xf32, #tpu.memory_space<hbm>>
    %dma_start3A_1070 = tpu.memref_slice %arg10[%dma_start3A_1062] : memref<2x!tpu.dma_semaphore, #tpu.memory_space<semaphore_mem>> -> memref<1x!tpu.dma_semaphore, #tpu.memory_space<semaphore_mem>>
    %dma_start3A_1071 = tpu.memref_squeeze %dma_start3A_1070 : memref<1x!tpu.dma_semaphore, #tpu.memory_space<semaphore_mem>> -> memref<!tpu.dma_semaphore, #tpu.memory_space<semaphore_mem>>
    %dma_start3A_1072 = arith.constant 0 : i32
    %dma_start3A_1073 = arith.constant 0 : i32
    %dma_start3A_1074 = tpu.memref_slice %arg6[%dma_start3A_1072, %dma_start3A_1061, %dma_start3A_1073] : memref<8x4x1024xf32, #tpu.memory_space<vmem>> -> memref<8x1x1024xf32, #tpu.memory_space<vmem>>
    %dma_start3A_1075 = tpu.memref_squeeze %dma_start3A_1074 : memref<8x1x1024xf32, #tpu.memory_space<vmem>> -> memref<8x1024xf32, #tpu.memory_space<vmem>>
    %dma_start3A_1076 = arith.constant 0 : i32
    %dma_start3A_1077 = tpu.memref_slice %arg2[%dma_start3A_1060, %add3A_1059, %dma_start3A_1076] : memref<4x2048x1024xf32, #tpu.memory_space<hbm>> -> memref<1x8x1024xf32, #tpu.memory_space<hbm>>
    %dma_start3A_1078 = tpu.memref_squeeze %dma_start3A_1077 : memref<1x8x1024xf32, #tpu.memory_space<hbm>> -> memref<8x1024xf32, #tpu.memory_space<hbm>>
    tpu.enqueue_dma source(%dma_start3A_1078 : memref<8x1024xf32, #tpu.memory_space<hbm>>) target(%dma_start3A_1075 : memref<8x1024xf32, #tpu.memory_space<vmem>>) target_semaphore(%dma_start3A_1071 : memref<!tpu.dma_semaphore, #tpu.memory_space<semaphore_mem>>)
    %add3A_1079 = arith.constant 48 : i32
    %add3A_1080 = arith.addi %mul3A_2, %add3A_1079 : i32
    %dma_start3A_1081 = arith.constant 2 : i32
    %dma_start3A_1082 = arith.constant 2 : i32
    %dma_start3A_1083 = arith.constant 0 : i32
    %dma_start3A_1084 = arith.constant 0 : i32
    %dma_start3A_1085 = arith.constant 0 : i32
    %dma_start3A_1086 = tpu.memref_slice %arg6[%dma_start3A_1084, %dma_start3A_1082, %dma_start3A_1085] : memref<8x4x1024xf32, #tpu.memory_space<vmem>> -> memref<8x1x1024xf32, #tpu.memory_space<vmem>>
    %dma_start3A_1087 = tpu.memref_squeeze %dma_start3A_1086 : memref<8x1x1024xf32, #tpu.memory_space<vmem>> -> memref<8x1024xf32, #tpu.memory_space<vmem>>
    %dma_start3A_1088 = arith.constant 0 : i32
    %dma_start3A_1089 = tpu.memref_slice %arg2[%dma_start3A_1081, %add3A_1080, %dma_start3A_1088] : memref<4x2048x1024xf32, #tpu.memory_space<hbm>> -> memref<1x8x1024xf32, #tpu.memory_space<hbm>>
    %dma_start3A_1090 = tpu.memref_squeeze %dma_start3A_1089 : memref<1x8x1024xf32, #tpu.memory_space<hbm>> -> memref<8x1024xf32, #tpu.memory_space<hbm>>
    %dma_start3A_1091 = tpu.memref_slice %arg10[%dma_start3A_1083] : memref<2x!tpu.dma_semaphore, #tpu.memory_space<semaphore_mem>> -> memref<1x!tpu.dma_semaphore, #tpu.memory_space<semaphore_mem>>
    %dma_start3A_1092 = tpu.memref_squeeze %dma_start3A_1091 : memref<1x!tpu.dma_semaphore, #tpu.memory_space<semaphore_mem>> -> memref<!tpu.dma_semaphore, #tpu.memory_space<semaphore_mem>>
    %dma_start3A_1093 = arith.constant 0 : i32
    %dma_start3A_1094 = arith.constant 0 : i32
    %dma_start3A_1095 = tpu.memref_slice %arg6[%dma_start3A_1093, %dma_start3A_1082, %dma_start3A_1094] : memref<8x4x1024xf32, #tpu.memory_space<vmem>> -> memref<8x1x1024xf32, #tpu.memory_space<vmem>>
    %dma_start3A_1096 = tpu.memref_squeeze %dma_start3A_1095 : memref<8x1x1024xf32, #tpu.memory_space<vmem>> -> memref<8x1024xf32, #tpu.memory_space<vmem>>
    %dma_start3A_1097 = arith.constant 0 : i32
    %dma_start3A_1098 = tpu.memref_slice %arg2[%dma_start3A_1081, %add3A_1080, %dma_start3A_1097] : memref<4x2048x1024xf32, #tpu.memory_space<hbm>> -> memref<1x8x1024xf32, #tpu.memory_space<hbm>>
    %dma_start3A_1099 = tpu.memref_squeeze %dma_start3A_1098 : memref<1x8x1024xf32, #tpu.memory_space<hbm>> -> memref<8x1024xf32, #tpu.memory_space<hbm>>
    tpu.enqueue_dma source(%dma_start3A_1099 : memref<8x1024xf32, #tpu.memory_space<hbm>>) target(%dma_start3A_1096 : memref<8x1024xf32, #tpu.memory_space<vmem>>) target_semaphore(%dma_start3A_1092 : memref<!tpu.dma_semaphore, #tpu.memory_space<semaphore_mem>>)
    %add3A_1100 = arith.constant 48 : i32
    %add3A_1101 = arith.addi %mul3A_2, %add3A_1100 : i32
    %dma_start3A_1102 = arith.constant 3 : i32
    %dma_start3A_1103 = arith.constant 3 : i32
    %dma_start3A_1104 = arith.constant 0 : i32
    %dma_start3A_1105 = arith.constant 0 : i32
    %dma_start3A_1106 = arith.constant 0 : i32
    %dma_start3A_1107 = tpu.memref_slice %arg6[%dma_start3A_1105, %dma_start3A_1103, %dma_start3A_1106] : memref<8x4x1024xf32, #tpu.memory_space<vmem>> -> memref<8x1x1024xf32, #tpu.memory_space<vmem>>
    %dma_start3A_1108 = tpu.memref_squeeze %dma_start3A_1107 : memref<8x1x1024xf32, #tpu.memory_space<vmem>> -> memref<8x1024xf32, #tpu.memory_space<vmem>>
    %dma_start3A_1109 = arith.constant 0 : i32
    %dma_start3A_1110 = tpu.memref_slice %arg2[%dma_start3A_1102, %add3A_1101, %dma_start3A_1109] : memref<4x2048x1024xf32, #tpu.memory_space<hbm>> -> memref<1x8x1024xf32, #tpu.memory_space<hbm>>
    %dma_start3A_1111 = tpu.memref_squeeze %dma_start3A_1110 : memref<1x8x1024xf32, #tpu.memory_space<hbm>> -> memref<8x1024xf32, #tpu.memory_space<hbm>>
    %dma_start3A_1112 = tpu.memref_slice %arg10[%dma_start3A_1104] : memref<2x!tpu.dma_semaphore, #tpu.memory_space<semaphore_mem>> -> memref<1x!tpu.dma_semaphore, #tpu.memory_space<semaphore_mem>>
    %dma_start3A_1113 = tpu.memref_squeeze %dma_start3A_1112 : memref<1x!tpu.dma_semaphore, #tpu.memory_space<semaphore_mem>> -> memref<!tpu.dma_semaphore, #tpu.memory_space<semaphore_mem>>
    %dma_start3A_1114 = arith.constant 0 : i32
    %dma_start3A_1115 = arith.constant 0 : i32
    %dma_start3A_1116 = tpu.memref_slice %arg6[%dma_start3A_1114, %dma_start3A_1103, %dma_start3A_1115] : memref<8x4x1024xf32, #tpu.memory_space<vmem>> -> memref<8x1x1024xf32, #tpu.memory_space<vmem>>
    %dma_start3A_1117 = tpu.memref_squeeze %dma_start3A_1116 : memref<8x1x1024xf32, #tpu.memory_space<vmem>> -> memref<8x1024xf32, #tpu.memory_space<vmem>>
    %dma_start3A_1118 = arith.constant 0 : i32
    %dma_start3A_1119 = tpu.memref_slice %arg2[%dma_start3A_1102, %add3A_1101, %dma_start3A_1118] : memref<4x2048x1024xf32, #tpu.memory_space<hbm>> -> memref<1x8x1024xf32, #tpu.memory_space<hbm>>
    %dma_start3A_1120 = tpu.memref_squeeze %dma_start3A_1119 : memref<1x8x1024xf32, #tpu.memory_space<hbm>> -> memref<8x1024xf32, #tpu.memory_space<hbm>>
    tpu.enqueue_dma source(%dma_start3A_1120 : memref<8x1024xf32, #tpu.memory_space<hbm>>) target(%dma_start3A_1117 : memref<8x1024xf32, #tpu.memory_space<vmem>>) target_semaphore(%dma_start3A_1113 : memref<!tpu.dma_semaphore, #tpu.memory_space<semaphore_mem>>)
    %add3A_1121 = arith.constant 40 : i32
    %add3A_1122 = arith.addi %mul3A_2, %add3A_1121 : i32
    %dma_wait3A_1123 = arith.constant 0 : i32
    %dma_wait3A_1124 = arith.constant 0 : i32
    %dma_wait3A_1125 = arith.constant 1 : i32
    %dma_wait3A_1126 = arith.constant 0 : i32
    %dma_wait3A_1127 = arith.constant 0 : i32
    %dma_wait3A_1128 = tpu.memref_slice %arg7[%dma_wait3A_1126, %dma_wait3A_1124, %dma_wait3A_1127] : memref<8x4x1024xf32, #tpu.memory_space<vmem>> -> memref<8x1x1024xf32, #tpu.memory_space<vmem>>
    %dma_wait3A_1129 = tpu.memref_squeeze %dma_wait3A_1128 : memref<8x1x1024xf32, #tpu.memory_space<vmem>> -> memref<8x1024xf32, #tpu.memory_space<vmem>>
    %dma_wait3A_1130 = arith.constant 0 : i32
    %dma_wait3A_1131 = tpu.memref_slice %arg2[%dma_wait3A_1123, %add3A_1122, %dma_wait3A_1130] : memref<4x2048x1024xf32, #tpu.memory_space<hbm>> -> memref<1x8x1024xf32, #tpu.memory_space<hbm>>
    %dma_wait3A_1132 = tpu.memref_squeeze %dma_wait3A_1131 : memref<1x8x1024xf32, #tpu.memory_space<hbm>> -> memref<8x1024xf32, #tpu.memory_space<hbm>>
    %dma_wait3A_1133 = tpu.memref_slice %arg10[%dma_wait3A_1125] : memref<2x!tpu.dma_semaphore, #tpu.memory_space<semaphore_mem>> -> memref<1x!tpu.dma_semaphore, #tpu.memory_space<semaphore_mem>>
    %dma_wait3A_1134 = tpu.memref_squeeze %dma_wait3A_1133 : memref<1x!tpu.dma_semaphore, #tpu.memory_space<semaphore_mem>> -> memref<!tpu.dma_semaphore, #tpu.memory_space<semaphore_mem>>
    %dma_wait3A_1135 = arith.constant 0 : i32
    %dma_wait3A_1136 = arith.constant 0 : i32
    %dma_wait3A_1137 = tpu.memref_slice %arg7[%dma_wait3A_1135, %dma_wait3A_1124, %dma_wait3A_1136] : memref<8x4x1024xf32, #tpu.memory_space<vmem>> -> memref<8x1x1024xf32, #tpu.memory_space<vmem>>
    %dma_wait3A_1138 = tpu.memref_squeeze %dma_wait3A_1137 : memref<8x1x1024xf32, #tpu.memory_space<vmem>> -> memref<8x1024xf32, #tpu.memory_space<vmem>>
    %dma_wait3A_1139 = arith.constant 0 : i32
    %dma_wait3A_1140 = tpu.memref_slice %arg2[%dma_wait3A_1123, %add3A_1122, %dma_wait3A_1139] : memref<4x2048x1024xf32, #tpu.memory_space<hbm>> -> memref<1x8x1024xf32, #tpu.memory_space<hbm>>
    %dma_wait3A_1141 = tpu.memref_squeeze %dma_wait3A_1140 : memref<1x8x1024xf32, #tpu.memory_space<hbm>> -> memref<8x1024xf32, #tpu.memory_space<hbm>>
    tpu.wait_dma2 semaphore(%dma_wait3A_1134 : memref<!tpu.dma_semaphore, #tpu.memory_space<semaphore_mem>>) src(%dma_wait3A_1141 : memref<8x1024xf32, #tpu.memory_space<hbm>>) dst(%dma_wait3A_1138 : memref<8x1024xf32, #tpu.memory_space<vmem>>)
    %add3A_1142 = arith.constant 40 : i32
    %add3A_1143 = arith.addi %mul3A_2, %add3A_1142 : i32
    %dma_wait3A_1144 = arith.constant 1 : i32
    %dma_wait3A_1145 = arith.constant 1 : i32
    %dma_wait3A_1146 = arith.constant 1 : i32
    %dma_wait3A_1147 = arith.constant 0 : i32
    %dma_wait3A_1148 = arith.constant 0 : i32
    %dma_wait3A_1149 = tpu.memref_slice %arg7[%dma_wait3A_1147, %dma_wait3A_1145, %dma_wait3A_1148] : memref<8x4x1024xf32, #tpu.memory_space<vmem>> -> memref<8x1x1024xf32, #tpu.memory_space<vmem>>
    %dma_wait3A_1150 = tpu.memref_squeeze %dma_wait3A_1149 : memref<8x1x1024xf32, #tpu.memory_space<vmem>> -> memref<8x1024xf32, #tpu.memory_space<vmem>>
    %dma_wait3A_1151 = arith.constant 0 : i32
    %dma_wait3A_1152 = tpu.memref_slice %arg2[%dma_wait3A_1144, %add3A_1143, %dma_wait3A_1151] : memref<4x2048x1024xf32, #tpu.memory_space<hbm>> -> memref<1x8x1024xf32, #tpu.memory_space<hbm>>
    %dma_wait3A_1153 = tpu.memref_squeeze %dma_wait3A_1152 : memref<1x8x1024xf32, #tpu.memory_space<hbm>> -> memref<8x1024xf32, #tpu.memory_space<hbm>>
    %dma_wait3A_1154 = tpu.memref_slice %arg10[%dma_wait3A_1146] : memref<2x!tpu.dma_semaphore, #tpu.memory_space<semaphore_mem>> -> memref<1x!tpu.dma_semaphore, #tpu.memory_space<semaphore_mem>>
    %dma_wait3A_1155 = tpu.memref_squeeze %dma_wait3A_1154 : memref<1x!tpu.dma_semaphore, #tpu.memory_space<semaphore_mem>> -> memref<!tpu.dma_semaphore, #tpu.memory_space<semaphore_mem>>
    %dma_wait3A_1156 = arith.constant 0 : i32
    %dma_wait3A_1157 = arith.constant 0 : i32
    %dma_wait3A_1158 = tpu.memref_slice %arg7[%dma_wait3A_1156, %dma_wait3A_1145, %dma_wait3A_1157] : memref<8x4x1024xf32, #tpu.memory_space<vmem>> -> memref<8x1x1024xf32, #tpu.memory_space<vmem>>
    %dma_wait3A_1159 = tpu.memref_squeeze %dma_wait3A_1158 : memref<8x1x1024xf32, #tpu.memory_space<vmem>> -> memref<8x1024xf32, #tpu.memory_space<vmem>>
    %dma_wait3A_1160 = arith.constant 0 : i32
    %dma_wait3A_1161 = tpu.memref_slice %arg2[%dma_wait3A_1144, %add3A_1143, %dma_wait3A_1160] : memref<4x2048x1024xf32, #tpu.memory_space<hbm>> -> memref<1x8x1024xf32, #tpu.memory_space<hbm>>
    %dma_wait3A_1162 = tpu.memref_squeeze %dma_wait3A_1161 : memref<1x8x1024xf32, #tpu.memory_space<hbm>> -> memref<8x1024xf32, #tpu.memory_space<hbm>>
    tpu.wait_dma2 semaphore(%dma_wait3A_1155 : memref<!tpu.dma_semaphore, #tpu.memory_space<semaphore_mem>>) src(%dma_wait3A_1162 : memref<8x1024xf32, #tpu.memory_space<hbm>>) dst(%dma_wait3A_1159 : memref<8x1024xf32, #tpu.memory_space<vmem>>)
    %add3A_1163 = arith.constant 40 : i32
    %add3A_1164 = arith.addi %mul3A_2, %add3A_1163 : i32
    %dma_wait3A_1165 = arith.constant 2 : i32
    %dma_wait3A_1166 = arith.constant 2 : i32
    %dma_wait3A_1167 = arith.constant 1 : i32
    %dma_wait3A_1168 = arith.constant 0 : i32
    %dma_wait3A_1169 = arith.constant 0 : i32
    %dma_wait3A_1170 = tpu.memref_slice %arg7[%dma_wait3A_1168, %dma_wait3A_1166, %dma_wait3A_1169] : memref<8x4x1024xf32, #tpu.memory_space<vmem>> -> memref<8x1x1024xf32, #tpu.memory_space<vmem>>
    %dma_wait3A_1171 = tpu.memref_squeeze %dma_wait3A_1170 : memref<8x1x1024xf32, #tpu.memory_space<vmem>> -> memref<8x1024xf32, #tpu.memory_space<vmem>>
    %dma_wait3A_1172 = arith.constant 0 : i32
    %dma_wait3A_1173 = tpu.memref_slice %arg2[%dma_wait3A_1165, %add3A_1164, %dma_wait3A_1172] : memref<4x2048x1024xf32, #tpu.memory_space<hbm>> -> memref<1x8x1024xf32, #tpu.memory_space<hbm>>
    %dma_wait3A_1174 = tpu.memref_squeeze %dma_wait3A_1173 : memref<1x8x1024xf32, #tpu.memory_space<hbm>> -> memref<8x1024xf32, #tpu.memory_space<hbm>>
    %dma_wait3A_1175 = tpu.memref_slice %arg10[%dma_wait3A_1167] : memref<2x!tpu.dma_semaphore, #tpu.memory_space<semaphore_mem>> -> memref<1x!tpu.dma_semaphore, #tpu.memory_space<semaphore_mem>>
    %dma_wait3A_1176 = tpu.memref_squeeze %dma_wait3A_1175 : memref<1x!tpu.dma_semaphore, #tpu.memory_space<semaphore_mem>> -> memref<!tpu.dma_semaphore, #tpu.memory_space<semaphore_mem>>
    %dma_wait3A_1177 = arith.constant 0 : i32
    %dma_wait3A_1178 = arith.constant 0 : i32
    %dma_wait3A_1179 = tpu.memref_slice %arg7[%dma_wait3A_1177, %dma_wait3A_1166, %dma_wait3A_1178] : memref<8x4x1024xf32, #tpu.memory_space<vmem>> -> memref<8x1x1024xf32, #tpu.memory_space<vmem>>
    %dma_wait3A_1180 = tpu.memref_squeeze %dma_wait3A_1179 : memref<8x1x1024xf32, #tpu.memory_space<vmem>> -> memref<8x1024xf32, #tpu.memory_space<vmem>>
    %dma_wait3A_1181 = arith.constant 0 : i32
    %dma_wait3A_1182 = tpu.memref_slice %arg2[%dma_wait3A_1165, %add3A_1164, %dma_wait3A_1181] : memref<4x2048x1024xf32, #tpu.memory_space<hbm>> -> memref<1x8x1024xf32, #tpu.memory_space<hbm>>
    %dma_wait3A_1183 = tpu.memref_squeeze %dma_wait3A_1182 : memref<1x8x1024xf32, #tpu.memory_space<hbm>> -> memref<8x1024xf32, #tpu.memory_space<hbm>>
    tpu.wait_dma2 semaphore(%dma_wait3A_1176 : memref<!tpu.dma_semaphore, #tpu.memory_space<semaphore_mem>>) src(%dma_wait3A_1183 : memref<8x1024xf32, #tpu.memory_space<hbm>>) dst(%dma_wait3A_1180 : memref<8x1024xf32, #tpu.memory_space<vmem>>)
    %add3A_1184 = arith.constant 40 : i32
    %add3A_1185 = arith.addi %mul3A_2, %add3A_1184 : i32
    %dma_wait3A_1186 = arith.constant 3 : i32
    %dma_wait3A_1187 = arith.constant 3 : i32
    %dma_wait3A_1188 = arith.constant 1 : i32
    %dma_wait3A_1189 = arith.constant 0 : i32
    %dma_wait3A_1190 = arith.constant 0 : i32
    %dma_wait3A_1191 = tpu.memref_slice %arg7[%dma_wait3A_1189, %dma_wait3A_1187, %dma_wait3A_1190] : memref<8x4x1024xf32, #tpu.memory_space<vmem>> -> memref<8x1x1024xf32, #tpu.memory_space<vmem>>
    %dma_wait3A_1192 = tpu.memref_squeeze %dma_wait3A_1191 : memref<8x1x1024xf32, #tpu.memory_space<vmem>> -> memref<8x1024xf32, #tpu.memory_space<vmem>>
    %dma_wait3A_1193 = arith.constant 0 : i32
    %dma_wait3A_1194 = tpu.memref_slice %arg2[%dma_wait3A_1186, %add3A_1185, %dma_wait3A_1193] : memref<4x2048x1024xf32, #tpu.memory_space<hbm>> -> memref<1x8x1024xf32, #tpu.memory_space<hbm>>
    %dma_wait3A_1195 = tpu.memref_squeeze %dma_wait3A_1194 : memref<1x8x1024xf32, #tpu.memory_space<hbm>> -> memref<8x1024xf32, #tpu.memory_space<hbm>>
    %dma_wait3A_1196 = tpu.memref_slice %arg10[%dma_wait3A_1188] : memref<2x!tpu.dma_semaphore, #tpu.memory_space<semaphore_mem>> -> memref<1x!tpu.dma_semaphore, #tpu.memory_space<semaphore_mem>>
    %dma_wait3A_1197 = tpu.memref_squeeze %dma_wait3A_1196 : memref<1x!tpu.dma_semaphore, #tpu.memory_space<semaphore_mem>> -> memref<!tpu.dma_semaphore, #tpu.memory_space<semaphore_mem>>
    %dma_wait3A_1198 = arith.constant 0 : i32
    %dma_wait3A_1199 = arith.constant 0 : i32
    %dma_wait3A_1200 = tpu.memref_slice %arg7[%dma_wait3A_1198, %dma_wait3A_1187, %dma_wait3A_1199] : memref<8x4x1024xf32, #tpu.memory_space<vmem>> -> memref<8x1x1024xf32, #tpu.memory_space<vmem>>
    %dma_wait3A_1201 = tpu.memref_squeeze %dma_wait3A_1200 : memref<8x1x1024xf32, #tpu.memory_space<vmem>> -> memref<8x1024xf32, #tpu.memory_space<vmem>>
    %dma_wait3A_1202 = arith.constant 0 : i32
    %dma_wait3A_1203 = tpu.memref_slice %arg2[%dma_wait3A_1186, %add3A_1185, %dma_wait3A_1202] : memref<4x2048x1024xf32, #tpu.memory_space<hbm>> -> memref<1x8x1024xf32, #tpu.memory_space<hbm>>
    %dma_wait3A_1204 = tpu.memref_squeeze %dma_wait3A_1203 : memref<1x8x1024xf32, #tpu.memory_space<hbm>> -> memref<8x1024xf32, #tpu.memory_space<hbm>>
    tpu.wait_dma2 semaphore(%dma_wait3A_1197 : memref<!tpu.dma_semaphore, #tpu.memory_space<semaphore_mem>>) src(%dma_wait3A_1204 : memref<8x1024xf32, #tpu.memory_space<hbm>>) dst(%dma_wait3A_1201 : memref<8x1024xf32, #tpu.memory_space<vmem>>)
    %add3A_1205 = arith.constant 40 : i32
    %add3A_1206 = arith.addi %mul3A_2, %add3A_1205 : i32
    %dma_start3A_1207 = arith.constant 1 : i32
    %dma_start3A_1208 = arith.constant 0 : i32
    %dma_start3A_1209 = arith.constant 0 : i32
    %dma_start3A_1210 = tpu.memref_slice %arg5[%add3A_1206, %dma_start3A_1208, %dma_start3A_1209] : memref<2049x4x1024xf32, #tpu.memory_space<hbm>> -> memref<8x4x1024xf32, #tpu.memory_space<hbm>>
    %dma_start3A_1211 = tpu.memref_slice %arg11[%dma_start3A_1207] : memref<2x!tpu.dma_semaphore, #tpu.memory_space<semaphore_mem>> -> memref<1x!tpu.dma_semaphore, #tpu.memory_space<semaphore_mem>>
    %dma_start3A_1212 = tpu.memref_squeeze %dma_start3A_1211 : memref<1x!tpu.dma_semaphore, #tpu.memory_space<semaphore_mem>> -> memref<!tpu.dma_semaphore, #tpu.memory_space<semaphore_mem>>
    %dma_start3A_1213 = arith.constant 0 : i32
    %dma_start3A_1214 = arith.constant 0 : i32
    %dma_start3A_1215 = tpu.memref_slice %arg5[%add3A_1206, %dma_start3A_1213, %dma_start3A_1214] : memref<2049x4x1024xf32, #tpu.memory_space<hbm>> -> memref<8x4x1024xf32, #tpu.memory_space<hbm>>
    tpu.enqueue_dma source(%arg7 : memref<8x4x1024xf32, #tpu.memory_space<vmem>>) target(%dma_start3A_1215 : memref<8x4x1024xf32, #tpu.memory_space<hbm>>) target_semaphore(%dma_start3A_1212 : memref<!tpu.dma_semaphore, #tpu.memory_space<semaphore_mem>>)
    %add3A_1216 = arith.constant 40 : i32
    %add3A_1217 = arith.addi %mul3A_2, %add3A_1216 : i32
    %dma_wait3A_1218 = arith.constant 1 : i32
    %dma_wait3A_1219 = arith.constant 0 : i32
    %dma_wait3A_1220 = arith.constant 0 : i32
    %dma_wait3A_1221 = tpu.memref_slice %arg5[%add3A_1217, %dma_wait3A_1219, %dma_wait3A_1220] : memref<2049x4x1024xf32, #tpu.memory_space<hbm>> -> memref<8x4x1024xf32, #tpu.memory_space<hbm>>
    %dma_wait3A_1222 = tpu.memref_slice %arg11[%dma_wait3A_1218] : memref<2x!tpu.dma_semaphore, #tpu.memory_space<semaphore_mem>> -> memref<1x!tpu.dma_semaphore, #tpu.memory_space<semaphore_mem>>
    %dma_wait3A_1223 = tpu.memref_squeeze %dma_wait3A_1222 : memref<1x!tpu.dma_semaphore, #tpu.memory_space<semaphore_mem>> -> memref<!tpu.dma_semaphore, #tpu.memory_space<semaphore_mem>>
    %dma_wait3A_1224 = arith.constant 0 : i32
    %dma_wait3A_1225 = arith.constant 0 : i32
    %dma_wait3A_1226 = tpu.memref_slice %arg5[%add3A_1217, %dma_wait3A_1224, %dma_wait3A_1225] : memref<2049x4x1024xf32, #tpu.memory_space<hbm>> -> memref<8x4x1024xf32, #tpu.memory_space<hbm>>
    tpu.wait_dma2 semaphore(%dma_wait3A_1223 : memref<!tpu.dma_semaphore, #tpu.memory_space<semaphore_mem>>) src(%arg7 : memref<8x4x1024xf32, #tpu.memory_space<vmem>>) dst(%dma_wait3A_1226 : memref<8x4x1024xf32, #tpu.memory_space<hbm>>)
    %add3A_1227 = arith.constant 56 : i32
    %add3A_1228 = arith.addi %mul3A_2, %add3A_1227 : i32
    %dma_start3A_1229 = arith.constant 0 : i32
    %dma_start3A_1230 = arith.constant 0 : i32
    %dma_start3A_1231 = arith.constant 1 : i32
    %dma_start3A_1232 = arith.constant 0 : i32
    %dma_start3A_1233 = arith.constant 0 : i32
    %dma_start3A_1234 = tpu.memref_slice %arg7[%dma_start3A_1232, %dma_start3A_1230, %dma_start3A_1233] : memref<8x4x1024xf32, #tpu.memory_space<vmem>> -> memref<8x1x1024xf32, #tpu.memory_space<vmem>>
    %dma_start3A_1235 = tpu.memref_squeeze %dma_start3A_1234 : memref<8x1x1024xf32, #tpu.memory_space<vmem>> -> memref<8x1024xf32, #tpu.memory_space<vmem>>
    %dma_start3A_1236 = arith.constant 0 : i32
    %dma_start3A_1237 = tpu.memref_slice %arg2[%dma_start3A_1229, %add3A_1228, %dma_start3A_1236] : memref<4x2048x1024xf32, #tpu.memory_space<hbm>> -> memref<1x8x1024xf32, #tpu.memory_space<hbm>>
    %dma_start3A_1238 = tpu.memref_squeeze %dma_start3A_1237 : memref<1x8x1024xf32, #tpu.memory_space<hbm>> -> memref<8x1024xf32, #tpu.memory_space<hbm>>
    %dma_start3A_1239 = tpu.memref_slice %arg10[%dma_start3A_1231] : memref<2x!tpu.dma_semaphore, #tpu.memory_space<semaphore_mem>> -> memref<1x!tpu.dma_semaphore, #tpu.memory_space<semaphore_mem>>
    %dma_start3A_1240 = tpu.memref_squeeze %dma_start3A_1239 : memref<1x!tpu.dma_semaphore, #tpu.memory_space<semaphore_mem>> -> memref<!tpu.dma_semaphore, #tpu.memory_space<semaphore_mem>>
    %dma_start3A_1241 = arith.constant 0 : i32
    %dma_start3A_1242 = arith.constant 0 : i32
    %dma_start3A_1243 = tpu.memref_slice %arg7[%dma_start3A_1241, %dma_start3A_1230, %dma_start3A_1242] : memref<8x4x1024xf32, #tpu.memory_space<vmem>> -> memref<8x1x1024xf32, #tpu.memory_space<vmem>>
    %dma_start3A_1244 = tpu.memref_squeeze %dma_start3A_1243 : memref<8x1x1024xf32, #tpu.memory_space<vmem>> -> memref<8x1024xf32, #tpu.memory_space<vmem>>
    %dma_start3A_1245 = arith.constant 0 : i32
    %dma_start3A_1246 = tpu.memref_slice %arg2[%dma_start3A_1229, %add3A_1228, %dma_start3A_1245] : memref<4x2048x1024xf32, #tpu.memory_space<hbm>> -> memref<1x8x1024xf32, #tpu.memory_space<hbm>>
    %dma_start3A_1247 = tpu.memref_squeeze %dma_start3A_1246 : memref<1x8x1024xf32, #tpu.memory_space<hbm>> -> memref<8x1024xf32, #tpu.memory_space<hbm>>
    tpu.enqueue_dma source(%dma_start3A_1247 : memref<8x1024xf32, #tpu.memory_space<hbm>>) target(%dma_start3A_1244 : memref<8x1024xf32, #tpu.memory_space<vmem>>) target_semaphore(%dma_start3A_1240 : memref<!tpu.dma_semaphore, #tpu.memory_space<semaphore_mem>>)
    %add3A_1248 = arith.constant 56 : i32
    %add3A_1249 = arith.addi %mul3A_2, %add3A_1248 : i32
    %dma_start3A_1250 = arith.constant 1 : i32
    %dma_start3A_1251 = arith.constant 1 : i32
    %dma_start3A_1252 = arith.constant 1 : i32
    %dma_start3A_1253 = arith.constant 0 : i32
    %dma_start3A_1254 = arith.constant 0 : i32
    %dma_start3A_1255 = tpu.memref_slice %arg7[%dma_start3A_1253, %dma_start3A_1251, %dma_start3A_1254] : memref<8x4x1024xf32, #tpu.memory_space<vmem>> -> memref<8x1x1024xf32, #tpu.memory_space<vmem>>
    %dma_start3A_1256 = tpu.memref_squeeze %dma_start3A_1255 : memref<8x1x1024xf32, #tpu.memory_space<vmem>> -> memref<8x1024xf32, #tpu.memory_space<vmem>>
    %dma_start3A_1257 = arith.constant 0 : i32
    %dma_start3A_1258 = tpu.memref_slice %arg2[%dma_start3A_1250, %add3A_1249, %dma_start3A_1257] : memref<4x2048x1024xf32, #tpu.memory_space<hbm>> -> memref<1x8x1024xf32, #tpu.memory_space<hbm>>
    %dma_start3A_1259 = tpu.memref_squeeze %dma_start3A_1258 : memref<1x8x1024xf32, #tpu.memory_space<hbm>> -> memref<8x1024xf32, #tpu.memory_space<hbm>>
    %dma_start3A_1260 = tpu.memref_slice %arg10[%dma_start3A_1252] : memref<2x!tpu.dma_semaphore, #tpu.memory_space<semaphore_mem>> -> memref<1x!tpu.dma_semaphore, #tpu.memory_space<semaphore_mem>>
    %dma_start3A_1261 = tpu.memref_squeeze %dma_start3A_1260 : memref<1x!tpu.dma_semaphore, #tpu.memory_space<semaphore_mem>> -> memref<!tpu.dma_semaphore, #tpu.memory_space<semaphore_mem>>
    %dma_start3A_1262 = arith.constant 0 : i32
    %dma_start3A_1263 = arith.constant 0 : i32
    %dma_start3A_1264 = tpu.memref_slice %arg7[%dma_start3A_1262, %dma_start3A_1251, %dma_start3A_1263] : memref<8x4x1024xf32, #tpu.memory_space<vmem>> -> memref<8x1x1024xf32, #tpu.memory_space<vmem>>
    %dma_start3A_1265 = tpu.memref_squeeze %dma_start3A_1264 : memref<8x1x1024xf32, #tpu.memory_space<vmem>> -> memref<8x1024xf32, #tpu.memory_space<vmem>>
    %dma_start3A_1266 = arith.constant 0 : i32
    %dma_start3A_1267 = tpu.memref_slice %arg2[%dma_start3A_1250, %add3A_1249, %dma_start3A_1266] : memref<4x2048x1024xf32, #tpu.memory_space<hbm>> -> memref<1x8x1024xf32, #tpu.memory_space<hbm>>
    %dma_start3A_1268 = tpu.memref_squeeze %dma_start3A_1267 : memref<1x8x1024xf32, #tpu.memory_space<hbm>> -> memref<8x1024xf32, #tpu.memory_space<hbm>>
    tpu.enqueue_dma source(%dma_start3A_1268 : memref<8x1024xf32, #tpu.memory_space<hbm>>) target(%dma_start3A_1265 : memref<8x1024xf32, #tpu.memory_space<vmem>>) target_semaphore(%dma_start3A_1261 : memref<!tpu.dma_semaphore, #tpu.memory_space<semaphore_mem>>)
    %add3A_1269 = arith.constant 56 : i32
    %add3A_1270 = arith.addi %mul3A_2, %add3A_1269 : i32
    %dma_start3A_1271 = arith.constant 2 : i32
    %dma_start3A_1272 = arith.constant 2 : i32
    %dma_start3A_1273 = arith.constant 1 : i32
    %dma_start3A_1274 = arith.constant 0 : i32
    %dma_start3A_1275 = arith.constant 0 : i32
    %dma_start3A_1276 = tpu.memref_slice %arg7[%dma_start3A_1274, %dma_start3A_1272, %dma_start3A_1275] : memref<8x4x1024xf32, #tpu.memory_space<vmem>> -> memref<8x1x1024xf32, #tpu.memory_space<vmem>>
    %dma_start3A_1277 = tpu.memref_squeeze %dma_start3A_1276 : memref<8x1x1024xf32, #tpu.memory_space<vmem>> -> memref<8x1024xf32, #tpu.memory_space<vmem>>
    %dma_start3A_1278 = arith.constant 0 : i32
    %dma_start3A_1279 = tpu.memref_slice %arg2[%dma_start3A_1271, %add3A_1270, %dma_start3A_1278] : memref<4x2048x1024xf32, #tpu.memory_space<hbm>> -> memref<1x8x1024xf32, #tpu.memory_space<hbm>>
    %dma_start3A_1280 = tpu.memref_squeeze %dma_start3A_1279 : memref<1x8x1024xf32, #tpu.memory_space<hbm>> -> memref<8x1024xf32, #tpu.memory_space<hbm>>
    %dma_start3A_1281 = tpu.memref_slice %arg10[%dma_start3A_1273] : memref<2x!tpu.dma_semaphore, #tpu.memory_space<semaphore_mem>> -> memref<1x!tpu.dma_semaphore, #tpu.memory_space<semaphore_mem>>
    %dma_start3A_1282 = tpu.memref_squeeze %dma_start3A_1281 : memref<1x!tpu.dma_semaphore, #tpu.memory_space<semaphore_mem>> -> memref<!tpu.dma_semaphore, #tpu.memory_space<semaphore_mem>>
    %dma_start3A_1283 = arith.constant 0 : i32
    %dma_start3A_1284 = arith.constant 0 : i32
    %dma_start3A_1285 = tpu.memref_slice %arg7[%dma_start3A_1283, %dma_start3A_1272, %dma_start3A_1284] : memref<8x4x1024xf32, #tpu.memory_space<vmem>> -> memref<8x1x1024xf32, #tpu.memory_space<vmem>>
    %dma_start3A_1286 = tpu.memref_squeeze %dma_start3A_1285 : memref<8x1x1024xf32, #tpu.memory_space<vmem>> -> memref<8x1024xf32, #tpu.memory_space<vmem>>
    %dma_start3A_1287 = arith.constant 0 : i32
    %dma_start3A_1288 = tpu.memref_slice %arg2[%dma_start3A_1271, %add3A_1270, %dma_start3A_1287] : memref<4x2048x1024xf32, #tpu.memory_space<hbm>> -> memref<1x8x1024xf32, #tpu.memory_space<hbm>>
    %dma_start3A_1289 = tpu.memref_squeeze %dma_start3A_1288 : memref<1x8x1024xf32, #tpu.memory_space<hbm>> -> memref<8x1024xf32, #tpu.memory_space<hbm>>
    tpu.enqueue_dma source(%dma_start3A_1289 : memref<8x1024xf32, #tpu.memory_space<hbm>>) target(%dma_start3A_1286 : memref<8x1024xf32, #tpu.memory_space<vmem>>) target_semaphore(%dma_start3A_1282 : memref<!tpu.dma_semaphore, #tpu.memory_space<semaphore_mem>>)
    %add3A_1290 = arith.constant 56 : i32
    %add3A_1291 = arith.addi %mul3A_2, %add3A_1290 : i32
    %dma_start3A_1292 = arith.constant 3 : i32
    %dma_start3A_1293 = arith.constant 3 : i32
    %dma_start3A_1294 = arith.constant 1 : i32
    %dma_start3A_1295 = arith.constant 0 : i32
    %dma_start3A_1296 = arith.constant 0 : i32
    %dma_start3A_1297 = tpu.memref_slice %arg7[%dma_start3A_1295, %dma_start3A_1293, %dma_start3A_1296] : memref<8x4x1024xf32, #tpu.memory_space<vmem>> -> memref<8x1x1024xf32, #tpu.memory_space<vmem>>
    %dma_start3A_1298 = tpu.memref_squeeze %dma_start3A_1297 : memref<8x1x1024xf32, #tpu.memory_space<vmem>> -> memref<8x1024xf32, #tpu.memory_space<vmem>>
    %dma_start3A_1299 = arith.constant 0 : i32
    %dma_start3A_1300 = tpu.memref_slice %arg2[%dma_start3A_1292, %add3A_1291, %dma_start3A_1299] : memref<4x2048x1024xf32, #tpu.memory_space<hbm>> -> memref<1x8x1024xf32, #tpu.memory_space<hbm>>
    %dma_start3A_1301 = tpu.memref_squeeze %dma_start3A_1300 : memref<1x8x1024xf32, #tpu.memory_space<hbm>> -> memref<8x1024xf32, #tpu.memory_space<hbm>>
    %dma_start3A_1302 = tpu.memref_slice %arg10[%dma_start3A_1294] : memref<2x!tpu.dma_semaphore, #tpu.memory_space<semaphore_mem>> -> memref<1x!tpu.dma_semaphore, #tpu.memory_space<semaphore_mem>>
    %dma_start3A_1303 = tpu.memref_squeeze %dma_start3A_1302 : memref<1x!tpu.dma_semaphore, #tpu.memory_space<semaphore_mem>> -> memref<!tpu.dma_semaphore, #tpu.memory_space<semaphore_mem>>
    %dma_start3A_1304 = arith.constant 0 : i32
    %dma_start3A_1305 = arith.constant 0 : i32
    %dma_start3A_1306 = tpu.memref_slice %arg7[%dma_start3A_1304, %dma_start3A_1293, %dma_start3A_1305] : memref<8x4x1024xf32, #tpu.memory_space<vmem>> -> memref<8x1x1024xf32, #tpu.memory_space<vmem>>
    %dma_start3A_1307 = tpu.memref_squeeze %dma_start3A_1306 : memref<8x1x1024xf32, #tpu.memory_space<vmem>> -> memref<8x1024xf32, #tpu.memory_space<vmem>>
    %dma_start3A_1308 = arith.constant 0 : i32
    %dma_start3A_1309 = tpu.memref_slice %arg2[%dma_start3A_1292, %add3A_1291, %dma_start3A_1308] : memref<4x2048x1024xf32, #tpu.memory_space<hbm>> -> memref<1x8x1024xf32, #tpu.memory_space<hbm>>
    %dma_start3A_1310 = tpu.memref_squeeze %dma_start3A_1309 : memref<1x8x1024xf32, #tpu.memory_space<hbm>> -> memref<8x1024xf32, #tpu.memory_space<hbm>>
    tpu.enqueue_dma source(%dma_start3A_1310 : memref<8x1024xf32, #tpu.memory_space<hbm>>) target(%dma_start3A_1307 : memref<8x1024xf32, #tpu.memory_space<vmem>>) target_semaphore(%dma_start3A_1303 : memref<!tpu.dma_semaphore, #tpu.memory_space<semaphore_mem>>)
    %add3A_1311 = arith.constant 48 : i32
    %add3A_1312 = arith.addi %mul3A_2, %add3A_1311 : i32
    %dma_wait3A_1313 = arith.constant 0 : i32
    %dma_wait3A_1314 = arith.constant 0 : i32
    %dma_wait3A_1315 = arith.constant 0 : i32
    %dma_wait3A_1316 = arith.constant 0 : i32
    %dma_wait3A_1317 = arith.constant 0 : i32
    %dma_wait3A_1318 = tpu.memref_slice %arg6[%dma_wait3A_1316, %dma_wait3A_1314, %dma_wait3A_1317] : memref<8x4x1024xf32, #tpu.memory_space<vmem>> -> memref<8x1x1024xf32, #tpu.memory_space<vmem>>
    %dma_wait3A_1319 = tpu.memref_squeeze %dma_wait3A_1318 : memref<8x1x1024xf32, #tpu.memory_space<vmem>> -> memref<8x1024xf32, #tpu.memory_space<vmem>>
    %dma_wait3A_1320 = arith.constant 0 : i32
    %dma_wait3A_1321 = tpu.memref_slice %arg2[%dma_wait3A_1313, %add3A_1312, %dma_wait3A_1320] : memref<4x2048x1024xf32, #tpu.memory_space<hbm>> -> memref<1x8x1024xf32, #tpu.memory_space<hbm>>
    %dma_wait3A_1322 = tpu.memref_squeeze %dma_wait3A_1321 : memref<1x8x1024xf32, #tpu.memory_space<hbm>> -> memref<8x1024xf32, #tpu.memory_space<hbm>>
    %dma_wait3A_1323 = tpu.memref_slice %arg10[%dma_wait3A_1315] : memref<2x!tpu.dma_semaphore, #tpu.memory_space<semaphore_mem>> -> memref<1x!tpu.dma_semaphore, #tpu.memory_space<semaphore_mem>>
    %dma_wait3A_1324 = tpu.memref_squeeze %dma_wait3A_1323 : memref<1x!tpu.dma_semaphore, #tpu.memory_space<semaphore_mem>> -> memref<!tpu.dma_semaphore, #tpu.memory_space<semaphore_mem>>
    %dma_wait3A_1325 = arith.constant 0 : i32
    %dma_wait3A_1326 = arith.constant 0 : i32
    %dma_wait3A_1327 = tpu.memref_slice %arg6[%dma_wait3A_1325, %dma_wait3A_1314, %dma_wait3A_1326] : memref<8x4x1024xf32, #tpu.memory_space<vmem>> -> memref<8x1x1024xf32, #tpu.memory_space<vmem>>
    %dma_wait3A_1328 = tpu.memref_squeeze %dma_wait3A_1327 : memref<8x1x1024xf32, #tpu.memory_space<vmem>> -> memref<8x1024xf32, #tpu.memory_space<vmem>>
    %dma_wait3A_1329 = arith.constant 0 : i32
    %dma_wait3A_1330 = tpu.memref_slice %arg2[%dma_wait3A_1313, %add3A_1312, %dma_wait3A_1329] : memref<4x2048x1024xf32, #tpu.memory_space<hbm>> -> memref<1x8x1024xf32, #tpu.memory_space<hbm>>
    %dma_wait3A_1331 = tpu.memref_squeeze %dma_wait3A_1330 : memref<1x8x1024xf32, #tpu.memory_space<hbm>> -> memref<8x1024xf32, #tpu.memory_space<hbm>>
    tpu.wait_dma2 semaphore(%dma_wait3A_1324 : memref<!tpu.dma_semaphore, #tpu.memory_space<semaphore_mem>>) src(%dma_wait3A_1331 : memref<8x1024xf32, #tpu.memory_space<hbm>>) dst(%dma_wait3A_1328 : memref<8x1024xf32, #tpu.memory_space<vmem>>)
    %add3A_1332 = arith.constant 48 : i32
    %add3A_1333 = arith.addi %mul3A_2, %add3A_1332 : i32
    %dma_wait3A_1334 = arith.constant 1 : i32
    %dma_wait3A_1335 = arith.constant 1 : i32
    %dma_wait3A_1336 = arith.constant 0 : i32
    %dma_wait3A_1337 = arith.constant 0 : i32
    %dma_wait3A_1338 = arith.constant 0 : i32
    %dma_wait3A_1339 = tpu.memref_slice %arg6[%dma_wait3A_1337, %dma_wait3A_1335, %dma_wait3A_1338] : memref<8x4x1024xf32, #tpu.memory_space<vmem>> -> memref<8x1x1024xf32, #tpu.memory_space<vmem>>
    %dma_wait3A_1340 = tpu.memref_squeeze %dma_wait3A_1339 : memref<8x1x1024xf32, #tpu.memory_space<vmem>> -> memref<8x1024xf32, #tpu.memory_space<vmem>>
    %dma_wait3A_1341 = arith.constant 0 : i32
    %dma_wait3A_1342 = tpu.memref_slice %arg2[%dma_wait3A_1334, %add3A_1333, %dma_wait3A_1341] : memref<4x2048x1024xf32, #tpu.memory_space<hbm>> -> memref<1x8x1024xf32, #tpu.memory_space<hbm>>
    %dma_wait3A_1343 = tpu.memref_squeeze %dma_wait3A_1342 : memref<1x8x1024xf32, #tpu.memory_space<hbm>> -> memref<8x1024xf32, #tpu.memory_space<hbm>>
    %dma_wait3A_1344 = tpu.memref_slice %arg10[%dma_wait3A_1336] : memref<2x!tpu.dma_semaphore, #tpu.memory_space<semaphore_mem>> -> memref<1x!tpu.dma_semaphore, #tpu.memory_space<semaphore_mem>>
    %dma_wait3A_1345 = tpu.memref_squeeze %dma_wait3A_1344 : memref<1x!tpu.dma_semaphore, #tpu.memory_space<semaphore_mem>> -> memref<!tpu.dma_semaphore, #tpu.memory_space<semaphore_mem>>
    %dma_wait3A_1346 = arith.constant 0 : i32
    %dma_wait3A_1347 = arith.constant 0 : i32
    %dma_wait3A_1348 = tpu.memref_slice %arg6[%dma_wait3A_1346, %dma_wait3A_1335, %dma_wait3A_1347] : memref<8x4x1024xf32, #tpu.memory_space<vmem>> -> memref<8x1x1024xf32, #tpu.memory_space<vmem>>
    %dma_wait3A_1349 = tpu.memref_squeeze %dma_wait3A_1348 : memref<8x1x1024xf32, #tpu.memory_space<vmem>> -> memref<8x1024xf32, #tpu.memory_space<vmem>>
    %dma_wait3A_1350 = arith.constant 0 : i32
    %dma_wait3A_1351 = tpu.memref_slice %arg2[%dma_wait3A_1334, %add3A_1333, %dma_wait3A_1350] : memref<4x2048x1024xf32, #tpu.memory_space<hbm>> -> memref<1x8x1024xf32, #tpu.memory_space<hbm>>
    %dma_wait3A_1352 = tpu.memref_squeeze %dma_wait3A_1351 : memref<1x8x1024xf32, #tpu.memory_space<hbm>> -> memref<8x1024xf32, #tpu.memory_space<hbm>>
    tpu.wait_dma2 semaphore(%dma_wait3A_1345 : memref<!tpu.dma_semaphore, #tpu.memory_space<semaphore_mem>>) src(%dma_wait3A_1352 : memref<8x1024xf32, #tpu.memory_space<hbm>>) dst(%dma_wait3A_1349 : memref<8x1024xf32, #tpu.memory_space<vmem>>)
    %add3A_1353 = arith.constant 48 : i32
    %add3A_1354 = arith.addi %mul3A_2, %add3A_1353 : i32
    %dma_wait3A_1355 = arith.constant 2 : i32
    %dma_wait3A_1356 = arith.constant 2 : i32
    %dma_wait3A_1357 = arith.constant 0 : i32
    %dma_wait3A_1358 = arith.constant 0 : i32
    %dma_wait3A_1359 = arith.constant 0 : i32
    %dma_wait3A_1360 = tpu.memref_slice %arg6[%dma_wait3A_1358, %dma_wait3A_1356, %dma_wait3A_1359] : memref<8x4x1024xf32, #tpu.memory_space<vmem>> -> memref<8x1x1024xf32, #tpu.memory_space<vmem>>
    %dma_wait3A_1361 = tpu.memref_squeeze %dma_wait3A_1360 : memref<8x1x1024xf32, #tpu.memory_space<vmem>> -> memref<8x1024xf32, #tpu.memory_space<vmem>>
    %dma_wait3A_1362 = arith.constant 0 : i32
    %dma_wait3A_1363 = tpu.memref_slice %arg2[%dma_wait3A_1355, %add3A_1354, %dma_wait3A_1362] : memref<4x2048x1024xf32, #tpu.memory_space<hbm>> -> memref<1x8x1024xf32, #tpu.memory_space<hbm>>
    %dma_wait3A_1364 = tpu.memref_squeeze %dma_wait3A_1363 : memref<1x8x1024xf32, #tpu.memory_space<hbm>> -> memref<8x1024xf32, #tpu.memory_space<hbm>>
    %dma_wait3A_1365 = tpu.memref_slice %arg10[%dma_wait3A_1357] : memref<2x!tpu.dma_semaphore, #tpu.memory_space<semaphore_mem>> -> memref<1x!tpu.dma_semaphore, #tpu.memory_space<semaphore_mem>>
    %dma_wait3A_1366 = tpu.memref_squeeze %dma_wait3A_1365 : memref<1x!tpu.dma_semaphore, #tpu.memory_space<semaphore_mem>> -> memref<!tpu.dma_semaphore, #tpu.memory_space<semaphore_mem>>
    %dma_wait3A_1367 = arith.constant 0 : i32
    %dma_wait3A_1368 = arith.constant 0 : i32
    %dma_wait3A_1369 = tpu.memref_slice %arg6[%dma_wait3A_1367, %dma_wait3A_1356, %dma_wait3A_1368] : memref<8x4x1024xf32, #tpu.memory_space<vmem>> -> memref<8x1x1024xf32, #tpu.memory_space<vmem>>
    %dma_wait3A_1370 = tpu.memref_squeeze %dma_wait3A_1369 : memref<8x1x1024xf32, #tpu.memory_space<vmem>> -> memref<8x1024xf32, #tpu.memory_space<vmem>>
    %dma_wait3A_1371 = arith.constant 0 : i32
    %dma_wait3A_1372 = tpu.memref_slice %arg2[%dma_wait3A_1355, %add3A_1354, %dma_wait3A_1371] : memref<4x2048x1024xf32, #tpu.memory_space<hbm>> -> memref<1x8x1024xf32, #tpu.memory_space<hbm>>
    %dma_wait3A_1373 = tpu.memref_squeeze %dma_wait3A_1372 : memref<1x8x1024xf32, #tpu.memory_space<hbm>> -> memref<8x1024xf32, #tpu.memory_space<hbm>>
    tpu.wait_dma2 semaphore(%dma_wait3A_1366 : memref<!tpu.dma_semaphore, #tpu.memory_space<semaphore_mem>>) src(%dma_wait3A_1373 : memref<8x1024xf32, #tpu.memory_space<hbm>>) dst(%dma_wait3A_1370 : memref<8x1024xf32, #tpu.memory_space<vmem>>)
    %add3A_1374 = arith.constant 48 : i32
    %add3A_1375 = arith.addi %mul3A_2, %add3A_1374 : i32
    %dma_wait3A_1376 = arith.constant 3 : i32
    %dma_wait3A_1377 = arith.constant 3 : i32
    %dma_wait3A_1378 = arith.constant 0 : i32
    %dma_wait3A_1379 = arith.constant 0 : i32
    %dma_wait3A_1380 = arith.constant 0 : i32
    %dma_wait3A_1381 = tpu.memref_slice %arg6[%dma_wait3A_1379, %dma_wait3A_1377, %dma_wait3A_1380] : memref<8x4x1024xf32, #tpu.memory_space<vmem>> -> memref<8x1x1024xf32, #tpu.memory_space<vmem>>
    %dma_wait3A_1382 = tpu.memref_squeeze %dma_wait3A_1381 : memref<8x1x1024xf32, #tpu.memory_space<vmem>> -> memref<8x1024xf32, #tpu.memory_space<vmem>>
    %dma_wait3A_1383 = arith.constant 0 : i32
    %dma_wait3A_1384 = tpu.memref_slice %arg2[%dma_wait3A_1376, %add3A_1375, %dma_wait3A_1383] : memref<4x2048x1024xf32, #tpu.memory_space<hbm>> -> memref<1x8x1024xf32, #tpu.memory_space<hbm>>
    %dma_wait3A_1385 = tpu.memref_squeeze %dma_wait3A_1384 : memref<1x8x1024xf32, #tpu.memory_space<hbm>> -> memref<8x1024xf32, #tpu.memory_space<hbm>>
    %dma_wait3A_1386 = tpu.memref_slice %arg10[%dma_wait3A_1378] : memref<2x!tpu.dma_semaphore, #tpu.memory_space<semaphore_mem>> -> memref<1x!tpu.dma_semaphore, #tpu.memory_space<semaphore_mem>>
    %dma_wait3A_1387 = tpu.memref_squeeze %dma_wait3A_1386 : memref<1x!tpu.dma_semaphore, #tpu.memory_space<semaphore_mem>> -> memref<!tpu.dma_semaphore, #tpu.memory_space<semaphore_mem>>
    %dma_wait3A_1388 = arith.constant 0 : i32
    %dma_wait3A_1389 = arith.constant 0 : i32
    %dma_wait3A_1390 = tpu.memref_slice %arg6[%dma_wait3A_1388, %dma_wait3A_1377, %dma_wait3A_1389] : memref<8x4x1024xf32, #tpu.memory_space<vmem>> -> memref<8x1x1024xf32, #tpu.memory_space<vmem>>
    %dma_wait3A_1391 = tpu.memref_squeeze %dma_wait3A_1390 : memref<8x1x1024xf32, #tpu.memory_space<vmem>> -> memref<8x1024xf32, #tpu.memory_space<vmem>>
    %dma_wait3A_1392 = arith.constant 0 : i32
    %dma_wait3A_1393 = tpu.memref_slice %arg2[%dma_wait3A_1376, %add3A_1375, %dma_wait3A_1392] : memref<4x2048x1024xf32, #tpu.memory_space<hbm>> -> memref<1x8x1024xf32, #tpu.memory_space<hbm>>
    %dma_wait3A_1394 = tpu.memref_squeeze %dma_wait3A_1393 : memref<1x8x1024xf32, #tpu.memory_space<hbm>> -> memref<8x1024xf32, #tpu.memory_space<hbm>>
    tpu.wait_dma2 semaphore(%dma_wait3A_1387 : memref<!tpu.dma_semaphore, #tpu.memory_space<semaphore_mem>>) src(%dma_wait3A_1394 : memref<8x1024xf32, #tpu.memory_space<hbm>>) dst(%dma_wait3A_1391 : memref<8x1024xf32, #tpu.memory_space<vmem>>)
    %add3A_1395 = arith.constant 48 : i32
    %add3A_1396 = arith.addi %mul3A_2, %add3A_1395 : i32
    %dma_start3A_1397 = arith.constant 0 : i32
    %dma_start3A_1398 = arith.constant 0 : i32
    %dma_start3A_1399 = arith.constant 0 : i32
    %dma_start3A_1400 = tpu.memref_slice %arg5[%add3A_1396, %dma_start3A_1398, %dma_start3A_1399] : memref<2049x4x1024xf32, #tpu.memory_space<hbm>> -> memref<8x4x1024xf32, #tpu.memory_space<hbm>>
    %dma_start3A_1401 = tpu.memref_slice %arg11[%dma_start3A_1397] : memref<2x!tpu.dma_semaphore, #tpu.memory_space<semaphore_mem>> -> memref<1x!tpu.dma_semaphore, #tpu.memory_space<semaphore_mem>>
    %dma_start3A_1402 = tpu.memref_squeeze %dma_start3A_1401 : memref<1x!tpu.dma_semaphore, #tpu.memory_space<semaphore_mem>> -> memref<!tpu.dma_semaphore, #tpu.memory_space<semaphore_mem>>
    %dma_start3A_1403 = arith.constant 0 : i32
    %dma_start3A_1404 = arith.constant 0 : i32
    %dma_start3A_1405 = tpu.memref_slice %arg5[%add3A_1396, %dma_start3A_1403, %dma_start3A_1404] : memref<2049x4x1024xf32, #tpu.memory_space<hbm>> -> memref<8x4x1024xf32, #tpu.memory_space<hbm>>
    tpu.enqueue_dma source(%arg6 : memref<8x4x1024xf32, #tpu.memory_space<vmem>>) target(%dma_start3A_1405 : memref<8x4x1024xf32, #tpu.memory_space<hbm>>) target_semaphore(%dma_start3A_1402 : memref<!tpu.dma_semaphore, #tpu.memory_space<semaphore_mem>>)
    %add3A_1406 = arith.constant 56 : i32
    %add3A_1407 = arith.addi %mul3A_2, %add3A_1406 : i32
    %dma_wait3A_1408 = arith.constant 0 : i32
    %dma_wait3A_1409 = arith.constant 0 : i32
    %dma_wait3A_1410 = arith.constant 1 : i32
    %dma_wait3A_1411 = arith.constant 0 : i32
    %dma_wait3A_1412 = arith.constant 0 : i32
    %dma_wait3A_1413 = tpu.memref_slice %arg7[%dma_wait3A_1411, %dma_wait3A_1409, %dma_wait3A_1412] : memref<8x4x1024xf32, #tpu.memory_space<vmem>> -> memref<8x1x1024xf32, #tpu.memory_space<vmem>>
    %dma_wait3A_1414 = tpu.memref_squeeze %dma_wait3A_1413 : memref<8x1x1024xf32, #tpu.memory_space<vmem>> -> memref<8x1024xf32, #tpu.memory_space<vmem>>
    %dma_wait3A_1415 = arith.constant 0 : i32
    %dma_wait3A_1416 = tpu.memref_slice %arg2[%dma_wait3A_1408, %add3A_1407, %dma_wait3A_1415] : memref<4x2048x1024xf32, #tpu.memory_space<hbm>> -> memref<1x8x1024xf32, #tpu.memory_space<hbm>>
    %dma_wait3A_1417 = tpu.memref_squeeze %dma_wait3A_1416 : memref<1x8x1024xf32, #tpu.memory_space<hbm>> -> memref<8x1024xf32, #tpu.memory_space<hbm>>
    %dma_wait3A_1418 = tpu.memref_slice %arg10[%dma_wait3A_1410] : memref<2x!tpu.dma_semaphore, #tpu.memory_space<semaphore_mem>> -> memref<1x!tpu.dma_semaphore, #tpu.memory_space<semaphore_mem>>
    %dma_wait3A_1419 = tpu.memref_squeeze %dma_wait3A_1418 : memref<1x!tpu.dma_semaphore, #tpu.memory_space<semaphore_mem>> -> memref<!tpu.dma_semaphore, #tpu.memory_space<semaphore_mem>>
    %dma_wait3A_1420 = arith.constant 0 : i32
    %dma_wait3A_1421 = arith.constant 0 : i32
    %dma_wait3A_1422 = tpu.memref_slice %arg7[%dma_wait3A_1420, %dma_wait3A_1409, %dma_wait3A_1421] : memref<8x4x1024xf32, #tpu.memory_space<vmem>> -> memref<8x1x1024xf32, #tpu.memory_space<vmem>>
    %dma_wait3A_1423 = tpu.memref_squeeze %dma_wait3A_1422 : memref<8x1x1024xf32, #tpu.memory_space<vmem>> -> memref<8x1024xf32, #tpu.memory_space<vmem>>
    %dma_wait3A_1424 = arith.constant 0 : i32
    %dma_wait3A_1425 = tpu.memref_slice %arg2[%dma_wait3A_1408, %add3A_1407, %dma_wait3A_1424] : memref<4x2048x1024xf32, #tpu.memory_space<hbm>> -> memref<1x8x1024xf32, #tpu.memory_space<hbm>>
    %dma_wait3A_1426 = tpu.memref_squeeze %dma_wait3A_1425 : memref<1x8x1024xf32, #tpu.memory_space<hbm>> -> memref<8x1024xf32, #tpu.memory_space<hbm>>
    tpu.wait_dma2 semaphore(%dma_wait3A_1419 : memref<!tpu.dma_semaphore, #tpu.memory_space<semaphore_mem>>) src(%dma_wait3A_1426 : memref<8x1024xf32, #tpu.memory_space<hbm>>) dst(%dma_wait3A_1423 : memref<8x1024xf32, #tpu.memory_space<vmem>>)
    %add3A_1427 = arith.constant 56 : i32
    %add3A_1428 = arith.addi %mul3A_2, %add3A_1427 : i32
    %dma_wait3A_1429 = arith.constant 1 : i32
    %dma_wait3A_1430 = arith.constant 1 : i32
    %dma_wait3A_1431 = arith.constant 1 : i32
    %dma_wait3A_1432 = arith.constant 0 : i32
    %dma_wait3A_1433 = arith.constant 0 : i32
    %dma_wait3A_1434 = tpu.memref_slice %arg7[%dma_wait3A_1432, %dma_wait3A_1430, %dma_wait3A_1433] : memref<8x4x1024xf32, #tpu.memory_space<vmem>> -> memref<8x1x1024xf32, #tpu.memory_space<vmem>>
    %dma_wait3A_1435 = tpu.memref_squeeze %dma_wait3A_1434 : memref<8x1x1024xf32, #tpu.memory_space<vmem>> -> memref<8x1024xf32, #tpu.memory_space<vmem>>
    %dma_wait3A_1436 = arith.constant 0 : i32
    %dma_wait3A_1437 = tpu.memref_slice %arg2[%dma_wait3A_1429, %add3A_1428, %dma_wait3A_1436] : memref<4x2048x1024xf32, #tpu.memory_space<hbm>> -> memref<1x8x1024xf32, #tpu.memory_space<hbm>>
    %dma_wait3A_1438 = tpu.memref_squeeze %dma_wait3A_1437 : memref<1x8x1024xf32, #tpu.memory_space<hbm>> -> memref<8x1024xf32, #tpu.memory_space<hbm>>
    %dma_wait3A_1439 = tpu.memref_slice %arg10[%dma_wait3A_1431] : memref<2x!tpu.dma_semaphore, #tpu.memory_space<semaphore_mem>> -> memref<1x!tpu.dma_semaphore, #tpu.memory_space<semaphore_mem>>
    %dma_wait3A_1440 = tpu.memref_squeeze %dma_wait3A_1439 : memref<1x!tpu.dma_semaphore, #tpu.memory_space<semaphore_mem>> -> memref<!tpu.dma_semaphore, #tpu.memory_space<semaphore_mem>>
    %dma_wait3A_1441 = arith.constant 0 : i32
    %dma_wait3A_1442 = arith.constant 0 : i32
    %dma_wait3A_1443 = tpu.memref_slice %arg7[%dma_wait3A_1441, %dma_wait3A_1430, %dma_wait3A_1442] : memref<8x4x1024xf32, #tpu.memory_space<vmem>> -> memref<8x1x1024xf32, #tpu.memory_space<vmem>>
    %dma_wait3A_1444 = tpu.memref_squeeze %dma_wait3A_1443 : memref<8x1x1024xf32, #tpu.memory_space<vmem>> -> memref<8x1024xf32, #tpu.memory_space<vmem>>
    %dma_wait3A_1445 = arith.constant 0 : i32
    %dma_wait3A_1446 = tpu.memref_slice %arg2[%dma_wait3A_1429, %add3A_1428, %dma_wait3A_1445] : memref<4x2048x1024xf32, #tpu.memory_space<hbm>> -> memref<1x8x1024xf32, #tpu.memory_space<hbm>>
    %dma_wait3A_1447 = tpu.memref_squeeze %dma_wait3A_1446 : memref<1x8x1024xf32, #tpu.memory_space<hbm>> -> memref<8x1024xf32, #tpu.memory_space<hbm>>
    tpu.wait_dma2 semaphore(%dma_wait3A_1440 : memref<!tpu.dma_semaphore, #tpu.memory_space<semaphore_mem>>) src(%dma_wait3A_1447 : memref<8x1024xf32, #tpu.memory_space<hbm>>) dst(%dma_wait3A_1444 : memref<8x1024xf32, #tpu.memory_space<vmem>>)
    %add3A_1448 = arith.constant 56 : i32
    %add3A_1449 = arith.addi %mul3A_2, %add3A_1448 : i32
    %dma_wait3A_1450 = arith.constant 2 : i32
    %dma_wait3A_1451 = arith.constant 2 : i32
    %dma_wait3A_1452 = arith.constant 1 : i32
    %dma_wait3A_1453 = arith.constant 0 : i32
    %dma_wait3A_1454 = arith.constant 0 : i32
    %dma_wait3A_1455 = tpu.memref_slice %arg7[%dma_wait3A_1453, %dma_wait3A_1451, %dma_wait3A_1454] : memref<8x4x1024xf32, #tpu.memory_space<vmem>> -> memref<8x1x1024xf32, #tpu.memory_space<vmem>>
    %dma_wait3A_1456 = tpu.memref_squeeze %dma_wait3A_1455 : memref<8x1x1024xf32, #tpu.memory_space<vmem>> -> memref<8x1024xf32, #tpu.memory_space<vmem>>
    %dma_wait3A_1457 = arith.constant 0 : i32
    %dma_wait3A_1458 = tpu.memref_slice %arg2[%dma_wait3A_1450, %add3A_1449, %dma_wait3A_1457] : memref<4x2048x1024xf32, #tpu.memory_space<hbm>> -> memref<1x8x1024xf32, #tpu.memory_space<hbm>>
    %dma_wait3A_1459 = tpu.memref_squeeze %dma_wait3A_1458 : memref<1x8x1024xf32, #tpu.memory_space<hbm>> -> memref<8x1024xf32, #tpu.memory_space<hbm>>
    %dma_wait3A_1460 = tpu.memref_slice %arg10[%dma_wait3A_1452] : memref<2x!tpu.dma_semaphore, #tpu.memory_space<semaphore_mem>> -> memref<1x!tpu.dma_semaphore, #tpu.memory_space<semaphore_mem>>
    %dma_wait3A_1461 = tpu.memref_squeeze %dma_wait3A_1460 : memref<1x!tpu.dma_semaphore, #tpu.memory_space<semaphore_mem>> -> memref<!tpu.dma_semaphore, #tpu.memory_space<semaphore_mem>>
    %dma_wait3A_1462 = arith.constant 0 : i32
    %dma_wait3A_1463 = arith.constant 0 : i32
    %dma_wait3A_1464 = tpu.memref_slice %arg7[%dma_wait3A_1462, %dma_wait3A_1451, %dma_wait3A_1463] : memref<8x4x1024xf32, #tpu.memory_space<vmem>> -> memref<8x1x1024xf32, #tpu.memory_space<vmem>>
    %dma_wait3A_1465 = tpu.memref_squeeze %dma_wait3A_1464 : memref<8x1x1024xf32, #tpu.memory_space<vmem>> -> memref<8x1024xf32, #tpu.memory_space<vmem>>
    %dma_wait3A_1466 = arith.constant 0 : i32
    %dma_wait3A_1467 = tpu.memref_slice %arg2[%dma_wait3A_1450, %add3A_1449, %dma_wait3A_1466] : memref<4x2048x1024xf32, #tpu.memory_space<hbm>> -> memref<1x8x1024xf32, #tpu.memory_space<hbm>>
    %dma_wait3A_1468 = tpu.memref_squeeze %dma_wait3A_1467 : memref<1x8x1024xf32, #tpu.memory_space<hbm>> -> memref<8x1024xf32, #tpu.memory_space<hbm>>
    tpu.wait_dma2 semaphore(%dma_wait3A_1461 : memref<!tpu.dma_semaphore, #tpu.memory_space<semaphore_mem>>) src(%dma_wait3A_1468 : memref<8x1024xf32, #tpu.memory_space<hbm>>) dst(%dma_wait3A_1465 : memref<8x1024xf32, #tpu.memory_space<vmem>>)
    %add3A_1469 = arith.constant 56 : i32
    %add3A_1470 = arith.addi %mul3A_2, %add3A_1469 : i32
    %dma_wait3A_1471 = arith.constant 3 : i32
    %dma_wait3A_1472 = arith.constant 3 : i32
    %dma_wait3A_1473 = arith.constant 1 : i32
    %dma_wait3A_1474 = arith.constant 0 : i32
    %dma_wait3A_1475 = arith.constant 0 : i32
    %dma_wait3A_1476 = tpu.memref_slice %arg7[%dma_wait3A_1474, %dma_wait3A_1472, %dma_wait3A_1475] : memref<8x4x1024xf32, #tpu.memory_space<vmem>> -> memref<8x1x1024xf32, #tpu.memory_space<vmem>>
    %dma_wait3A_1477 = tpu.memref_squeeze %dma_wait3A_1476 : memref<8x1x1024xf32, #tpu.memory_space<vmem>> -> memref<8x1024xf32, #tpu.memory_space<vmem>>
    %dma_wait3A_1478 = arith.constant 0 : i32
    %dma_wait3A_1479 = tpu.memref_slice %arg2[%dma_wait3A_1471, %add3A_1470, %dma_wait3A_1478] : memref<4x2048x1024xf32, #tpu.memory_space<hbm>> -> memref<1x8x1024xf32, #tpu.memory_space<hbm>>
    %dma_wait3A_1480 = tpu.memref_squeeze %dma_wait3A_1479 : memref<1x8x1024xf32, #tpu.memory_space<hbm>> -> memref<8x1024xf32, #tpu.memory_space<hbm>>
    %dma_wait3A_1481 = tpu.memref_slice %arg10[%dma_wait3A_1473] : memref<2x!tpu.dma_semaphore, #tpu.memory_space<semaphore_mem>> -> memref<1x!tpu.dma_semaphore, #tpu.memory_space<semaphore_mem>>
    %dma_wait3A_1482 = tpu.memref_squeeze %dma_wait3A_1481 : memref<1x!tpu.dma_semaphore, #tpu.memory_space<semaphore_mem>> -> memref<!tpu.dma_semaphore, #tpu.memory_space<semaphore_mem>>
    %dma_wait3A_1483 = arith.constant 0 : i32
    %dma_wait3A_1484 = arith.constant 0 : i32
    %dma_wait3A_1485 = tpu.memref_slice %arg7[%dma_wait3A_1483, %dma_wait3A_1472, %dma_wait3A_1484] : memref<8x4x1024xf32, #tpu.memory_space<vmem>> -> memref<8x1x1024xf32, #tpu.memory_space<vmem>>
    %dma_wait3A_1486 = tpu.memref_squeeze %dma_wait3A_1485 : memref<8x1x1024xf32, #tpu.memory_space<vmem>> -> memref<8x1024xf32, #tpu.memory_space<vmem>>
    %dma_wait3A_1487 = arith.constant 0 : i32
    %dma_wait3A_1488 = tpu.memref_slice %arg2[%dma_wait3A_1471, %add3A_1470, %dma_wait3A_1487] : memref<4x2048x1024xf32, #tpu.memory_space<hbm>> -> memref<1x8x1024xf32, #tpu.memory_space<hbm>>
    %dma_wait3A_1489 = tpu.memref_squeeze %dma_wait3A_1488 : memref<1x8x1024xf32, #tpu.memory_space<hbm>> -> memref<8x1024xf32, #tpu.memory_space<hbm>>
    tpu.wait_dma2 semaphore(%dma_wait3A_1482 : memref<!tpu.dma_semaphore, #tpu.memory_space<semaphore_mem>>) src(%dma_wait3A_1489 : memref<8x1024xf32, #tpu.memory_space<hbm>>) dst(%dma_wait3A_1486 : memref<8x1024xf32, #tpu.memory_space<vmem>>)
    %add3A_1490 = arith.constant 56 : i32
    %add3A_1491 = arith.addi %mul3A_2, %add3A_1490 : i32
    %dma_start3A_1492 = arith.constant 1 : i32
    %dma_start3A_1493 = arith.constant 0 : i32
    %dma_start3A_1494 = arith.constant 0 : i32
    %dma_start3A_1495 = tpu.memref_slice %arg5[%add3A_1491, %dma_start3A_1493, %dma_start3A_1494] : memref<2049x4x1024xf32, #tpu.memory_space<hbm>> -> memref<8x4x1024xf32, #tpu.memory_space<hbm>>
    %dma_start3A_1496 = tpu.memref_slice %arg11[%dma_start3A_1492] : memref<2x!tpu.dma_semaphore, #tpu.memory_space<semaphore_mem>> -> memref<1x!tpu.dma_semaphore, #tpu.memory_space<semaphore_mem>>
    %dma_start3A_1497 = tpu.memref_squeeze %dma_start3A_1496 : memref<1x!tpu.dma_semaphore, #tpu.memory_space<semaphore_mem>> -> memref<!tpu.dma_semaphore, #tpu.memory_space<semaphore_mem>>
    %dma_start3A_1498 = arith.constant 0 : i32
    %dma_start3A_1499 = arith.constant 0 : i32
    %dma_start3A_1500 = tpu.memref_slice %arg5[%add3A_1491, %dma_start3A_1498, %dma_start3A_1499] : memref<2049x4x1024xf32, #tpu.memory_space<hbm>> -> memref<8x4x1024xf32, #tpu.memory_space<hbm>>
    tpu.enqueue_dma source(%arg7 : memref<8x4x1024xf32, #tpu.memory_space<vmem>>) target(%dma_start3A_1500 : memref<8x4x1024xf32, #tpu.memory_space<hbm>>) target_semaphore(%dma_start3A_1497 : memref<!tpu.dma_semaphore, #tpu.memory_space<semaphore_mem>>)
    %add3A_1501 = arith.constant 48 : i32
    %add3A_1502 = arith.addi %mul3A_2, %add3A_1501 : i32
    %dma_wait3A_1503 = arith.constant 0 : i32
    %dma_wait3A_1504 = arith.constant 0 : i32
    %dma_wait3A_1505 = arith.constant 0 : i32
    %dma_wait3A_1506 = tpu.memref_slice %arg5[%add3A_1502, %dma_wait3A_1504, %dma_wait3A_1505] : memref<2049x4x1024xf32, #tpu.memory_space<hbm>> -> memref<8x4x1024xf32, #tpu.memory_space<hbm>>
    %dma_wait3A_1507 = tpu.memref_slice %arg11[%dma_wait3A_1503] : memref<2x!tpu.dma_semaphore, #tpu.memory_space<semaphore_mem>> -> memref<1x!tpu.dma_semaphore, #tpu.memory_space<semaphore_mem>>
    %dma_wait3A_1508 = tpu.memref_squeeze %dma_wait3A_1507 : memref<1x!tpu.dma_semaphore, #tpu.memory_space<semaphore_mem>> -> memref<!tpu.dma_semaphore, #tpu.memory_space<semaphore_mem>>
    %dma_wait3A_1509 = arith.constant 0 : i32
    %dma_wait3A_1510 = arith.constant 0 : i32
    %dma_wait3A_1511 = tpu.memref_slice %arg5[%add3A_1502, %dma_wait3A_1509, %dma_wait3A_1510] : memref<2049x4x1024xf32, #tpu.memory_space<hbm>> -> memref<8x4x1024xf32, #tpu.memory_space<hbm>>
    tpu.wait_dma2 semaphore(%dma_wait3A_1508 : memref<!tpu.dma_semaphore, #tpu.memory_space<semaphore_mem>>) src(%arg6 : memref<8x4x1024xf32, #tpu.memory_space<vmem>>) dst(%dma_wait3A_1511 : memref<8x4x1024xf32, #tpu.memory_space<hbm>>)
    %add3A_1512 = arith.constant 56 : i32
    %add3A_1513 = arith.addi %mul3A_2, %add3A_1512 : i32
    %dma_wait3A_1514 = arith.constant 1 : i32
    %dma_wait3A_1515 = arith.constant 0 : i32
    %dma_wait3A_1516 = arith.constant 0 : i32
    %dma_wait3A_1517 = tpu.memref_slice %arg5[%add3A_1513, %dma_wait3A_1515, %dma_wait3A_1516] : memref<2049x4x1024xf32, #tpu.memory_space<hbm>> -> memref<8x4x1024xf32, #tpu.memory_space<hbm>>
    %dma_wait3A_1518 = tpu.memref_slice %arg11[%dma_wait3A_1514] : memref<2x!tpu.dma_semaphore, #tpu.memory_space<semaphore_mem>> -> memref<1x!tpu.dma_semaphore, #tpu.memory_space<semaphore_mem>>
    %dma_wait3A_1519 = tpu.memref_squeeze %dma_wait3A_1518 : memref<1x!tpu.dma_semaphore, #tpu.memory_space<semaphore_mem>> -> memref<!tpu.dma_semaphore, #tpu.memory_space<semaphore_mem>>
    %dma_wait3A_1520 = arith.constant 0 : i32
    %dma_wait3A_1521 = arith.constant 0 : i32
    %dma_wait3A_1522 = tpu.memref_slice %arg5[%add3A_1513, %dma_wait3A_1520, %dma_wait3A_1521] : memref<2049x4x1024xf32, #tpu.memory_space<hbm>> -> memref<8x4x1024xf32, #tpu.memory_space<hbm>>
    tpu.wait_dma2 semaphore(%dma_wait3A_1519 : memref<!tpu.dma_semaphore, #tpu.memory_space<semaphore_mem>>) src(%arg7 : memref<8x4x1024xf32, #tpu.memory_space<vmem>>) dst(%dma_wait3A_1522 : memref<8x4x1024xf32, #tpu.memory_space<hbm>>)
    %eq3A_1523 = arith.constant 0 : i32
    %eq3A_1524 = arith.cmpi eq, %add3A, %eq3A_1523 : i32
    %convert_element_type3A_1525 = arith.extui %eq3A_1524 : i1 to i32
    %cond3A_1526 = arith.constant 0 : i32
    %cond3A_1527 = arith.cmpi ne, %convert_element_type3A_1525, %cond3A_1526 : i32
    scf.if %cond3A_1527 {
      %dma_wait3A_1528 = arith.constant 0 : i32
      %dma_wait3A_1529 = arith.constant 0 : i32
      %dma_wait3A_1530 = tpu.memref_slice %arg4[%dma_wait3A_1528, %dma_wait3A_1529] : memref<1000x1024xf32, #tpu.memory_space<hbm>> -> memref<1000x1024xf32, #tpu.memory_space<hbm>>
      tpu.wait_indirect_dma semaphore(%arg12 : memref<!tpu.dma_semaphore, #tpu.memory_space<semaphore_mem>>) src(%dma_wait3A_1530 : memref<1000x1024xf32, #tpu.memory_space<hbm>>) dst(%arg9 : memref<4x1024xf32, #tpu.memory_space<vmem>>)
      %run_scoped3A = arith.constant 2048 : i32
      "tpu.region"() ({
        %run_scoped3A_1531 = tpu.sem_alloc : memref<!tpu.dma_semaphore, #tpu.memory_space<semaphore_mem>>
        %dma_start3A_1532 = arith.constant 0 : i32
        %dma_start3A_1533 = arith.constant 0 : i32
        %dma_start3A_1534 = tpu.memref_slice %arg5[%run_scoped3A, %dma_start3A_1532, %dma_start3A_1533] : memref<2049x4x1024xf32, #tpu.memory_space<hbm>> -> memref<1x4x1024xf32, #tpu.memory_space<hbm>>
        %dma_start3A_1535 = tpu.memref_squeeze %dma_start3A_1534 : memref<1x4x1024xf32, #tpu.memory_space<hbm>> -> memref<4x1024xf32, #tpu.memory_space<hbm>>
        %dma_start3A_1536 = arith.constant 0 : i32
        %dma_start3A_1537 = arith.constant 0 : i32
        %dma_start3A_1538 = tpu.memref_slice %arg5[%run_scoped3A, %dma_start3A_1536, %dma_start3A_1537] : memref<2049x4x1024xf32, #tpu.memory_space<hbm>> -> memref<1x4x1024xf32, #tpu.memory_space<hbm>>
        %dma_start3A_1539 = tpu.memref_squeeze %dma_start3A_1538 : memref<1x4x1024xf32, #tpu.memory_space<hbm>> -> memref<4x1024xf32, #tpu.memory_space<hbm>>
        tpu.enqueue_dma source(%arg9 : memref<4x1024xf32, #tpu.memory_space<vmem>>) target(%dma_start3A_1539 : memref<4x1024xf32, #tpu.memory_space<hbm>>) target_semaphore(%run_scoped3A_1531 : memref<!tpu.dma_semaphore, #tpu.memory_space<semaphore_mem>>)
        %dma_wait3A_1540 = arith.constant 0 : i32
        %dma_wait3A_1541 = arith.constant 0 : i32
        %dma_wait3A_1542 = tpu.memref_slice %arg5[%run_scoped3A, %dma_wait3A_1540, %dma_wait3A_1541] : memref<2049x4x1024xf32, #tpu.memory_space<hbm>> -> memref<1x4x1024xf32, #tpu.memory_space<hbm>>
        %dma_wait3A_1543 = tpu.memref_squeeze %dma_wait3A_1542 : memref<1x4x1024xf32, #tpu.memory_space<hbm>> -> memref<4x1024xf32, #tpu.memory_space<hbm>>
        %dma_wait3A_1544 = arith.constant 0 : i32
        %dma_wait3A_1545 = arith.constant 0 : i32
        %dma_wait3A_1546 = tpu.memref_slice %arg5[%run_scoped3A, %dma_wait3A_1544, %dma_wait3A_1545] : memref<2049x4x1024xf32, #tpu.memory_space<hbm>> -> memref<1x4x1024xf32, #tpu.memory_space<hbm>>
        %dma_wait3A_1547 = tpu.memref_squeeze %dma_wait3A_1546 : memref<1x4x1024xf32, #tpu.memory_space<hbm>> -> memref<4x1024xf32, #tpu.memory_space<hbm>>
        tpu.wait_dma2 semaphore(%run_scoped3A_1531 : memref<!tpu.dma_semaphore, #tpu.memory_space<semaphore_mem>>) src(%arg9 : memref<4x1024xf32, #tpu.memory_space<vmem>>) dst(%dma_wait3A_1547 : memref<4x1024xf32, #tpu.memory_space<hbm>>)
        tpu.yield
      }) : () -> ()
    } else {
    }
    return
  }
}

</mosaic_0001>

<sc_bundles>
// kernel: kernel.3.cloned.1.call-start
scs
__scs_entry_jumppad:
0x0: {  	(pc) =	sbr.rel $0x88, $3  }
0x1: {  	(tag) =	ssettag $0x0;
	lr =	simm.s32 $0x1  }
0x2: {  	[smem:$0x3F9E] =	sst lr;
	_ =	strace $0xD0000000  }
0x3: {  	_ = 	snop  }
0x4: {  	_ = 	snop  }
0x5: {  	_ = 	snop  }
0x6: {  	_ = 	snop  }
0x7: {  	_ = 	snop  }
__scs_overlays_trampoline_lowered:
0x8: {  	[smem:$0x3FAD] =	sst s0  }
0x9: {  	[smem:$0x3FAE] =	sst s1  }
0xa: {  	[smem:$0x3FAF] =	sst s2  }
0xb: {  	[smem:$0x3FB0] =	sst s3  }
0xc: {  	[smem:$0x3FB1] =	sst s4  }
0xd: {  	[smem:$0x3FB2] =	sst s5  }
0xe: {  	[smem:$0x3FB3] =	sst s6  }
0xf: {  	[smem:$0x3FB4] =	sst s7  }
0x10: {  	[smem:$0x3FB5] =	sst s8  }
0x11: {  	[smem:$0x3FB6] =	sst s9;
	s0 =	simm.s32 @!p0 $0x0  }
0x12: {  	s1 =	sld [smem:$0x3F9C];
	s0 =	simm.s32 @p0 $0x1  }
0x13: {  	[smem:$0x3FB7] =	sst s0;
	s0 =	simm.s32 @!p1 $0x0  }
0x14: {  	s2 =	sld [smem:$0x3F9B];
	s0 =	simm.s32 @p1 $0x1  }
0x15: {  	[smem:$0x3FB8] =	sst s0;
	s0 =	simm.s32 @!p2 $0x0  }
0x16: {  	s3 =	sld [smem:$0x3FDB];
	s0 =	simm.s32 @p2 $0x1  }
0x17: {  	s4 =	simm.s32 $0x1BF5;
	[smem:$0x3FBA] =	sst s0  }
0x18: {  	s0 =	sld [smem:$0x3F9D];
	_ =	swait.ge [sflag:s4], $0x0  }
0x19: {  	s7 =	sld [smem:$0x3F9E]  }
0x1a: {  	s8 =	sadd.s32 $0xFFFFE003, lr  }
0x1b: {  	s9 =	sadd.s32 $0xFFFFFEF7, lr;
	s5 =	simm.s32 $0xFFFFFFFF;
	p2 =	slt.u32 s8, $0xFFFFF086  }
0x1c: {  	p1 =	slt.u32 s9, $0xF7A;
	s5 =	simm.s32 @!p2 $0x0  }
0x1d: {  	s5 =	simm.s32 @p1 $0x1;
	p0 =	seq.s32 s7, s2  }
0x1e: {  	s7 =	smul.u32 @!p0 $0xF7A, s2;
	p2 =	seq.s32 @!p0 s5, $0x0  }
0x1f: {  	s9 =	smul.u32 $0xF7A, s1;
	s8 =	simm.s32 @!p0 $0x1BF5;
	p2 =	por !p2, p0  }
0x20: {  	[sflag:s8] =	ssyncset.s32 @!p0 $0xFFFFF086;
	s6 =	sadd.s32 @!p0 s3, s7;
	s7 =	simm.s32 @!p0 $0x108  }
0x21: {  	s3 =	sadd.s32 s3, s9;
	s6 =	sadd.s32 @!p0 $0x88, s6;
	s7 =	simm.s32 @p2 $0x1082  }
0x22: {  	[simem:s7], [sflag:s8] =	dma.local @!p0 [hbm:s6], $0xF7A  }
0x23: {  	s9 =	sor.u32 $0xD0000000, s2;
	s6 =	simm.s32 $0x108;
	_ =	swait.ge @!p0 [sflag:s8], $0x0  }
0x24: {  	s3 =	sadd.s32 $0x88, s3;
	s6 =	simm.s32 @!p1 $0x1082;
	[sflag:s4] =	ssyncset.s32 $0xFFFFF086  }
0x25: {  	[simem:s6], [sflag:s4] =	dma.local [hbm:s3], $0xF7A  }
0x26: {  	[smem:$0x3F9E] =	sst s1;
	(tag) =	ssettag s2;
	_ =	strace s9  }
0x27: {  	s1 =	sld [smem:$0x3FAE]  }
0x28: {  	s2 =	sld [smem:$0x3FAF]  }
0x29: {  	s4 =	sld [smem:$0x3FB1]  }
0x2a: {  	p0 =	seq.s32 s5, $0x0;
	s5 =	sld [smem:$0x3FB2]  }
0x2b: {  	s6 =	sld [smem:$0x3FB3]  }
0x2c: {  	s7 =	sld [smem:$0x3FB4]  }
0x2d: {  	s3 =	simm.s32 $0x108;
	s8 =	sld [smem:$0x3FB5]  }
0x2e: {  	s3 =	simm.s32 @!p0 $0x1082;
	s9 =	sld [smem:$0x3FB6]  }
0x2f: {  	lr =	sadd.s32 s0, s3;
	s0 =	sld [smem:$0x3FAD]  }
0x30: {  	s3 =	sld [smem:$0x3FB0]  }
0x31: {  	[smem:$0x3FB9] =	sst s10  }
0x32: {  	s10 =	sld [smem:$0x3FB7];
	_ =	sdelay $0x3  }
0x33: {  	p0 =	seq.s32 s10, $0x1;
	s10 =	sld [smem:$0x3FB9];
	_ =	sdelay $0x3  }
0x34: {  	[smem:$0x3FB9] =	sst s10  }
0x35: {  	s10 =	sld [smem:$0x3FB8];
	_ =	sdelay $0x3  }
0x36: {  	p1 =	seq.s32 s10, $0x1;
	s10 =	sld [smem:$0x3FB9];
	_ =	sdelay $0x3  }
0x37: {  	[smem:$0x3FB9] =	sst s10  }
0x38: {  	s10 =	sld [smem:$0x3FBA]  }
0x39: {  	_ = 	snop;
	(pc) =	sbr.ind lr, $3  }
0x3a: {  	_ = 	snop  }
0x3b: {  	_ = 	snop  }
0x3c: {  	p2 =	seq.s32 s10, $0x1;
	s10 =	sld [smem:$0x3FB9]  }
0x3d: {  	_ =	shalt  }
0x3e: {  	_ =	shalt  }
0x3f: {  	_ =	shalt  }
0x40: {  	_ =	shalt  }
0x41: {  	_ =	shalt  }
0x42: {  	_ =	shalt  }
0x43: {  	_ =	shalt  }
0x44: {  	_ =	shalt  }
0x45: {  	_ =	shalt  }
0x46: {  	_ =	shalt  }
0x47: {  	_ =	shalt  }
0x48: {  	_ =	shalt  }
0x49: {  	_ =	shalt  }
0x4a: {  	_ =	shalt  }
0x4b: {  	_ =	shalt  }
0x4c: {  	_ =	shalt  }
0x4d: {  	_ =	shalt  }
0x4e: {  	_ =	shalt  }
0x4f: {  	_ =	shalt  }
0x50: {  	_ =	shalt  }
0x51: {  	_ =	shalt  }
0x52: {  	_ =	shalt  }
0x53: {  	_ =	shalt  }
0x54: {  	_ =	shalt  }
0x55: {  	_ =	shalt  }
0x56: {  	_ =	shalt  }
0x57: {  	_ =	shalt  }
0x58: {  	_ =	shalt  }
0x59: {  	_ =	shalt  }
0x5a: {  	_ =	shalt  }
0x5b: {  	_ =	shalt  }
0x5c: {  	_ =	shalt  }
0x5d: {  	_ =	shalt  }
0x5e: {  	_ =	shalt  }
0x5f: {  	_ =	shalt  }
0x60: {  	_ =	shalt  }
0x61: {  	_ =	shalt  }
0x62: {  	_ =	shalt  }
0x63: {  	_ =	shalt  }
0x64: {  	_ =	shalt  }
0x65: {  	_ =	shalt  }
0x66: {  	_ =	shalt  }
0x67: {  	_ =	shalt  }
0x68: {  	_ =	shalt  }
0x69: {  	_ =	shalt  }
0x6a: {  	_ =	shalt  }
0x6b: {  	_ =	shalt  }
0x6c: {  	_ =	shalt  }
0x6d: {  	_ =	shalt  }
0x6e: {  	_ =	shalt  }
0x6f: {  	_ =	shalt  }
0x70: {  	_ =	shalt  }
0x71: {  	_ =	shalt  }
0x72: {  	_ =	shalt  }
0x73: {  	_ =	shalt  }
0x74: {  	_ =	shalt  }
0x75: {  	_ =	shalt  }
0x76: {  	_ =	shalt  }
0x77: {  	_ =	shalt  }
0x78: {  	_ =	shalt  }
0x79: {  	_ =	shalt  }
0x7a: {  	_ =	shalt  }
0x7b: {  	_ =	shalt  }
0x7c: {  	_ =	shalt  }
0x7d: {  	_ =	shalt  }
0x7e: {  	_ =	shalt  }
0x7f: {  	_ =	shalt  }
0x80: {  	_ =	shalt  }
0x81: {  	_ =	shalt  }
0x82: {  	_ =	shalt  }
0x83: {  	_ =	shalt  }
0x84: {  	_ =	shalt  }
0x85: {  	_ =	shalt  }
0x86: {  	_ =	shalt  }
0x87: {  	_ =	shalt  }
.Lfunc_end0:
.L_simem_size_0:
called_computation_lowered:
.L_overlay_start_0:
0x88: {  	s2 =	sld [smem:$0x3FD9]  }
0x89: {  	s3 =	sld [smem:$0x3FFE];
	_ =	sdelay $0x1  }
0x8a: {  	s1 =	srdreg.scid  }
0x8b: {  	s0 =	sand.u32 $0x1, s1  }
0x8c: {  	s15 =	sshll.u32 s0, $0xA;
	s2 =	sadd.s32 s3, s2  }
0x8d: {  	s2 =	sadd.s32 s2, s15  }
0x8e: {  	[smem:$0x3FC5] =	sst s2  }
0x8f: {  	_ = 	snop  }
0x90: {  	s2 =	sld [smem:$0x3FD0]  }
0x91: {  	s16 =	sld [smem:$0x3FC9]  }
0x92: {  	s4 =	sld [smem:$0x3FC8]  }
0x93: {  	s6 =	simm.s32 $0xA;
	s7 =	simm.s32 $0x10;
	s5 =	sld [smem:$0x3FC7]  }
0x94: {  	[smem:s7], [sflag:s6] =	dma.local [hbm:s2], $0x1  }
0x95: {  	_ =	swait.eq [sflag:s6], $0x1  }
0x96: {  	[sflag:s6] =	ssyncset.done $0x0  }
0x97: {  	[sflag:s6] =	ssyncadd.s32 $0xFFFFFFFF  }
0x98: {  	s17 =	sld [smem:$0x10];
	(tm) =	ssettm $0x1  }
0x99: {  	s18 =	sld [smem:$0x3FFB];
	_ =	sdelay $0x3  }
0x9a: {  	_ =	strace s18  }
0x9b: {  	s6 =	sld [smem:$0x3FFC];
	_ =	sdelay $0x3  }
0x9c: {  	_ =	strace s6  }
0x9d: {  	s6 =	sld [smem:$0x3FFD];
	_ =	sdelay $0x3  }
0x9e: {  	_ =	strace s6  }
0x9f: {  	_ =	strace $0x8FFFFFFF  }
0xa0: {  	s19 =	sld [smem:$0x3FDB];
	_ =	sdelay $0x1  }
0xa1: {  	s20 =	simm.s32 $_scs_section_size  }
0xa2: {  	s8 =	simm.s32 $_size__tile_overlayer_lowered;
	s9 =	simm.s32 $_tile_overlayer_lowered  }
0xa3: {  	s23 =	simm.s32 $0x1BFF;
	s22 =	sshll.u32 s9, $0x1;
	s6 =	sadd.s32 s20, s19  }
0xa4: {  	s10 =	simm.s32 $0x0;
	s21 =	sshll.u32 s8, $0x1;
	s8 =	sadd.s32 s22, s6  }
0xa5: {  	[timem:s10], [sflag:s23] =	dma.local [hbm:s8], s21  }
0xa6: {  	_ =	swait.ge [sflag:s23], s21  }
0xa7: {  	s7 =	ssub.s32 $0x0, s21;
	[sflag:s23] =	ssyncset.done $0x0  }
0xa8: {  	[sflag:s23] =	ssyncadd.s32 s7;
	_ =	sdelay $0x1  }
0xa9: {  	s24 =	simm.s32 $0x1B8B  }
0xaa: {  	_ =	swait.ge [sflag:s24], $0x1  }
0xab: {  	[sflag:s24] =	ssyncset.done $0x0  }
0xac: {  	s25 =	simm.s32 $0x1B8E;
	[sflag:s24] =	ssyncadd.s32 $0xFFFFFFFF  }
0xad: {  	s26 =	simm.s32 $execute0_lowered;
	[smem:$0x3FD2] =	sst s25  }
0xae: {  	s7 =	sshll.u32 s26, $0x1;
	_ =	strace $0x80000046;
	[dreg:$0x1] =	wrdreg $0xFFFFFFFF  }
0xaf: {  	s28 =	simm.s32 $_size_execute0_lowered;
	s6 =	sadd.s32 s6, s7;
	[dreg:$0x0] =	wrdreg $0x0  }
0xb0: {  	s7 =	sshll.u32 s28, $0x1;
	[dreg:$0x2] =	wrdreg s6  }
0xb1: {  	[dreg:$0x3] =	wrdreg s7  }
0xb2: {  	[dreg:$0x4] =	wrdreg $0xC0  }
0xb3: {  	_ =	task [dreg:s10], $0x5FFFF  }
0xb4: {  	[dreg:$0x1] =	wrdreg $0xFFFFFFFF  }
0xb5: {  	[dreg:$0x0] =	wrdreg $0x60  }
0xb6: {  	[dreg:$0x2] =	wrdreg s16  }
0xb7: {  	[dreg:$0x3] =	wrdreg s4  }
0xb8: {  	[dreg:$0x4] =	wrdreg s5  }
0xb9: {  	[dreg:$0x5] =	wrdreg s17  }
0xba: {  	[dreg:$0x6] =	wrdreg $0x9  }
0xbb: {  	_ =	task.clear_ibuf [dreg:s10], $0x7FFFF;
	_ =	strace $0x90000046  }
0xbc: {  	s29 =	simm.s32 $0x9;
	_ =	strace $0x80000048  }
0xbd: {  	_ =	swait.ge [sflag:s29], $0x1  }
0xbe: {  	[sflag:s29] =	ssyncadd.s32 $0xFFFFFFFF  }
0xbf: {  	_ =	strace $0x90000048  }
0xc0: {  	_ =	sfence  }
0xc1: {  	s30 =	sld [smem:$0x0];
	_ =	sdelay $0x2  }
0xc2: {  	s31 =	sshll.u32 s1, $0xD;
	s1 =	sshrl.u32 s1, $0x2  }
0xc3: {  	s3 =	sand.u32 $0x4000, s31;
	s1 =	sadd.s32 s1, s30  }
0xc4: {  	s0 =	sor.u32 s3, s0;
	s1 =	sshll.u32 s1, $0x11  }
0xc5: {  	s0 =	sor.u32 s1, s0  }
0xc6: {  	s0 =	sadd.s32 $0x8F2B, s0  }
0xc7: {  	[sflag:s0] =	ssyncadd.remote.s32 $0x1  }
0xc8: {  	_ =	sfence.sel $0xFFFF  }
0xc9: {  	[dreg:$0x0] =	wrdreg $0xFFFFFFFF;
	(pc) =	sbr.abs _section_cstart, $3  }
0xca: {  	[dreg:$0x1] =	wrdreg $0xFFFFFFFF  }
0xcb: {  	_ =	task.clear_ibuf [dreg:s10], $0x2FFFF;
	_ =	strace $0x9FFFFFFF  }
0xcc: {  	(tm) =	ssettm $0x7FFFFFFF  }
0xcd: {  	_ =	shalt  }
tec
execute0_lowered:
.L_overlay_start_1:
0x0: {  	(tag) =	ssettag $0x1  }
0x1: {  	s0 =	srdreg.scid  }
0x2: {  	s1 =	stileid.u32;
	s2 =	rddreg [dreg:$0x0];
	s0 =	sand.u32 $0x1, s0  }
0x3: {  	s4 =	sshll.u32 s1, $0x1;
	s1 =	simm.s32 $0x0;
	s3 =	ssub.s32 $0x2, s0  }
0x4: {  	s7 =	sadd.s32 $0x80000, s2;
	s6 =	sor.u32 s0, s4;
	s5 =	sshrl.u32 s3, $0x1  }
0x5: {  	[smem:$0x7FF] =	sst s1;
	s14 =	sshll.u32 s6, $0xD;
	s13 =	ssub.s32 s3, s5  }
0x6: {  	s9 =	sadd.s32 $0xC0000, s2;
	s15 =	sadd.s32 s2, s14;
	[dreg:$0x1b] =	wrdreg s13  }
0x7: {  	p0 =	sne.s32 s6, $0x0;
	s17 =	sadd.s32 s14, s7;
	[dreg:$0x5] =	wrdreg s15  }
0x8: {  	s5 =	sadd.s32 $0x40000, s2;
	s0 =	sadd.s32 s14, s9;
	[dreg:$0x7] =	wrdreg s17  }
0x9: {  	s3 =	sshll.u32 s6, $0x6;
	s16 =	sadd.s32 s14, s5;
	[dreg:$0x8] =	wrdreg s0  }
0xa: {  	s6 =	sshll.u32 s6, $0xF;
	s8 =	sor.u32 $0x8, s3;
	[dreg:$0x6] =	wrdreg s16  }
0xb: {  	s19 =	sor.u32 $0x10, s3;
	s25 =	sor.u32 $0x18, s3;
	[dreg:$0x1c] =	wrdreg s8  }
0xc: {  	s11 =	sor.u32 $0x20, s3;
	s4 =	sor.u32 $0x38, s3;
	[dreg:$0x1d] =	wrdreg s19  }
0xd: {  	s10 =	sshll.u32 s8, $0x7;
	s22 =	sshll.u32 s19, $0x7;
	[dreg:$0x1e] =	wrdreg s25  }
0xe: {  	s17 =	sshll.u32 s25, $0x7;
	s8 =	sshll.u32 s11, $0x7;
	s18 =	sadd.s32 s2, s10  }
0xf: {  	s20 =	sadd.s32 s10, s5;
	s21 =	sadd.s32 s10, s7;
	s23 =	sadd.s32 s10, s9  }
0x10: {  	s24 =	sadd.s32 s2, s22;
	s26 =	sadd.s32 s22, s5;
	[dreg:$0x9] =	wrdreg s18  }
0x11: {  	s12 =	sadd.s32 s22, s7;
	s13 =	sadd.s32 s22, s9;
	[dreg:$0xa] =	wrdreg s20  }
0x12: {  	s14 =	sadd.s32 s2, s17;
	s15 =	sadd.s32 s17, s5;
	[dreg:$0xb] =	wrdreg s21  }
0x13: {  	s16 =	sadd.s32 s17, s7;
	s17 =	sadd.s32 s17, s9;
	[dreg:$0xc] =	wrdreg s23  }
0x14: {  	s10 =	sor.u32 $0x28, s3;
	s19 =	sadd.s32 s8, s5;
	[dreg:$0xd] =	wrdreg s24  }
0x15: {  	[dreg:$0xe] =	wrdreg s26;
	s18 =	sadd.s32 s2, s8;
	s20 =	sadd.s32 s8, s7  }
0x16: {  	s25 =	sshll.u32 s10, $0x7;
	s21 =	sadd.s32 s8, s9;
	s8 =	sor.u32 $0x30, s3  }
0x17: {  	s3 =	sshll.u32 s4, $0x7;
	s4 =	sshll.u32 s4, $0x9;
	s22 =	sadd.s32 s2, s25  }
0x18: {  	s23 =	sadd.s32 s25, s5;
	s24 =	sadd.s32 s25, s7;
	s0 =	sshll.u32 s8, $0x7  }
0x19: {  	s25 =	sadd.s32 s25, s9;
	s31 =	sadd.s32 s2, s3;
	s26 =	sadd.s32 s2, s0  }
0x1a: {  	s28 =	sadd.s32 s0, s5;
	s29 =	sadd.s32 s0, s7;
	s30 =	sadd.s32 s0, s9  }
0x1b: {  	s0 =	sadd.s32 s3, s5;
	s2 =	sadd.s32 s3, s7;
	s5 =	rddreg [dreg:$0x3]  }
0x1c: {  	s3 =	sadd.s32 s3, s9;
	s9 =	rddreg [dreg:$0x1c];
	s6 =	sadd.s32 s5, s6  }
0x1d: {  	_ =	strace $0x80000047;
	s7 =	sshll.u32 s9, $0x9;
	[dreg:$0xf] =	wrdreg s6  }
0x1e: {  	s4 =	sadd.s32 s5, s4;
	s9 =	sadd.s32 s5, s7;
	s7 =	rddreg [dreg:$0x1d]  }
0x1f: {  	[dreg:$0x16] =	wrdreg s4  }
0x20: {  	[dreg:$0x10] =	wrdreg s9;
	s6 =	sshll.u32 s7, $0x9  }
0x21: {  	s11 =	sshll.u32 s11, $0x9;
	s9 =	rddreg [dreg:$0x1e];
	s6 =	sadd.s32 s5, s6  }
0x22: {  	s7 =	sshll.u32 s9, $0x9;
	s9 =	sadd.s32 s5, s11;
	[dreg:$0x11] =	wrdreg s6  }
0x23: {  	s10 =	sshll.u32 s10, $0x9;
	[dreg:$0x13] =	wrdreg s9  }
0x24: {  	s11 =	sshll.u32 s8, $0x9;
	s6 =	sadd.s32 s5, s10;
	s10 =	rddreg [dreg:$0x1b]  }
0x25: {  	s7 =	sadd.s32 s5, s7;
	s8 =	sadd.s32 s5, s11;
	s11 =	rddreg [dreg:$0x2]  }
0x26: {  	[dreg:$0x12] =	wrdreg s7  }
0x27: {  	[dreg:$0x14] =	wrdreg s6  }
0x28: {  	s9 =	sadd.s32 $0x100000, s5;
	[dreg:$0x15] =	wrdreg s8  }
0x29: {  	[dreg:$0x17] =	wrdreg s9;
	s4 =	smax.u32 s10, $0x1  }
0x2a: {  	s5 =	simm.s32 $0x2;
	[dreg:$0x18] =	wrdreg s4;
	s4 =	sadd.s32 $0x200, s11  }
0x2b: {  	vm0 =	vmmov @!p0 $0xffff;
	s8 =	simm.s32 $0x0;
	[dreg:$0x19] =	wrdreg s4;
	s4 =	simm.s32 $0x1  }
.LBB2_1:
0x2c: {  	[dreg:$0x1a] =	wrdreg s8  }
0x2d: {  	s6 =	simm.s32 @!p0 $0x0;
	s7 =	simm.s32 @!p0 $0x10000;
	s8 =	rddreg [dreg:$0x1]  }
0x2e: {  	[tilespmem:s7], [sflag:$0x5] =	stream.linear.gather @!p0 [hbm4b:s8+s6], $0x80, $0x38;
	[tilespmem:$0x11080] =	vst v63  }
0x2f: {  	s7 =	simm.s32 @!p0 $0x5  }
0x30: {  	_ =	swait.ge @!p0 [sflag:s7], $0x80  }
0x31: {  	[sflag:s7] =	ssyncset.done @!p0 $0x0  }
0x32: {  	[sflag:s7] =	ssyncadd.s32 @!p0 $0xFFFFFF80  }
0x33: {  	v0 =	vld.msk @!p0 [tilespmem:$0x10000], $0xf;
	_ =	sdelay $0x4  }
0x34: {  	v1 =	vshll.u32 @!p0 v0, $0x3  }
0x35: {  	v2 =	vlaneseq.u32 @!p0;
	v0 =	vand.u32 @!p0 $0x7, v0;
	v1 =	vand.u32 @!p0 $0xFFFFFFC0, v1  }
0x36: {  	v0 =	vor.u32 @!p0 v0, v1;
	v1 =	vand.u32 @!p0 $0x3, v2;
	v2 =	vshrl.u32 @!p0 v2, $0x2  }
0x37: {  	v0 =	vperm.xlane @!p0 v0, v1;
	v1 =	vmul.u32 @!p0 $0x8, v2;
	_ =	sdelay $0x1  }
0x38: {  	v0 =	vadd.s32 @!p0 v1, v0;
	_ =	sdelay $0x3  }
0x39: {  	s7 =	simm.s32 @!p0 $0x10080;
	s8 =	rddreg [dreg:$0x2]  }
0x3a: {  	[tilespmem:s7], [sflag:$0x5] =	stream.indirect_vreg.gather @!p0 [hbm4b:s8+s6], $0x80, v0, vm0, $0xb8;
	[tilespmem:$0x11080] =	vst v63  }
0x3b: {  	s7 =	simm.s32 @!p0 $0x10880;
	s8 =	rddreg [dreg:$0x19]  }
0x3c: {  	[tilespmem:s7], [sflag:$0x5] =	stream.indirect_vreg.gather @!p0 [hbm4b:s8+s6], $0x80, v0, vm0, $0xb8;
	[tilespmem:$0x11080] =	vst v63  }
0x3d: {  	s11 =	simm.s32 $0x0;
	s10 =	rddreg [dreg:$0x5]  }
0x3e: {  	[tilespmem:s11], [sflag:$0x1] =	stream.linear.gather [hbm4b:s10+s1], $0x80, $0x38;
	[tilespmem:$0x11080] =	vst v63  }
0x3f: {  	s7 =	sadd.s32 $0x10, s10;
	s8 =	simm.s32 $0x1000  }
0x40: {  	[tilespmem:s8], [sflag:$0x1] =	stream.linear.gather [hbm4b:s7+s1], $0x80, $0x38;
	[tilespmem:$0x11080] =	vst v63  }
0x41: {  	s9 =	sadd.s32 $0x20, s10;
	s11 =	simm.s32 $0x2000  }
0x42: {  	[tilespmem:s11], [sflag:$0x1] =	stream.linear.gather [hbm4b:s9+s1], $0x80, $0x38;
	[tilespmem:$0x11080] =	vst v63  }
0x43: {  	s7 =	sadd.s32 $0x30, s10;
	s8 =	simm.s32 $0x3000  }
0x44: {  	[tilespmem:s8], [sflag:$0x1] =	stream.linear.gather [hbm4b:s7+s1], $0x80, $0x38;
	[tilespmem:$0x11080] =	vst v63  }
0x45: {  	s9 =	sadd.s32 $0x40, s10;
	s11 =	simm.s32 $0x4000  }
0x46: {  	[tilespmem:s11], [sflag:$0x1] =	stream.linear.gather [hbm4b:s9+s1], $0x80, $0x38;
	[tilespmem:$0x11080] =	vst v63  }
0x47: {  	s7 =	sadd.s32 $0x50, s10;
	s8 =	simm.s32 $0x5000  }
0x48: {  	[tilespmem:s8], [sflag:$0x1] =	stream.linear.gather [hbm4b:s7+s1], $0x80, $0x38;
	[tilespmem:$0x11080] =	vst v63  }
0x49: {  	s6 =	simm.s32 $0x800;
	s9 =	sadd.s32 $0x60, s10;
	s11 =	simm.s32 $0x6000  }
0x4a: {  	[tilespmem:s11], [sflag:$0x1] =	stream.linear.gather [hbm4b:s9+s1], $0x80, $0x38;
	[tilespmem:$0x11080] =	vst v63  }
0x4b: {  	s8 =	sadd.s32 $0x70, s10;
	s7 =	sadd.s32 $0x80, s10;
	s9 =	simm.s32 $0x7000  }
.LBB2_2:
0x4c: {  	[tilespmem:s9], [sflag:$0x1] =	stream.linear.gather [hbm4b:s8+s1], $0x80, $0x38;
	[tilespmem:$0x11080] =	vst v63  }
0x4d: {  	s9 =	sshra.s32 s6, $0x2;
	p1 =	sne.s32 s6, $0x3800;
	s6 =	sadd.s32 $0x800, s6  }
0x4e: {  	[tilespmem:s9], [sflag:$0x1] =	stream.linear.gather [hbm4b:s7+s1], $0x80, $0x38;
	[tilespmem:$0x11080] =	vst v63  }
0x4f: {  	s8 =	sadd.s32 $0x10, s7;
	s10 =	sadd.s32 $0x1000, s9  }
0x50: {  	[tilespmem:s10], [sflag:$0x1] =	stream.linear.gather [hbm4b:s8+s1], $0x80, $0x38;
	[tilespmem:$0x11080] =	vst v63  }
0x51: {  	s8 =	sadd.s32 $0x20, s7;
	s10 =	sadd.s32 $0x2000, s9  }
0x52: {  	[tilespmem:s10], [sflag:$0x1] =	stream.linear.gather [hbm4b:s8+s1], $0x80, $0x38;
	[tilespmem:$0x11080] =	vst v63  }
0x53: {  	s8 =	sadd.s32 $0x30, s7;
	s10 =	sadd.s32 $0x3000, s9  }
0x54: {  	[tilespmem:s10], [sflag:$0x1] =	stream.linear.gather [hbm4b:s8+s1], $0x80, $0x38;
	[tilespmem:$0x11080] =	vst v63  }
0x55: {  	s8 =	sadd.s32 $0x40, s7;
	s10 =	sadd.s32 $0x4000, s9  }
0x56: {  	[tilespmem:s10], [sflag:$0x1] =	stream.linear.gather [hbm4b:s8+s1], $0x80, $0x38;
	[tilespmem:$0x11080] =	vst v63  }
.Ltmp0:
0x57: {  	s8 =	sadd.s32 $0x50, s7;
	s10 =	sadd.s32 $0x5000, s9;
	(pc) =	sbr.rel @p1 .LBB2_2-.Ltmp0, $4  }
0x58: {  	[tilespmem:s10], [sflag:$0x1] =	stream.linear.gather [hbm4b:s8+s1], $0x80, $0x38;
	[tilespmem:$0x11080] =	vst v63  }
0x59: {  	s8 =	sadd.s32 $0x60, s7;
	s10 =	sadd.s32 $0x6000, s9  }
0x5a: {  	[tilespmem:s10], [sflag:$0x1] =	stream.linear.gather [hbm4b:s8+s1], $0x80, $0x38;
	[tilespmem:$0x11080] =	vst v63  }
0x5b: {  	s9 =	sadd.s32 $0x7000, s9;
	s8 =	sadd.s32 $0x70, s7;
	s7 =	sadd.s32 $0x80, s7  }
0x5c: {  	[tilespmem:s9], [sflag:$0x1] =	stream.linear.gather [hbm4b:s8+s1], $0x80, $0x38;
	[tilespmem:$0x11080] =	vst v63  }
0x5d: {  	s6 =	simm.s32 $0x80;
	s11 =	rddreg [dreg:$0x6]  }
0x5e: {  	[tilespmem:s6], [sflag:$0x1] =	stream.linear.gather [hbm4b:s11+s1], $0x80, $0x38;
	[tilespmem:$0x11080] =	vst v63  }
0x5f: {  	s7 =	simm.s32 $0x1080;
	s8 =	sadd.s32 $0x10, s11  }
0x60: {  	[tilespmem:s7], [sflag:$0x1] =	stream.linear.gather [hbm4b:s8+s1], $0x80, $0x38;
	[tilespmem:$0x11080] =	vst v63  }
0x61: {  	s10 =	simm.s32 $0x2080;
	s9 =	sadd.s32 $0x20, s11  }
0x62: {  	[tilespmem:s10], [sflag:$0x1] =	stream.linear.gather [hbm4b:s9+s1], $0x80, $0x38;
	[tilespmem:$0x11080] =	vst v63  }
0x63: {  	s7 =	sadd.s32 $0x30, s11;
	s8 =	simm.s32 $0x3080  }
0x64: {  	[tilespmem:s8], [sflag:$0x1] =	stream.linear.gather [hbm4b:s7+s1], $0x80, $0x38;
	[tilespmem:$0x11080] =	vst v63  }
0x65: {  	s9 =	sadd.s32 $0x40, s11;
	s10 =	simm.s32 $0x4080  }
0x66: {  	[tilespmem:s10], [sflag:$0x1] =	stream.linear.gather [hbm4b:s9+s1], $0x80, $0x38;
	[tilespmem:$0x11080] =	vst v63  }
0x67: {  	s6 =	simm.s32 $0x200;
	s7 =	sadd.s32 $0x50, s11;
	s8 =	simm.s32 $0x5080  }
0x68: {  	[tilespmem:s8], [sflag:$0x1] =	stream.linear.gather [hbm4b:s7+s1], $0x80, $0x38;
	[tilespmem:$0x11080] =	vst v63  }
0x69: {  	s9 =	sadd.s32 $0x60, s11;
	s10 =	simm.s32 $0x6080;
	s8 =	simm.s32 $0x1000  }
0x6a: {  	[tilespmem:s10], [sflag:$0x1] =	stream.linear.gather [hbm4b:s9+s1], $0x80, $0x38;
	[tilespmem:$0x11080] =	vst v63  }
0x6b: {  	s7 =	sadd.s32 $0x80, s11;
	s9 =	sadd.s32 $0x70, s11;
	s10 =	simm.s32 $0x7080  }
.LBB2_4:
0x6c: {  	[tilespmem:s10], [sflag:$0x1] =	stream.linear.gather [hbm4b:s9+s1], $0x80, $0x38;
	[tilespmem:$0x11080] =	vst v63  }
0x6d: {  	s10 =	smov.u32 s6;
	s6 =	smov.u32 s8  }
0x6e: {  	s11 =	sadd.s32 $0x800, s8;
	s6 =	sshra.s32 s6, $0x2;
	s9 =	sadd.s32 $0x80, s10  }
0x6f: {  	[tilespmem:s9], [sflag:$0x1] =	stream.linear.gather [hbm4b:s7+s1], $0x80, $0x38;
	[tilespmem:$0x11080] =	vst v63  }
0x70: {  	p1 =	sne.s32 s8, $0x3800;
	s8 =	sadd.s32 $0x10, s7;
	s9 =	sadd.s32 $0x1080, s10  }
0x71: {  	[tilespmem:s9], [sflag:$0x1] =	stream.linear.gather [hbm4b:s8+s1], $0x80, $0x38;
	[tilespmem:$0x11080] =	vst v63  }
0x72: {  	s8 =	sadd.s32 $0x20, s7;
	s9 =	sadd.s32 $0x2080, s10  }
0x73: {  	[tilespmem:s9], [sflag:$0x1] =	stream.linear.gather [hbm4b:s8+s1], $0x80, $0x38;
	[tilespmem:$0x11080] =	vst v63  }
0x74: {  	s8 =	sadd.s32 $0x30, s7;
	s9 =	sadd.s32 $0x3080, s10  }
0x75: {  	[tilespmem:s9], [sflag:$0x1] =	stream.linear.gather [hbm4b:s8+s1], $0x80, $0x38;
	[tilespmem:$0x11080] =	vst v63  }
0x76: {  	s8 =	sadd.s32 $0x40, s7;
	s9 =	sadd.s32 $0x4080, s10  }
0x77: {  	[tilespmem:s9], [sflag:$0x1] =	stream.linear.gather [hbm4b:s8+s1], $0x80, $0x38;
	[tilespmem:$0x11080] =	vst v63  }
.Ltmp1:
0x78: {  	s8 =	sadd.s32 $0x50, s7;
	s9 =	sadd.s32 $0x5080, s10;
	(pc) =	sbr.rel @p1 .LBB2_4-.Ltmp1, $4  }
0x79: {  	[tilespmem:s9], [sflag:$0x1] =	stream.linear.gather [hbm4b:s8+s1], $0x80, $0x38;
	[tilespmem:$0x11080] =	vst v63  }
0x7a: {  	s8 =	sadd.s32 $0x60, s7;
	s9 =	sadd.s32 $0x6080, s10;
	s10 =	sadd.s32 $0x7080, s10  }
0x7b: {  	[tilespmem:s9], [sflag:$0x1] =	stream.linear.gather [hbm4b:s8+s1], $0x80, $0x38;
	[tilespmem:$0x11080] =	vst v63  }
0x7c: {  	s9 =	sadd.s32 $0x70, s7;
	s7 =	sadd.s32 $0x80, s7;
	s8 =	smov.u32 s11  }
0x7d: {  	[tilespmem:s10], [sflag:$0x1] =	stream.linear.gather [hbm4b:s9+s1], $0x80, $0x38;
	[tilespmem:$0x11080] =	vst v63  }
0x7e: {  	s8 =	sadd.s32 $0x80, s6  }
0x7f: {  	[tilespmem:s8], [sflag:$0x1] =	stream.linear.gather [hbm4b:s7+s1], $0x80, $0x38;
	[tilespmem:$0x11080] =	vst v63  }
0x80: {  	s10 =	sadd.s32 $0x10, s7;
	s11 =	sadd.s32 $0x1080, s6  }
0x81: {  	[tilespmem:s11], [sflag:$0x1] =	stream.linear.gather [hbm4b:s10+s1], $0x80, $0x38;
	[tilespmem:$0x11080] =	vst v63  }
0x82: {  	s10 =	sadd.s32 $0x20, s7;
	s11 =	sadd.s32 $0x2080, s6  }
0x83: {  	[tilespmem:s11], [sflag:$0x1] =	stream.linear.gather [hbm4b:s10+s1], $0x80, $0x38;
	[tilespmem:$0x11080] =	vst v63  }
0x84: {  	s10 =	sadd.s32 $0x30, s7;
	s11 =	sadd.s32 $0x3080, s6  }
0x85: {  	[tilespmem:s11], [sflag:$0x1] =	stream.linear.gather [hbm4b:s10+s1], $0x80, $0x38;
	[tilespmem:$0x11080] =	vst v63  }
0x86: {  	s10 =	sadd.s32 $0x40, s7;
	s11 =	sadd.s32 $0x4080, s6  }
0x87: {  	[tilespmem:s11], [sflag:$0x1] =	stream.linear.gather [hbm4b:s10+s1], $0x80, $0x38;
	[tilespmem:$0x11080] =	vst v63  }
0x88: {  	s10 =	sadd.s32 $0x50, s7;
	s11 =	sadd.s32 $0x5080, s6  }
0x89: {  	[tilespmem:s11], [sflag:$0x1] =	stream.linear.gather [hbm4b:s10+s1], $0x80, $0x38;
	[tilespmem:$0x11080] =	vst v63  }
0x8a: {  	s10 =	sadd.s32 $0x60, s7;
	s11 =	sadd.s32 $0x6080, s6  }
0x8b: {  	[tilespmem:s11], [sflag:$0x1] =	stream.linear.gather [hbm4b:s10+s1], $0x80, $0x38;
	[tilespmem:$0x11080] =	vst v63  }
0x8c: {  	s9 =	sadd.s32 $0x7080, s6;
	s8 =	sadd.s32 $0x70, s7  }
0x8d: {  	[tilespmem:s9], [sflag:$0x1] =	stream.linear.gather [hbm4b:s8+s1], $0x80, $0x38;
	[tilespmem:$0x11080] =	vst v63  }
0x8e: {  	s10 =	simm.s32 $0x100;
	s11 =	rddreg [dreg:$0x7]  }
0x8f: {  	[tilespmem:s10], [sflag:$0x1] =	stream.linear.gather [hbm4b:s11+s1], $0x80, $0x38;
	[tilespmem:$0x11080] =	vst v63  }
0x90: {  	s7 =	sadd.s32 $0x10, s11;
	s8 =	simm.s32 $0x1100  }
0x91: {  	[tilespmem:s8], [sflag:$0x1] =	stream.linear.gather [hbm4b:s7+s1], $0x80, $0x38;
	[tilespmem:$0x11080] =	vst v63  }
0x92: {  	s9 =	sadd.s32 $0x20, s11;
	s10 =	simm.s32 $0x2100  }
0x93: {  	[tilespmem:s10], [sflag:$0x1] =	stream.linear.gather [hbm4b:s9+s1], $0x80, $0x38;
	[tilespmem:$0x11080] =	vst v63  }
0x94: {  	s7 =	sadd.s32 $0x30, s11;
	s8 =	simm.s32 $0x3100  }
0x95: {  	[tilespmem:s8], [sflag:$0x1] =	stream.linear.gather [hbm4b:s7+s1], $0x80, $0x38;
	[tilespmem:$0x11080] =	vst v63  }
0x96: {  	s9 =	sadd.s32 $0x40, s11;
	s10 =	simm.s32 $0x4100  }
0x97: {  	[tilespmem:s10], [sflag:$0x1] =	stream.linear.gather [hbm4b:s9+s1], $0x80, $0x38;
	[tilespmem:$0x11080] =	vst v63  }
0x98: {  	s6 =	simm.s32 $0x200;
	s7 =	sadd.s32 $0x50, s11;
	s8 =	simm.s32 $0x5100  }
0x99: {  	[tilespmem:s8], [sflag:$0x1] =	stream.linear.gather [hbm4b:s7+s1], $0x80, $0x38;
	[tilespmem:$0x11080] =	vst v63  }
0x9a: {  	s9 =	sadd.s32 $0x60, s11;
	s10 =	simm.s32 $0x6100;
	s8 =	simm.s32 $0x1000  }
0x9b: {  	[tilespmem:s10], [sflag:$0x1] =	stream.linear.gather [hbm4b:s9+s1], $0x80, $0x38;
	[tilespmem:$0x11080] =	vst v63  }
0x9c: {  	s7 =	sadd.s32 $0x80, s11;
	s9 =	sadd.s32 $0x70, s11;
	s10 =	simm.s32 $0x7100  }
.LBB2_6:
0x9d: {  	[tilespmem:s10], [sflag:$0x1] =	stream.linear.gather [hbm4b:s9+s1], $0x80, $0x38;
	[tilespmem:$0x11080] =	vst v63  }
0x9e: {  	s10 =	smov.u32 s6;
	s6 =	smov.u32 s8  }
0x9f: {  	s11 =	sadd.s32 $0x800, s8;
	s6 =	sshra.s32 s6, $0x2;
	s9 =	sadd.s32 $0x100, s10  }
0xa0: {  	[tilespmem:s9], [sflag:$0x1] =	stream.linear.gather [hbm4b:s7+s1], $0x80, $0x38;
	[tilespmem:$0x11080] =	vst v63  }
0xa1: {  	p1 =	sne.s32 s8, $0x3800;
	s8 =	sadd.s32 $0x10, s7;
	s9 =	sadd.s32 $0x1100, s10  }
0xa2: {  	[tilespmem:s9], [sflag:$0x1] =	stream.linear.gather [hbm4b:s8+s1], $0x80, $0x38;
	[tilespmem:$0x11080] =	vst v63  }
0xa3: {  	s8 =	sadd.s32 $0x20, s7;
	s9 =	sadd.s32 $0x2100, s10  }
0xa4: {  	[tilespmem:s9], [sflag:$0x1] =	stream.linear.gather [hbm4b:s8+s1], $0x80, $0x38;
	[tilespmem:$0x11080] =	vst v63  }
0xa5: {  	s8 =	sadd.s32 $0x30, s7;
	s9 =	sadd.s32 $0x3100, s10  }
0xa6: {  	[tilespmem:s9], [sflag:$0x1] =	stream.linear.gather [hbm4b:s8+s1], $0x80, $0x38;
	[tilespmem:$0x11080] =	vst v63  }
0xa7: {  	s8 =	sadd.s32 $0x40, s7;
	s9 =	sadd.s32 $0x4100, s10  }
0xa8: {  	[tilespmem:s9], [sflag:$0x1] =	stream.linear.gather [hbm4b:s8+s1], $0x80, $0x38;
	[tilespmem:$0x11080] =	vst v63  }
.Ltmp2:
0xa9: {  	s8 =	sadd.s32 $0x50, s7;
	s9 =	sadd.s32 $0x5100, s10;
	(pc) =	sbr.rel @p1 .LBB2_6-.Ltmp2, $4  }
0xaa: {  	[tilespmem:s9], [sflag:$0x1] =	stream.linear.gather [hbm4b:s8+s1], $0x80, $0x38;
	[tilespmem:$0x11080] =	vst v63  }
0xab: {  	s8 =	sadd.s32 $0x60, s7;
	s9 =	sadd.s32 $0x6100, s10;
	s10 =	sadd.s32 $0x7100, s10  }
0xac: {  	[tilespmem:s9], [sflag:$0x1] =	stream.linear.gather [hbm4b:s8+s1], $0x80, $0x38;
	[tilespmem:$0x11080] =	vst v63  }
0xad: {  	s9 =	sadd.s32 $0x70, s7;
	s7 =	sadd.s32 $0x80, s7;
	s8 =	smov.u32 s11  }
0xae: {  	[tilespmem:s10], [sflag:$0x1] =	stream.linear.gather [hbm4b:s9+s1], $0x80, $0x38;
	[tilespmem:$0x11080] =	vst v63  }
0xaf: {  	s8 =	sadd.s32 $0x100, s6  }
0xb0: {  	[tilespmem:s8], [sflag:$0x1] =	stream.linear.gather [hbm4b:s7+s1], $0x80, $0x38;
	[tilespmem:$0x11080] =	vst v63  }
0xb1: {  	s10 =	sadd.s32 $0x10, s7;
	s11 =	sadd.s32 $0x1100, s6  }
0xb2: {  	[tilespmem:s11], [sflag:$0x1] =	stream.linear.gather [hbm4b:s10+s1], $0x80, $0x38;
	[tilespmem:$0x11080] =	vst v63  }
0xb3: {  	s10 =	sadd.s32 $0x20, s7;
	s11 =	sadd.s32 $0x2100, s6  }
0xb4: {  	[tilespmem:s11], [sflag:$0x1] =	stream.linear.gather [hbm4b:s10+s1], $0x80, $0x38;
	[tilespmem:$0x11080] =	vst v63  }
0xb5: {  	s10 =	sadd.s32 $0x30, s7;
	s11 =	sadd.s32 $0x3100, s6  }
0xb6: {  	[tilespmem:s11], [sflag:$0x1] =	stream.linear.gather [hbm4b:s10+s1], $0x80, $0x38;
	[tilespmem:$0x11080] =	vst v63  }
0xb7: {  	s10 =	sadd.s32 $0x40, s7;
	s11 =	sadd.s32 $0x4100, s6  }
0xb8: {  	[tilespmem:s11], [sflag:$0x1] =	stream.linear.gather [hbm4b:s10+s1], $0x80, $0x38;
	[tilespmem:$0x11080] =	vst v63  }
0xb9: {  	s10 =	sadd.s32 $0x50, s7;
	s11 =	sadd.s32 $0x5100, s6  }
0xba: {  	[tilespmem:s11], [sflag:$0x1] =	stream.linear.gather [hbm4b:s10+s1], $0x80, $0x38;
	[tilespmem:$0x11080] =	vst v63  }
0xbb: {  	s10 =	sadd.s32 $0x60, s7;
	s11 =	sadd.s32 $0x6100, s6  }
0xbc: {  	[tilespmem:s11], [sflag:$0x1] =	stream.linear.gather [hbm4b:s10+s1], $0x80, $0x38;
	[tilespmem:$0x11080] =	vst v63  }
0xbd: {  	s9 =	sadd.s32 $0x7100, s6;
	s8 =	sadd.s32 $0x70, s7  }
0xbe: {  	[tilespmem:s9], [sflag:$0x1] =	stream.linear.gather [hbm4b:s8+s1], $0x80, $0x38;
	[tilespmem:$0x11080] =	vst v63  }
0xbf: {  	s10 =	simm.s32 $0x180;
	s11 =	rddreg [dreg:$0x8]  }
0xc0: {  	[tilespmem:s10], [sflag:$0x1] =	stream.linear.gather [hbm4b:s11+s1], $0x80, $0x38;
	[tilespmem:$0x11080] =	vst v63  }
0xc1: {  	s7 =	sadd.s32 $0x10, s11;
	s8 =	simm.s32 $0x1180  }
0xc2: {  	[tilespmem:s8], [sflag:$0x1] =	stream.linear.gather [hbm4b:s7+s1], $0x80, $0x38;
	[tilespmem:$0x11080] =	vst v63  }
0xc3: {  	s9 =	sadd.s32 $0x20, s11;
	s10 =	simm.s32 $0x2180  }
0xc4: {  	[tilespmem:s10], [sflag:$0x1] =	stream.linear.gather [hbm4b:s9+s1], $0x80, $0x38;
	[tilespmem:$0x11080] =	vst v63  }
0xc5: {  	s7 =	sadd.s32 $0x30, s11;
	s8 =	simm.s32 $0x3180  }
0xc6: {  	[tilespmem:s8], [sflag:$0x1] =	stream.linear.gather [hbm4b:s7+s1], $0x80, $0x38;
	[tilespmem:$0x11080] =	vst v63  }
0xc7: {  	s9 =	sadd.s32 $0x40, s11;
	s10 =	simm.s32 $0x4180  }
0xc8: {  	[tilespmem:s10], [sflag:$0x1] =	stream.linear.gather [hbm4b:s9+s1], $0x80, $0x38;
	[tilespmem:$0x11080] =	vst v63  }
0xc9: {  	s6 =	simm.s32 $0x200;
	s7 =	sadd.s32 $0x50, s11;
	s8 =	simm.s32 $0x5180  }
0xca: {  	[tilespmem:s8], [sflag:$0x1] =	stream.linear.gather [hbm4b:s7+s1], $0x80, $0x38;
	[tilespmem:$0x11080] =	vst v63  }
0xcb: {  	s9 =	sadd.s32 $0x60, s11;
	s10 =	simm.s32 $0x6180;
	s8 =	simm.s32 $0x1000  }
0xcc: {  	[tilespmem:s10], [sflag:$0x1] =	stream.linear.gather [hbm4b:s9+s1], $0x80, $0x38;
	[tilespmem:$0x11080] =	vst v63  }
0xcd: {  	s7 =	sadd.s32 $0x80, s11;
	s9 =	sadd.s32 $0x70, s11;
	s10 =	simm.s32 $0x7180  }
.LBB2_8:
0xce: {  	[tilespmem:s10], [sflag:$0x1] =	stream.linear.gather [hbm4b:s9+s1], $0x80, $0x38;
	[tilespmem:$0x11080] =	vst v63  }
0xcf: {  	s10 =	smov.u32 s6;
	s6 =	smov.u32 s8  }
0xd0: {  	s11 =	sadd.s32 $0x800, s8;
	s6 =	sshra.s32 s6, $0x2;
	s9 =	sadd.s32 $0x180, s10  }
0xd1: {  	[tilespmem:s9], [sflag:$0x1] =	stream.linear.gather [hbm4b:s7+s1], $0x80, $0x38;
	[tilespmem:$0x11080] =	vst v63  }
0xd2: {  	p1 =	sne.s32 s8, $0x3800;
	s8 =	sadd.s32 $0x10, s7;
	s9 =	sadd.s32 $0x1180, s10  }
0xd3: {  	[tilespmem:s9], [sflag:$0x1] =	stream.linear.gather [hbm4b:s8+s1], $0x80, $0x38;
	[tilespmem:$0x11080] =	vst v63  }
0xd4: {  	s8 =	sadd.s32 $0x20, s7;
	s9 =	sadd.s32 $0x2180, s10  }
0xd5: {  	[tilespmem:s9], [sflag:$0x1] =	stream.linear.gather [hbm4b:s8+s1], $0x80, $0x38;
	[tilespmem:$0x11080] =	vst v63  }
0xd6: {  	s8 =	sadd.s32 $0x30, s7;
	s9 =	sadd.s32 $0x3180, s10  }
0xd7: {  	[tilespmem:s9], [sflag:$0x1] =	stream.linear.gather [hbm4b:s8+s1], $0x80, $0x38;
	[tilespmem:$0x11080] =	vst v63  }
0xd8: {  	s8 =	sadd.s32 $0x40, s7;
	s9 =	sadd.s32 $0x4180, s10  }
0xd9: {  	[tilespmem:s9], [sflag:$0x1] =	stream.linear.gather [hbm4b:s8+s1], $0x80, $0x38;
	[tilespmem:$0x11080] =	vst v63  }
.Ltmp3:
0xda: {  	s8 =	sadd.s32 $0x50, s7;
	s9 =	sadd.s32 $0x5180, s10;
	(pc) =	sbr.rel @p1 .LBB2_8-.Ltmp3, $4  }
0xdb: {  	[tilespmem:s9], [sflag:$0x1] =	stream.linear.gather [hbm4b:s8+s1], $0x80, $0x38;
	[tilespmem:$0x11080] =	vst v63  }
0xdc: {  	s8 =	sadd.s32 $0x60, s7;
	s9 =	sadd.s32 $0x6180, s10;
	s10 =	sadd.s32 $0x7180, s10  }
0xdd: {  	[tilespmem:s9], [sflag:$0x1] =	stream.linear.gather [hbm4b:s8+s1], $0x80, $0x38;
	[tilespmem:$0x11080] =	vst v63  }
0xde: {  	s9 =	sadd.s32 $0x70, s7;
	s7 =	sadd.s32 $0x80, s7;
	s8 =	smov.u32 s11  }
0xdf: {  	[tilespmem:s10], [sflag:$0x1] =	stream.linear.gather [hbm4b:s9+s1], $0x80, $0x38;
	[tilespmem:$0x11080] =	vst v63  }
0xe0: {  	s8 =	sadd.s32 $0x180, s6  }
0xe1: {  	[tilespmem:s8], [sflag:$0x1] =	stream.linear.gather [hbm4b:s7+s1], $0x80, $0x38;
	[tilespmem:$0x11080] =	vst v63  }
0xe2: {  	s10 =	sadd.s32 $0x10, s7;
	s11 =	sadd.s32 $0x1180, s6  }
0xe3: {  	[tilespmem:s11], [sflag:$0x1] =	stream.linear.gather [hbm4b:s10+s1], $0x80, $0x38;
	[tilespmem:$0x11080] =	vst v63  }
0xe4: {  	s10 =	sadd.s32 $0x20, s7;
	s11 =	sadd.s32 $0x2180, s6  }
0xe5: {  	[tilespmem:s11], [sflag:$0x1] =	stream.linear.gather [hbm4b:s10+s1], $0x80, $0x38;
	[tilespmem:$0x11080] =	vst v63  }
0xe6: {  	s10 =	sadd.s32 $0x30, s7;
	s11 =	sadd.s32 $0x3180, s6  }
0xe7: {  	[tilespmem:s11], [sflag:$0x1] =	stream.linear.gather [hbm4b:s10+s1], $0x80, $0x38;
	[tilespmem:$0x11080] =	vst v63  }
0xe8: {  	s10 =	sadd.s32 $0x40, s7;
	s11 =	sadd.s32 $0x4180, s6  }
0xe9: {  	[tilespmem:s11], [sflag:$0x1] =	stream.linear.gather [hbm4b:s10+s1], $0x80, $0x38;
	[tilespmem:$0x11080] =	vst v63  }
0xea: {  	s10 =	sadd.s32 $0x50, s7;
	s11 =	sadd.s32 $0x5180, s6  }
0xeb: {  	[tilespmem:s11], [sflag:$0x1] =	stream.linear.gather [hbm4b:s10+s1], $0x80, $0x38;
	[tilespmem:$0x11080] =	vst v63  }
0xec: {  	s10 =	sadd.s32 $0x60, s7;
	s11 =	sadd.s32 $0x6180, s6  }
0xed: {  	[tilespmem:s11], [sflag:$0x1] =	stream.linear.gather [hbm4b:s10+s1], $0x80, $0x38;
	[tilespmem:$0x11080] =	vst v63  }
0xee: {  	s9 =	sadd.s32 $0x7180, s6;
	s8 =	sadd.s32 $0x70, s7  }
0xef: {  	[tilespmem:s9], [sflag:$0x1] =	stream.linear.gather [hbm4b:s8+s1], $0x80, $0x38;
	[tilespmem:$0x11080] =	vst v63  }
0xf0: {  	s10 =	simm.s32 $0x8000;
	s11 =	rddreg [dreg:$0x9]  }
0xf1: {  	[tilespmem:s10], [sflag:$0x2] =	stream.linear.gather [hbm4b:s11+s1], $0x80, $0x38;
	[tilespmem:$0x11080] =	vst v63  }
0xf2: {  	s7 =	sadd.s32 $0x10, s11;
	s8 =	simm.s32 $0x9000  }
0xf3: {  	[tilespmem:s8], [sflag:$0x2] =	stream.linear.gather [hbm4b:s7+s1], $0x80, $0x38;
	[tilespmem:$0x11080] =	vst v63  }
0xf4: {  	s9 =	sadd.s32 $0x20, s11;
	s10 =	simm.s32 $0xA000  }
0xf5: {  	[tilespmem:s10], [sflag:$0x2] =	stream.linear.gather [hbm4b:s9+s1], $0x80, $0x38;
	[tilespmem:$0x11080] =	vst v63  }
0xf6: {  	s7 =	sadd.s32 $0x30, s11;
	s8 =	simm.s32 $0xB000  }
0xf7: {  	[tilespmem:s8], [sflag:$0x2] =	stream.linear.gather [hbm4b:s7+s1], $0x80, $0x38;
	[tilespmem:$0x11080] =	vst v63  }
0xf8: {  	s9 =	sadd.s32 $0x40, s11;
	s10 =	simm.s32 $0xC000  }
0xf9: {  	[tilespmem:s10], [sflag:$0x2] =	stream.linear.gather [hbm4b:s9+s1], $0x80, $0x38;
	[tilespmem:$0x11080] =	vst v63  }
0xfa: {  	s6 =	simm.s32 $0x200;
	s7 =	sadd.s32 $0x50, s11;
	s8 =	simm.s32 $0xD000  }
0xfb: {  	[tilespmem:s8], [sflag:$0x2] =	stream.linear.gather [hbm4b:s7+s1], $0x80, $0x38;
	[tilespmem:$0x11080] =	vst v63  }
0xfc: {  	s9 =	sadd.s32 $0x60, s11;
	s10 =	simm.s32 $0xE000;
	s8 =	simm.s32 $0x1000  }
0xfd: {  	[tilespmem:s10], [sflag:$0x2] =	stream.linear.gather [hbm4b:s9+s1], $0x80, $0x38;
	[tilespmem:$0x11080] =	vst v63  }
0xfe: {  	s7 =	sadd.s32 $0x80, s11;
	s9 =	sadd.s32 $0x70, s11;
	s10 =	simm.s32 $0xF000  }
.LBB2_10:
0xff: {  	[tilespmem:s10], [sflag:$0x2] =	stream.linear.gather [hbm4b:s9+s1], $0x80, $0x38;
	[tilespmem:$0x11080] =	vst v63  }
0x100: {  	s10 =	smov.u32 s6;
	s6 =	smov.u32 s8  }
0x101: {  	s11 =	sadd.s32 $0x800, s8;
	s6 =	sshra.s32 s6, $0x2;
	s9 =	sadd.s32 $0x8000, s10  }
0x102: {  	[tilespmem:s9], [sflag:$0x2] =	stream.linear.gather [hbm4b:s7+s1], $0x80, $0x38;
	[tilespmem:$0x11080] =	vst v63  }
0x103: {  	p1 =	sne.s32 s8, $0x3800;
	s8 =	sadd.s32 $0x10, s7;
	s9 =	sadd.s32 $0x9000, s10  }
0x104: {  	[tilespmem:s9], [sflag:$0x2] =	stream.linear.gather [hbm4b:s8+s1], $0x80, $0x38;
	[tilespmem:$0x11080] =	vst v63  }
0x105: {  	s8 =	sadd.s32 $0x20, s7;
	s9 =	sadd.s32 $0xA000, s10  }
0x106: {  	[tilespmem:s9], [sflag:$0x2] =	stream.linear.gather [hbm4b:s8+s1], $0x80, $0x38;
	[tilespmem:$0x11080] =	vst v63  }
0x107: {  	s8 =	sadd.s32 $0x30, s7;
	s9 =	sadd.s32 $0xB000, s10  }
0x108: {  	[tilespmem:s9], [sflag:$0x2] =	stream.linear.gather [hbm4b:s8+s1], $0x80, $0x38;
	[tilespmem:$0x11080] =	vst v63  }
0x109: {  	s8 =	sadd.s32 $0x40, s7;
	s9 =	sadd.s32 $0xC000, s10  }
0x10a: {  	[tilespmem:s9], [sflag:$0x2] =	stream.linear.gather [hbm4b:s8+s1], $0x80, $0x38;
	[tilespmem:$0x11080] =	vst v63  }
.Ltmp4:
0x10b: {  	s8 =	sadd.s32 $0x50, s7;
	s9 =	sadd.s32 $0xD000, s10;
	(pc) =	sbr.rel @p1 .LBB2_10-.Ltmp4, $4  }
0x10c: {  	[tilespmem:s9], [sflag:$0x2] =	stream.linear.gather [hbm4b:s8+s1], $0x80, $0x38;
	[tilespmem:$0x11080] =	vst v63  }
0x10d: {  	s8 =	sadd.s32 $0x60, s7;
	s9 =	sadd.s32 $0xE000, s10;
	s10 =	sadd.s32 $0xF000, s10  }
0x10e: {  	[tilespmem:s9], [sflag:$0x2] =	stream.linear.gather [hbm4b:s8+s1], $0x80, $0x38;
	[tilespmem:$0x11080] =	vst v63  }
0x10f: {  	s9 =	sadd.s32 $0x70, s7;
	s7 =	sadd.s32 $0x80, s7;
	s8 =	smov.u32 s11  }
0x110: {  	[tilespmem:s10], [sflag:$0x2] =	stream.linear.gather [hbm4b:s9+s1], $0x80, $0x38;
	[tilespmem:$0x11080] =	vst v63  }
0x111: {  	s8 =	sadd.s32 $0x8000, s6  }
0x112: {  	[tilespmem:s8], [sflag:$0x2] =	stream.linear.gather [hbm4b:s7+s1], $0x80, $0x38;
	[tilespmem:$0x11080] =	vst v63  }
0x113: {  	s10 =	sadd.s32 $0x10, s7;
	s11 =	sadd.s32 $0x9000, s6  }
0x114: {  	[tilespmem:s11], [sflag:$0x2] =	stream.linear.gather [hbm4b:s10+s1], $0x80, $0x38;
	[tilespmem:$0x11080] =	vst v63  }
0x115: {  	s10 =	sadd.s32 $0x20, s7;
	s11 =	sadd.s32 $0xA000, s6  }
0x116: {  	[tilespmem:s11], [sflag:$0x2] =	stream.linear.gather [hbm4b:s10+s1], $0x80, $0x38;
	[tilespmem:$0x11080] =	vst v63  }
0x117: {  	s10 =	sadd.s32 $0x30, s7;
	s11 =	sadd.s32 $0xB000, s6  }
0x118: {  	[tilespmem:s11], [sflag:$0x2] =	stream.linear.gather [hbm4b:s10+s1], $0x80, $0x38;
	[tilespmem:$0x11080] =	vst v63  }
0x119: {  	s10 =	sadd.s32 $0x40, s7;
	s11 =	sadd.s32 $0xC000, s6  }
0x11a: {  	[tilespmem:s11], [sflag:$0x2] =	stream.linear.gather [hbm4b:s10+s1], $0x80, $0x38;
	[tilespmem:$0x11080] =	vst v63  }
0x11b: {  	s10 =	sadd.s32 $0x50, s7;
	s11 =	sadd.s32 $0xD000, s6  }
0x11c: {  	[tilespmem:s11], [sflag:$0x2] =	stream.linear.gather [hbm4b:s10+s1], $0x80, $0x38;
	[tilespmem:$0x11080] =	vst v63  }
0x11d: {  	s10 =	sadd.s32 $0x60, s7;
	s11 =	sadd.s32 $0xE000, s6  }
0x11e: {  	[tilespmem:s11], [sflag:$0x2] =	stream.linear.gather [hbm4b:s10+s1], $0x80, $0x38;
	[tilespmem:$0x11080] =	vst v63  }
0x11f: {  	s9 =	sadd.s32 $0xF000, s6;
	s8 =	sadd.s32 $0x70, s7  }
0x120: {  	[tilespmem:s9], [sflag:$0x2] =	stream.linear.gather [hbm4b:s8+s1], $0x80, $0x38;
	[tilespmem:$0x11080] =	vst v63  }
0x121: {  	s10 =	simm.s32 $0x8080;
	s11 =	rddreg [dreg:$0xa]  }
0x122: {  	[tilespmem:s10], [sflag:$0x2] =	stream.linear.gather [hbm4b:s11+s1], $0x80, $0x38;
	[tilespmem:$0x11080] =	vst v63  }
0x123: {  	s7 =	sadd.s32 $0x10, s11;
	s8 =	simm.s32 $0x9080  }
0x124: {  	[tilespmem:s8], [sflag:$0x2] =	stream.linear.gather [hbm4b:s7+s1], $0x80, $0x38;
	[tilespmem:$0x11080] =	vst v63  }
0x125: {  	s9 =	sadd.s32 $0x20, s11;
	s10 =	simm.s32 $0xA080  }
0x126: {  	[tilespmem:s10], [sflag:$0x2] =	stream.linear.gather [hbm4b:s9+s1], $0x80, $0x38;
	[tilespmem:$0x11080] =	vst v63  }
0x127: {  	s7 =	sadd.s32 $0x30, s11;
	s8 =	simm.s32 $0xB080  }
0x128: {  	[tilespmem:s8], [sflag:$0x2] =	stream.linear.gather [hbm4b:s7+s1], $0x80, $0x38;
	[tilespmem:$0x11080] =	vst v63  }
0x129: {  	s9 =	sadd.s32 $0x40, s11;
	s10 =	simm.s32 $0xC080  }
0x12a: {  	[tilespmem:s10], [sflag:$0x2] =	stream.linear.gather [hbm4b:s9+s1], $0x80, $0x38;
	[tilespmem:$0x11080] =	vst v63  }
0x12b: {  	s6 =	simm.s32 $0x200;
	s7 =	sadd.s32 $0x50, s11;
	s8 =	simm.s32 $0xD080  }
0x12c: {  	[tilespmem:s8], [sflag:$0x2] =	stream.linear.gather [hbm4b:s7+s1], $0x80, $0x38;
	[tilespmem:$0x11080] =	vst v63  }
0x12d: {  	s9 =	sadd.s32 $0x60, s11;
	s10 =	simm.s32 $0xE080;
	s8 =	simm.s32 $0x1000  }
0x12e: {  	[tilespmem:s10], [sflag:$0x2] =	stream.linear.gather [hbm4b:s9+s1], $0x80, $0x38;
	[tilespmem:$0x11080] =	vst v63  }
0x12f: {  	s7 =	sadd.s32 $0x80, s11;
	s9 =	sadd.s32 $0x70, s11;
	s10 =	simm.s32 $0xF080  }
.LBB2_12:
0x130: {  	[tilespmem:s10], [sflag:$0x2] =	stream.linear.gather [hbm4b:s9+s1], $0x80, $0x38;
	[tilespmem:$0x11080] =	vst v63  }
0x131: {  	s10 =	smov.u32 s6;
	s6 =	smov.u32 s8  }
0x132: {  	s11 =	sadd.s32 $0x800, s8;
	s6 =	sshra.s32 s6, $0x2;
	s9 =	sadd.s32 $0x8080, s10  }
0x133: {  	[tilespmem:s9], [sflag:$0x2] =	stream.linear.gather [hbm4b:s7+s1], $0x80, $0x38;
	[tilespmem:$0x11080] =	vst v63  }
0x134: {  	p1 =	sne.s32 s8, $0x3800;
	s8 =	sadd.s32 $0x10, s7;
	s9 =	sadd.s32 $0x9080, s10  }
0x135: {  	[tilespmem:s9], [sflag:$0x2] =	stream.linear.gather [hbm4b:s8+s1], $0x80, $0x38;
	[tilespmem:$0x11080] =	vst v63  }
0x136: {  	s8 =	sadd.s32 $0x20, s7;
	s9 =	sadd.s32 $0xA080, s10  }
0x137: {  	[tilespmem:s9], [sflag:$0x2] =	stream.linear.gather [hbm4b:s8+s1], $0x80, $0x38;
	[tilespmem:$0x11080] =	vst v63  }
0x138: {  	s8 =	sadd.s32 $0x30, s7;
	s9 =	sadd.s32 $0xB080, s10  }
0x139: {  	[tilespmem:s9], [sflag:$0x2] =	stream.linear.gather [hbm4b:s8+s1], $0x80, $0x38;
	[tilespmem:$0x11080] =	vst v63  }
0x13a: {  	s8 =	sadd.s32 $0x40, s7;
	s9 =	sadd.s32 $0xC080, s10  }
0x13b: {  	[tilespmem:s9], [sflag:$0x2] =	stream.linear.gather [hbm4b:s8+s1], $0x80, $0x38;
	[tilespmem:$0x11080] =	vst v63  }
.Ltmp5:
0x13c: {  	s8 =	sadd.s32 $0x50, s7;
	s9 =	sadd.s32 $0xD080, s10;
	(pc) =	sbr.rel @p1 .LBB2_12-.Ltmp5, $4  }
0x13d: {  	[tilespmem:s9], [sflag:$0x2] =	stream.linear.gather [hbm4b:s8+s1], $0x80, $0x38;
	[tilespmem:$0x11080] =	vst v63  }
0x13e: {  	s8 =	sadd.s32 $0x60, s7;
	s9 =	sadd.s32 $0xE080, s10;
	s10 =	sadd.s32 $0xF080, s10  }
0x13f: {  	[tilespmem:s9], [sflag:$0x2] =	stream.linear.gather [hbm4b:s8+s1], $0x80, $0x38;
	[tilespmem:$0x11080] =	vst v63  }
0x140: {  	s9 =	sadd.s32 $0x70, s7;
	s7 =	sadd.s32 $0x80, s7;
	s8 =	smov.u32 s11  }
0x141: {  	[tilespmem:s10], [sflag:$0x2] =	stream.linear.gather [hbm4b:s9+s1], $0x80, $0x38;
	[tilespmem:$0x11080] =	vst v63  }
0x142: {  	s8 =	sadd.s32 $0x8080, s6  }
0x143: {  	[tilespmem:s8], [sflag:$0x2] =	stream.linear.gather [hbm4b:s7+s1], $0x80, $0x38;
	[tilespmem:$0x11080] =	vst v63  }
0x144: {  	s10 =	sadd.s32 $0x10, s7;
	s11 =	sadd.s32 $0x9080, s6  }
0x145: {  	[tilespmem:s11], [sflag:$0x2] =	stream.linear.gather [hbm4b:s10+s1], $0x80, $0x38;
	[tilespmem:$0x11080] =	vst v63  }
0x146: {  	s10 =	sadd.s32 $0x20, s7;
	s11 =	sadd.s32 $0xA080, s6  }
0x147: {  	[tilespmem:s11], [sflag:$0x2] =	stream.linear.gather [hbm4b:s10+s1], $0x80, $0x38;
	[tilespmem:$0x11080] =	vst v63  }
0x148: {  	s10 =	sadd.s32 $0x30, s7;
	s11 =	sadd.s32 $0xB080, s6  }
0x149: {  	[tilespmem:s11], [sflag:$0x2] =	stream.linear.gather [hbm4b:s10+s1], $0x80, $0x38;
	[tilespmem:$0x11080] =	vst v63  }
0x14a: {  	s10 =	sadd.s32 $0x40, s7;
	s11 =	sadd.s32 $0xC080, s6  }
0x14b: {  	[tilespmem:s11], [sflag:$0x2] =	stream.linear.gather [hbm4b:s10+s1], $0x80, $0x38;
	[tilespmem:$0x11080] =	vst v63  }
0x14c: {  	s10 =	sadd.s32 $0x50, s7;
	s11 =	sadd.s32 $0xD080, s6  }
0x14d: {  	[tilespmem:s11], [sflag:$0x2] =	stream.linear.gather [hbm4b:s10+s1], $0x80, $0x38;
	[tilespmem:$0x11080] =	vst v63  }
0x14e: {  	s10 =	sadd.s32 $0x60, s7;
	s11 =	sadd.s32 $0xE080, s6  }
0x14f: {  	[tilespmem:s11], [sflag:$0x2] =	stream.linear.gather [hbm4b:s10+s1], $0x80, $0x38;
	[tilespmem:$0x11080] =	vst v63  }
0x150: {  	s9 =	sadd.s32 $0xF080, s6;
	s8 =	sadd.s32 $0x70, s7  }
0x151: {  	[tilespmem:s9], [sflag:$0x2] =	stream.linear.gather [hbm4b:s8+s1], $0x80, $0x38;
	[tilespmem:$0x11080] =	vst v63  }
0x152: {  	s10 =	simm.s32 $0x8100;
	s11 =	rddreg [dreg:$0xb]  }
0x153: {  	[tilespmem:s10], [sflag:$0x2] =	stream.linear.gather [hbm4b:s11+s1], $0x80, $0x38;
	[tilespmem:$0x11080] =	vst v63  }
0x154: {  	s7 =	sadd.s32 $0x10, s11;
	s8 =	simm.s32 $0x9100  }
0x155: {  	[tilespmem:s8], [sflag:$0x2] =	stream.linear.gather [hbm4b:s7+s1], $0x80, $0x38;
	[tilespmem:$0x11080] =	vst v63  }
0x156: {  	s9 =	sadd.s32 $0x20, s11;
	s10 =	simm.s32 $0xA100  }
0x157: {  	[tilespmem:s10], [sflag:$0x2] =	stream.linear.gather [hbm4b:s9+s1], $0x80, $0x38;
	[tilespmem:$0x11080] =	vst v63  }
0x158: {  	s7 =	sadd.s32 $0x30, s11;
	s8 =	simm.s32 $0xB100  }
0x159: {  	[tilespmem:s8], [sflag:$0x2] =	stream.linear.gather [hbm4b:s7+s1], $0x80, $0x38;
	[tilespmem:$0x11080] =	vst v63  }
0x15a: {  	s9 =	sadd.s32 $0x40, s11;
	s10 =	simm.s32 $0xC100  }
0x15b: {  	[tilespmem:s10], [sflag:$0x2] =	stream.linear.gather [hbm4b:s9+s1], $0x80, $0x38;
	[tilespmem:$0x11080] =	vst v63  }
0x15c: {  	s6 =	simm.s32 $0x200;
	s7 =	sadd.s32 $0x50, s11;
	s8 =	simm.s32 $0xD100  }
0x15d: {  	[tilespmem:s8], [sflag:$0x2] =	stream.linear.gather [hbm4b:s7+s1], $0x80, $0x38;
	[tilespmem:$0x11080] =	vst v63  }
0x15e: {  	s9 =	sadd.s32 $0x60, s11;
	s10 =	simm.s32 $0xE100;
	s8 =	simm.s32 $0x1000  }
0x15f: {  	[tilespmem:s10], [sflag:$0x2] =	stream.linear.gather [hbm4b:s9+s1], $0x80, $0x38;
	[tilespmem:$0x11080] =	vst v63  }
0x160: {  	s7 =	sadd.s32 $0x80, s11;
	s9 =	sadd.s32 $0x70, s11;
	s10 =	simm.s32 $0xF100  }
.LBB2_14:
0x161: {  	[tilespmem:s10], [sflag:$0x2] =	stream.linear.gather [hbm4b:s9+s1], $0x80, $0x38;
	[tilespmem:$0x11080] =	vst v63  }
0x162: {  	s10 =	smov.u32 s6;
	s6 =	smov.u32 s8  }
0x163: {  	s11 =	sadd.s32 $0x800, s8;
	s6 =	sshra.s32 s6, $0x2;
	s9 =	sadd.s32 $0x8100, s10  }
0x164: {  	[tilespmem:s9], [sflag:$0x2] =	stream.linear.gather [hbm4b:s7+s1], $0x80, $0x38;
	[tilespmem:$0x11080] =	vst v63  }
0x165: {  	p1 =	sne.s32 s8, $0x3800;
	s8 =	sadd.s32 $0x10, s7;
	s9 =	sadd.s32 $0x9100, s10  }
0x166: {  	[tilespmem:s9], [sflag:$0x2] =	stream.linear.gather [hbm4b:s8+s1], $0x80, $0x38;
	[tilespmem:$0x11080] =	vst v63  }
0x167: {  	s8 =	sadd.s32 $0x20, s7;
	s9 =	sadd.s32 $0xA100, s10  }
0x168: {  	[tilespmem:s9], [sflag:$0x2] =	stream.linear.gather [hbm4b:s8+s1], $0x80, $0x38;
	[tilespmem:$0x11080] =	vst v63  }
0x169: {  	s8 =	sadd.s32 $0x30, s7;
	s9 =	sadd.s32 $0xB100, s10  }
0x16a: {  	[tilespmem:s9], [sflag:$0x2] =	stream.linear.gather [hbm4b:s8+s1], $0x80, $0x38;
	[tilespmem:$0x11080] =	vst v63  }
0x16b: {  	s8 =	sadd.s32 $0x40, s7;
	s9 =	sadd.s32 $0xC100, s10  }
0x16c: {  	[tilespmem:s9], [sflag:$0x2] =	stream.linear.gather [hbm4b:s8+s1], $0x80, $0x38;
	[tilespmem:$0x11080] =	vst v63  }
.Ltmp6:
0x16d: {  	s8 =	sadd.s32 $0x50, s7;
	s9 =	sadd.s32 $0xD100, s10;
	(pc) =	sbr.rel @p1 .LBB2_14-.Ltmp6, $4  }
0x16e: {  	[tilespmem:s9], [sflag:$0x2] =	stream.linear.gather [hbm4b:s8+s1], $0x80, $0x38;
	[tilespmem:$0x11080] =	vst v63  }
0x16f: {  	s8 =	sadd.s32 $0x60, s7;
	s9 =	sadd.s32 $0xE100, s10;
	s10 =	sadd.s32 $0xF100, s10  }
0x170: {  	[tilespmem:s9], [sflag:$0x2] =	stream.linear.gather [hbm4b:s8+s1], $0x80, $0x38;
	[tilespmem:$0x11080] =	vst v63  }
0x171: {  	s9 =	sadd.s32 $0x70, s7;
	s7 =	sadd.s32 $0x80, s7;
	s8 =	smov.u32 s11  }
0x172: {  	[tilespmem:s10], [sflag:$0x2] =	stream.linear.gather [hbm4b:s9+s1], $0x80, $0x38;
	[tilespmem:$0x11080] =	vst v63  }
0x173: {  	s8 =	sadd.s32 $0x8100, s6  }
0x174: {  	[tilespmem:s8], [sflag:$0x2] =	stream.linear.gather [hbm4b:s7+s1], $0x80, $0x38;
	[tilespmem:$0x11080] =	vst v63  }
0x175: {  	s10 =	sadd.s32 $0x10, s7;
	s11 =	sadd.s32 $0x9100, s6  }
0x176: {  	[tilespmem:s11], [sflag:$0x2] =	stream.linear.gather [hbm4b:s10+s1], $0x80, $0x38;
	[tilespmem:$0x11080] =	vst v63  }
0x177: {  	s10 =	sadd.s32 $0x20, s7;
	s11 =	sadd.s32 $0xA100, s6  }
0x178: {  	[tilespmem:s11], [sflag:$0x2] =	stream.linear.gather [hbm4b:s10+s1], $0x80, $0x38;
	[tilespmem:$0x11080] =	vst v63  }
0x179: {  	s10 =	sadd.s32 $0x30, s7;
	s11 =	sadd.s32 $0xB100, s6  }
0x17a: {  	[tilespmem:s11], [sflag:$0x2] =	stream.linear.gather [hbm4b:s10+s1], $0x80, $0x38;
	[tilespmem:$0x11080] =	vst v63  }
0x17b: {  	s10 =	sadd.s32 $0x40, s7;
	s11 =	sadd.s32 $0xC100, s6  }
0x17c: {  	[tilespmem:s11], [sflag:$0x2] =	stream.linear.gather [hbm4b:s10+s1], $0x80, $0x38;
	[tilespmem:$0x11080] =	vst v63  }
0x17d: {  	s10 =	sadd.s32 $0x50, s7;
	s11 =	sadd.s32 $0xD100, s6  }
0x17e: {  	[tilespmem:s11], [sflag:$0x2] =	stream.linear.gather [hbm4b:s10+s1], $0x80, $0x38;
	[tilespmem:$0x11080] =	vst v63  }
0x17f: {  	s10 =	sadd.s32 $0x60, s7;
	s11 =	sadd.s32 $0xE100, s6  }
0x180: {  	[tilespmem:s11], [sflag:$0x2] =	stream.linear.gather [hbm4b:s10+s1], $0x80, $0x38;
	[tilespmem:$0x11080] =	vst v63  }
0x181: {  	s9 =	sadd.s32 $0xF100, s6;
	s8 =	sadd.s32 $0x70, s7  }
0x182: {  	[tilespmem:s9], [sflag:$0x2] =	stream.linear.gather [hbm4b:s8+s1], $0x80, $0x38;
	[tilespmem:$0x11080] =	vst v63  }
0x183: {  	s10 =	simm.s32 $0x8180;
	s11 =	rddreg [dreg:$0xc]  }
0x184: {  	[tilespmem:s10], [sflag:$0x2] =	stream.linear.gather [hbm4b:s11+s1], $0x80, $0x38;
	[tilespmem:$0x11080] =	vst v63  }
0x185: {  	s7 =	sadd.s32 $0x10, s11;
	s8 =	simm.s32 $0x9180  }
0x186: {  	[tilespmem:s8], [sflag:$0x2] =	stream.linear.gather [hbm4b:s7+s1], $0x80, $0x38;
	[tilespmem:$0x11080] =	vst v63  }
0x187: {  	s9 =	sadd.s32 $0x20, s11;
	s10 =	simm.s32 $0xA180  }
0x188: {  	[tilespmem:s10], [sflag:$0x2] =	stream.linear.gather [hbm4b:s9+s1], $0x80, $0x38;
	[tilespmem:$0x11080] =	vst v63  }
0x189: {  	s7 =	sadd.s32 $0x30, s11;
	s8 =	simm.s32 $0xB180  }
0x18a: {  	[tilespmem:s8], [sflag:$0x2] =	stream.linear.gather [hbm4b:s7+s1], $0x80, $0x38;
	[tilespmem:$0x11080] =	vst v63  }
0x18b: {  	s9 =	sadd.s32 $0x40, s11;
	s10 =	simm.s32 $0xC180  }
0x18c: {  	[tilespmem:s10], [sflag:$0x2] =	stream.linear.gather [hbm4b:s9+s1], $0x80, $0x38;
	[tilespmem:$0x11080] =	vst v63  }
0x18d: {  	s6 =	simm.s32 $0x200;
	s7 =	sadd.s32 $0x50, s11;
	s8 =	simm.s32 $0xD180  }
0x18e: {  	[tilespmem:s8], [sflag:$0x2] =	stream.linear.gather [hbm4b:s7+s1], $0x80, $0x38;
	[tilespmem:$0x11080] =	vst v63  }
0x18f: {  	s9 =	sadd.s32 $0x60, s11;
	s10 =	simm.s32 $0xE180;
	s8 =	simm.s32 $0x1000  }
0x190: {  	[tilespmem:s10], [sflag:$0x2] =	stream.linear.gather [hbm4b:s9+s1], $0x80, $0x38;
	[tilespmem:$0x11080] =	vst v63  }
0x191: {  	s7 =	sadd.s32 $0x80, s11;
	s9 =	sadd.s32 $0x70, s11;
	s10 =	simm.s32 $0xF180  }
.LBB2_16:
0x192: {  	[tilespmem:s10], [sflag:$0x2] =	stream.linear.gather [hbm4b:s9+s1], $0x80, $0x38;
	[tilespmem:$0x11080] =	vst v63  }
0x193: {  	s10 =	smov.u32 s6;
	s6 =	smov.u32 s8  }
0x194: {  	s11 =	sadd.s32 $0x800, s8;
	s6 =	sshra.s32 s6, $0x2;
	s9 =	sadd.s32 $0x8180, s10  }
0x195: {  	[tilespmem:s9], [sflag:$0x2] =	stream.linear.gather [hbm4b:s7+s1], $0x80, $0x38;
	[tilespmem:$0x11080] =	vst v63  }
0x196: {  	p1 =	sne.s32 s8, $0x3800;
	s8 =	sadd.s32 $0x10, s7;
	s9 =	sadd.s32 $0x9180, s10  }
0x197: {  	[tilespmem:s9], [sflag:$0x2] =	stream.linear.gather [hbm4b:s8+s1], $0x80, $0x38;
	[tilespmem:$0x11080] =	vst v63  }
0x198: {  	s8 =	sadd.s32 $0x20, s7;
	s9 =	sadd.s32 $0xA180, s10  }
0x199: {  	[tilespmem:s9], [sflag:$0x2] =	stream.linear.gather [hbm4b:s8+s1], $0x80, $0x38;
	[tilespmem:$0x11080] =	vst v63  }
0x19a: {  	s8 =	sadd.s32 $0x30, s7;
	s9 =	sadd.s32 $0xB180, s10  }
0x19b: {  	[tilespmem:s9], [sflag:$0x2] =	stream.linear.gather [hbm4b:s8+s1], $0x80, $0x38;
	[tilespmem:$0x11080] =	vst v63  }
0x19c: {  	s8 =	sadd.s32 $0x40, s7;
	s9 =	sadd.s32 $0xC180, s10  }
0x19d: {  	[tilespmem:s9], [sflag:$0x2] =	stream.linear.gather [hbm4b:s8+s1], $0x80, $0x38;
	[tilespmem:$0x11080] =	vst v63  }
.Ltmp7:
0x19e: {  	s8 =	sadd.s32 $0x50, s7;
	s9 =	sadd.s32 $0xD180, s10;
	(pc) =	sbr.rel @p1 .LBB2_16-.Ltmp7, $4  }
0x19f: {  	[tilespmem:s9], [sflag:$0x2] =	stream.linear.gather [hbm4b:s8+s1], $0x80, $0x38;
	[tilespmem:$0x11080] =	vst v63  }
0x1a0: {  	s8 =	sadd.s32 $0x60, s7;
	s9 =	sadd.s32 $0xE180, s10;
	s10 =	sadd.s32 $0xF180, s10  }
0x1a1: {  	[tilespmem:s9], [sflag:$0x2] =	stream.linear.gather [hbm4b:s8+s1], $0x80, $0x38;
	[tilespmem:$0x11080] =	vst v63  }
0x1a2: {  	s9 =	sadd.s32 $0x70, s7;
	s7 =	sadd.s32 $0x80, s7;
	s8 =	smov.u32 s11  }
0x1a3: {  	[tilespmem:s10], [sflag:$0x2] =	stream.linear.gather [hbm4b:s9+s1], $0x80, $0x38;
	[tilespmem:$0x11080] =	vst v63  }
0x1a4: {  	s8 =	sadd.s32 $0x8180, s6  }
0x1a5: {  	[tilespmem:s8], [sflag:$0x2] =	stream.linear.gather [hbm4b:s7+s1], $0x80, $0x38;
	[tilespmem:$0x11080] =	vst v63  }
0x1a6: {  	s10 =	sadd.s32 $0x10, s7;
	s11 =	sadd.s32 $0x9180, s6  }
0x1a7: {  	[tilespmem:s11], [sflag:$0x2] =	stream.linear.gather [hbm4b:s10+s1], $0x80, $0x38;
	[tilespmem:$0x11080] =	vst v63  }
0x1a8: {  	s10 =	sadd.s32 $0x20, s7;
	s11 =	sadd.s32 $0xA180, s6  }
0x1a9: {  	[tilespmem:s11], [sflag:$0x2] =	stream.linear.gather [hbm4b:s10+s1], $0x80, $0x38;
	[tilespmem:$0x11080] =	vst v63  }
0x1aa: {  	s10 =	sadd.s32 $0x30, s7;
	s11 =	sadd.s32 $0xB180, s6  }
0x1ab: {  	[tilespmem:s11], [sflag:$0x2] =	stream.linear.gather [hbm4b:s10+s1], $0x80, $0x38;
	[tilespmem:$0x11080] =	vst v63  }
0x1ac: {  	s10 =	sadd.s32 $0x40, s7;
	s11 =	sadd.s32 $0xC180, s6  }
0x1ad: {  	[tilespmem:s11], [sflag:$0x2] =	stream.linear.gather [hbm4b:s10+s1], $0x80, $0x38;
	[tilespmem:$0x11080] =	vst v63  }
0x1ae: {  	s10 =	sadd.s32 $0x50, s7;
	s11 =	sadd.s32 $0xD180, s6  }
0x1af: {  	[tilespmem:s11], [sflag:$0x2] =	stream.linear.gather [hbm4b:s10+s1], $0x80, $0x38;
	[tilespmem:$0x11080] =	vst v63  }
0x1b0: {  	s10 =	sadd.s32 $0x60, s7;
	s11 =	sadd.s32 $0xE180, s6  }
0x1b1: {  	[tilespmem:s11], [sflag:$0x2] =	stream.linear.gather [hbm4b:s10+s1], $0x80, $0x38;
	[tilespmem:$0x11080] =	vst v63  }
0x1b2: {  	s10 =	sadd.s32 $0x70, s7;
	s11 =	sadd.s32 $0xF180, s6  }
0x1b3: {  	[tilespmem:s11], [sflag:$0x2] =	stream.linear.gather [hbm4b:s10+s1], $0x80, $0x38;
	[tilespmem:$0x11080] =	vst v63  }
0x1b4: {  	_ =	swait.ge [sflag:s4], $0x2000  }
0x1b5: {  	[sflag:s4] =	ssyncset.done $0x0  }
0x1b6: {  	[sflag:s4] =	ssyncadd.s32 $0xFFFFE000  }
0x1b7: {  	_ =	swait.ge [sflag:s4], $0x2000  }
0x1b8: {  	[sflag:s4] =	ssyncset.done $0x0  }
0x1b9: {  	[sflag:s4] =	ssyncadd.s32 $0xFFFFE000  }
0x1ba: {  	_ =	swait.ge [sflag:s4], $0x2000  }
0x1bb: {  	[sflag:s4] =	ssyncset.done $0x0  }
0x1bc: {  	[sflag:s4] =	ssyncadd.s32 $0xFFFFE000  }
0x1bd: {  	_ =	swait.ge [sflag:s4], $0x2000  }
0x1be: {  	s8 =	simm.s32 $0x0;
	[sflag:s4] =	ssyncset.done $0x0  }
0x1bf: {  	s10 =	simm.s32 $0x3;
	s9 =	rddreg [dreg:$0xf];
	[sflag:s4] =	ssyncadd.s32 $0xFFFFE000  }
0x1c0: {  	[hbm4b:s9+s8] =	stream.linear.scatter [tilespmem:s8], [sflag:$0x3], $0x8000, $0x38;
	[tilespmem:$0x11080] =	vst v63  }
0x1c1: {  	_ =	swait.ge [sflag:s10], $0x8000  }
0x1c2: {  	[sflag:s10] =	ssyncset.done $0x0  }
0x1c3: {  	s11 =	simm.s32 $0x0;
	[sflag:s10] =	ssyncadd.s32 $0xFFFF8000;
	s10 =	rddreg [dreg:$0xd]  }
0x1c4: {  	[tilespmem:s11], [sflag:$0x1] =	stream.linear.gather [hbm4b:s10+s1], $0x80, $0x38;
	[tilespmem:$0x11080] =	vst v63  }
0x1c5: {  	s8 =	simm.s32 $0x1000;
	s7 =	sadd.s32 $0x10, s10  }
0x1c6: {  	[tilespmem:s8], [sflag:$0x1] =	stream.linear.gather [hbm4b:s7+s1], $0x80, $0x38;
	[tilespmem:$0x11080] =	vst v63  }
0x1c7: {  	s9 =	sadd.s32 $0x20, s10;
	s11 =	simm.s32 $0x2000  }
0x1c8: {  	[tilespmem:s11], [sflag:$0x1] =	stream.linear.gather [hbm4b:s9+s1], $0x80, $0x38;
	[tilespmem:$0x11080] =	vst v63  }
0x1c9: {  	s7 =	sadd.s32 $0x30, s10;
	s8 =	simm.s32 $0x3000  }
0x1ca: {  	[tilespmem:s8], [sflag:$0x1] =	stream.linear.gather [hbm4b:s7+s1], $0x80, $0x38;
	[tilespmem:$0x11080] =	vst v63  }
0x1cb: {  	s9 =	sadd.s32 $0x40, s10;
	s11 =	simm.s32 $0x4000  }
0x1cc: {  	[tilespmem:s11], [sflag:$0x1] =	stream.linear.gather [hbm4b:s9+s1], $0x80, $0x38;
	[tilespmem:$0x11080] =	vst v63  }
0x1cd: {  	s7 =	sadd.s32 $0x50, s10;
	s8 =	simm.s32 $0x5000  }
0x1ce: {  	[tilespmem:s8], [sflag:$0x1] =	stream.linear.gather [hbm4b:s7+s1], $0x80, $0x38;
	[tilespmem:$0x11080] =	vst v63  }
0x1cf: {  	s6 =	simm.s32 $0x800;
	s9 =	sadd.s32 $0x60, s10;
	s11 =	simm.s32 $0x6000  }
0x1d0: {  	[tilespmem:s11], [sflag:$0x1] =	stream.linear.gather [hbm4b:s9+s1], $0x80, $0x38;
	[tilespmem:$0x11080] =	vst v63  }
0x1d1: {  	s8 =	sadd.s32 $0x70, s10;
	s7 =	sadd.s32 $0x80, s10;
	s9 =	simm.s32 $0x7000  }
.LBB2_18:
0x1d2: {  	[tilespmem:s9], [sflag:$0x1] =	stream.linear.gather [hbm4b:s8+s1], $0x80, $0x38;
	[tilespmem:$0x11080] =	vst v63  }
0x1d3: {  	s9 =	sshra.s32 s6, $0x2;
	p1 =	sne.s32 s6, $0x3800;
	s6 =	sadd.s32 $0x800, s6  }
0x1d4: {  	[tilespmem:s9], [sflag:$0x1] =	stream.linear.gather [hbm4b:s7+s1], $0x80, $0x38;
	[tilespmem:$0x11080] =	vst v63  }
0x1d5: {  	s8 =	sadd.s32 $0x10, s7;
	s10 =	sadd.s32 $0x1000, s9  }
0x1d6: {  	[tilespmem:s10], [sflag:$0x1] =	stream.linear.gather [hbm4b:s8+s1], $0x80, $0x38;
	[tilespmem:$0x11080] =	vst v63  }
0x1d7: {  	s8 =	sadd.s32 $0x20, s7;
	s10 =	sadd.s32 $0x2000, s9  }
0x1d8: {  	[tilespmem:s10], [sflag:$0x1] =	stream.linear.gather [hbm4b:s8+s1], $0x80, $0x38;
	[tilespmem:$0x11080] =	vst v63  }
0x1d9: {  	s8 =	sadd.s32 $0x30, s7;
	s10 =	sadd.s32 $0x3000, s9  }
0x1da: {  	[tilespmem:s10], [sflag:$0x1] =	stream.linear.gather [hbm4b:s8+s1], $0x80, $0x38;
	[tilespmem:$0x11080] =	vst v63  }
0x1db: {  	s8 =	sadd.s32 $0x40, s7;
	s10 =	sadd.s32 $0x4000, s9  }
0x1dc: {  	[tilespmem:s10], [sflag:$0x1] =	stream.linear.gather [hbm4b:s8+s1], $0x80, $0x38;
	[tilespmem:$0x11080] =	vst v63  }
.Ltmp8:
0x1dd: {  	s8 =	sadd.s32 $0x50, s7;
	s10 =	sadd.s32 $0x5000, s9;
	(pc) =	sbr.rel @p1 .LBB2_18-.Ltmp8, $4  }
0x1de: {  	[tilespmem:s10], [sflag:$0x1] =	stream.linear.gather [hbm4b:s8+s1], $0x80, $0x38;
	[tilespmem:$0x11080] =	vst v63  }
0x1df: {  	s8 =	sadd.s32 $0x60, s7;
	s10 =	sadd.s32 $0x6000, s9  }
0x1e0: {  	[tilespmem:s10], [sflag:$0x1] =	stream.linear.gather [hbm4b:s8+s1], $0x80, $0x38;
	[tilespmem:$0x11080] =	vst v63  }
0x1e1: {  	s9 =	sadd.s32 $0x7000, s9;
	s8 =	sadd.s32 $0x70, s7;
	s7 =	sadd.s32 $0x80, s7  }
0x1e2: {  	[tilespmem:s9], [sflag:$0x1] =	stream.linear.gather [hbm4b:s8+s1], $0x80, $0x38;
	[tilespmem:$0x11080] =	vst v63  }
0x1e3: {  	s6 =	simm.s32 $0x80;
	s11 =	rddreg [dreg:$0xe]  }
0x1e4: {  	[tilespmem:s6], [sflag:$0x1] =	stream.linear.gather [hbm4b:s11+s1], $0x80, $0x38;
	[tilespmem:$0x11080] =	vst v63  }
0x1e5: {  	s7 =	simm.s32 $0x1080;
	s8 =	sadd.s32 $0x10, s11  }
0x1e6: {  	[tilespmem:s7], [sflag:$0x1] =	stream.linear.gather [hbm4b:s8+s1], $0x80, $0x38;
	[tilespmem:$0x11080] =	vst v63  }
0x1e7: {  	s10 =	simm.s32 $0x2080;
	s9 =	sadd.s32 $0x20, s11  }
0x1e8: {  	[tilespmem:s10], [sflag:$0x1] =	stream.linear.gather [hbm4b:s9+s1], $0x80, $0x38;
	[tilespmem:$0x11080] =	vst v63  }
0x1e9: {  	s7 =	sadd.s32 $0x30, s11;
	s8 =	simm.s32 $0x3080  }
0x1ea: {  	[tilespmem:s8], [sflag:$0x1] =	stream.linear.gather [hbm4b:s7+s1], $0x80, $0x38;
	[tilespmem:$0x11080] =	vst v63  }
0x1eb: {  	s9 =	sadd.s32 $0x40, s11;
	s10 =	simm.s32 $0x4080  }
0x1ec: {  	[tilespmem:s10], [sflag:$0x1] =	stream.linear.gather [hbm4b:s9+s1], $0x80, $0x38;
	[tilespmem:$0x11080] =	vst v63  }
0x1ed: {  	s6 =	simm.s32 $0x200;
	s7 =	sadd.s32 $0x50, s11;
	s8 =	simm.s32 $0x5080  }
0x1ee: {  	[tilespmem:s8], [sflag:$0x1] =	stream.linear.gather [hbm4b:s7+s1], $0x80, $0x38;
	[tilespmem:$0x11080] =	vst v63  }
0x1ef: {  	s9 =	sadd.s32 $0x60, s11;
	s10 =	simm.s32 $0x6080;
	s8 =	simm.s32 $0x1000  }
0x1f0: {  	[tilespmem:s10], [sflag:$0x1] =	stream.linear.gather [hbm4b:s9+s1], $0x80, $0x38;
	[tilespmem:$0x11080] =	vst v63  }
0x1f1: {  	s7 =	sadd.s32 $0x80, s11;
	s9 =	sadd.s32 $0x70, s11;
	s10 =	simm.s32 $0x7080  }
.LBB2_20:
0x1f2: {  	[tilespmem:s10], [sflag:$0x1] =	stream.linear.gather [hbm4b:s9+s1], $0x80, $0x38;
	[tilespmem:$0x11080] =	vst v63  }
0x1f3: {  	s10 =	smov.u32 s6;
	s6 =	smov.u32 s8  }
0x1f4: {  	s11 =	sadd.s32 $0x800, s8;
	s6 =	sshra.s32 s6, $0x2;
	s9 =	sadd.s32 $0x80, s10  }
0x1f5: {  	[tilespmem:s9], [sflag:$0x1] =	stream.linear.gather [hbm4b:s7+s1], $0x80, $0x38;
	[tilespmem:$0x11080] =	vst v63  }
0x1f6: {  	p1 =	sne.s32 s8, $0x3800;
	s8 =	sadd.s32 $0x10, s7;
	s9 =	sadd.s32 $0x1080, s10  }
0x1f7: {  	[tilespmem:s9], [sflag:$0x1] =	stream.linear.gather [hbm4b:s8+s1], $0x80, $0x38;
	[tilespmem:$0x11080] =	vst v63  }
0x1f8: {  	s8 =	sadd.s32 $0x20, s7;
	s9 =	sadd.s32 $0x2080, s10  }
0x1f9: {  	[tilespmem:s9], [sflag:$0x1] =	stream.linear.gather [hbm4b:s8+s1], $0x80, $0x38;
	[tilespmem:$0x11080] =	vst v63  }
0x1fa: {  	s8 =	sadd.s32 $0x30, s7;
	s9 =	sadd.s32 $0x3080, s10  }
0x1fb: {  	[tilespmem:s9], [sflag:$0x1] =	stream.linear.gather [hbm4b:s8+s1], $0x80, $0x38;
	[tilespmem:$0x11080] =	vst v63  }
0x1fc: {  	s8 =	sadd.s32 $0x40, s7;
	s9 =	sadd.s32 $0x4080, s10  }
0x1fd: {  	[tilespmem:s9], [sflag:$0x1] =	stream.linear.gather [hbm4b:s8+s1], $0x80, $0x38;
	[tilespmem:$0x11080] =	vst v63  }
.Ltmp9:
0x1fe: {  	s8 =	sadd.s32 $0x50, s7;
	s9 =	sadd.s32 $0x5080, s10;
	(pc) =	sbr.rel @p1 .LBB2_20-.Ltmp9, $4  }
0x1ff: {  	[tilespmem:s9], [sflag:$0x1] =	stream.linear.gather [hbm4b:s8+s1], $0x80, $0x38;
	[tilespmem:$0x11080] =	vst v63  }
0x200: {  	s8 =	sadd.s32 $0x60, s7;
	s9 =	sadd.s32 $0x6080, s10;
	s10 =	sadd.s32 $0x7080, s10  }
0x201: {  	[tilespmem:s9], [sflag:$0x1] =	stream.linear.gather [hbm4b:s8+s1], $0x80, $0x38;
	[tilespmem:$0x11080] =	vst v63  }
0x202: {  	s9 =	sadd.s32 $0x70, s7;
	s7 =	sadd.s32 $0x80, s7;
	s8 =	smov.u32 s11  }
0x203: {  	[tilespmem:s10], [sflag:$0x1] =	stream.linear.gather [hbm4b:s9+s1], $0x80, $0x38;
	[tilespmem:$0x11080] =	vst v63  }
0x204: {  	s8 =	sadd.s32 $0x80, s6  }
0x205: {  	[tilespmem:s8], [sflag:$0x1] =	stream.linear.gather [hbm4b:s7+s1], $0x80, $0x38;
	[tilespmem:$0x11080] =	vst v63  }
0x206: {  	s10 =	sadd.s32 $0x10, s7;
	s11 =	sadd.s32 $0x1080, s6  }
0x207: {  	[tilespmem:s11], [sflag:$0x1] =	stream.linear.gather [hbm4b:s10+s1], $0x80, $0x38;
	[tilespmem:$0x11080] =	vst v63  }
0x208: {  	s10 =	sadd.s32 $0x20, s7;
	s11 =	sadd.s32 $0x2080, s6  }
0x209: {  	[tilespmem:s11], [sflag:$0x1] =	stream.linear.gather [hbm4b:s10+s1], $0x80, $0x38;
	[tilespmem:$0x11080] =	vst v63  }
0x20a: {  	s10 =	sadd.s32 $0x30, s7;
	s11 =	sadd.s32 $0x3080, s6  }
0x20b: {  	[tilespmem:s11], [sflag:$0x1] =	stream.linear.gather [hbm4b:s10+s1], $0x80, $0x38;
	[tilespmem:$0x11080] =	vst v63  }
0x20c: {  	s10 =	sadd.s32 $0x40, s7;
	s11 =	sadd.s32 $0x4080, s6  }
0x20d: {  	[tilespmem:s11], [sflag:$0x1] =	stream.linear.gather [hbm4b:s10+s1], $0x80, $0x38;
	[tilespmem:$0x11080] =	vst v63  }
0x20e: {  	s10 =	sadd.s32 $0x50, s7;
	s11 =	sadd.s32 $0x5080, s6  }
0x20f: {  	[tilespmem:s11], [sflag:$0x1] =	stream.linear.gather [hbm4b:s10+s1], $0x80, $0x38;
	[tilespmem:$0x11080] =	vst v63  }
0x210: {  	s10 =	sadd.s32 $0x60, s7;
	s11 =	sadd.s32 $0x6080, s6  }
0x211: {  	[tilespmem:s11], [sflag:$0x1] =	stream.linear.gather [hbm4b:s10+s1], $0x80, $0x38;
	[tilespmem:$0x11080] =	vst v63  }
0x212: {  	s10 =	sadd.s32 $0x70, s7;
	s11 =	sadd.s32 $0x7080, s6  }
0x213: {  	[tilespmem:s11], [sflag:$0x1] =	stream.linear.gather [hbm4b:s10+s1], $0x80, $0x38;
	[tilespmem:$0x11080] =	vst v63  }
0x214: {  	s7 =	simm.s32 $0x100  }
0x215: {  	[tilespmem:s7], [sflag:$0x1] =	stream.linear.gather [hbm4b:s12+s1], $0x80, $0x38;
	[tilespmem:$0x11080] =	vst v63  }
0x216: {  	s9 =	simm.s32 $0x1100;
	s8 =	sadd.s32 $0x10, s12  }
0x217: {  	[tilespmem:s9], [sflag:$0x1] =	stream.linear.gather [hbm4b:s8+s1], $0x80, $0x38;
	[tilespmem:$0x11080] =	vst v63  }
0x218: {  	s10 =	sadd.s32 $0x20, s12;
	s11 =	simm.s32 $0x2100  }
0x219: {  	[tilespmem:s11], [sflag:$0x1] =	stream.linear.gather [hbm4b:s10+s1], $0x80, $0x38;
	[tilespmem:$0x11080] =	vst v63  }
0x21a: {  	s8 =	sadd.s32 $0x30, s12;
	s9 =	simm.s32 $0x3100  }
0x21b: {  	[tilespmem:s9], [sflag:$0x1] =	stream.linear.gather [hbm4b:s8+s1], $0x80, $0x38;
	[tilespmem:$0x11080] =	vst v63  }
0x21c: {  	s10 =	sadd.s32 $0x40, s12;
	s11 =	simm.s32 $0x4100  }
0x21d: {  	[tilespmem:s11], [sflag:$0x1] =	stream.linear.gather [hbm4b:s10+s1], $0x80, $0x38;
	[tilespmem:$0x11080] =	vst v63  }
0x21e: {  	s6 =	simm.s32 $0x200;
	s8 =	sadd.s32 $0x50, s12;
	s9 =	simm.s32 $0x5100  }
0x21f: {  	[tilespmem:s9], [sflag:$0x1] =	stream.linear.gather [hbm4b:s8+s1], $0x80, $0x38;
	[tilespmem:$0x11080] =	vst v63  }
0x220: {  	s7 =	sadd.s32 $0x80, s12;
	s10 =	sadd.s32 $0x60, s12;
	s11 =	simm.s32 $0x6100  }
0x221: {  	[tilespmem:s11], [sflag:$0x1] =	stream.linear.gather [hbm4b:s10+s1], $0x80, $0x38;
	[tilespmem:$0x11080] =	vst v63  }
0x222: {  	s8 =	simm.s32 $0x1000;
	s9 =	sadd.s32 $0x70, s12;
	s10 =	simm.s32 $0x7100  }
.LBB2_22:
0x223: {  	[tilespmem:s10], [sflag:$0x1] =	stream.linear.gather [hbm4b:s9+s1], $0x80, $0x38;
	[tilespmem:$0x11080] =	vst v63  }
0x224: {  	s10 =	smov.u32 s6;
	s6 =	smov.u32 s8  }
0x225: {  	s11 =	sadd.s32 $0x800, s8;
	s6 =	sshra.s32 s6, $0x2;
	s9 =	sadd.s32 $0x100, s10  }
0x226: {  	[tilespmem:s9], [sflag:$0x1] =	stream.linear.gather [hbm4b:s7+s1], $0x80, $0x38;
	[tilespmem:$0x11080] =	vst v63  }
0x227: {  	p1 =	sne.s32 s8, $0x3800;
	s8 =	sadd.s32 $0x10, s7;
	s9 =	sadd.s32 $0x1100, s10  }
0x228: {  	[tilespmem:s9], [sflag:$0x1] =	stream.linear.gather [hbm4b:s8+s1], $0x80, $0x38;
	[tilespmem:$0x11080] =	vst v63  }
0x229: {  	s8 =	sadd.s32 $0x20, s7;
	s9 =	sadd.s32 $0x2100, s10  }
0x22a: {  	[tilespmem:s9], [sflag:$0x1] =	stream.linear.gather [hbm4b:s8+s1], $0x80, $0x38;
	[tilespmem:$0x11080] =	vst v63  }
0x22b: {  	s8 =	sadd.s32 $0x30, s7;
	s9 =	sadd.s32 $0x3100, s10  }
0x22c: {  	[tilespmem:s9], [sflag:$0x1] =	stream.linear.gather [hbm4b:s8+s1], $0x80, $0x38;
	[tilespmem:$0x11080] =	vst v63  }
0x22d: {  	s8 =	sadd.s32 $0x40, s7;
	s9 =	sadd.s32 $0x4100, s10  }
0x22e: {  	[tilespmem:s9], [sflag:$0x1] =	stream.linear.gather [hbm4b:s8+s1], $0x80, $0x38;
	[tilespmem:$0x11080] =	vst v63  }
.Ltmp10:
0x22f: {  	s8 =	sadd.s32 $0x50, s7;
	s9 =	sadd.s32 $0x5100, s10;
	(pc) =	sbr.rel @p1 .LBB2_22-.Ltmp10, $4  }
0x230: {  	[tilespmem:s9], [sflag:$0x1] =	stream.linear.gather [hbm4b:s8+s1], $0x80, $0x38;
	[tilespmem:$0x11080] =	vst v63  }
0x231: {  	s8 =	sadd.s32 $0x60, s7;
	s9 =	sadd.s32 $0x6100, s10;
	s10 =	sadd.s32 $0x7100, s10  }
0x232: {  	[tilespmem:s9], [sflag:$0x1] =	stream.linear.gather [hbm4b:s8+s1], $0x80, $0x38;
	[tilespmem:$0x11080] =	vst v63  }
0x233: {  	s9 =	sadd.s32 $0x70, s7;
	s7 =	sadd.s32 $0x80, s7;
	s8 =	smov.u32 s11  }
0x234: {  	[tilespmem:s10], [sflag:$0x1] =	stream.linear.gather [hbm4b:s9+s1], $0x80, $0x38;
	[tilespmem:$0x11080] =	vst v63  }
0x235: {  	s8 =	sadd.s32 $0x100, s6  }
0x236: {  	[tilespmem:s8], [sflag:$0x1] =	stream.linear.gather [hbm4b:s7+s1], $0x80, $0x38;
	[tilespmem:$0x11080] =	vst v63  }
0x237: {  	s10 =	sadd.s32 $0x10, s7;
	s11 =	sadd.s32 $0x1100, s6  }
0x238: {  	[tilespmem:s11], [sflag:$0x1] =	stream.linear.gather [hbm4b:s10+s1], $0x80, $0x38;
	[tilespmem:$0x11080] =	vst v63  }
0x239: {  	s10 =	sadd.s32 $0x20, s7;
	s11 =	sadd.s32 $0x2100, s6  }
0x23a: {  	[tilespmem:s11], [sflag:$0x1] =	stream.linear.gather [hbm4b:s10+s1], $0x80, $0x38;
	[tilespmem:$0x11080] =	vst v63  }
0x23b: {  	s10 =	sadd.s32 $0x30, s7;
	s11 =	sadd.s32 $0x3100, s6  }
0x23c: {  	[tilespmem:s11], [sflag:$0x1] =	stream.linear.gather [hbm4b:s10+s1], $0x80, $0x38;
	[tilespmem:$0x11080] =	vst v63  }
0x23d: {  	s10 =	sadd.s32 $0x40, s7;
	s11 =	sadd.s32 $0x4100, s6  }
0x23e: {  	[tilespmem:s11], [sflag:$0x1] =	stream.linear.gather [hbm4b:s10+s1], $0x80, $0x38;
	[tilespmem:$0x11080] =	vst v63  }
0x23f: {  	s10 =	sadd.s32 $0x50, s7;
	s11 =	sadd.s32 $0x5100, s6  }
0x240: {  	[tilespmem:s11], [sflag:$0x1] =	stream.linear.gather [hbm4b:s10+s1], $0x80, $0x38;
	[tilespmem:$0x11080] =	vst v63  }
0x241: {  	s10 =	sadd.s32 $0x60, s7;
	s11 =	sadd.s32 $0x6100, s6  }
0x242: {  	[tilespmem:s11], [sflag:$0x1] =	stream.linear.gather [hbm4b:s10+s1], $0x80, $0x38;
	[tilespmem:$0x11080] =	vst v63  }
0x243: {  	s10 =	sadd.s32 $0x70, s7;
	s11 =	sadd.s32 $0x7100, s6  }
0x244: {  	[tilespmem:s11], [sflag:$0x1] =	stream.linear.gather [hbm4b:s10+s1], $0x80, $0x38;
	[tilespmem:$0x11080] =	vst v63  }
0x245: {  	s7 =	simm.s32 $0x180  }
0x246: {  	[tilespmem:s7], [sflag:$0x1] =	stream.linear.gather [hbm4b:s13+s1], $0x80, $0x38;
	[tilespmem:$0x11080] =	vst v63  }
0x247: {  	s9 =	simm.s32 $0x1180;
	s8 =	sadd.s32 $0x10, s13  }
0x248: {  	[tilespmem:s9], [sflag:$0x1] =	stream.linear.gather [hbm4b:s8+s1], $0x80, $0x38;
	[tilespmem:$0x11080] =	vst v63  }
0x249: {  	s10 =	sadd.s32 $0x20, s13;
	s11 =	simm.s32 $0x2180  }
0x24a: {  	[tilespmem:s11], [sflag:$0x1] =	stream.linear.gather [hbm4b:s10+s1], $0x80, $0x38;
	[tilespmem:$0x11080] =	vst v63  }
0x24b: {  	s8 =	sadd.s32 $0x30, s13;
	s9 =	simm.s32 $0x3180  }
0x24c: {  	[tilespmem:s9], [sflag:$0x1] =	stream.linear.gather [hbm4b:s8+s1], $0x80, $0x38;
	[tilespmem:$0x11080] =	vst v63  }
0x24d: {  	s10 =	sadd.s32 $0x40, s13;
	s11 =	simm.s32 $0x4180  }
0x24e: {  	[tilespmem:s11], [sflag:$0x1] =	stream.linear.gather [hbm4b:s10+s1], $0x80, $0x38;
	[tilespmem:$0x11080] =	vst v63  }
0x24f: {  	s6 =	simm.s32 $0x200;
	s8 =	sadd.s32 $0x50, s13;
	s9 =	simm.s32 $0x5180  }
0x250: {  	[tilespmem:s9], [sflag:$0x1] =	stream.linear.gather [hbm4b:s8+s1], $0x80, $0x38;
	[tilespmem:$0x11080] =	vst v63  }
0x251: {  	s7 =	sadd.s32 $0x80, s13;
	s10 =	sadd.s32 $0x60, s13;
	s11 =	simm.s32 $0x6180  }
0x252: {  	[tilespmem:s11], [sflag:$0x1] =	stream.linear.gather [hbm4b:s10+s1], $0x80, $0x38;
	[tilespmem:$0x11080] =	vst v63  }
0x253: {  	s8 =	simm.s32 $0x1000;
	s9 =	sadd.s32 $0x70, s13;
	s10 =	simm.s32 $0x7180  }
.LBB2_24:
0x254: {  	[tilespmem:s10], [sflag:$0x1] =	stream.linear.gather [hbm4b:s9+s1], $0x80, $0x38;
	[tilespmem:$0x11080] =	vst v63  }
0x255: {  	s10 =	smov.u32 s6;
	s6 =	smov.u32 s8  }
0x256: {  	s11 =	sadd.s32 $0x800, s8;
	s6 =	sshra.s32 s6, $0x2;
	s9 =	sadd.s32 $0x180, s10  }
0x257: {  	[tilespmem:s9], [sflag:$0x1] =	stream.linear.gather [hbm4b:s7+s1], $0x80, $0x38;
	[tilespmem:$0x11080] =	vst v63  }
0x258: {  	p1 =	sne.s32 s8, $0x3800;
	s8 =	sadd.s32 $0x10, s7;
	s9 =	sadd.s32 $0x1180, s10  }
0x259: {  	[tilespmem:s9], [sflag:$0x1] =	stream.linear.gather [hbm4b:s8+s1], $0x80, $0x38;
	[tilespmem:$0x11080] =	vst v63  }
0x25a: {  	s8 =	sadd.s32 $0x20, s7;
	s9 =	sadd.s32 $0x2180, s10  }
0x25b: {  	[tilespmem:s9], [sflag:$0x1] =	stream.linear.gather [hbm4b:s8+s1], $0x80, $0x38;
	[tilespmem:$0x11080] =	vst v63  }
0x25c: {  	s8 =	sadd.s32 $0x30, s7;
	s9 =	sadd.s32 $0x3180, s10  }
0x25d: {  	[tilespmem:s9], [sflag:$0x1] =	stream.linear.gather [hbm4b:s8+s1], $0x80, $0x38;
	[tilespmem:$0x11080] =	vst v63  }
0x25e: {  	s8 =	sadd.s32 $0x40, s7;
	s9 =	sadd.s32 $0x4180, s10  }
0x25f: {  	[tilespmem:s9], [sflag:$0x1] =	stream.linear.gather [hbm4b:s8+s1], $0x80, $0x38;
	[tilespmem:$0x11080] =	vst v63  }
.Ltmp11:
0x260: {  	s8 =	sadd.s32 $0x50, s7;
	s9 =	sadd.s32 $0x5180, s10;
	(pc) =	sbr.rel @p1 .LBB2_24-.Ltmp11, $4  }
0x261: {  	[tilespmem:s9], [sflag:$0x1] =	stream.linear.gather [hbm4b:s8+s1], $0x80, $0x38;
	[tilespmem:$0x11080] =	vst v63  }
0x262: {  	s8 =	sadd.s32 $0x60, s7;
	s9 =	sadd.s32 $0x6180, s10;
	s10 =	sadd.s32 $0x7180, s10  }
0x263: {  	[tilespmem:s9], [sflag:$0x1] =	stream.linear.gather [hbm4b:s8+s1], $0x80, $0x38;
	[tilespmem:$0x11080] =	vst v63  }
0x264: {  	s9 =	sadd.s32 $0x70, s7;
	s7 =	sadd.s32 $0x80, s7;
	s8 =	smov.u32 s11  }
0x265: {  	[tilespmem:s10], [sflag:$0x1] =	stream.linear.gather [hbm4b:s9+s1], $0x80, $0x38;
	[tilespmem:$0x11080] =	vst v63  }
0x266: {  	s8 =	sadd.s32 $0x180, s6  }
0x267: {  	[tilespmem:s8], [sflag:$0x1] =	stream.linear.gather [hbm4b:s7+s1], $0x80, $0x38;
	[tilespmem:$0x11080] =	vst v63  }
0x268: {  	s10 =	sadd.s32 $0x10, s7;
	s11 =	sadd.s32 $0x1180, s6  }
0x269: {  	[tilespmem:s11], [sflag:$0x1] =	stream.linear.gather [hbm4b:s10+s1], $0x80, $0x38;
	[tilespmem:$0x11080] =	vst v63  }
0x26a: {  	s10 =	sadd.s32 $0x20, s7;
	s11 =	sadd.s32 $0x2180, s6  }
0x26b: {  	[tilespmem:s11], [sflag:$0x1] =	stream.linear.gather [hbm4b:s10+s1], $0x80, $0x38;
	[tilespmem:$0x11080] =	vst v63  }
0x26c: {  	s10 =	sadd.s32 $0x30, s7;
	s11 =	sadd.s32 $0x3180, s6  }
0x26d: {  	[tilespmem:s11], [sflag:$0x1] =	stream.linear.gather [hbm4b:s10+s1], $0x80, $0x38;
	[tilespmem:$0x11080] =	vst v63  }
0x26e: {  	s10 =	sadd.s32 $0x40, s7;
	s11 =	sadd.s32 $0x4180, s6  }
0x26f: {  	[tilespmem:s11], [sflag:$0x1] =	stream.linear.gather [hbm4b:s10+s1], $0x80, $0x38;
	[tilespmem:$0x11080] =	vst v63  }
0x270: {  	s10 =	sadd.s32 $0x50, s7;
	s11 =	sadd.s32 $0x5180, s6  }
0x271: {  	[tilespmem:s11], [sflag:$0x1] =	stream.linear.gather [hbm4b:s10+s1], $0x80, $0x38;
	[tilespmem:$0x11080] =	vst v63  }
0x272: {  	s10 =	sadd.s32 $0x60, s7;
	s11 =	sadd.s32 $0x6180, s6  }
0x273: {  	[tilespmem:s11], [sflag:$0x1] =	stream.linear.gather [hbm4b:s10+s1], $0x80, $0x38;
	[tilespmem:$0x11080] =	vst v63  }
0x274: {  	s10 =	sadd.s32 $0x70, s7;
	s11 =	sadd.s32 $0x7180, s6  }
0x275: {  	[tilespmem:s11], [sflag:$0x1] =	stream.linear.gather [hbm4b:s10+s1], $0x80, $0x38;
	[tilespmem:$0x11080] =	vst v63  }
0x276: {  	_ =	swait.ge [sflag:s5], $0x2000  }
0x277: {  	[sflag:s5] =	ssyncset.done $0x0  }
0x278: {  	[sflag:s5] =	ssyncadd.s32 $0xFFFFE000  }
0x279: {  	_ =	swait.ge [sflag:s5], $0x2000  }
0x27a: {  	[sflag:s5] =	ssyncset.done $0x0  }
0x27b: {  	[sflag:s5] =	ssyncadd.s32 $0xFFFFE000  }
0x27c: {  	_ =	swait.ge [sflag:s5], $0x2000  }
0x27d: {  	[sflag:s5] =	ssyncset.done $0x0  }
0x27e: {  	[sflag:s5] =	ssyncadd.s32 $0xFFFFE000  }
0x27f: {  	_ =	swait.ge [sflag:s5], $0x2000  }
0x280: {  	s8 =	simm.s32 $0x0;
	s10 =	simm.s32 $0x8000;
	[sflag:s5] =	ssyncset.done $0x0  }
0x281: {  	s11 =	simm.s32 $0x4;
	s9 =	rddreg [dreg:$0x10];
	[sflag:s5] =	ssyncadd.s32 $0xFFFFE000  }
0x282: {  	[hbm4b:s9+s8] =	stream.linear.scatter [tilespmem:s10], [sflag:$0x4], $0x8000, $0x38;
	[tilespmem:$0x11080] =	vst v63  }
0x283: {  	_ =	swait.ge [sflag:s11], $0x8000  }
0x284: {  	[sflag:s11] =	ssyncset.done $0x0  }
0x285: {  	s7 =	simm.s32 $0x8000;
	[sflag:s11] =	ssyncadd.s32 $0xFFFF8000  }
0x286: {  	[tilespmem:s7], [sflag:$0x2] =	stream.linear.gather [hbm4b:s14+s1], $0x80, $0x38;
	[tilespmem:$0x11080] =	vst v63  }
0x287: {  	s8 =	sadd.s32 $0x10, s14;
	s9 =	simm.s32 $0x9000  }
0x288: {  	[tilespmem:s9], [sflag:$0x2] =	stream.linear.gather [hbm4b:s8+s1], $0x80, $0x38;
	[tilespmem:$0x11080] =	vst v63  }
0x289: {  	s10 =	sadd.s32 $0x20, s14;
	s11 =	simm.s32 $0xA000  }
0x28a: {  	[tilespmem:s11], [sflag:$0x2] =	stream.linear.gather [hbm4b:s10+s1], $0x80, $0x38;
	[tilespmem:$0x11080] =	vst v63  }
0x28b: {  	s8 =	sadd.s32 $0x30, s14;
	s9 =	simm.s32 $0xB000  }
0x28c: {  	[tilespmem:s9], [sflag:$0x2] =	stream.linear.gather [hbm4b:s8+s1], $0x80, $0x38;
	[tilespmem:$0x11080] =	vst v63  }
0x28d: {  	s10 =	sadd.s32 $0x40, s14;
	s11 =	simm.s32 $0xC000  }
0x28e: {  	[tilespmem:s11], [sflag:$0x2] =	stream.linear.gather [hbm4b:s10+s1], $0x80, $0x38;
	[tilespmem:$0x11080] =	vst v63  }
0x28f: {  	s6 =	simm.s32 $0x200;
	s8 =	sadd.s32 $0x50, s14;
	s9 =	simm.s32 $0xD000  }
0x290: {  	[tilespmem:s9], [sflag:$0x2] =	stream.linear.gather [hbm4b:s8+s1], $0x80, $0x38;
	[tilespmem:$0x11080] =	vst v63  }
0x291: {  	s7 =	sadd.s32 $0x80, s14;
	s10 =	sadd.s32 $0x60, s14;
	s11 =	simm.s32 $0xE000  }
0x292: {  	[tilespmem:s11], [sflag:$0x2] =	stream.linear.gather [hbm4b:s10+s1], $0x80, $0x38;
	[tilespmem:$0x11080] =	vst v63  }
0x293: {  	s8 =	simm.s32 $0x1000;
	s9 =	sadd.s32 $0x70, s14;
	s10 =	simm.s32 $0xF000  }
.LBB2_26:
0x294: {  	[tilespmem:s10], [sflag:$0x2] =	stream.linear.gather [hbm4b:s9+s1], $0x80, $0x38;
	[tilespmem:$0x11080] =	vst v63  }
0x295: {  	s10 =	smov.u32 s6;
	s6 =	smov.u32 s8  }
0x296: {  	s11 =	sadd.s32 $0x800, s8;
	s6 =	sshra.s32 s6, $0x2;
	s9 =	sadd.s32 $0x8000, s10  }
0x297: {  	[tilespmem:s9], [sflag:$0x2] =	stream.linear.gather [hbm4b:s7+s1], $0x80, $0x38;
	[tilespmem:$0x11080] =	vst v63  }
0x298: {  	p1 =	sne.s32 s8, $0x3800;
	s8 =	sadd.s32 $0x10, s7;
	s9 =	sadd.s32 $0x9000, s10  }
0x299: {  	[tilespmem:s9], [sflag:$0x2] =	stream.linear.gather [hbm4b:s8+s1], $0x80, $0x38;
	[tilespmem:$0x11080] =	vst v63  }
0x29a: {  	s8 =	sadd.s32 $0x20, s7;
	s9 =	sadd.s32 $0xA000, s10  }
0x29b: {  	[tilespmem:s9], [sflag:$0x2] =	stream.linear.gather [hbm4b:s8+s1], $0x80, $0x38;
	[tilespmem:$0x11080] =	vst v63  }
0x29c: {  	s8 =	sadd.s32 $0x30, s7;
	s9 =	sadd.s32 $0xB000, s10  }
0x29d: {  	[tilespmem:s9], [sflag:$0x2] =	stream.linear.gather [hbm4b:s8+s1], $0x80, $0x38;
	[tilespmem:$0x11080] =	vst v63  }
0x29e: {  	s8 =	sadd.s32 $0x40, s7;
	s9 =	sadd.s32 $0xC000, s10  }
0x29f: {  	[tilespmem:s9], [sflag:$0x2] =	stream.linear.gather [hbm4b:s8+s1], $0x80, $0x38;
	[tilespmem:$0x11080] =	vst v63  }
.Ltmp12:
0x2a0: {  	s8 =	sadd.s32 $0x50, s7;
	s9 =	sadd.s32 $0xD000, s10;
	(pc) =	sbr.rel @p1 .LBB2_26-.Ltmp12, $4  }
0x2a1: {  	[tilespmem:s9], [sflag:$0x2] =	stream.linear.gather [hbm4b:s8+s1], $0x80, $0x38;
	[tilespmem:$0x11080] =	vst v63  }
0x2a2: {  	s8 =	sadd.s32 $0x60, s7;
	s9 =	sadd.s32 $0xE000, s10;
	s10 =	sadd.s32 $0xF000, s10  }
0x2a3: {  	[tilespmem:s9], [sflag:$0x2] =	stream.linear.gather [hbm4b:s8+s1], $0x80, $0x38;
	[tilespmem:$0x11080] =	vst v63  }
0x2a4: {  	s9 =	sadd.s32 $0x70, s7;
	s7 =	sadd.s32 $0x80, s7;
	s8 =	smov.u32 s11  }
0x2a5: {  	[tilespmem:s10], [sflag:$0x2] =	stream.linear.gather [hbm4b:s9+s1], $0x80, $0x38;
	[tilespmem:$0x11080] =	vst v63  }
0x2a6: {  	s8 =	sadd.s32 $0x8000, s6  }
0x2a7: {  	[tilespmem:s8], [sflag:$0x2] =	stream.linear.gather [hbm4b:s7+s1], $0x80, $0x38;
	[tilespmem:$0x11080] =	vst v63  }
0x2a8: {  	s10 =	sadd.s32 $0x10, s7;
	s11 =	sadd.s32 $0x9000, s6  }
0x2a9: {  	[tilespmem:s11], [sflag:$0x2] =	stream.linear.gather [hbm4b:s10+s1], $0x80, $0x38;
	[tilespmem:$0x11080] =	vst v63  }
0x2aa: {  	s10 =	sadd.s32 $0x20, s7;
	s11 =	sadd.s32 $0xA000, s6  }
0x2ab: {  	[tilespmem:s11], [sflag:$0x2] =	stream.linear.gather [hbm4b:s10+s1], $0x80, $0x38;
	[tilespmem:$0x11080] =	vst v63  }
0x2ac: {  	s10 =	sadd.s32 $0x30, s7;
	s11 =	sadd.s32 $0xB000, s6  }
0x2ad: {  	[tilespmem:s11], [sflag:$0x2] =	stream.linear.gather [hbm4b:s10+s1], $0x80, $0x38;
	[tilespmem:$0x11080] =	vst v63  }
0x2ae: {  	s10 =	sadd.s32 $0x40, s7;
	s11 =	sadd.s32 $0xC000, s6  }
0x2af: {  	[tilespmem:s11], [sflag:$0x2] =	stream.linear.gather [hbm4b:s10+s1], $0x80, $0x38;
	[tilespmem:$0x11080] =	vst v63  }
0x2b0: {  	s10 =	sadd.s32 $0x50, s7;
	s11 =	sadd.s32 $0xD000, s6  }
0x2b1: {  	[tilespmem:s11], [sflag:$0x2] =	stream.linear.gather [hbm4b:s10+s1], $0x80, $0x38;
	[tilespmem:$0x11080] =	vst v63  }
0x2b2: {  	s10 =	sadd.s32 $0x60, s7;
	s11 =	sadd.s32 $0xE000, s6  }
0x2b3: {  	[tilespmem:s11], [sflag:$0x2] =	stream.linear.gather [hbm4b:s10+s1], $0x80, $0x38;
	[tilespmem:$0x11080] =	vst v63  }
0x2b4: {  	s10 =	sadd.s32 $0x70, s7;
	s11 =	sadd.s32 $0xF000, s6  }
0x2b5: {  	[tilespmem:s11], [sflag:$0x2] =	stream.linear.gather [hbm4b:s10+s1], $0x80, $0x38;
	[tilespmem:$0x11080] =	vst v63  }
0x2b6: {  	s7 =	simm.s32 $0x8080  }
0x2b7: {  	[tilespmem:s7], [sflag:$0x2] =	stream.linear.gather [hbm4b:s15+s1], $0x80, $0x38;
	[tilespmem:$0x11080] =	vst v63  }
0x2b8: {  	s9 =	simm.s32 $0x9080;
	s8 =	sadd.s32 $0x10, s15  }
0x2b9: {  	[tilespmem:s9], [sflag:$0x2] =	stream.linear.gather [hbm4b:s8+s1], $0x80, $0x38;
	[tilespmem:$0x11080] =	vst v63  }
0x2ba: {  	s10 =	sadd.s32 $0x20, s15;
	s11 =	simm.s32 $0xA080  }
0x2bb: {  	[tilespmem:s11], [sflag:$0x2] =	stream.linear.gather [hbm4b:s10+s1], $0x80, $0x38;
	[tilespmem:$0x11080] =	vst v63  }
0x2bc: {  	s8 =	sadd.s32 $0x30, s15;
	s9 =	simm.s32 $0xB080  }
0x2bd: {  	[tilespmem:s9], [sflag:$0x2] =	stream.linear.gather [hbm4b:s8+s1], $0x80, $0x38;
	[tilespmem:$0x11080] =	vst v63  }
0x2be: {  	s10 =	sadd.s32 $0x40, s15;
	s11 =	simm.s32 $0xC080  }
0x2bf: {  	[tilespmem:s11], [sflag:$0x2] =	stream.linear.gather [hbm4b:s10+s1], $0x80, $0x38;
	[tilespmem:$0x11080] =	vst v63  }
0x2c0: {  	s6 =	simm.s32 $0x200;
	s8 =	sadd.s32 $0x50, s15;
	s9 =	simm.s32 $0xD080  }
0x2c1: {  	[tilespmem:s9], [sflag:$0x2] =	stream.linear.gather [hbm4b:s8+s1], $0x80, $0x38;
	[tilespmem:$0x11080] =	vst v63  }
0x2c2: {  	s7 =	sadd.s32 $0x80, s15;
	s10 =	sadd.s32 $0x60, s15;
	s11 =	simm.s32 $0xE080  }
0x2c3: {  	[tilespmem:s11], [sflag:$0x2] =	stream.linear.gather [hbm4b:s10+s1], $0x80, $0x38;
	[tilespmem:$0x11080] =	vst v63  }
0x2c4: {  	s8 =	simm.s32 $0x1000;
	s9 =	sadd.s32 $0x70, s15;
	s10 =	simm.s32 $0xF080  }
.LBB2_28:
0x2c5: {  	[tilespmem:s10], [sflag:$0x2] =	stream.linear.gather [hbm4b:s9+s1], $0x80, $0x38;
	[tilespmem:$0x11080] =	vst v63  }
0x2c6: {  	s10 =	smov.u32 s6;
	s6 =	smov.u32 s8  }
0x2c7: {  	s11 =	sadd.s32 $0x800, s8;
	s6 =	sshra.s32 s6, $0x2;
	s9 =	sadd.s32 $0x8080, s10  }
0x2c8: {  	[tilespmem:s9], [sflag:$0x2] =	stream.linear.gather [hbm4b:s7+s1], $0x80, $0x38;
	[tilespmem:$0x11080] =	vst v63  }
0x2c9: {  	p1 =	sne.s32 s8, $0x3800;
	s8 =	sadd.s32 $0x10, s7;
	s9 =	sadd.s32 $0x9080, s10  }
0x2ca: {  	[tilespmem:s9], [sflag:$0x2] =	stream.linear.gather [hbm4b:s8+s1], $0x80, $0x38;
	[tilespmem:$0x11080] =	vst v63  }
0x2cb: {  	s8 =	sadd.s32 $0x20, s7;
	s9 =	sadd.s32 $0xA080, s10  }
0x2cc: {  	[tilespmem:s9], [sflag:$0x2] =	stream.linear.gather [hbm4b:s8+s1], $0x80, $0x38;
	[tilespmem:$0x11080] =	vst v63  }
0x2cd: {  	s8 =	sadd.s32 $0x30, s7;
	s9 =	sadd.s32 $0xB080, s10  }
0x2ce: {  	[tilespmem:s9], [sflag:$0x2] =	stream.linear.gather [hbm4b:s8+s1], $0x80, $0x38;
	[tilespmem:$0x11080] =	vst v63  }
0x2cf: {  	s8 =	sadd.s32 $0x40, s7;
	s9 =	sadd.s32 $0xC080, s10  }
0x2d0: {  	[tilespmem:s9], [sflag:$0x2] =	stream.linear.gather [hbm4b:s8+s1], $0x80, $0x38;
	[tilespmem:$0x11080] =	vst v63  }
.Ltmp13:
0x2d1: {  	s8 =	sadd.s32 $0x50, s7;
	s9 =	sadd.s32 $0xD080, s10;
	(pc) =	sbr.rel @p1 .LBB2_28-.Ltmp13, $4  }
0x2d2: {  	[tilespmem:s9], [sflag:$0x2] =	stream.linear.gather [hbm4b:s8+s1], $0x80, $0x38;
	[tilespmem:$0x11080] =	vst v63  }
0x2d3: {  	s8 =	sadd.s32 $0x60, s7;
	s9 =	sadd.s32 $0xE080, s10;
	s10 =	sadd.s32 $0xF080, s10  }
0x2d4: {  	[tilespmem:s9], [sflag:$0x2] =	stream.linear.gather [hbm4b:s8+s1], $0x80, $0x38;
	[tilespmem:$0x11080] =	vst v63  }
0x2d5: {  	s9 =	sadd.s32 $0x70, s7;
	s7 =	sadd.s32 $0x80, s7;
	s8 =	smov.u32 s11  }
0x2d6: {  	[tilespmem:s10], [sflag:$0x2] =	stream.linear.gather [hbm4b:s9+s1], $0x80, $0x38;
	[tilespmem:$0x11080] =	vst v63  }
0x2d7: {  	s8 =	sadd.s32 $0x8080, s6  }
0x2d8: {  	[tilespmem:s8], [sflag:$0x2] =	stream.linear.gather [hbm4b:s7+s1], $0x80, $0x38;
	[tilespmem:$0x11080] =	vst v63  }
0x2d9: {  	s10 =	sadd.s32 $0x10, s7;
	s11 =	sadd.s32 $0x9080, s6  }
0x2da: {  	[tilespmem:s11], [sflag:$0x2] =	stream.linear.gather [hbm4b:s10+s1], $0x80, $0x38;
	[tilespmem:$0x11080] =	vst v63  }
0x2db: {  	s10 =	sadd.s32 $0x20, s7;
	s11 =	sadd.s32 $0xA080, s6  }
0x2dc: {  	[tilespmem:s11], [sflag:$0x2] =	stream.linear.gather [hbm4b:s10+s1], $0x80, $0x38;
	[tilespmem:$0x11080] =	vst v63  }
0x2dd: {  	s10 =	sadd.s32 $0x30, s7;
	s11 =	sadd.s32 $0xB080, s6  }
0x2de: {  	[tilespmem:s11], [sflag:$0x2] =	stream.linear.gather [hbm4b:s10+s1], $0x80, $0x38;
	[tilespmem:$0x11080] =	vst v63  }
0x2df: {  	s10 =	sadd.s32 $0x40, s7;
	s11 =	sadd.s32 $0xC080, s6  }
0x2e0: {  	[tilespmem:s11], [sflag:$0x2] =	stream.linear.gather [hbm4b:s10+s1], $0x80, $0x38;
	[tilespmem:$0x11080] =	vst v63  }
0x2e1: {  	s10 =	sadd.s32 $0x50, s7;
	s11 =	sadd.s32 $0xD080, s6  }
0x2e2: {  	[tilespmem:s11], [sflag:$0x2] =	stream.linear.gather [hbm4b:s10+s1], $0x80, $0x38;
	[tilespmem:$0x11080] =	vst v63  }
0x2e3: {  	s10 =	sadd.s32 $0x60, s7;
	s11 =	sadd.s32 $0xE080, s6  }
0x2e4: {  	[tilespmem:s11], [sflag:$0x2] =	stream.linear.gather [hbm4b:s10+s1], $0x80, $0x38;
	[tilespmem:$0x11080] =	vst v63  }
0x2e5: {  	s10 =	sadd.s32 $0x70, s7;
	s11 =	sadd.s32 $0xF080, s6  }
0x2e6: {  	[tilespmem:s11], [sflag:$0x2] =	stream.linear.gather [hbm4b:s10+s1], $0x80, $0x38;
	[tilespmem:$0x11080] =	vst v63  }
0x2e7: {  	s7 =	simm.s32 $0x8100  }
0x2e8: {  	[tilespmem:s7], [sflag:$0x2] =	stream.linear.gather [hbm4b:s16+s1], $0x80, $0x38;
	[tilespmem:$0x11080] =	vst v63  }
0x2e9: {  	s9 =	simm.s32 $0x9100;
	s8 =	sadd.s32 $0x10, s16  }
0x2ea: {  	[tilespmem:s9], [sflag:$0x2] =	stream.linear.gather [hbm4b:s8+s1], $0x80, $0x38;
	[tilespmem:$0x11080] =	vst v63  }
0x2eb: {  	s10 =	sadd.s32 $0x20, s16;
	s11 =	simm.s32 $0xA100  }
0x2ec: {  	[tilespmem:s11], [sflag:$0x2] =	stream.linear.gather [hbm4b:s10+s1], $0x80, $0x38;
	[tilespmem:$0x11080] =	vst v63  }
0x2ed: {  	s8 =	sadd.s32 $0x30, s16;
	s9 =	simm.s32 $0xB100  }
0x2ee: {  	[tilespmem:s9], [sflag:$0x2] =	stream.linear.gather [hbm4b:s8+s1], $0x80, $0x38;
	[tilespmem:$0x11080] =	vst v63  }
0x2ef: {  	s10 =	sadd.s32 $0x40, s16;
	s11 =	simm.s32 $0xC100  }
0x2f0: {  	[tilespmem:s11], [sflag:$0x2] =	stream.linear.gather [hbm4b:s10+s1], $0x80, $0x38;
	[tilespmem:$0x11080] =	vst v63  }
0x2f1: {  	s6 =	simm.s32 $0x200;
	s8 =	sadd.s32 $0x50, s16;
	s9 =	simm.s32 $0xD100  }
0x2f2: {  	[tilespmem:s9], [sflag:$0x2] =	stream.linear.gather [hbm4b:s8+s1], $0x80, $0x38;
	[tilespmem:$0x11080] =	vst v63  }
0x2f3: {  	s7 =	sadd.s32 $0x80, s16;
	s10 =	sadd.s32 $0x60, s16;
	s11 =	simm.s32 $0xE100  }
0x2f4: {  	[tilespmem:s11], [sflag:$0x2] =	stream.linear.gather [hbm4b:s10+s1], $0x80, $0x38;
	[tilespmem:$0x11080] =	vst v63  }
0x2f5: {  	s8 =	simm.s32 $0x1000;
	s9 =	sadd.s32 $0x70, s16;
	s10 =	simm.s32 $0xF100  }
.LBB2_30:
0x2f6: {  	[tilespmem:s10], [sflag:$0x2] =	stream.linear.gather [hbm4b:s9+s1], $0x80, $0x38;
	[tilespmem:$0x11080] =	vst v63  }
0x2f7: {  	s10 =	smov.u32 s6;
	s6 =	smov.u32 s8  }
0x2f8: {  	s11 =	sadd.s32 $0x800, s8;
	s6 =	sshra.s32 s6, $0x2;
	s9 =	sadd.s32 $0x8100, s10  }
0x2f9: {  	[tilespmem:s9], [sflag:$0x2] =	stream.linear.gather [hbm4b:s7+s1], $0x80, $0x38;
	[tilespmem:$0x11080] =	vst v63  }
0x2fa: {  	p1 =	sne.s32 s8, $0x3800;
	s8 =	sadd.s32 $0x10, s7;
	s9 =	sadd.s32 $0x9100, s10  }
0x2fb: {  	[tilespmem:s9], [sflag:$0x2] =	stream.linear.gather [hbm4b:s8+s1], $0x80, $0x38;
	[tilespmem:$0x11080] =	vst v63  }
0x2fc: {  	s8 =	sadd.s32 $0x20, s7;
	s9 =	sadd.s32 $0xA100, s10  }
0x2fd: {  	[tilespmem:s9], [sflag:$0x2] =	stream.linear.gather [hbm4b:s8+s1], $0x80, $0x38;
	[tilespmem:$0x11080] =	vst v63  }
0x2fe: {  	s8 =	sadd.s32 $0x30, s7;
	s9 =	sadd.s32 $0xB100, s10  }
0x2ff: {  	[tilespmem:s9], [sflag:$0x2] =	stream.linear.gather [hbm4b:s8+s1], $0x80, $0x38;
	[tilespmem:$0x11080] =	vst v63  }
0x300: {  	s8 =	sadd.s32 $0x40, s7;
	s9 =	sadd.s32 $0xC100, s10  }
0x301: {  	[tilespmem:s9], [sflag:$0x2] =	stream.linear.gather [hbm4b:s8+s1], $0x80, $0x38;
	[tilespmem:$0x11080] =	vst v63  }
.Ltmp14:
0x302: {  	s8 =	sadd.s32 $0x50, s7;
	s9 =	sadd.s32 $0xD100, s10;
	(pc) =	sbr.rel @p1 .LBB2_30-.Ltmp14, $4  }
0x303: {  	[tilespmem:s9], [sflag:$0x2] =	stream.linear.gather [hbm4b:s8+s1], $0x80, $0x38;
	[tilespmem:$0x11080] =	vst v63  }
0x304: {  	s8 =	sadd.s32 $0x60, s7;
	s9 =	sadd.s32 $0xE100, s10;
	s10 =	sadd.s32 $0xF100, s10  }
0x305: {  	[tilespmem:s9], [sflag:$0x2] =	stream.linear.gather [hbm4b:s8+s1], $0x80, $0x38;
	[tilespmem:$0x11080] =	vst v63  }
0x306: {  	s9 =	sadd.s32 $0x70, s7;
	s7 =	sadd.s32 $0x80, s7;
	s8 =	smov.u32 s11  }
0x307: {  	[tilespmem:s10], [sflag:$0x2] =	stream.linear.gather [hbm4b:s9+s1], $0x80, $0x38;
	[tilespmem:$0x11080] =	vst v63  }
0x308: {  	s8 =	sadd.s32 $0x8100, s6  }
0x309: {  	[tilespmem:s8], [sflag:$0x2] =	stream.linear.gather [hbm4b:s7+s1], $0x80, $0x38;
	[tilespmem:$0x11080] =	vst v63  }
0x30a: {  	s10 =	sadd.s32 $0x10, s7;
	s11 =	sadd.s32 $0x9100, s6  }
0x30b: {  	[tilespmem:s11], [sflag:$0x2] =	stream.linear.gather [hbm4b:s10+s1], $0x80, $0x38;
	[tilespmem:$0x11080] =	vst v63  }
0x30c: {  	s10 =	sadd.s32 $0x20, s7;
	s11 =	sadd.s32 $0xA100, s6  }
0x30d: {  	[tilespmem:s11], [sflag:$0x2] =	stream.linear.gather [hbm4b:s10+s1], $0x80, $0x38;
	[tilespmem:$0x11080] =	vst v63  }
0x30e: {  	s10 =	sadd.s32 $0x30, s7;
	s11 =	sadd.s32 $0xB100, s6  }
0x30f: {  	[tilespmem:s11], [sflag:$0x2] =	stream.linear.gather [hbm4b:s10+s1], $0x80, $0x38;
	[tilespmem:$0x11080] =	vst v63  }
0x310: {  	s10 =	sadd.s32 $0x40, s7;
	s11 =	sadd.s32 $0xC100, s6  }
0x311: {  	[tilespmem:s11], [sflag:$0x2] =	stream.linear.gather [hbm4b:s10+s1], $0x80, $0x38;
	[tilespmem:$0x11080] =	vst v63  }
0x312: {  	s10 =	sadd.s32 $0x50, s7;
	s11 =	sadd.s32 $0xD100, s6  }
0x313: {  	[tilespmem:s11], [sflag:$0x2] =	stream.linear.gather [hbm4b:s10+s1], $0x80, $0x38;
	[tilespmem:$0x11080] =	vst v63  }
0x314: {  	s10 =	sadd.s32 $0x60, s7;
	s11 =	sadd.s32 $0xE100, s6  }
0x315: {  	[tilespmem:s11], [sflag:$0x2] =	stream.linear.gather [hbm4b:s10+s1], $0x80, $0x38;
	[tilespmem:$0x11080] =	vst v63  }
0x316: {  	s10 =	sadd.s32 $0x70, s7;
	s11 =	sadd.s32 $0xF100, s6  }
0x317: {  	[tilespmem:s11], [sflag:$0x2] =	stream.linear.gather [hbm4b:s10+s1], $0x80, $0x38;
	[tilespmem:$0x11080] =	vst v63  }
0x318: {  	s7 =	simm.s32 $0x8180  }
0x319: {  	[tilespmem:s7], [sflag:$0x2] =	stream.linear.gather [hbm4b:s17+s1], $0x80, $0x38;
	[tilespmem:$0x11080] =	vst v63  }
0x31a: {  	s9 =	simm.s32 $0x9180;
	s8 =	sadd.s32 $0x10, s17  }
0x31b: {  	[tilespmem:s9], [sflag:$0x2] =	stream.linear.gather [hbm4b:s8+s1], $0x80, $0x38;
	[tilespmem:$0x11080] =	vst v63  }
0x31c: {  	s10 =	sadd.s32 $0x20, s17;
	s11 =	simm.s32 $0xA180  }
0x31d: {  	[tilespmem:s11], [sflag:$0x2] =	stream.linear.gather [hbm4b:s10+s1], $0x80, $0x38;
	[tilespmem:$0x11080] =	vst v63  }
0x31e: {  	s8 =	sadd.s32 $0x30, s17;
	s9 =	simm.s32 $0xB180  }
0x31f: {  	[tilespmem:s9], [sflag:$0x2] =	stream.linear.gather [hbm4b:s8+s1], $0x80, $0x38;
	[tilespmem:$0x11080] =	vst v63  }
0x320: {  	s10 =	sadd.s32 $0x40, s17;
	s11 =	simm.s32 $0xC180  }
0x321: {  	[tilespmem:s11], [sflag:$0x2] =	stream.linear.gather [hbm4b:s10+s1], $0x80, $0x38;
	[tilespmem:$0x11080] =	vst v63  }
0x322: {  	s6 =	simm.s32 $0x200;
	s8 =	sadd.s32 $0x50, s17;
	s9 =	simm.s32 $0xD180  }
0x323: {  	[tilespmem:s9], [sflag:$0x2] =	stream.linear.gather [hbm4b:s8+s1], $0x80, $0x38;
	[tilespmem:$0x11080] =	vst v63  }
0x324: {  	s7 =	sadd.s32 $0x80, s17;
	s10 =	sadd.s32 $0x60, s17;
	s11 =	simm.s32 $0xE180  }
0x325: {  	[tilespmem:s11], [sflag:$0x2] =	stream.linear.gather [hbm4b:s10+s1], $0x80, $0x38;
	[tilespmem:$0x11080] =	vst v63  }
0x326: {  	s8 =	simm.s32 $0x1000;
	s9 =	sadd.s32 $0x70, s17;
	s10 =	simm.s32 $0xF180  }
.LBB2_32:
0x327: {  	[tilespmem:s10], [sflag:$0x2] =	stream.linear.gather [hbm4b:s9+s1], $0x80, $0x38;
	[tilespmem:$0x11080] =	vst v63  }
0x328: {  	s10 =	smov.u32 s6;
	s6 =	smov.u32 s8  }
0x329: {  	s11 =	sadd.s32 $0x800, s8;
	s6 =	sshra.s32 s6, $0x2;
	s9 =	sadd.s32 $0x8180, s10  }
0x32a: {  	[tilespmem:s9], [sflag:$0x2] =	stream.linear.gather [hbm4b:s7+s1], $0x80, $0x38;
	[tilespmem:$0x11080] =	vst v63  }
0x32b: {  	p1 =	sne.s32 s8, $0x3800;
	s8 =	sadd.s32 $0x10, s7;
	s9 =	sadd.s32 $0x9180, s10  }
0x32c: {  	[tilespmem:s9], [sflag:$0x2] =	stream.linear.gather [hbm4b:s8+s1], $0x80, $0x38;
	[tilespmem:$0x11080] =	vst v63  }
0x32d: {  	s8 =	sadd.s32 $0x20, s7;
	s9 =	sadd.s32 $0xA180, s10  }
0x32e: {  	[tilespmem:s9], [sflag:$0x2] =	stream.linear.gather [hbm4b:s8+s1], $0x80, $0x38;
	[tilespmem:$0x11080] =	vst v63  }
0x32f: {  	s8 =	sadd.s32 $0x30, s7;
	s9 =	sadd.s32 $0xB180, s10  }
0x330: {  	[tilespmem:s9], [sflag:$0x2] =	stream.linear.gather [hbm4b:s8+s1], $0x80, $0x38;
	[tilespmem:$0x11080] =	vst v63  }
0x331: {  	s8 =	sadd.s32 $0x40, s7;
	s9 =	sadd.s32 $0xC180, s10  }
0x332: {  	[tilespmem:s9], [sflag:$0x2] =	stream.linear.gather [hbm4b:s8+s1], $0x80, $0x38;
	[tilespmem:$0x11080] =	vst v63  }
.Ltmp15:
0x333: {  	s8 =	sadd.s32 $0x50, s7;
	s9 =	sadd.s32 $0xD180, s10;
	(pc) =	sbr.rel @p1 .LBB2_32-.Ltmp15, $4  }
0x334: {  	[tilespmem:s9], [sflag:$0x2] =	stream.linear.gather [hbm4b:s8+s1], $0x80, $0x38;
	[tilespmem:$0x11080] =	vst v63  }
0x335: {  	s8 =	sadd.s32 $0x60, s7;
	s9 =	sadd.s32 $0xE180, s10;
	s10 =	sadd.s32 $0xF180, s10  }
0x336: {  	[tilespmem:s9], [sflag:$0x2] =	stream.linear.gather [hbm4b:s8+s1], $0x80, $0x38;
	[tilespmem:$0x11080] =	vst v63  }
0x337: {  	s9 =	sadd.s32 $0x70, s7;
	s7 =	sadd.s32 $0x80, s7;
	s8 =	smov.u32 s11  }
0x338: {  	[tilespmem:s10], [sflag:$0x2] =	stream.linear.gather [hbm4b:s9+s1], $0x80, $0x38;
	[tilespmem:$0x11080] =	vst v63  }
0x339: {  	s8 =	sadd.s32 $0x8180, s6  }
0x33a: {  	[tilespmem:s8], [sflag:$0x2] =	stream.linear.gather [hbm4b:s7+s1], $0x80, $0x38;
	[tilespmem:$0x11080] =	vst v63  }
0x33b: {  	s10 =	sadd.s32 $0x10, s7;
	s11 =	sadd.s32 $0x9180, s6  }
0x33c: {  	[tilespmem:s11], [sflag:$0x2] =	stream.linear.gather [hbm4b:s10+s1], $0x80, $0x38;
	[tilespmem:$0x11080] =	vst v63  }
0x33d: {  	s10 =	sadd.s32 $0x20, s7;
	s11 =	sadd.s32 $0xA180, s6  }
0x33e: {  	[tilespmem:s11], [sflag:$0x2] =	stream.linear.gather [hbm4b:s10+s1], $0x80, $0x38;
	[tilespmem:$0x11080] =	vst v63  }
0x33f: {  	s10 =	sadd.s32 $0x30, s7;
	s11 =	sadd.s32 $0xB180, s6  }
0x340: {  	[tilespmem:s11], [sflag:$0x2] =	stream.linear.gather [hbm4b:s10+s1], $0x80, $0x38;
	[tilespmem:$0x11080] =	vst v63  }
0x341: {  	s10 =	sadd.s32 $0x40, s7;
	s11 =	sadd.s32 $0xC180, s6  }
0x342: {  	[tilespmem:s11], [sflag:$0x2] =	stream.linear.gather [hbm4b:s10+s1], $0x80, $0x38;
	[tilespmem:$0x11080] =	vst v63  }
0x343: {  	s10 =	sadd.s32 $0x50, s7;
	s11 =	sadd.s32 $0xD180, s6  }
0x344: {  	[tilespmem:s11], [sflag:$0x2] =	stream.linear.gather [hbm4b:s10+s1], $0x80, $0x38;
	[tilespmem:$0x11080] =	vst v63  }
0x345: {  	s9 =	sadd.s32 $0x60, s7;
	s10 =	sadd.s32 $0xE180, s6  }
0x346: {  	[tilespmem:s10], [sflag:$0x2] =	stream.linear.gather [hbm4b:s9+s1], $0x80, $0x38;
	[tilespmem:$0x11080] =	vst v63  }
0x347: {  	s8 =	sadd.s32 $0xF180, s6;
	s11 =	sadd.s32 $0x70, s7  }
0x348: {  	[tilespmem:s8], [sflag:$0x2] =	stream.linear.gather [hbm4b:s11+s1], $0x80, $0x38;
	[tilespmem:$0x11080] =	vst v63  }
0x349: {  	_ =	swait.ge [sflag:s4], $0x2000  }
0x34a: {  	[sflag:s4] =	ssyncset.done $0x0  }
0x34b: {  	[sflag:s4] =	ssyncadd.s32 $0xFFFFE000  }
0x34c: {  	_ =	swait.ge [sflag:s4], $0x2000  }
0x34d: {  	[sflag:s4] =	ssyncset.done $0x0  }
0x34e: {  	[sflag:s4] =	ssyncadd.s32 $0xFFFFE000  }
0x34f: {  	_ =	swait.ge [sflag:s4], $0x2000  }
0x350: {  	[sflag:s4] =	ssyncset.done $0x0  }
0x351: {  	[sflag:s4] =	ssyncadd.s32 $0xFFFFE000  }
0x352: {  	_ =	swait.ge [sflag:s4], $0x2000  }
0x353: {  	s9 =	simm.s32 $0x0;
	[sflag:s4] =	ssyncset.done $0x0  }
0x354: {  	s11 =	simm.s32 $0x3;
	s10 =	rddreg [dreg:$0x11];
	[sflag:s4] =	ssyncadd.s32 $0xFFFFE000  }
0x355: {  	[hbm4b:s10+s9] =	stream.linear.scatter [tilespmem:s9], [sflag:$0x3], $0x8000, $0x38;
	[tilespmem:$0x11080] =	vst v63  }
0x356: {  	_ =	swait.ge [sflag:s11], $0x8000  }
0x357: {  	[sflag:s11] =	ssyncset.done $0x0  }
0x358: {  	s7 =	simm.s32 $0x0;
	[sflag:s11] =	ssyncadd.s32 $0xFFFF8000  }
0x359: {  	[tilespmem:s7], [sflag:$0x1] =	stream.linear.gather [hbm4b:s18+s1], $0x80, $0x38;
	[tilespmem:$0x11080] =	vst v63  }
0x35a: {  	s8 =	sadd.s32 $0x10, s18;
	s9 =	simm.s32 $0x1000  }
0x35b: {  	[tilespmem:s9], [sflag:$0x1] =	stream.linear.gather [hbm4b:s8+s1], $0x80, $0x38;
	[tilespmem:$0x11080] =	vst v63  }
0x35c: {  	s10 =	sadd.s32 $0x20, s18;
	s11 =	simm.s32 $0x2000  }
0x35d: {  	[tilespmem:s11], [sflag:$0x1] =	stream.linear.gather [hbm4b:s10+s1], $0x80, $0x38;
	[tilespmem:$0x11080] =	vst v63  }
0x35e: {  	s6 =	simm.s32 $0x800;
	s8 =	sadd.s32 $0x30, s18;
	s9 =	simm.s32 $0x3000  }
0x35f: {  	[tilespmem:s9], [sflag:$0x1] =	stream.linear.gather [hbm4b:s8+s1], $0x80, $0x38;
	[tilespmem:$0x11080] =	vst v63  }
0x360: {  	s7 =	sadd.s32 $0x80, s18;
	s10 =	sadd.s32 $0x40, s18;
	s11 =	simm.s32 $0x4000  }
0x361: {  	[tilespmem:s11], [sflag:$0x1] =	stream.linear.gather [hbm4b:s10+s1], $0x80, $0x38;
	[tilespmem:$0x11080] =	vst v63  }
0x362: {  	s8 =	sadd.s32 $0x50, s18;
	s9 =	simm.s32 $0x5000;
	s10 =	sadd.s32 $0x60, s18  }
0x363: {  	[tilespmem:s9], [sflag:$0x1] =	stream.linear.gather [hbm4b:s8+s1], $0x80, $0x38;
	[tilespmem:$0x11080] =	vst v63  }
0x364: {  	s11 =	simm.s32 $0x6000;
	s8 =	sadd.s32 $0x70, s18;
	s9 =	simm.s32 $0x7000  }
0x365: {  	[tilespmem:s11], [sflag:$0x1] =	stream.linear.gather [hbm4b:s10+s1], $0x80, $0x38;
	[tilespmem:$0x11080] =	vst v63  }
.LBB2_34:
0x366: {  	[tilespmem:s9], [sflag:$0x1] =	stream.linear.gather [hbm4b:s8+s1], $0x80, $0x38;
	[tilespmem:$0x11080] =	vst v63  }
0x367: {  	s9 =	sshra.s32 s6, $0x2;
	p1 =	sne.s32 s6, $0x3800;
	s6 =	sadd.s32 $0x800, s6  }
0x368: {  	[tilespmem:s9], [sflag:$0x1] =	stream.linear.gather [hbm4b:s7+s1], $0x80, $0x38;
	[tilespmem:$0x11080] =	vst v63  }
0x369: {  	s8 =	sadd.s32 $0x10, s7;
	s10 =	sadd.s32 $0x1000, s9  }
0x36a: {  	[tilespmem:s10], [sflag:$0x1] =	stream.linear.gather [hbm4b:s8+s1], $0x80, $0x38;
	[tilespmem:$0x11080] =	vst v63  }
0x36b: {  	s8 =	sadd.s32 $0x20, s7;
	s10 =	sadd.s32 $0x2000, s9  }
0x36c: {  	[tilespmem:s10], [sflag:$0x1] =	stream.linear.gather [hbm4b:s8+s1], $0x80, $0x38;
	[tilespmem:$0x11080] =	vst v63  }
0x36d: {  	s8 =	sadd.s32 $0x30, s7;
	s10 =	sadd.s32 $0x3000, s9  }
0x36e: {  	[tilespmem:s10], [sflag:$0x1] =	stream.linear.gather [hbm4b:s8+s1], $0x80, $0x38;
	[tilespmem:$0x11080] =	vst v63  }
0x36f: {  	s8 =	sadd.s32 $0x40, s7;
	s10 =	sadd.s32 $0x4000, s9  }
0x370: {  	[tilespmem:s10], [sflag:$0x1] =	stream.linear.gather [hbm4b:s8+s1], $0x80, $0x38;
	[tilespmem:$0x11080] =	vst v63  }
.Ltmp16:
0x371: {  	s8 =	sadd.s32 $0x50, s7;
	s10 =	sadd.s32 $0x5000, s9;
	(pc) =	sbr.rel @p1 .LBB2_34-.Ltmp16, $4  }
0x372: {  	[tilespmem:s10], [sflag:$0x1] =	stream.linear.gather [hbm4b:s8+s1], $0x80, $0x38;
	[tilespmem:$0x11080] =	vst v63  }
0x373: {  	s8 =	sadd.s32 $0x60, s7;
	s10 =	sadd.s32 $0x6000, s9  }
0x374: {  	[tilespmem:s10], [sflag:$0x1] =	stream.linear.gather [hbm4b:s8+s1], $0x80, $0x38;
	[tilespmem:$0x11080] =	vst v63  }
0x375: {  	s9 =	sadd.s32 $0x7000, s9;
	s8 =	sadd.s32 $0x70, s7;
	s7 =	sadd.s32 $0x80, s7  }
0x376: {  	[tilespmem:s9], [sflag:$0x1] =	stream.linear.gather [hbm4b:s8+s1], $0x80, $0x38;
	[tilespmem:$0x11080] =	vst v63  }
0x377: {  	s6 =	simm.s32 $0x80  }
0x378: {  	[tilespmem:s6], [sflag:$0x1] =	stream.linear.gather [hbm4b:s19+s1], $0x80, $0x38;
	[tilespmem:$0x11080] =	vst v63  }
0x379: {  	s9 =	sadd.s32 $0x10, s19;
	s7 =	simm.s32 $0x1080  }
0x37a: {  	[tilespmem:s7], [sflag:$0x1] =	stream.linear.gather [hbm4b:s9+s1], $0x80, $0x38;
	[tilespmem:$0x11080] =	vst v63  }
0x37b: {  	s10 =	sadd.s32 $0x20, s19;
	s11 =	simm.s32 $0x2080  }
0x37c: {  	[tilespmem:s11], [sflag:$0x1] =	stream.linear.gather [hbm4b:s10+s1], $0x80, $0x38;
	[tilespmem:$0x11080] =	vst v63  }
0x37d: {  	s8 =	sadd.s32 $0x30, s19;
	s9 =	simm.s32 $0x3080  }
0x37e: {  	[tilespmem:s9], [sflag:$0x1] =	stream.linear.gather [hbm4b:s8+s1], $0x80, $0x38;
	[tilespmem:$0x11080] =	vst v63  }
0x37f: {  	s10 =	sadd.s32 $0x40, s19;
	s11 =	simm.s32 $0x4080  }
0x380: {  	[tilespmem:s11], [sflag:$0x1] =	stream.linear.gather [hbm4b:s10+s1], $0x80, $0x38;
	[tilespmem:$0x11080] =	vst v63  }
0x381: {  	s6 =	simm.s32 $0x200;
	s8 =	sadd.s32 $0x50, s19;
	s9 =	simm.s32 $0x5080  }
0x382: {  	[tilespmem:s9], [sflag:$0x1] =	stream.linear.gather [hbm4b:s8+s1], $0x80, $0x38;
	[tilespmem:$0x11080] =	vst v63  }
0x383: {  	s7 =	sadd.s32 $0x80, s19;
	s10 =	sadd.s32 $0x60, s19;
	s11 =	simm.s32 $0x6080  }
0x384: {  	[tilespmem:s11], [sflag:$0x1] =	stream.linear.gather [hbm4b:s10+s1], $0x80, $0x38;
	[tilespmem:$0x11080] =	vst v63  }
0x385: {  	s8 =	simm.s32 $0x1000;
	s9 =	sadd.s32 $0x70, s19;
	s10 =	simm.s32 $0x7080  }
.LBB2_36:
0x386: {  	[tilespmem:s10], [sflag:$0x1] =	stream.linear.gather [hbm4b:s9+s1], $0x80, $0x38;
	[tilespmem:$0x11080] =	vst v63  }
0x387: {  	s10 =	smov.u32 s6;
	s6 =	smov.u32 s8  }
0x388: {  	s11 =	sadd.s32 $0x800, s8;
	s6 =	sshra.s32 s6, $0x2;
	s9 =	sadd.s32 $0x80, s10  }
0x389: {  	[tilespmem:s9], [sflag:$0x1] =	stream.linear.gather [hbm4b:s7+s1], $0x80, $0x38;
	[tilespmem:$0x11080] =	vst v63  }
0x38a: {  	p1 =	sne.s32 s8, $0x3800;
	s8 =	sadd.s32 $0x10, s7;
	s9 =	sadd.s32 $0x1080, s10  }
0x38b: {  	[tilespmem:s9], [sflag:$0x1] =	stream.linear.gather [hbm4b:s8+s1], $0x80, $0x38;
	[tilespmem:$0x11080] =	vst v63  }
0x38c: {  	s8 =	sadd.s32 $0x20, s7;
	s9 =	sadd.s32 $0x2080, s10  }
0x38d: {  	[tilespmem:s9], [sflag:$0x1] =	stream.linear.gather [hbm4b:s8+s1], $0x80, $0x38;
	[tilespmem:$0x11080] =	vst v63  }
0x38e: {  	s8 =	sadd.s32 $0x30, s7;
	s9 =	sadd.s32 $0x3080, s10  }
0x38f: {  	[tilespmem:s9], [sflag:$0x1] =	stream.linear.gather [hbm4b:s8+s1], $0x80, $0x38;
	[tilespmem:$0x11080] =	vst v63  }
0x390: {  	s8 =	sadd.s32 $0x40, s7;
	s9 =	sadd.s32 $0x4080, s10  }
0x391: {  	[tilespmem:s9], [sflag:$0x1] =	stream.linear.gather [hbm4b:s8+s1], $0x80, $0x38;
	[tilespmem:$0x11080] =	vst v63  }
.Ltmp17:
0x392: {  	s8 =	sadd.s32 $0x50, s7;
	s9 =	sadd.s32 $0x5080, s10;
	(pc) =	sbr.rel @p1 .LBB2_36-.Ltmp17, $4  }
0x393: {  	[tilespmem:s9], [sflag:$0x1] =	stream.linear.gather [hbm4b:s8+s1], $0x80, $0x38;
	[tilespmem:$0x11080] =	vst v63  }
0x394: {  	s8 =	sadd.s32 $0x60, s7;
	s9 =	sadd.s32 $0x6080, s10;
	s10 =	sadd.s32 $0x7080, s10  }
0x395: {  	[tilespmem:s9], [sflag:$0x1] =	stream.linear.gather [hbm4b:s8+s1], $0x80, $0x38;
	[tilespmem:$0x11080] =	vst v63  }
0x396: {  	s9 =	sadd.s32 $0x70, s7;
	s7 =	sadd.s32 $0x80, s7;
	s8 =	smov.u32 s11  }
0x397: {  	[tilespmem:s10], [sflag:$0x1] =	stream.linear.gather [hbm4b:s9+s1], $0x80, $0x38;
	[tilespmem:$0x11080] =	vst v63  }
0x398: {  	s8 =	sadd.s32 $0x80, s6  }
0x399: {  	[tilespmem:s8], [sflag:$0x1] =	stream.linear.gather [hbm4b:s7+s1], $0x80, $0x38;
	[tilespmem:$0x11080] =	vst v63  }
0x39a: {  	s10 =	sadd.s32 $0x10, s7;
	s11 =	sadd.s32 $0x1080, s6  }
0x39b: {  	[tilespmem:s11], [sflag:$0x1] =	stream.linear.gather [hbm4b:s10+s1], $0x80, $0x38;
	[tilespmem:$0x11080] =	vst v63  }
0x39c: {  	s10 =	sadd.s32 $0x20, s7;
	s11 =	sadd.s32 $0x2080, s6  }
0x39d: {  	[tilespmem:s11], [sflag:$0x1] =	stream.linear.gather [hbm4b:s10+s1], $0x80, $0x38;
	[tilespmem:$0x11080] =	vst v63  }
0x39e: {  	s10 =	sadd.s32 $0x30, s7;
	s11 =	sadd.s32 $0x3080, s6  }
0x39f: {  	[tilespmem:s11], [sflag:$0x1] =	stream.linear.gather [hbm4b:s10+s1], $0x80, $0x38;
	[tilespmem:$0x11080] =	vst v63  }
0x3a0: {  	s10 =	sadd.s32 $0x40, s7;
	s11 =	sadd.s32 $0x4080, s6  }
0x3a1: {  	[tilespmem:s11], [sflag:$0x1] =	stream.linear.gather [hbm4b:s10+s1], $0x80, $0x38;
	[tilespmem:$0x11080] =	vst v63  }
0x3a2: {  	s10 =	sadd.s32 $0x50, s7;
	s11 =	sadd.s32 $0x5080, s6  }
0x3a3: {  	[tilespmem:s11], [sflag:$0x1] =	stream.linear.gather [hbm4b:s10+s1], $0x80, $0x38;
	[tilespmem:$0x11080] =	vst v63  }
0x3a4: {  	s10 =	sadd.s32 $0x60, s7;
	s11 =	sadd.s32 $0x6080, s6  }
0x3a5: {  	[tilespmem:s11], [sflag:$0x1] =	stream.linear.gather [hbm4b:s10+s1], $0x80, $0x38;
	[tilespmem:$0x11080] =	vst v63  }
0x3a6: {  	s10 =	sadd.s32 $0x70, s7;
	s11 =	sadd.s32 $0x7080, s6  }
0x3a7: {  	[tilespmem:s11], [sflag:$0x1] =	stream.linear.gather [hbm4b:s10+s1], $0x80, $0x38;
	[tilespmem:$0x11080] =	vst v63  }
0x3a8: {  	s7 =	simm.s32 $0x100  }
0x3a9: {  	[tilespmem:s7], [sflag:$0x1] =	stream.linear.gather [hbm4b:s20+s1], $0x80, $0x38;
	[tilespmem:$0x11080] =	vst v63  }
0x3aa: {  	s9 =	simm.s32 $0x1100;
	s8 =	sadd.s32 $0x10, s20  }
0x3ab: {  	[tilespmem:s9], [sflag:$0x1] =	stream.linear.gather [hbm4b:s8+s1], $0x80, $0x38;
	[tilespmem:$0x11080] =	vst v63  }
0x3ac: {  	s10 =	sadd.s32 $0x20, s20;
	s11 =	simm.s32 $0x2100  }
0x3ad: {  	[tilespmem:s11], [sflag:$0x1] =	stream.linear.gather [hbm4b:s10+s1], $0x80, $0x38;
	[tilespmem:$0x11080] =	vst v63  }
0x3ae: {  	s8 =	sadd.s32 $0x30, s20;
	s9 =	simm.s32 $0x3100  }
0x3af: {  	[tilespmem:s9], [sflag:$0x1] =	stream.linear.gather [hbm4b:s8+s1], $0x80, $0x38;
	[tilespmem:$0x11080] =	vst v63  }
0x3b0: {  	s10 =	sadd.s32 $0x40, s20;
	s11 =	simm.s32 $0x4100  }
0x3b1: {  	[tilespmem:s11], [sflag:$0x1] =	stream.linear.gather [hbm4b:s10+s1], $0x80, $0x38;
	[tilespmem:$0x11080] =	vst v63  }
0x3b2: {  	s6 =	simm.s32 $0x200;
	s8 =	sadd.s32 $0x50, s20;
	s9 =	simm.s32 $0x5100  }
0x3b3: {  	[tilespmem:s9], [sflag:$0x1] =	stream.linear.gather [hbm4b:s8+s1], $0x80, $0x38;
	[tilespmem:$0x11080] =	vst v63  }
0x3b4: {  	s7 =	sadd.s32 $0x80, s20;
	s10 =	sadd.s32 $0x60, s20;
	s11 =	simm.s32 $0x6100  }
0x3b5: {  	[tilespmem:s11], [sflag:$0x1] =	stream.linear.gather [hbm4b:s10+s1], $0x80, $0x38;
	[tilespmem:$0x11080] =	vst v63  }
0x3b6: {  	s8 =	simm.s32 $0x1000;
	s9 =	sadd.s32 $0x70, s20;
	s10 =	simm.s32 $0x7100  }
.LBB2_38:
0x3b7: {  	[tilespmem:s10], [sflag:$0x1] =	stream.linear.gather [hbm4b:s9+s1], $0x80, $0x38;
	[tilespmem:$0x11080] =	vst v63  }
0x3b8: {  	s10 =	smov.u32 s6;
	s6 =	smov.u32 s8  }
0x3b9: {  	s11 =	sadd.s32 $0x800, s8;
	s6 =	sshra.s32 s6, $0x2;
	s9 =	sadd.s32 $0x100, s10  }
0x3ba: {  	[tilespmem:s9], [sflag:$0x1] =	stream.linear.gather [hbm4b:s7+s1], $0x80, $0x38;
	[tilespmem:$0x11080] =	vst v63  }
0x3bb: {  	p1 =	sne.s32 s8, $0x3800;
	s8 =	sadd.s32 $0x10, s7;
	s9 =	sadd.s32 $0x1100, s10  }
0x3bc: {  	[tilespmem:s9], [sflag:$0x1] =	stream.linear.gather [hbm4b:s8+s1], $0x80, $0x38;
	[tilespmem:$0x11080] =	vst v63  }
0x3bd: {  	s8 =	sadd.s32 $0x20, s7;
	s9 =	sadd.s32 $0x2100, s10  }
0x3be: {  	[tilespmem:s9], [sflag:$0x1] =	stream.linear.gather [hbm4b:s8+s1], $0x80, $0x38;
	[tilespmem:$0x11080] =	vst v63  }
0x3bf: {  	s8 =	sadd.s32 $0x30, s7;
	s9 =	sadd.s32 $0x3100, s10  }
0x3c0: {  	[tilespmem:s9], [sflag:$0x1] =	stream.linear.gather [hbm4b:s8+s1], $0x80, $0x38;
	[tilespmem:$0x11080] =	vst v63  }
0x3c1: {  	s8 =	sadd.s32 $0x40, s7;
	s9 =	sadd.s32 $0x4100, s10  }
0x3c2: {  	[tilespmem:s9], [sflag:$0x1] =	stream.linear.gather [hbm4b:s8+s1], $0x80, $0x38;
	[tilespmem:$0x11080] =	vst v63  }
.Ltmp18:
0x3c3: {  	s8 =	sadd.s32 $0x50, s7;
	s9 =	sadd.s32 $0x5100, s10;
	(pc) =	sbr.rel @p1 .LBB2_38-.Ltmp18, $4  }
0x3c4: {  	[tilespmem:s9], [sflag:$0x1] =	stream.linear.gather [hbm4b:s8+s1], $0x80, $0x38;
	[tilespmem:$0x11080] =	vst v63  }
0x3c5: {  	s8 =	sadd.s32 $0x60, s7;
	s9 =	sadd.s32 $0x6100, s10;
	s10 =	sadd.s32 $0x7100, s10  }
0x3c6: {  	[tilespmem:s9], [sflag:$0x1] =	stream.linear.gather [hbm4b:s8+s1], $0x80, $0x38;
	[tilespmem:$0x11080] =	vst v63  }
0x3c7: {  	s9 =	sadd.s32 $0x70, s7;
	s7 =	sadd.s32 $0x80, s7;
	s8 =	smov.u32 s11  }
0x3c8: {  	[tilespmem:s10], [sflag:$0x1] =	stream.linear.gather [hbm4b:s9+s1], $0x80, $0x38;
	[tilespmem:$0x11080] =	vst v63  }
0x3c9: {  	s8 =	sadd.s32 $0x100, s6  }
0x3ca: {  	[tilespmem:s8], [sflag:$0x1] =	stream.linear.gather [hbm4b:s7+s1], $0x80, $0x38;
	[tilespmem:$0x11080] =	vst v63  }
0x3cb: {  	s10 =	sadd.s32 $0x10, s7;
	s11 =	sadd.s32 $0x1100, s6  }
0x3cc: {  	[tilespmem:s11], [sflag:$0x1] =	stream.linear.gather [hbm4b:s10+s1], $0x80, $0x38;
	[tilespmem:$0x11080] =	vst v63  }
0x3cd: {  	s10 =	sadd.s32 $0x20, s7;
	s11 =	sadd.s32 $0x2100, s6  }
0x3ce: {  	[tilespmem:s11], [sflag:$0x1] =	stream.linear.gather [hbm4b:s10+s1], $0x80, $0x38;
	[tilespmem:$0x11080] =	vst v63  }
0x3cf: {  	s10 =	sadd.s32 $0x30, s7;
	s11 =	sadd.s32 $0x3100, s6  }
0x3d0: {  	[tilespmem:s11], [sflag:$0x1] =	stream.linear.gather [hbm4b:s10+s1], $0x80, $0x38;
	[tilespmem:$0x11080] =	vst v63  }
0x3d1: {  	s10 =	sadd.s32 $0x40, s7;
	s11 =	sadd.s32 $0x4100, s6  }
0x3d2: {  	[tilespmem:s11], [sflag:$0x1] =	stream.linear.gather [hbm4b:s10+s1], $0x80, $0x38;
	[tilespmem:$0x11080] =	vst v63  }
0x3d3: {  	s10 =	sadd.s32 $0x50, s7;
	s11 =	sadd.s32 $0x5100, s6  }
0x3d4: {  	[tilespmem:s11], [sflag:$0x1] =	stream.linear.gather [hbm4b:s10+s1], $0x80, $0x38;
	[tilespmem:$0x11080] =	vst v63  }
0x3d5: {  	s10 =	sadd.s32 $0x60, s7;
	s11 =	sadd.s32 $0x6100, s6  }
0x3d6: {  	[tilespmem:s11], [sflag:$0x1] =	stream.linear.gather [hbm4b:s10+s1], $0x80, $0x38;
	[tilespmem:$0x11080] =	vst v63  }
0x3d7: {  	s10 =	sadd.s32 $0x70, s7;
	s11 =	sadd.s32 $0x7100, s6  }
0x3d8: {  	[tilespmem:s11], [sflag:$0x1] =	stream.linear.gather [hbm4b:s10+s1], $0x80, $0x38;
	[tilespmem:$0x11080] =	vst v63  }
0x3d9: {  	s7 =	simm.s32 $0x180  }
0x3da: {  	[tilespmem:s7], [sflag:$0x1] =	stream.linear.gather [hbm4b:s21+s1], $0x80, $0x38;
	[tilespmem:$0x11080] =	vst v63  }
0x3db: {  	s9 =	simm.s32 $0x1180;
	s8 =	sadd.s32 $0x10, s21  }
0x3dc: {  	[tilespmem:s9], [sflag:$0x1] =	stream.linear.gather [hbm4b:s8+s1], $0x80, $0x38;
	[tilespmem:$0x11080] =	vst v63  }
0x3dd: {  	s10 =	sadd.s32 $0x20, s21;
	s11 =	simm.s32 $0x2180  }
0x3de: {  	[tilespmem:s11], [sflag:$0x1] =	stream.linear.gather [hbm4b:s10+s1], $0x80, $0x38;
	[tilespmem:$0x11080] =	vst v63  }
0x3df: {  	s8 =	sadd.s32 $0x30, s21;
	s9 =	simm.s32 $0x3180  }
0x3e0: {  	[tilespmem:s9], [sflag:$0x1] =	stream.linear.gather [hbm4b:s8+s1], $0x80, $0x38;
	[tilespmem:$0x11080] =	vst v63  }
0x3e1: {  	s10 =	sadd.s32 $0x40, s21;
	s11 =	simm.s32 $0x4180  }
0x3e2: {  	[tilespmem:s11], [sflag:$0x1] =	stream.linear.gather [hbm4b:s10+s1], $0x80, $0x38;
	[tilespmem:$0x11080] =	vst v63  }
0x3e3: {  	s6 =	simm.s32 $0x200;
	s8 =	sadd.s32 $0x50, s21;
	s9 =	simm.s32 $0x5180  }
0x3e4: {  	[tilespmem:s9], [sflag:$0x1] =	stream.linear.gather [hbm4b:s8+s1], $0x80, $0x38;
	[tilespmem:$0x11080] =	vst v63  }
0x3e5: {  	s7 =	sadd.s32 $0x80, s21;
	s10 =	sadd.s32 $0x60, s21;
	s11 =	simm.s32 $0x6180  }
0x3e6: {  	[tilespmem:s11], [sflag:$0x1] =	stream.linear.gather [hbm4b:s10+s1], $0x80, $0x38;
	[tilespmem:$0x11080] =	vst v63  }
0x3e7: {  	s8 =	simm.s32 $0x1000;
	s9 =	sadd.s32 $0x70, s21;
	s10 =	simm.s32 $0x7180  }
.LBB2_40:
0x3e8: {  	[tilespmem:s10], [sflag:$0x1] =	stream.linear.gather [hbm4b:s9+s1], $0x80, $0x38;
	[tilespmem:$0x11080] =	vst v63  }
0x3e9: {  	s10 =	smov.u32 s6;
	s6 =	smov.u32 s8  }
0x3ea: {  	s11 =	sadd.s32 $0x800, s8;
	s6 =	sshra.s32 s6, $0x2;
	s9 =	sadd.s32 $0x180, s10  }
0x3eb: {  	[tilespmem:s9], [sflag:$0x1] =	stream.linear.gather [hbm4b:s7+s1], $0x80, $0x38;
	[tilespmem:$0x11080] =	vst v63  }
0x3ec: {  	p1 =	sne.s32 s8, $0x3800;
	s8 =	sadd.s32 $0x10, s7;
	s9 =	sadd.s32 $0x1180, s10  }
0x3ed: {  	[tilespmem:s9], [sflag:$0x1] =	stream.linear.gather [hbm4b:s8+s1], $0x80, $0x38;
	[tilespmem:$0x11080] =	vst v63  }
0x3ee: {  	s8 =	sadd.s32 $0x20, s7;
	s9 =	sadd.s32 $0x2180, s10  }
0x3ef: {  	[tilespmem:s9], [sflag:$0x1] =	stream.linear.gather [hbm4b:s8+s1], $0x80, $0x38;
	[tilespmem:$0x11080] =	vst v63  }
0x3f0: {  	s8 =	sadd.s32 $0x30, s7;
	s9 =	sadd.s32 $0x3180, s10  }
0x3f1: {  	[tilespmem:s9], [sflag:$0x1] =	stream.linear.gather [hbm4b:s8+s1], $0x80, $0x38;
	[tilespmem:$0x11080] =	vst v63  }
0x3f2: {  	s8 =	sadd.s32 $0x40, s7;
	s9 =	sadd.s32 $0x4180, s10  }
0x3f3: {  	[tilespmem:s9], [sflag:$0x1] =	stream.linear.gather [hbm4b:s8+s1], $0x80, $0x38;
	[tilespmem:$0x11080] =	vst v63  }
.Ltmp19:
0x3f4: {  	s8 =	sadd.s32 $0x50, s7;
	s9 =	sadd.s32 $0x5180, s10;
	(pc) =	sbr.rel @p1 .LBB2_40-.Ltmp19, $4  }
0x3f5: {  	[tilespmem:s9], [sflag:$0x1] =	stream.linear.gather [hbm4b:s8+s1], $0x80, $0x38;
	[tilespmem:$0x11080] =	vst v63  }
0x3f6: {  	s8 =	sadd.s32 $0x60, s7;
	s9 =	sadd.s32 $0x6180, s10;
	s10 =	sadd.s32 $0x7180, s10  }
0x3f7: {  	[tilespmem:s9], [sflag:$0x1] =	stream.linear.gather [hbm4b:s8+s1], $0x80, $0x38;
	[tilespmem:$0x11080] =	vst v63  }
0x3f8: {  	s9 =	sadd.s32 $0x70, s7;
	s7 =	sadd.s32 $0x80, s7;
	s8 =	smov.u32 s11  }
0x3f9: {  	[tilespmem:s10], [sflag:$0x1] =	stream.linear.gather [hbm4b:s9+s1], $0x80, $0x38;
	[tilespmem:$0x11080] =	vst v63  }
0x3fa: {  	s8 =	sadd.s32 $0x180, s6  }
0x3fb: {  	[tilespmem:s8], [sflag:$0x1] =	stream.linear.gather [hbm4b:s7+s1], $0x80, $0x38;
	[tilespmem:$0x11080] =	vst v63  }
0x3fc: {  	s10 =	sadd.s32 $0x10, s7;
	s11 =	sadd.s32 $0x1180, s6  }
0x3fd: {  	[tilespmem:s11], [sflag:$0x1] =	stream.linear.gather [hbm4b:s10+s1], $0x80, $0x38;
	[tilespmem:$0x11080] =	vst v63  }
0x3fe: {  	s10 =	sadd.s32 $0x20, s7;
	s11 =	sadd.s32 $0x2180, s6  }
0x3ff: {  	[tilespmem:s11], [sflag:$0x1] =	stream.linear.gather [hbm4b:s10+s1], $0x80, $0x38;
	[tilespmem:$0x11080] =	vst v63  }
0x400: {  	s10 =	sadd.s32 $0x30, s7;
	s11 =	sadd.s32 $0x3180, s6  }
0x401: {  	[tilespmem:s11], [sflag:$0x1] =	stream.linear.gather [hbm4b:s10+s1], $0x80, $0x38;
	[tilespmem:$0x11080] =	vst v63  }
0x402: {  	s10 =	sadd.s32 $0x40, s7;
	s11 =	sadd.s32 $0x4180, s6  }
0x403: {  	[tilespmem:s11], [sflag:$0x1] =	stream.linear.gather [hbm4b:s10+s1], $0x80, $0x38;
	[tilespmem:$0x11080] =	vst v63  }
0x404: {  	s10 =	sadd.s32 $0x50, s7;
	s11 =	sadd.s32 $0x5180, s6  }
0x405: {  	[tilespmem:s11], [sflag:$0x1] =	stream.linear.gather [hbm4b:s10+s1], $0x80, $0x38;
	[tilespmem:$0x11080] =	vst v63  }
0x406: {  	s10 =	sadd.s32 $0x60, s7;
	s11 =	sadd.s32 $0x6180, s6  }
0x407: {  	[tilespmem:s11], [sflag:$0x1] =	stream.linear.gather [hbm4b:s10+s1], $0x80, $0x38;
	[tilespmem:$0x11080] =	vst v63  }
0x408: {  	s10 =	sadd.s32 $0x70, s7;
	s11 =	sadd.s32 $0x7180, s6  }
0x409: {  	[tilespmem:s11], [sflag:$0x1] =	stream.linear.gather [hbm4b:s10+s1], $0x80, $0x38;
	[tilespmem:$0x11080] =	vst v63  }
0x40a: {  	_ =	swait.ge [sflag:s5], $0x2000  }
0x40b: {  	[sflag:s5] =	ssyncset.done $0x0  }
0x40c: {  	[sflag:s5] =	ssyncadd.s32 $0xFFFFE000  }
0x40d: {  	_ =	swait.ge [sflag:s5], $0x2000  }
0x40e: {  	[sflag:s5] =	ssyncset.done $0x0  }
0x40f: {  	[sflag:s5] =	ssyncadd.s32 $0xFFFFE000  }
0x410: {  	_ =	swait.ge [sflag:s5], $0x2000  }
0x411: {  	[sflag:s5] =	ssyncset.done $0x0  }
0x412: {  	[sflag:s5] =	ssyncadd.s32 $0xFFFFE000  }
0x413: {  	_ =	swait.ge [sflag:s5], $0x2000  }
0x414: {  	s8 =	simm.s32 $0x0;
	s10 =	simm.s32 $0x8000;
	[sflag:s5] =	ssyncset.done $0x0  }
0x415: {  	s11 =	simm.s32 $0x4;
	s9 =	rddreg [dreg:$0x12];
	[sflag:s5] =	ssyncadd.s32 $0xFFFFE000  }
0x416: {  	[hbm4b:s9+s8] =	stream.linear.scatter [tilespmem:s10], [sflag:$0x4], $0x8000, $0x38;
	[tilespmem:$0x11080] =	vst v63  }
0x417: {  	_ =	swait.ge [sflag:s11], $0x8000  }
0x418: {  	[sflag:s11] =	ssyncset.done $0x0  }
0x419: {  	s7 =	simm.s32 $0x8000;
	[sflag:s11] =	ssyncadd.s32 $0xFFFF8000  }
0x41a: {  	[tilespmem:s7], [sflag:$0x2] =	stream.linear.gather [hbm4b:s22+s1], $0x80, $0x38;
	[tilespmem:$0x11080] =	vst v63  }
0x41b: {  	s8 =	sadd.s32 $0x10, s22;
	s9 =	simm.s32 $0x9000  }
0x41c: {  	[tilespmem:s9], [sflag:$0x2] =	stream.linear.gather [hbm4b:s8+s1], $0x80, $0x38;
	[tilespmem:$0x11080] =	vst v63  }
0x41d: {  	s10 =	sadd.s32 $0x20, s22;
	s11 =	simm.s32 $0xA000  }
0x41e: {  	[tilespmem:s11], [sflag:$0x2] =	stream.linear.gather [hbm4b:s10+s1], $0x80, $0x38;
	[tilespmem:$0x11080] =	vst v63  }
0x41f: {  	s8 =	sadd.s32 $0x30, s22;
	s9 =	simm.s32 $0xB000  }
0x420: {  	[tilespmem:s9], [sflag:$0x2] =	stream.linear.gather [hbm4b:s8+s1], $0x80, $0x38;
	[tilespmem:$0x11080] =	vst v63  }
0x421: {  	s10 =	sadd.s32 $0x40, s22;
	s11 =	simm.s32 $0xC000  }
0x422: {  	[tilespmem:s11], [sflag:$0x2] =	stream.linear.gather [hbm4b:s10+s1], $0x80, $0x38;
	[tilespmem:$0x11080] =	vst v63  }
0x423: {  	s6 =	simm.s32 $0x200;
	s8 =	sadd.s32 $0x50, s22;
	s9 =	simm.s32 $0xD000  }
0x424: {  	[tilespmem:s9], [sflag:$0x2] =	stream.linear.gather [hbm4b:s8+s1], $0x80, $0x38;
	[tilespmem:$0x11080] =	vst v63  }
0x425: {  	s7 =	sadd.s32 $0x80, s22;
	s10 =	sadd.s32 $0x60, s22;
	s11 =	simm.s32 $0xE000  }
0x426: {  	[tilespmem:s11], [sflag:$0x2] =	stream.linear.gather [hbm4b:s10+s1], $0x80, $0x38;
	[tilespmem:$0x11080] =	vst v63  }
0x427: {  	s8 =	simm.s32 $0x1000;
	s9 =	sadd.s32 $0x70, s22;
	s10 =	simm.s32 $0xF000  }
.LBB2_42:
0x428: {  	[tilespmem:s10], [sflag:$0x2] =	stream.linear.gather [hbm4b:s9+s1], $0x80, $0x38;
	[tilespmem:$0x11080] =	vst v63  }
0x429: {  	s10 =	smov.u32 s6;
	s6 =	smov.u32 s8  }
0x42a: {  	s11 =	sadd.s32 $0x800, s8;
	s6 =	sshra.s32 s6, $0x2;
	s9 =	sadd.s32 $0x8000, s10  }
0x42b: {  	[tilespmem:s9], [sflag:$0x2] =	stream.linear.gather [hbm4b:s7+s1], $0x80, $0x38;
	[tilespmem:$0x11080] =	vst v63  }
0x42c: {  	p1 =	sne.s32 s8, $0x3800;
	s8 =	sadd.s32 $0x10, s7;
	s9 =	sadd.s32 $0x9000, s10  }
0x42d: {  	[tilespmem:s9], [sflag:$0x2] =	stream.linear.gather [hbm4b:s8+s1], $0x80, $0x38;
	[tilespmem:$0x11080] =	vst v63  }
0x42e: {  	s8 =	sadd.s32 $0x20, s7;
	s9 =	sadd.s32 $0xA000, s10  }
0x42f: {  	[tilespmem:s9], [sflag:$0x2] =	stream.linear.gather [hbm4b:s8+s1], $0x80, $0x38;
	[tilespmem:$0x11080] =	vst v63  }
0x430: {  	s8 =	sadd.s32 $0x30, s7;
	s9 =	sadd.s32 $0xB000, s10  }
0x431: {  	[tilespmem:s9], [sflag:$0x2] =	stream.linear.gather [hbm4b:s8+s1], $0x80, $0x38;
	[tilespmem:$0x11080] =	vst v63  }
0x432: {  	s8 =	sadd.s32 $0x40, s7;
	s9 =	sadd.s32 $0xC000, s10  }
0x433: {  	[tilespmem:s9], [sflag:$0x2] =	stream.linear.gather [hbm4b:s8+s1], $0x80, $0x38;
	[tilespmem:$0x11080] =	vst v63  }
.Ltmp20:
0x434: {  	s8 =	sadd.s32 $0x50, s7;
	s9 =	sadd.s32 $0xD000, s10;
	(pc) =	sbr.rel @p1 .LBB2_42-.Ltmp20, $4  }
0x435: {  	[tilespmem:s9], [sflag:$0x2] =	stream.linear.gather [hbm4b:s8+s1], $0x80, $0x38;
	[tilespmem:$0x11080] =	vst v63  }
0x436: {  	s8 =	sadd.s32 $0x60, s7;
	s9 =	sadd.s32 $0xE000, s10;
	s10 =	sadd.s32 $0xF000, s10  }
0x437: {  	[tilespmem:s9], [sflag:$0x2] =	stream.linear.gather [hbm4b:s8+s1], $0x80, $0x38;
	[tilespmem:$0x11080] =	vst v63  }
0x438: {  	s9 =	sadd.s32 $0x70, s7;
	s7 =	sadd.s32 $0x80, s7;
	s8 =	smov.u32 s11  }
0x439: {  	[tilespmem:s10], [sflag:$0x2] =	stream.linear.gather [hbm4b:s9+s1], $0x80, $0x38;
	[tilespmem:$0x11080] =	vst v63  }
0x43a: {  	s8 =	sadd.s32 $0x8000, s6  }
0x43b: {  	[tilespmem:s8], [sflag:$0x2] =	stream.linear.gather [hbm4b:s7+s1], $0x80, $0x38;
	[tilespmem:$0x11080] =	vst v63  }
0x43c: {  	s10 =	sadd.s32 $0x10, s7;
	s11 =	sadd.s32 $0x9000, s6  }
0x43d: {  	[tilespmem:s11], [sflag:$0x2] =	stream.linear.gather [hbm4b:s10+s1], $0x80, $0x38;
	[tilespmem:$0x11080] =	vst v63  }
0x43e: {  	s10 =	sadd.s32 $0x20, s7;
	s11 =	sadd.s32 $0xA000, s6  }
0x43f: {  	[tilespmem:s11], [sflag:$0x2] =	stream.linear.gather [hbm4b:s10+s1], $0x80, $0x38;
	[tilespmem:$0x11080] =	vst v63  }
0x440: {  	s10 =	sadd.s32 $0x30, s7;
	s11 =	sadd.s32 $0xB000, s6  }
0x441: {  	[tilespmem:s11], [sflag:$0x2] =	stream.linear.gather [hbm4b:s10+s1], $0x80, $0x38;
	[tilespmem:$0x11080] =	vst v63  }
0x442: {  	s10 =	sadd.s32 $0x40, s7;
	s11 =	sadd.s32 $0xC000, s6  }
0x443: {  	[tilespmem:s11], [sflag:$0x2] =	stream.linear.gather [hbm4b:s10+s1], $0x80, $0x38;
	[tilespmem:$0x11080] =	vst v63  }
0x444: {  	s10 =	sadd.s32 $0x50, s7;
	s11 =	sadd.s32 $0xD000, s6  }
0x445: {  	[tilespmem:s11], [sflag:$0x2] =	stream.linear.gather [hbm4b:s10+s1], $0x80, $0x38;
	[tilespmem:$0x11080] =	vst v63  }
0x446: {  	s10 =	sadd.s32 $0x60, s7;
	s11 =	sadd.s32 $0xE000, s6  }
0x447: {  	[tilespmem:s11], [sflag:$0x2] =	stream.linear.gather [hbm4b:s10+s1], $0x80, $0x38;
	[tilespmem:$0x11080] =	vst v63  }
0x448: {  	s10 =	sadd.s32 $0x70, s7;
	s11 =	sadd.s32 $0xF000, s6  }
0x449: {  	[tilespmem:s11], [sflag:$0x2] =	stream.linear.gather [hbm4b:s10+s1], $0x80, $0x38;
	[tilespmem:$0x11080] =	vst v63  }
0x44a: {  	s7 =	simm.s32 $0x8080  }
0x44b: {  	[tilespmem:s7], [sflag:$0x2] =	stream.linear.gather [hbm4b:s23+s1], $0x80, $0x38;
	[tilespmem:$0x11080] =	vst v63  }
0x44c: {  	s9 =	simm.s32 $0x9080;
	s8 =	sadd.s32 $0x10, s23  }
0x44d: {  	[tilespmem:s9], [sflag:$0x2] =	stream.linear.gather [hbm4b:s8+s1], $0x80, $0x38;
	[tilespmem:$0x11080] =	vst v63  }
0x44e: {  	s10 =	sadd.s32 $0x20, s23;
	s11 =	simm.s32 $0xA080  }
0x44f: {  	[tilespmem:s11], [sflag:$0x2] =	stream.linear.gather [hbm4b:s10+s1], $0x80, $0x38;
	[tilespmem:$0x11080] =	vst v63  }
0x450: {  	s8 =	sadd.s32 $0x30, s23;
	s9 =	simm.s32 $0xB080  }
0x451: {  	[tilespmem:s9], [sflag:$0x2] =	stream.linear.gather [hbm4b:s8+s1], $0x80, $0x38;
	[tilespmem:$0x11080] =	vst v63  }
0x452: {  	s10 =	sadd.s32 $0x40, s23;
	s11 =	simm.s32 $0xC080  }
0x453: {  	[tilespmem:s11], [sflag:$0x2] =	stream.linear.gather [hbm4b:s10+s1], $0x80, $0x38;
	[tilespmem:$0x11080] =	vst v63  }
0x454: {  	s6 =	simm.s32 $0x200;
	s8 =	sadd.s32 $0x50, s23;
	s9 =	simm.s32 $0xD080  }
0x455: {  	[tilespmem:s9], [sflag:$0x2] =	stream.linear.gather [hbm4b:s8+s1], $0x80, $0x38;
	[tilespmem:$0x11080] =	vst v63  }
0x456: {  	s7 =	sadd.s32 $0x80, s23;
	s10 =	sadd.s32 $0x60, s23;
	s11 =	simm.s32 $0xE080  }
0x457: {  	[tilespmem:s11], [sflag:$0x2] =	stream.linear.gather [hbm4b:s10+s1], $0x80, $0x38;
	[tilespmem:$0x11080] =	vst v63  }
0x458: {  	s8 =	simm.s32 $0x1000;
	s9 =	sadd.s32 $0x70, s23;
	s10 =	simm.s32 $0xF080  }
.LBB2_44:
0x459: {  	[tilespmem:s10], [sflag:$0x2] =	stream.linear.gather [hbm4b:s9+s1], $0x80, $0x38;
	[tilespmem:$0x11080] =	vst v63  }
0x45a: {  	s10 =	smov.u32 s6;
	s6 =	smov.u32 s8  }
0x45b: {  	s11 =	sadd.s32 $0x800, s8;
	s6 =	sshra.s32 s6, $0x2;
	s9 =	sadd.s32 $0x8080, s10  }
0x45c: {  	[tilespmem:s9], [sflag:$0x2] =	stream.linear.gather [hbm4b:s7+s1], $0x80, $0x38;
	[tilespmem:$0x11080] =	vst v63  }
0x45d: {  	p1 =	sne.s32 s8, $0x3800;
	s8 =	sadd.s32 $0x10, s7;
	s9 =	sadd.s32 $0x9080, s10  }
0x45e: {  	[tilespmem:s9], [sflag:$0x2] =	stream.linear.gather [hbm4b:s8+s1], $0x80, $0x38;
	[tilespmem:$0x11080] =	vst v63  }
0x45f: {  	s8 =	sadd.s32 $0x20, s7;
	s9 =	sadd.s32 $0xA080, s10  }
0x460: {  	[tilespmem:s9], [sflag:$0x2] =	stream.linear.gather [hbm4b:s8+s1], $0x80, $0x38;
	[tilespmem:$0x11080] =	vst v63  }
0x461: {  	s8 =	sadd.s32 $0x30, s7;
	s9 =	sadd.s32 $0xB080, s10  }
0x462: {  	[tilespmem:s9], [sflag:$0x2] =	stream.linear.gather [hbm4b:s8+s1], $0x80, $0x38;
	[tilespmem:$0x11080] =	vst v63  }
0x463: {  	s8 =	sadd.s32 $0x40, s7;
	s9 =	sadd.s32 $0xC080, s10  }
0x464: {  	[tilespmem:s9], [sflag:$0x2] =	stream.linear.gather [hbm4b:s8+s1], $0x80, $0x38;
	[tilespmem:$0x11080] =	vst v63  }
.Ltmp21:
0x465: {  	s8 =	sadd.s32 $0x50, s7;
	s9 =	sadd.s32 $0xD080, s10;
	(pc) =	sbr.rel @p1 .LBB2_44-.Ltmp21, $4  }
0x466: {  	[tilespmem:s9], [sflag:$0x2] =	stream.linear.gather [hbm4b:s8+s1], $0x80, $0x38;
	[tilespmem:$0x11080] =	vst v63  }
0x467: {  	s8 =	sadd.s32 $0x60, s7;
	s9 =	sadd.s32 $0xE080, s10;
	s10 =	sadd.s32 $0xF080, s10  }
0x468: {  	[tilespmem:s9], [sflag:$0x2] =	stream.linear.gather [hbm4b:s8+s1], $0x80, $0x38;
	[tilespmem:$0x11080] =	vst v63  }
0x469: {  	s9 =	sadd.s32 $0x70, s7;
	s7 =	sadd.s32 $0x80, s7;
	s8 =	smov.u32 s11  }
0x46a: {  	[tilespmem:s10], [sflag:$0x2] =	stream.linear.gather [hbm4b:s9+s1], $0x80, $0x38;
	[tilespmem:$0x11080] =	vst v63  }
0x46b: {  	s8 =	sadd.s32 $0x8080, s6  }
0x46c: {  	[tilespmem:s8], [sflag:$0x2] =	stream.linear.gather [hbm4b:s7+s1], $0x80, $0x38;
	[tilespmem:$0x11080] =	vst v63  }
0x46d: {  	s10 =	sadd.s32 $0x10, s7;
	s11 =	sadd.s32 $0x9080, s6  }
0x46e: {  	[tilespmem:s11], [sflag:$0x2] =	stream.linear.gather [hbm4b:s10+s1], $0x80, $0x38;
	[tilespmem:$0x11080] =	vst v63  }
0x46f: {  	s10 =	sadd.s32 $0x20, s7;
	s11 =	sadd.s32 $0xA080, s6  }
0x470: {  	[tilespmem:s11], [sflag:$0x2] =	stream.linear.gather [hbm4b:s10+s1], $0x80, $0x38;
	[tilespmem:$0x11080] =	vst v63  }
0x471: {  	s10 =	sadd.s32 $0x30, s7;
	s11 =	sadd.s32 $0xB080, s6  }
0x472: {  	[tilespmem:s11], [sflag:$0x2] =	stream.linear.gather [hbm4b:s10+s1], $0x80, $0x38;
	[tilespmem:$0x11080] =	vst v63  }
0x473: {  	s10 =	sadd.s32 $0x40, s7;
	s11 =	sadd.s32 $0xC080, s6  }
0x474: {  	[tilespmem:s11], [sflag:$0x2] =	stream.linear.gather [hbm4b:s10+s1], $0x80, $0x38;
	[tilespmem:$0x11080] =	vst v63  }
0x475: {  	s10 =	sadd.s32 $0x50, s7;
	s11 =	sadd.s32 $0xD080, s6  }
0x476: {  	[tilespmem:s11], [sflag:$0x2] =	stream.linear.gather [hbm4b:s10+s1], $0x80, $0x38;
	[tilespmem:$0x11080] =	vst v63  }
0x477: {  	s10 =	sadd.s32 $0x60, s7;
	s11 =	sadd.s32 $0xE080, s6  }
0x478: {  	[tilespmem:s11], [sflag:$0x2] =	stream.linear.gather [hbm4b:s10+s1], $0x80, $0x38;
	[tilespmem:$0x11080] =	vst v63  }
0x479: {  	s10 =	sadd.s32 $0x70, s7;
	s11 =	sadd.s32 $0xF080, s6  }
0x47a: {  	[tilespmem:s11], [sflag:$0x2] =	stream.linear.gather [hbm4b:s10+s1], $0x80, $0x38;
	[tilespmem:$0x11080] =	vst v63  }
0x47b: {  	s7 =	simm.s32 $0x8100  }
0x47c: {  	[tilespmem:s7], [sflag:$0x2] =	stream.linear.gather [hbm4b:s24+s1], $0x80, $0x38;
	[tilespmem:$0x11080] =	vst v63  }
0x47d: {  	s9 =	simm.s32 $0x9100;
	s8 =	sadd.s32 $0x10, s24  }
0x47e: {  	[tilespmem:s9], [sflag:$0x2] =	stream.linear.gather [hbm4b:s8+s1], $0x80, $0x38;
	[tilespmem:$0x11080] =	vst v63  }
0x47f: {  	s10 =	sadd.s32 $0x20, s24;
	s11 =	simm.s32 $0xA100  }
0x480: {  	[tilespmem:s11], [sflag:$0x2] =	stream.linear.gather [hbm4b:s10+s1], $0x80, $0x38;
	[tilespmem:$0x11080] =	vst v63  }
0x481: {  	s8 =	sadd.s32 $0x30, s24;
	s9 =	simm.s32 $0xB100  }
0x482: {  	[tilespmem:s9], [sflag:$0x2] =	stream.linear.gather [hbm4b:s8+s1], $0x80, $0x38;
	[tilespmem:$0x11080] =	vst v63  }
0x483: {  	s10 =	sadd.s32 $0x40, s24;
	s11 =	simm.s32 $0xC100  }
0x484: {  	[tilespmem:s11], [sflag:$0x2] =	stream.linear.gather [hbm4b:s10+s1], $0x80, $0x38;
	[tilespmem:$0x11080] =	vst v63  }
0x485: {  	s6 =	simm.s32 $0x200;
	s8 =	sadd.s32 $0x50, s24;
	s9 =	simm.s32 $0xD100  }
0x486: {  	[tilespmem:s9], [sflag:$0x2] =	stream.linear.gather [hbm4b:s8+s1], $0x80, $0x38;
	[tilespmem:$0x11080] =	vst v63  }
0x487: {  	s7 =	sadd.s32 $0x80, s24;
	s10 =	sadd.s32 $0x60, s24;
	s11 =	simm.s32 $0xE100  }
0x488: {  	[tilespmem:s11], [sflag:$0x2] =	stream.linear.gather [hbm4b:s10+s1], $0x80, $0x38;
	[tilespmem:$0x11080] =	vst v63  }
0x489: {  	s8 =	simm.s32 $0x1000;
	s9 =	sadd.s32 $0x70, s24;
	s10 =	simm.s32 $0xF100  }
.LBB2_46:
0x48a: {  	[tilespmem:s10], [sflag:$0x2] =	stream.linear.gather [hbm4b:s9+s1], $0x80, $0x38;
	[tilespmem:$0x11080] =	vst v63  }
0x48b: {  	s10 =	smov.u32 s6;
	s6 =	smov.u32 s8  }
0x48c: {  	s11 =	sadd.s32 $0x800, s8;
	s6 =	sshra.s32 s6, $0x2;
	s9 =	sadd.s32 $0x8100, s10  }
0x48d: {  	[tilespmem:s9], [sflag:$0x2] =	stream.linear.gather [hbm4b:s7+s1], $0x80, $0x38;
	[tilespmem:$0x11080] =	vst v63  }
0x48e: {  	p1 =	sne.s32 s8, $0x3800;
	s8 =	sadd.s32 $0x10, s7;
	s9 =	sadd.s32 $0x9100, s10  }
0x48f: {  	[tilespmem:s9], [sflag:$0x2] =	stream.linear.gather [hbm4b:s8+s1], $0x80, $0x38;
	[tilespmem:$0x11080] =	vst v63  }
0x490: {  	s8 =	sadd.s32 $0x20, s7;
	s9 =	sadd.s32 $0xA100, s10  }
0x491: {  	[tilespmem:s9], [sflag:$0x2] =	stream.linear.gather [hbm4b:s8+s1], $0x80, $0x38;
	[tilespmem:$0x11080] =	vst v63  }
0x492: {  	s8 =	sadd.s32 $0x30, s7;
	s9 =	sadd.s32 $0xB100, s10  }
0x493: {  	[tilespmem:s9], [sflag:$0x2] =	stream.linear.gather [hbm4b:s8+s1], $0x80, $0x38;
	[tilespmem:$0x11080] =	vst v63  }
0x494: {  	s8 =	sadd.s32 $0x40, s7;
	s9 =	sadd.s32 $0xC100, s10  }
0x495: {  	[tilespmem:s9], [sflag:$0x2] =	stream.linear.gather [hbm4b:s8+s1], $0x80, $0x38;
	[tilespmem:$0x11080] =	vst v63  }
.Ltmp22:
0x496: {  	s8 =	sadd.s32 $0x50, s7;
	s9 =	sadd.s32 $0xD100, s10;
	(pc) =	sbr.rel @p1 .LBB2_46-.Ltmp22, $4  }
0x497: {  	[tilespmem:s9], [sflag:$0x2] =	stream.linear.gather [hbm4b:s8+s1], $0x80, $0x38;
	[tilespmem:$0x11080] =	vst v63  }
0x498: {  	s8 =	sadd.s32 $0x60, s7;
	s9 =	sadd.s32 $0xE100, s10;
	s10 =	sadd.s32 $0xF100, s10  }
0x499: {  	[tilespmem:s9], [sflag:$0x2] =	stream.linear.gather [hbm4b:s8+s1], $0x80, $0x38;
	[tilespmem:$0x11080] =	vst v63  }
0x49a: {  	s9 =	sadd.s32 $0x70, s7;
	s7 =	sadd.s32 $0x80, s7;
	s8 =	smov.u32 s11  }
0x49b: {  	[tilespmem:s10], [sflag:$0x2] =	stream.linear.gather [hbm4b:s9+s1], $0x80, $0x38;
	[tilespmem:$0x11080] =	vst v63  }
0x49c: {  	s8 =	sadd.s32 $0x8100, s6  }
0x49d: {  	[tilespmem:s8], [sflag:$0x2] =	stream.linear.gather [hbm4b:s7+s1], $0x80, $0x38;
	[tilespmem:$0x11080] =	vst v63  }
0x49e: {  	s10 =	sadd.s32 $0x10, s7;
	s11 =	sadd.s32 $0x9100, s6  }
0x49f: {  	[tilespmem:s11], [sflag:$0x2] =	stream.linear.gather [hbm4b:s10+s1], $0x80, $0x38;
	[tilespmem:$0x11080] =	vst v63  }
0x4a0: {  	s10 =	sadd.s32 $0x20, s7;
	s11 =	sadd.s32 $0xA100, s6  }
0x4a1: {  	[tilespmem:s11], [sflag:$0x2] =	stream.linear.gather [hbm4b:s10+s1], $0x80, $0x38;
	[tilespmem:$0x11080] =	vst v63  }
0x4a2: {  	s10 =	sadd.s32 $0x30, s7;
	s11 =	sadd.s32 $0xB100, s6  }
0x4a3: {  	[tilespmem:s11], [sflag:$0x2] =	stream.linear.gather [hbm4b:s10+s1], $0x80, $0x38;
	[tilespmem:$0x11080] =	vst v63  }
0x4a4: {  	s10 =	sadd.s32 $0x40, s7;
	s11 =	sadd.s32 $0xC100, s6  }
0x4a5: {  	[tilespmem:s11], [sflag:$0x2] =	stream.linear.gather [hbm4b:s10+s1], $0x80, $0x38;
	[tilespmem:$0x11080] =	vst v63  }
0x4a6: {  	s10 =	sadd.s32 $0x50, s7;
	s11 =	sadd.s32 $0xD100, s6  }
0x4a7: {  	[tilespmem:s11], [sflag:$0x2] =	stream.linear.gather [hbm4b:s10+s1], $0x80, $0x38;
	[tilespmem:$0x11080] =	vst v63  }
0x4a8: {  	s10 =	sadd.s32 $0x60, s7;
	s11 =	sadd.s32 $0xE100, s6  }
0x4a9: {  	[tilespmem:s11], [sflag:$0x2] =	stream.linear.gather [hbm4b:s10+s1], $0x80, $0x38;
	[tilespmem:$0x11080] =	vst v63  }
0x4aa: {  	s10 =	sadd.s32 $0x70, s7;
	s11 =	sadd.s32 $0xF100, s6  }
0x4ab: {  	[tilespmem:s11], [sflag:$0x2] =	stream.linear.gather [hbm4b:s10+s1], $0x80, $0x38;
	[tilespmem:$0x11080] =	vst v63  }
0x4ac: {  	s7 =	simm.s32 $0x8180  }
0x4ad: {  	[tilespmem:s7], [sflag:$0x2] =	stream.linear.gather [hbm4b:s25+s1], $0x80, $0x38;
	[tilespmem:$0x11080] =	vst v63  }
0x4ae: {  	s9 =	simm.s32 $0x9180;
	s8 =	sadd.s32 $0x10, s25  }
0x4af: {  	[tilespmem:s9], [sflag:$0x2] =	stream.linear.gather [hbm4b:s8+s1], $0x80, $0x38;
	[tilespmem:$0x11080] =	vst v63  }
0x4b0: {  	s10 =	sadd.s32 $0x20, s25;
	s11 =	simm.s32 $0xA180  }
0x4b1: {  	[tilespmem:s11], [sflag:$0x2] =	stream.linear.gather [hbm4b:s10+s1], $0x80, $0x38;
	[tilespmem:$0x11080] =	vst v63  }
0x4b2: {  	s8 =	sadd.s32 $0x30, s25;
	s9 =	simm.s32 $0xB180  }
0x4b3: {  	[tilespmem:s9], [sflag:$0x2] =	stream.linear.gather [hbm4b:s8+s1], $0x80, $0x38;
	[tilespmem:$0x11080] =	vst v63  }
0x4b4: {  	s10 =	sadd.s32 $0x40, s25;
	s11 =	simm.s32 $0xC180  }
0x4b5: {  	[tilespmem:s11], [sflag:$0x2] =	stream.linear.gather [hbm4b:s10+s1], $0x80, $0x38;
	[tilespmem:$0x11080] =	vst v63  }
0x4b6: {  	s6 =	simm.s32 $0x200;
	s8 =	sadd.s32 $0x50, s25;
	s9 =	simm.s32 $0xD180  }
0x4b7: {  	[tilespmem:s9], [sflag:$0x2] =	stream.linear.gather [hbm4b:s8+s1], $0x80, $0x38;
	[tilespmem:$0x11080] =	vst v63  }
0x4b8: {  	s7 =	sadd.s32 $0x80, s25;
	s10 =	sadd.s32 $0x60, s25;
	s11 =	simm.s32 $0xE180  }
0x4b9: {  	[tilespmem:s11], [sflag:$0x2] =	stream.linear.gather [hbm4b:s10+s1], $0x80, $0x38;
	[tilespmem:$0x11080] =	vst v63  }
0x4ba: {  	s8 =	simm.s32 $0x1000;
	s9 =	sadd.s32 $0x70, s25;
	s10 =	simm.s32 $0xF180  }
.LBB2_48:
0x4bb: {  	[tilespmem:s10], [sflag:$0x2] =	stream.linear.gather [hbm4b:s9+s1], $0x80, $0x38;
	[tilespmem:$0x11080] =	vst v63  }
0x4bc: {  	s10 =	smov.u32 s6;
	s6 =	smov.u32 s8  }
0x4bd: {  	s11 =	sadd.s32 $0x800, s8;
	s6 =	sshra.s32 s6, $0x2;
	s9 =	sadd.s32 $0x8180, s10  }
0x4be: {  	[tilespmem:s9], [sflag:$0x2] =	stream.linear.gather [hbm4b:s7+s1], $0x80, $0x38;
	[tilespmem:$0x11080] =	vst v63  }
0x4bf: {  	p1 =	sne.s32 s8, $0x3800;
	s8 =	sadd.s32 $0x10, s7;
	s9 =	sadd.s32 $0x9180, s10  }
0x4c0: {  	[tilespmem:s9], [sflag:$0x2] =	stream.linear.gather [hbm4b:s8+s1], $0x80, $0x38;
	[tilespmem:$0x11080] =	vst v63  }
0x4c1: {  	s8 =	sadd.s32 $0x20, s7;
	s9 =	sadd.s32 $0xA180, s10  }
0x4c2: {  	[tilespmem:s9], [sflag:$0x2] =	stream.linear.gather [hbm4b:s8+s1], $0x80, $0x38;
	[tilespmem:$0x11080] =	vst v63  }
0x4c3: {  	s8 =	sadd.s32 $0x30, s7;
	s9 =	sadd.s32 $0xB180, s10  }
0x4c4: {  	[tilespmem:s9], [sflag:$0x2] =	stream.linear.gather [hbm4b:s8+s1], $0x80, $0x38;
	[tilespmem:$0x11080] =	vst v63  }
0x4c5: {  	s8 =	sadd.s32 $0x40, s7;
	s9 =	sadd.s32 $0xC180, s10  }
0x4c6: {  	[tilespmem:s9], [sflag:$0x2] =	stream.linear.gather [hbm4b:s8+s1], $0x80, $0x38;
	[tilespmem:$0x11080] =	vst v63  }
.Ltmp23:
0x4c7: {  	s8 =	sadd.s32 $0x50, s7;
	s9 =	sadd.s32 $0xD180, s10;
	(pc) =	sbr.rel @p1 .LBB2_48-.Ltmp23, $4  }
0x4c8: {  	[tilespmem:s9], [sflag:$0x2] =	stream.linear.gather [hbm4b:s8+s1], $0x80, $0x38;
	[tilespmem:$0x11080] =	vst v63  }
0x4c9: {  	s8 =	sadd.s32 $0x60, s7;
	s9 =	sadd.s32 $0xE180, s10;
	s10 =	sadd.s32 $0xF180, s10  }
0x4ca: {  	[tilespmem:s9], [sflag:$0x2] =	stream.linear.gather [hbm4b:s8+s1], $0x80, $0x38;
	[tilespmem:$0x11080] =	vst v63  }
0x4cb: {  	s9 =	sadd.s32 $0x70, s7;
	s7 =	sadd.s32 $0x80, s7;
	s8 =	smov.u32 s11  }
0x4cc: {  	[tilespmem:s10], [sflag:$0x2] =	stream.linear.gather [hbm4b:s9+s1], $0x80, $0x38;
	[tilespmem:$0x11080] =	vst v63  }
0x4cd: {  	s8 =	sadd.s32 $0x8180, s6  }
0x4ce: {  	[tilespmem:s8], [sflag:$0x2] =	stream.linear.gather [hbm4b:s7+s1], $0x80, $0x38;
	[tilespmem:$0x11080] =	vst v63  }
0x4cf: {  	s10 =	sadd.s32 $0x10, s7;
	s11 =	sadd.s32 $0x9180, s6  }
0x4d0: {  	[tilespmem:s11], [sflag:$0x2] =	stream.linear.gather [hbm4b:s10+s1], $0x80, $0x38;
	[tilespmem:$0x11080] =	vst v63  }
0x4d1: {  	s10 =	sadd.s32 $0x20, s7;
	s11 =	sadd.s32 $0xA180, s6  }
0x4d2: {  	[tilespmem:s11], [sflag:$0x2] =	stream.linear.gather [hbm4b:s10+s1], $0x80, $0x38;
	[tilespmem:$0x11080] =	vst v63  }
0x4d3: {  	s10 =	sadd.s32 $0x30, s7;
	s11 =	sadd.s32 $0xB180, s6  }
0x4d4: {  	[tilespmem:s11], [sflag:$0x2] =	stream.linear.gather [hbm4b:s10+s1], $0x80, $0x38;
	[tilespmem:$0x11080] =	vst v63  }
0x4d5: {  	s10 =	sadd.s32 $0x40, s7;
	s11 =	sadd.s32 $0xC180, s6  }
0x4d6: {  	[tilespmem:s11], [sflag:$0x2] =	stream.linear.gather [hbm4b:s10+s1], $0x80, $0x38;
	[tilespmem:$0x11080] =	vst v63  }
0x4d7: {  	s10 =	sadd.s32 $0x50, s7;
	s11 =	sadd.s32 $0xD180, s6  }
0x4d8: {  	[tilespmem:s11], [sflag:$0x2] =	stream.linear.gather [hbm4b:s10+s1], $0x80, $0x38;
	[tilespmem:$0x11080] =	vst v63  }
0x4d9: {  	s9 =	sadd.s32 $0x60, s7;
	s10 =	sadd.s32 $0xE180, s6  }
0x4da: {  	[tilespmem:s10], [sflag:$0x2] =	stream.linear.gather [hbm4b:s9+s1], $0x80, $0x38;
	[tilespmem:$0x11080] =	vst v63  }
0x4db: {  	s8 =	sadd.s32 $0xF180, s6;
	s11 =	sadd.s32 $0x70, s7  }
0x4dc: {  	[tilespmem:s8], [sflag:$0x2] =	stream.linear.gather [hbm4b:s11+s1], $0x80, $0x38;
	[tilespmem:$0x11080] =	vst v63  }
0x4dd: {  	_ =	swait.ge [sflag:s4], $0x2000  }
0x4de: {  	[sflag:s4] =	ssyncset.done $0x0  }
0x4df: {  	[sflag:s4] =	ssyncadd.s32 $0xFFFFE000  }
0x4e0: {  	_ =	swait.ge [sflag:s4], $0x2000  }
0x4e1: {  	[sflag:s4] =	ssyncset.done $0x0  }
0x4e2: {  	[sflag:s4] =	ssyncadd.s32 $0xFFFFE000  }
0x4e3: {  	_ =	swait.ge [sflag:s4], $0x2000  }
0x4e4: {  	[sflag:s4] =	ssyncset.done $0x0  }
0x4e5: {  	[sflag:s4] =	ssyncadd.s32 $0xFFFFE000  }
0x4e6: {  	_ =	swait.ge [sflag:s4], $0x2000  }
0x4e7: {  	s9 =	simm.s32 $0x0;
	[sflag:s4] =	ssyncset.done $0x0  }
0x4e8: {  	s11 =	simm.s32 $0x3;
	s10 =	rddreg [dreg:$0x13];
	[sflag:s4] =	ssyncadd.s32 $0xFFFFE000  }
0x4e9: {  	[hbm4b:s10+s9] =	stream.linear.scatter [tilespmem:s9], [sflag:$0x3], $0x8000, $0x38;
	[tilespmem:$0x11080] =	vst v63  }
0x4ea: {  	_ =	swait.ge [sflag:s11], $0x8000  }
0x4eb: {  	[sflag:s11] =	ssyncset.done $0x0  }
0x4ec: {  	s7 =	simm.s32 $0x0;
	[sflag:s11] =	ssyncadd.s32 $0xFFFF8000  }
0x4ed: {  	[tilespmem:s7], [sflag:$0x1] =	stream.linear.gather [hbm4b:s26+s1], $0x80, $0x38;
	[tilespmem:$0x11080] =	vst v63  }
0x4ee: {  	s8 =	sadd.s32 $0x10, s26;
	s9 =	simm.s32 $0x1000  }
0x4ef: {  	[tilespmem:s9], [sflag:$0x1] =	stream.linear.gather [hbm4b:s8+s1], $0x80, $0x38;
	[tilespmem:$0x11080] =	vst v63  }
0x4f0: {  	s10 =	sadd.s32 $0x20, s26;
	s11 =	simm.s32 $0x2000  }
0x4f1: {  	[tilespmem:s11], [sflag:$0x1] =	stream.linear.gather [hbm4b:s10+s1], $0x80, $0x38;
	[tilespmem:$0x11080] =	vst v63  }
0x4f2: {  	s6 =	simm.s32 $0x800;
	s8 =	sadd.s32 $0x30, s26;
	s9 =	simm.s32 $0x3000  }
0x4f3: {  	[tilespmem:s9], [sflag:$0x1] =	stream.linear.gather [hbm4b:s8+s1], $0x80, $0x38;
	[tilespmem:$0x11080] =	vst v63  }
0x4f4: {  	s7 =	sadd.s32 $0x80, s26;
	s10 =	sadd.s32 $0x40, s26;
	s11 =	simm.s32 $0x4000  }
0x4f5: {  	[tilespmem:s11], [sflag:$0x1] =	stream.linear.gather [hbm4b:s10+s1], $0x80, $0x38;
	[tilespmem:$0x11080] =	vst v63  }
0x4f6: {  	s8 =	sadd.s32 $0x50, s26;
	s9 =	simm.s32 $0x5000;
	s10 =	sadd.s32 $0x60, s26  }
0x4f7: {  	[tilespmem:s9], [sflag:$0x1] =	stream.linear.gather [hbm4b:s8+s1], $0x80, $0x38;
	[tilespmem:$0x11080] =	vst v63  }
0x4f8: {  	s11 =	simm.s32 $0x6000;
	s8 =	sadd.s32 $0x70, s26;
	s9 =	simm.s32 $0x7000  }
0x4f9: {  	[tilespmem:s11], [sflag:$0x1] =	stream.linear.gather [hbm4b:s10+s1], $0x80, $0x38;
	[tilespmem:$0x11080] =	vst v63  }
.LBB2_50:
0x4fa: {  	[tilespmem:s9], [sflag:$0x1] =	stream.linear.gather [hbm4b:s8+s1], $0x80, $0x38;
	[tilespmem:$0x11080] =	vst v63  }
0x4fb: {  	s9 =	sshra.s32 s6, $0x2;
	p1 =	sne.s32 s6, $0x3800;
	s6 =	sadd.s32 $0x800, s6  }
0x4fc: {  	[tilespmem:s9], [sflag:$0x1] =	stream.linear.gather [hbm4b:s7+s1], $0x80, $0x38;
	[tilespmem:$0x11080] =	vst v63  }
0x4fd: {  	s8 =	sadd.s32 $0x10, s7;
	s10 =	sadd.s32 $0x1000, s9  }
0x4fe: {  	[tilespmem:s10], [sflag:$0x1] =	stream.linear.gather [hbm4b:s8+s1], $0x80, $0x38;
	[tilespmem:$0x11080] =	vst v63  }
0x4ff: {  	s8 =	sadd.s32 $0x20, s7;
	s10 =	sadd.s32 $0x2000, s9  }
0x500: {  	[tilespmem:s10], [sflag:$0x1] =	stream.linear.gather [hbm4b:s8+s1], $0x80, $0x38;
	[tilespmem:$0x11080] =	vst v63  }
0x501: {  	s8 =	sadd.s32 $0x30, s7;
	s10 =	sadd.s32 $0x3000, s9  }
0x502: {  	[tilespmem:s10], [sflag:$0x1] =	stream.linear.gather [hbm4b:s8+s1], $0x80, $0x38;
	[tilespmem:$0x11080] =	vst v63  }
0x503: {  	s8 =	sadd.s32 $0x40, s7;
	s10 =	sadd.s32 $0x4000, s9  }
0x504: {  	[tilespmem:s10], [sflag:$0x1] =	stream.linear.gather [hbm4b:s8+s1], $0x80, $0x38;
	[tilespmem:$0x11080] =	vst v63  }
.Ltmp24:
0x505: {  	s8 =	sadd.s32 $0x50, s7;
	s10 =	sadd.s32 $0x5000, s9;
	(pc) =	sbr.rel @p1 .LBB2_50-.Ltmp24, $4  }
0x506: {  	[tilespmem:s10], [sflag:$0x1] =	stream.linear.gather [hbm4b:s8+s1], $0x80, $0x38;
	[tilespmem:$0x11080] =	vst v63  }
0x507: {  	s8 =	sadd.s32 $0x60, s7;
	s10 =	sadd.s32 $0x6000, s9  }
0x508: {  	[tilespmem:s10], [sflag:$0x1] =	stream.linear.gather [hbm4b:s8+s1], $0x80, $0x38;
	[tilespmem:$0x11080] =	vst v63  }
0x509: {  	s9 =	sadd.s32 $0x7000, s9;
	s8 =	sadd.s32 $0x70, s7;
	s7 =	sadd.s32 $0x80, s7  }
0x50a: {  	[tilespmem:s9], [sflag:$0x1] =	stream.linear.gather [hbm4b:s8+s1], $0x80, $0x38;
	[tilespmem:$0x11080] =	vst v63  }
0x50b: {  	s6 =	simm.s32 $0x80  }
0x50c: {  	[tilespmem:s6], [sflag:$0x1] =	stream.linear.gather [hbm4b:s28+s1], $0x80, $0x38;
	[tilespmem:$0x11080] =	vst v63  }
0x50d: {  	s9 =	sadd.s32 $0x10, s28;
	s7 =	simm.s32 $0x1080  }
0x50e: {  	[tilespmem:s7], [sflag:$0x1] =	stream.linear.gather [hbm4b:s9+s1], $0x80, $0x38;
	[tilespmem:$0x11080] =	vst v63  }
0x50f: {  	s10 =	sadd.s32 $0x20, s28;
	s11 =	simm.s32 $0x2080  }
0x510: {  	[tilespmem:s11], [sflag:$0x1] =	stream.linear.gather [hbm4b:s10+s1], $0x80, $0x38;
	[tilespmem:$0x11080] =	vst v63  }
0x511: {  	s8 =	sadd.s32 $0x30, s28;
	s9 =	simm.s32 $0x3080  }
0x512: {  	[tilespmem:s9], [sflag:$0x1] =	stream.linear.gather [hbm4b:s8+s1], $0x80, $0x38;
	[tilespmem:$0x11080] =	vst v63  }
0x513: {  	s10 =	sadd.s32 $0x40, s28;
	s11 =	simm.s32 $0x4080  }
0x514: {  	[tilespmem:s11], [sflag:$0x1] =	stream.linear.gather [hbm4b:s10+s1], $0x80, $0x38;
	[tilespmem:$0x11080] =	vst v63  }
0x515: {  	s6 =	simm.s32 $0x200;
	s8 =	sadd.s32 $0x50, s28;
	s9 =	simm.s32 $0x5080  }
0x516: {  	[tilespmem:s9], [sflag:$0x1] =	stream.linear.gather [hbm4b:s8+s1], $0x80, $0x38;
	[tilespmem:$0x11080] =	vst v63  }
0x517: {  	s7 =	sadd.s32 $0x80, s28;
	s10 =	sadd.s32 $0x60, s28;
	s11 =	simm.s32 $0x6080  }
0x518: {  	[tilespmem:s11], [sflag:$0x1] =	stream.linear.gather [hbm4b:s10+s1], $0x80, $0x38;
	[tilespmem:$0x11080] =	vst v63  }
0x519: {  	s8 =	simm.s32 $0x1000;
	s9 =	sadd.s32 $0x70, s28;
	s10 =	simm.s32 $0x7080  }
.LBB2_52:
0x51a: {  	[tilespmem:s10], [sflag:$0x1] =	stream.linear.gather [hbm4b:s9+s1], $0x80, $0x38;
	[tilespmem:$0x11080] =	vst v63  }
0x51b: {  	s10 =	smov.u32 s6;
	s6 =	smov.u32 s8  }
0x51c: {  	s11 =	sadd.s32 $0x800, s8;
	s6 =	sshra.s32 s6, $0x2;
	s9 =	sadd.s32 $0x80, s10  }
0x51d: {  	[tilespmem:s9], [sflag:$0x1] =	stream.linear.gather [hbm4b:s7+s1], $0x80, $0x38;
	[tilespmem:$0x11080] =	vst v63  }
0x51e: {  	p1 =	sne.s32 s8, $0x3800;
	s8 =	sadd.s32 $0x10, s7;
	s9 =	sadd.s32 $0x1080, s10  }
0x51f: {  	[tilespmem:s9], [sflag:$0x1] =	stream.linear.gather [hbm4b:s8+s1], $0x80, $0x38;
	[tilespmem:$0x11080] =	vst v63  }
0x520: {  	s8 =	sadd.s32 $0x20, s7;
	s9 =	sadd.s32 $0x2080, s10  }
0x521: {  	[tilespmem:s9], [sflag:$0x1] =	stream.linear.gather [hbm4b:s8+s1], $0x80, $0x38;
	[tilespmem:$0x11080] =	vst v63  }
0x522: {  	s8 =	sadd.s32 $0x30, s7;
	s9 =	sadd.s32 $0x3080, s10  }
0x523: {  	[tilespmem:s9], [sflag:$0x1] =	stream.linear.gather [hbm4b:s8+s1], $0x80, $0x38;
	[tilespmem:$0x11080] =	vst v63  }
0x524: {  	s8 =	sadd.s32 $0x40, s7;
	s9 =	sadd.s32 $0x4080, s10  }
0x525: {  	[tilespmem:s9], [sflag:$0x1] =	stream.linear.gather [hbm4b:s8+s1], $0x80, $0x38;
	[tilespmem:$0x11080] =	vst v63  }
.Ltmp25:
0x526: {  	s8 =	sadd.s32 $0x50, s7;
	s9 =	sadd.s32 $0x5080, s10;
	(pc) =	sbr.rel @p1 .LBB2_52-.Ltmp25, $4  }
0x527: {  	[tilespmem:s9], [sflag:$0x1] =	stream.linear.gather [hbm4b:s8+s1], $0x80, $0x38;
	[tilespmem:$0x11080] =	vst v63  }
0x528: {  	s8 =	sadd.s32 $0x60, s7;
	s9 =	sadd.s32 $0x6080, s10;
	s10 =	sadd.s32 $0x7080, s10  }
0x529: {  	[tilespmem:s9], [sflag:$0x1] =	stream.linear.gather [hbm4b:s8+s1], $0x80, $0x38;
	[tilespmem:$0x11080] =	vst v63  }
0x52a: {  	s9 =	sadd.s32 $0x70, s7;
	s7 =	sadd.s32 $0x80, s7;
	s8 =	smov.u32 s11  }
0x52b: {  	[tilespmem:s10], [sflag:$0x1] =	stream.linear.gather [hbm4b:s9+s1], $0x80, $0x38;
	[tilespmem:$0x11080] =	vst v63  }
0x52c: {  	s8 =	sadd.s32 $0x80, s6  }
0x52d: {  	[tilespmem:s8], [sflag:$0x1] =	stream.linear.gather [hbm4b:s7+s1], $0x80, $0x38;
	[tilespmem:$0x11080] =	vst v63  }
0x52e: {  	s10 =	sadd.s32 $0x10, s7;
	s11 =	sadd.s32 $0x1080, s6  }
0x52f: {  	[tilespmem:s11], [sflag:$0x1] =	stream.linear.gather [hbm4b:s10+s1], $0x80, $0x38;
	[tilespmem:$0x11080] =	vst v63  }
0x530: {  	s10 =	sadd.s32 $0x20, s7;
	s11 =	sadd.s32 $0x2080, s6  }
0x531: {  	[tilespmem:s11], [sflag:$0x1] =	stream.linear.gather [hbm4b:s10+s1], $0x80, $0x38;
	[tilespmem:$0x11080] =	vst v63  }
0x532: {  	s10 =	sadd.s32 $0x30, s7;
	s11 =	sadd.s32 $0x3080, s6  }
0x533: {  	[tilespmem:s11], [sflag:$0x1] =	stream.linear.gather [hbm4b:s10+s1], $0x80, $0x38;
	[tilespmem:$0x11080] =	vst v63  }
0x534: {  	s10 =	sadd.s32 $0x40, s7;
	s11 =	sadd.s32 $0x4080, s6  }
0x535: {  	[tilespmem:s11], [sflag:$0x1] =	stream.linear.gather [hbm4b:s10+s1], $0x80, $0x38;
	[tilespmem:$0x11080] =	vst v63  }
0x536: {  	s10 =	sadd.s32 $0x50, s7;
	s11 =	sadd.s32 $0x5080, s6  }
0x537: {  	[tilespmem:s11], [sflag:$0x1] =	stream.linear.gather [hbm4b:s10+s1], $0x80, $0x38;
	[tilespmem:$0x11080] =	vst v63  }
0x538: {  	s10 =	sadd.s32 $0x60, s7;
	s11 =	sadd.s32 $0x6080, s6  }
0x539: {  	[tilespmem:s11], [sflag:$0x1] =	stream.linear.gather [hbm4b:s10+s1], $0x80, $0x38;
	[tilespmem:$0x11080] =	vst v63  }
0x53a: {  	s10 =	sadd.s32 $0x70, s7;
	s11 =	sadd.s32 $0x7080, s6  }
0x53b: {  	[tilespmem:s11], [sflag:$0x1] =	stream.linear.gather [hbm4b:s10+s1], $0x80, $0x38;
	[tilespmem:$0x11080] =	vst v63  }
0x53c: {  	s7 =	simm.s32 $0x100  }
0x53d: {  	[tilespmem:s7], [sflag:$0x1] =	stream.linear.gather [hbm4b:s29+s1], $0x80, $0x38;
	[tilespmem:$0x11080] =	vst v63  }
0x53e: {  	s9 =	simm.s32 $0x1100;
	s8 =	sadd.s32 $0x10, s29  }
0x53f: {  	[tilespmem:s9], [sflag:$0x1] =	stream.linear.gather [hbm4b:s8+s1], $0x80, $0x38;
	[tilespmem:$0x11080] =	vst v63  }
0x540: {  	s10 =	sadd.s32 $0x20, s29;
	s11 =	simm.s32 $0x2100  }
0x541: {  	[tilespmem:s11], [sflag:$0x1] =	stream.linear.gather [hbm4b:s10+s1], $0x80, $0x38;
	[tilespmem:$0x11080] =	vst v63  }
0x542: {  	s8 =	sadd.s32 $0x30, s29;
	s9 =	simm.s32 $0x3100  }
0x543: {  	[tilespmem:s9], [sflag:$0x1] =	stream.linear.gather [hbm4b:s8+s1], $0x80, $0x38;
	[tilespmem:$0x11080] =	vst v63  }
0x544: {  	s10 =	sadd.s32 $0x40, s29;
	s11 =	simm.s32 $0x4100  }
0x545: {  	[tilespmem:s11], [sflag:$0x1] =	stream.linear.gather [hbm4b:s10+s1], $0x80, $0x38;
	[tilespmem:$0x11080] =	vst v63  }
0x546: {  	s6 =	simm.s32 $0x200;
	s8 =	sadd.s32 $0x50, s29;
	s9 =	simm.s32 $0x5100  }
0x547: {  	[tilespmem:s9], [sflag:$0x1] =	stream.linear.gather [hbm4b:s8+s1], $0x80, $0x38;
	[tilespmem:$0x11080] =	vst v63  }
0x548: {  	s7 =	sadd.s32 $0x80, s29;
	s10 =	sadd.s32 $0x60, s29;
	s11 =	simm.s32 $0x6100  }
0x549: {  	[tilespmem:s11], [sflag:$0x1] =	stream.linear.gather [hbm4b:s10+s1], $0x80, $0x38;
	[tilespmem:$0x11080] =	vst v63  }
0x54a: {  	s8 =	simm.s32 $0x1000;
	s9 =	sadd.s32 $0x70, s29;
	s10 =	simm.s32 $0x7100  }
.LBB2_54:
0x54b: {  	[tilespmem:s10], [sflag:$0x1] =	stream.linear.gather [hbm4b:s9+s1], $0x80, $0x38;
	[tilespmem:$0x11080] =	vst v63  }
0x54c: {  	s10 =	smov.u32 s6;
	s6 =	smov.u32 s8  }
0x54d: {  	s11 =	sadd.s32 $0x800, s8;
	s6 =	sshra.s32 s6, $0x2;
	s9 =	sadd.s32 $0x100, s10  }
0x54e: {  	[tilespmem:s9], [sflag:$0x1] =	stream.linear.gather [hbm4b:s7+s1], $0x80, $0x38;
	[tilespmem:$0x11080] =	vst v63  }
0x54f: {  	p1 =	sne.s32 s8, $0x3800;
	s8 =	sadd.s32 $0x10, s7;
	s9 =	sadd.s32 $0x1100, s10  }
0x550: {  	[tilespmem:s9], [sflag:$0x1] =	stream.linear.gather [hbm4b:s8+s1], $0x80, $0x38;
	[tilespmem:$0x11080] =	vst v63  }
0x551: {  	s8 =	sadd.s32 $0x20, s7;
	s9 =	sadd.s32 $0x2100, s10  }
0x552: {  	[tilespmem:s9], [sflag:$0x1] =	stream.linear.gather [hbm4b:s8+s1], $0x80, $0x38;
	[tilespmem:$0x11080] =	vst v63  }
0x553: {  	s8 =	sadd.s32 $0x30, s7;
	s9 =	sadd.s32 $0x3100, s10  }
0x554: {  	[tilespmem:s9], [sflag:$0x1] =	stream.linear.gather [hbm4b:s8+s1], $0x80, $0x38;
	[tilespmem:$0x11080] =	vst v63  }
0x555: {  	s8 =	sadd.s32 $0x40, s7;
	s9 =	sadd.s32 $0x4100, s10  }
0x556: {  	[tilespmem:s9], [sflag:$0x1] =	stream.linear.gather [hbm4b:s8+s1], $0x80, $0x38;
	[tilespmem:$0x11080] =	vst v63  }
.Ltmp26:
0x557: {  	s8 =	sadd.s32 $0x50, s7;
	s9 =	sadd.s32 $0x5100, s10;
	(pc) =	sbr.rel @p1 .LBB2_54-.Ltmp26, $4  }
0x558: {  	[tilespmem:s9], [sflag:$0x1] =	stream.linear.gather [hbm4b:s8+s1], $0x80, $0x38;
	[tilespmem:$0x11080] =	vst v63  }
0x559: {  	s8 =	sadd.s32 $0x60, s7;
	s9 =	sadd.s32 $0x6100, s10;
	s10 =	sadd.s32 $0x7100, s10  }
0x55a: {  	[tilespmem:s9], [sflag:$0x1] =	stream.linear.gather [hbm4b:s8+s1], $0x80, $0x38;
	[tilespmem:$0x11080] =	vst v63  }
0x55b: {  	s9 =	sadd.s32 $0x70, s7;
	s7 =	sadd.s32 $0x80, s7;
	s8 =	smov.u32 s11  }
0x55c: {  	[tilespmem:s10], [sflag:$0x1] =	stream.linear.gather [hbm4b:s9+s1], $0x80, $0x38;
	[tilespmem:$0x11080] =	vst v63  }
0x55d: {  	s8 =	sadd.s32 $0x100, s6  }
0x55e: {  	[tilespmem:s8], [sflag:$0x1] =	stream.linear.gather [hbm4b:s7+s1], $0x80, $0x38;
	[tilespmem:$0x11080] =	vst v63  }
0x55f: {  	s10 =	sadd.s32 $0x10, s7;
	s11 =	sadd.s32 $0x1100, s6  }
0x560: {  	[tilespmem:s11], [sflag:$0x1] =	stream.linear.gather [hbm4b:s10+s1], $0x80, $0x38;
	[tilespmem:$0x11080] =	vst v63  }
0x561: {  	s10 =	sadd.s32 $0x20, s7;
	s11 =	sadd.s32 $0x2100, s6  }
0x562: {  	[tilespmem:s11], [sflag:$0x1] =	stream.linear.gather [hbm4b:s10+s1], $0x80, $0x38;
	[tilespmem:$0x11080] =	vst v63  }
0x563: {  	s10 =	sadd.s32 $0x30, s7;
	s11 =	sadd.s32 $0x3100, s6  }
0x564: {  	[tilespmem:s11], [sflag:$0x1] =	stream.linear.gather [hbm4b:s10+s1], $0x80, $0x38;
	[tilespmem:$0x11080] =	vst v63  }
0x565: {  	s10 =	sadd.s32 $0x40, s7;
	s11 =	sadd.s32 $0x4100, s6  }
0x566: {  	[tilespmem:s11], [sflag:$0x1] =	stream.linear.gather [hbm4b:s10+s1], $0x80, $0x38;
	[tilespmem:$0x11080] =	vst v63  }
0x567: {  	s10 =	sadd.s32 $0x50, s7;
	s11 =	sadd.s32 $0x5100, s6  }
0x568: {  	[tilespmem:s11], [sflag:$0x1] =	stream.linear.gather [hbm4b:s10+s1], $0x80, $0x38;
	[tilespmem:$0x11080] =	vst v63  }
0x569: {  	s10 =	sadd.s32 $0x60, s7;
	s11 =	sadd.s32 $0x6100, s6  }
0x56a: {  	[tilespmem:s11], [sflag:$0x1] =	stream.linear.gather [hbm4b:s10+s1], $0x80, $0x38;
	[tilespmem:$0x11080] =	vst v63  }
0x56b: {  	s10 =	sadd.s32 $0x70, s7;
	s11 =	sadd.s32 $0x7100, s6  }
0x56c: {  	[tilespmem:s11], [sflag:$0x1] =	stream.linear.gather [hbm4b:s10+s1], $0x80, $0x38;
	[tilespmem:$0x11080] =	vst v63  }
0x56d: {  	s7 =	simm.s32 $0x180  }
0x56e: {  	[tilespmem:s7], [sflag:$0x1] =	stream.linear.gather [hbm4b:s30+s1], $0x80, $0x38;
	[tilespmem:$0x11080] =	vst v63  }
0x56f: {  	s9 =	simm.s32 $0x1180;
	s8 =	sadd.s32 $0x10, s30  }
0x570: {  	[tilespmem:s9], [sflag:$0x1] =	stream.linear.gather [hbm4b:s8+s1], $0x80, $0x38;
	[tilespmem:$0x11080] =	vst v63  }
0x571: {  	s10 =	sadd.s32 $0x20, s30;
	s11 =	simm.s32 $0x2180  }
0x572: {  	[tilespmem:s11], [sflag:$0x1] =	stream.linear.gather [hbm4b:s10+s1], $0x80, $0x38;
	[tilespmem:$0x11080] =	vst v63  }
0x573: {  	s8 =	sadd.s32 $0x30, s30;
	s9 =	simm.s32 $0x3180  }
0x574: {  	[tilespmem:s9], [sflag:$0x1] =	stream.linear.gather [hbm4b:s8+s1], $0x80, $0x38;
	[tilespmem:$0x11080] =	vst v63  }
0x575: {  	s10 =	sadd.s32 $0x40, s30;
	s11 =	simm.s32 $0x4180  }
0x576: {  	[tilespmem:s11], [sflag:$0x1] =	stream.linear.gather [hbm4b:s10+s1], $0x80, $0x38;
	[tilespmem:$0x11080] =	vst v63  }
0x577: {  	s6 =	simm.s32 $0x200;
	s8 =	sadd.s32 $0x50, s30;
	s9 =	simm.s32 $0x5180  }
0x578: {  	[tilespmem:s9], [sflag:$0x1] =	stream.linear.gather [hbm4b:s8+s1], $0x80, $0x38;
	[tilespmem:$0x11080] =	vst v63  }
0x579: {  	s7 =	sadd.s32 $0x80, s30;
	s10 =	sadd.s32 $0x60, s30;
	s11 =	simm.s32 $0x6180  }
0x57a: {  	[tilespmem:s11], [sflag:$0x1] =	stream.linear.gather [hbm4b:s10+s1], $0x80, $0x38;
	[tilespmem:$0x11080] =	vst v63  }
0x57b: {  	s8 =	simm.s32 $0x1000;
	s9 =	sadd.s32 $0x70, s30;
	s10 =	simm.s32 $0x7180  }
.LBB2_56:
0x57c: {  	[tilespmem:s10], [sflag:$0x1] =	stream.linear.gather [hbm4b:s9+s1], $0x80, $0x38;
	[tilespmem:$0x11080] =	vst v63  }
0x57d: {  	s10 =	smov.u32 s6;
	s6 =	smov.u32 s8  }
0x57e: {  	s11 =	sadd.s32 $0x800, s8;
	s6 =	sshra.s32 s6, $0x2;
	s9 =	sadd.s32 $0x180, s10  }
0x57f: {  	[tilespmem:s9], [sflag:$0x1] =	stream.linear.gather [hbm4b:s7+s1], $0x80, $0x38;
	[tilespmem:$0x11080] =	vst v63  }
0x580: {  	p1 =	sne.s32 s8, $0x3800;
	s8 =	sadd.s32 $0x10, s7;
	s9 =	sadd.s32 $0x1180, s10  }
0x581: {  	[tilespmem:s9], [sflag:$0x1] =	stream.linear.gather [hbm4b:s8+s1], $0x80, $0x38;
	[tilespmem:$0x11080] =	vst v63  }
0x582: {  	s8 =	sadd.s32 $0x20, s7;
	s9 =	sadd.s32 $0x2180, s10  }
0x583: {  	[tilespmem:s9], [sflag:$0x1] =	stream.linear.gather [hbm4b:s8+s1], $0x80, $0x38;
	[tilespmem:$0x11080] =	vst v63  }
0x584: {  	s8 =	sadd.s32 $0x30, s7;
	s9 =	sadd.s32 $0x3180, s10  }
0x585: {  	[tilespmem:s9], [sflag:$0x1] =	stream.linear.gather [hbm4b:s8+s1], $0x80, $0x38;
	[tilespmem:$0x11080] =	vst v63  }
0x586: {  	s8 =	sadd.s32 $0x40, s7;
	s9 =	sadd.s32 $0x4180, s10  }
0x587: {  	[tilespmem:s9], [sflag:$0x1] =	stream.linear.gather [hbm4b:s8+s1], $0x80, $0x38;
	[tilespmem:$0x11080] =	vst v63  }
.Ltmp27:
0x588: {  	s8 =	sadd.s32 $0x50, s7;
	s9 =	sadd.s32 $0x5180, s10;
	(pc) =	sbr.rel @p1 .LBB2_56-.Ltmp27, $4  }
0x589: {  	[tilespmem:s9], [sflag:$0x1] =	stream.linear.gather [hbm4b:s8+s1], $0x80, $0x38;
	[tilespmem:$0x11080] =	vst v63  }
0x58a: {  	s8 =	sadd.s32 $0x60, s7;
	s9 =	sadd.s32 $0x6180, s10;
	s10 =	sadd.s32 $0x7180, s10  }
0x58b: {  	[tilespmem:s9], [sflag:$0x1] =	stream.linear.gather [hbm4b:s8+s1], $0x80, $0x38;
	[tilespmem:$0x11080] =	vst v63  }
0x58c: {  	s9 =	sadd.s32 $0x70, s7;
	s7 =	sadd.s32 $0x80, s7;
	s8 =	smov.u32 s11  }
0x58d: {  	[tilespmem:s10], [sflag:$0x1] =	stream.linear.gather [hbm4b:s9+s1], $0x80, $0x38;
	[tilespmem:$0x11080] =	vst v63  }
0x58e: {  	s8 =	sadd.s32 $0x180, s6  }
0x58f: {  	[tilespmem:s8], [sflag:$0x1] =	stream.linear.gather [hbm4b:s7+s1], $0x80, $0x38;
	[tilespmem:$0x11080] =	vst v63  }
0x590: {  	s10 =	sadd.s32 $0x10, s7;
	s11 =	sadd.s32 $0x1180, s6  }
0x591: {  	[tilespmem:s11], [sflag:$0x1] =	stream.linear.gather [hbm4b:s10+s1], $0x80, $0x38;
	[tilespmem:$0x11080] =	vst v63  }
0x592: {  	s10 =	sadd.s32 $0x20, s7;
	s11 =	sadd.s32 $0x2180, s6  }
0x593: {  	[tilespmem:s11], [sflag:$0x1] =	stream.linear.gather [hbm4b:s10+s1], $0x80, $0x38;
	[tilespmem:$0x11080] =	vst v63  }
0x594: {  	s10 =	sadd.s32 $0x30, s7;
	s11 =	sadd.s32 $0x3180, s6  }
0x595: {  	[tilespmem:s11], [sflag:$0x1] =	stream.linear.gather [hbm4b:s10+s1], $0x80, $0x38;
	[tilespmem:$0x11080] =	vst v63  }
0x596: {  	s10 =	sadd.s32 $0x40, s7;
	s11 =	sadd.s32 $0x4180, s6  }
0x597: {  	[tilespmem:s11], [sflag:$0x1] =	stream.linear.gather [hbm4b:s10+s1], $0x80, $0x38;
	[tilespmem:$0x11080] =	vst v63  }
0x598: {  	s10 =	sadd.s32 $0x50, s7;
	s11 =	sadd.s32 $0x5180, s6  }
0x599: {  	[tilespmem:s11], [sflag:$0x1] =	stream.linear.gather [hbm4b:s10+s1], $0x80, $0x38;
	[tilespmem:$0x11080] =	vst v63  }
0x59a: {  	s10 =	sadd.s32 $0x60, s7;
	s11 =	sadd.s32 $0x6180, s6  }
0x59b: {  	[tilespmem:s11], [sflag:$0x1] =	stream.linear.gather [hbm4b:s10+s1], $0x80, $0x38;
	[tilespmem:$0x11080] =	vst v63  }
0x59c: {  	s10 =	sadd.s32 $0x70, s7;
	s11 =	sadd.s32 $0x7180, s6  }
0x59d: {  	[tilespmem:s11], [sflag:$0x1] =	stream.linear.gather [hbm4b:s10+s1], $0x80, $0x38;
	[tilespmem:$0x11080] =	vst v63  }
0x59e: {  	_ =	swait.ge [sflag:s5], $0x2000  }
0x59f: {  	[sflag:s5] =	ssyncset.done $0x0  }
0x5a0: {  	[sflag:s5] =	ssyncadd.s32 $0xFFFFE000  }
0x5a1: {  	_ =	swait.ge [sflag:s5], $0x2000  }
0x5a2: {  	[sflag:s5] =	ssyncset.done $0x0  }
0x5a3: {  	[sflag:s5] =	ssyncadd.s32 $0xFFFFE000  }
0x5a4: {  	_ =	swait.ge [sflag:s5], $0x2000  }
0x5a5: {  	[sflag:s5] =	ssyncset.done $0x0  }
0x5a6: {  	[sflag:s5] =	ssyncadd.s32 $0xFFFFE000  }
0x5a7: {  	_ =	swait.ge [sflag:s5], $0x2000  }
0x5a8: {  	s8 =	simm.s32 $0x0;
	s10 =	simm.s32 $0x8000;
	[sflag:s5] =	ssyncset.done $0x0  }
0x5a9: {  	s11 =	simm.s32 $0x4;
	s9 =	rddreg [dreg:$0x14];
	[sflag:s5] =	ssyncadd.s32 $0xFFFFE000  }
0x5aa: {  	[hbm4b:s9+s8] =	stream.linear.scatter [tilespmem:s10], [sflag:$0x4], $0x8000, $0x38;
	[tilespmem:$0x11080] =	vst v63  }
0x5ab: {  	_ =	swait.ge [sflag:s11], $0x8000  }
0x5ac: {  	[sflag:s11] =	ssyncset.done $0x0  }
0x5ad: {  	s7 =	simm.s32 $0x8000;
	[sflag:s11] =	ssyncadd.s32 $0xFFFF8000  }
0x5ae: {  	[tilespmem:s7], [sflag:$0x2] =	stream.linear.gather [hbm4b:s31+s1], $0x80, $0x38;
	[tilespmem:$0x11080] =	vst v63  }
0x5af: {  	s8 =	sadd.s32 $0x10, s31;
	s9 =	simm.s32 $0x9000  }
0x5b0: {  	[tilespmem:s9], [sflag:$0x2] =	stream.linear.gather [hbm4b:s8+s1], $0x80, $0x38;
	[tilespmem:$0x11080] =	vst v63  }
0x5b1: {  	s10 =	sadd.s32 $0x20, s31;
	s11 =	simm.s32 $0xA000  }
0x5b2: {  	[tilespmem:s11], [sflag:$0x2] =	stream.linear.gather [hbm4b:s10+s1], $0x80, $0x38;
	[tilespmem:$0x11080] =	vst v63  }
0x5b3: {  	s8 =	sadd.s32 $0x30, s31;
	s9 =	simm.s32 $0xB000  }
0x5b4: {  	[tilespmem:s9], [sflag:$0x2] =	stream.linear.gather [hbm4b:s8+s1], $0x80, $0x38;
	[tilespmem:$0x11080] =	vst v63  }
0x5b5: {  	s10 =	sadd.s32 $0x40, s31;
	s11 =	simm.s32 $0xC000  }
0x5b6: {  	[tilespmem:s11], [sflag:$0x2] =	stream.linear.gather [hbm4b:s10+s1], $0x80, $0x38;
	[tilespmem:$0x11080] =	vst v63  }
0x5b7: {  	s6 =	simm.s32 $0x200;
	s8 =	sadd.s32 $0x50, s31;
	s9 =	simm.s32 $0xD000  }
0x5b8: {  	[tilespmem:s9], [sflag:$0x2] =	stream.linear.gather [hbm4b:s8+s1], $0x80, $0x38;
	[tilespmem:$0x11080] =	vst v63  }
0x5b9: {  	s7 =	sadd.s32 $0x80, s31;
	s10 =	sadd.s32 $0x60, s31;
	s11 =	simm.s32 $0xE000  }
0x5ba: {  	[tilespmem:s11], [sflag:$0x2] =	stream.linear.gather [hbm4b:s10+s1], $0x80, $0x38;
	[tilespmem:$0x11080] =	vst v63  }
0x5bb: {  	s8 =	simm.s32 $0x1000;
	s9 =	sadd.s32 $0x70, s31;
	s10 =	simm.s32 $0xF000  }
.LBB2_58:
0x5bc: {  	[tilespmem:s10], [sflag:$0x2] =	stream.linear.gather [hbm4b:s9+s1], $0x80, $0x38;
	[tilespmem:$0x11080] =	vst v63  }
0x5bd: {  	s10 =	smov.u32 s6;
	s6 =	smov.u32 s8  }
0x5be: {  	s11 =	sadd.s32 $0x800, s8;
	s6 =	sshra.s32 s6, $0x2;
	s9 =	sadd.s32 $0x8000, s10  }
0x5bf: {  	[tilespmem:s9], [sflag:$0x2] =	stream.linear.gather [hbm4b:s7+s1], $0x80, $0x38;
	[tilespmem:$0x11080] =	vst v63  }
0x5c0: {  	p1 =	sne.s32 s8, $0x3800;
	s8 =	sadd.s32 $0x10, s7;
	s9 =	sadd.s32 $0x9000, s10  }
0x5c1: {  	[tilespmem:s9], [sflag:$0x2] =	stream.linear.gather [hbm4b:s8+s1], $0x80, $0x38;
	[tilespmem:$0x11080] =	vst v63  }
0x5c2: {  	s8 =	sadd.s32 $0x20, s7;
	s9 =	sadd.s32 $0xA000, s10  }
0x5c3: {  	[tilespmem:s9], [sflag:$0x2] =	stream.linear.gather [hbm4b:s8+s1], $0x80, $0x38;
	[tilespmem:$0x11080] =	vst v63  }
0x5c4: {  	s8 =	sadd.s32 $0x30, s7;
	s9 =	sadd.s32 $0xB000, s10  }
0x5c5: {  	[tilespmem:s9], [sflag:$0x2] =	stream.linear.gather [hbm4b:s8+s1], $0x80, $0x38;
	[tilespmem:$0x11080] =	vst v63  }
0x5c6: {  	s8 =	sadd.s32 $0x40, s7;
	s9 =	sadd.s32 $0xC000, s10  }
0x5c7: {  	[tilespmem:s9], [sflag:$0x2] =	stream.linear.gather [hbm4b:s8+s1], $0x80, $0x38;
	[tilespmem:$0x11080] =	vst v63  }
.Ltmp28:
0x5c8: {  	s8 =	sadd.s32 $0x50, s7;
	s9 =	sadd.s32 $0xD000, s10;
	(pc) =	sbr.rel @p1 .LBB2_58-.Ltmp28, $4  }
0x5c9: {  	[tilespmem:s9], [sflag:$0x2] =	stream.linear.gather [hbm4b:s8+s1], $0x80, $0x38;
	[tilespmem:$0x11080] =	vst v63  }
0x5ca: {  	s8 =	sadd.s32 $0x60, s7;
	s9 =	sadd.s32 $0xE000, s10;
	s10 =	sadd.s32 $0xF000, s10  }
0x5cb: {  	[tilespmem:s9], [sflag:$0x2] =	stream.linear.gather [hbm4b:s8+s1], $0x80, $0x38;
	[tilespmem:$0x11080] =	vst v63  }
0x5cc: {  	s9 =	sadd.s32 $0x70, s7;
	s7 =	sadd.s32 $0x80, s7;
	s8 =	smov.u32 s11  }
0x5cd: {  	[tilespmem:s10], [sflag:$0x2] =	stream.linear.gather [hbm4b:s9+s1], $0x80, $0x38;
	[tilespmem:$0x11080] =	vst v63  }
0x5ce: {  	s8 =	sadd.s32 $0x8000, s6  }
0x5cf: {  	[tilespmem:s8], [sflag:$0x2] =	stream.linear.gather [hbm4b:s7+s1], $0x80, $0x38;
	[tilespmem:$0x11080] =	vst v63  }
0x5d0: {  	s10 =	sadd.s32 $0x10, s7;
	s11 =	sadd.s32 $0x9000, s6  }
0x5d1: {  	[tilespmem:s11], [sflag:$0x2] =	stream.linear.gather [hbm4b:s10+s1], $0x80, $0x38;
	[tilespmem:$0x11080] =	vst v63  }
0x5d2: {  	s10 =	sadd.s32 $0x20, s7;
	s11 =	sadd.s32 $0xA000, s6  }
0x5d3: {  	[tilespmem:s11], [sflag:$0x2] =	stream.linear.gather [hbm4b:s10+s1], $0x80, $0x38;
	[tilespmem:$0x11080] =	vst v63  }
0x5d4: {  	s10 =	sadd.s32 $0x30, s7;
	s11 =	sadd.s32 $0xB000, s6  }
0x5d5: {  	[tilespmem:s11], [sflag:$0x2] =	stream.linear.gather [hbm4b:s10+s1], $0x80, $0x38;
	[tilespmem:$0x11080] =	vst v63  }
0x5d6: {  	s10 =	sadd.s32 $0x40, s7;
	s11 =	sadd.s32 $0xC000, s6  }
0x5d7: {  	[tilespmem:s11], [sflag:$0x2] =	stream.linear.gather [hbm4b:s10+s1], $0x80, $0x38;
	[tilespmem:$0x11080] =	vst v63  }
0x5d8: {  	s10 =	sadd.s32 $0x50, s7;
	s11 =	sadd.s32 $0xD000, s6  }
0x5d9: {  	[tilespmem:s11], [sflag:$0x2] =	stream.linear.gather [hbm4b:s10+s1], $0x80, $0x38;
	[tilespmem:$0x11080] =	vst v63  }
0x5da: {  	s10 =	sadd.s32 $0x60, s7;
	s11 =	sadd.s32 $0xE000, s6  }
0x5db: {  	[tilespmem:s11], [sflag:$0x2] =	stream.linear.gather [hbm4b:s10+s1], $0x80, $0x38;
	[tilespmem:$0x11080] =	vst v63  }
0x5dc: {  	s10 =	sadd.s32 $0x70, s7;
	s11 =	sadd.s32 $0xF000, s6  }
0x5dd: {  	[tilespmem:s11], [sflag:$0x2] =	stream.linear.gather [hbm4b:s10+s1], $0x80, $0x38;
	[tilespmem:$0x11080] =	vst v63  }
0x5de: {  	s7 =	simm.s32 $0x8080  }
0x5df: {  	[tilespmem:s7], [sflag:$0x2] =	stream.linear.gather [hbm4b:s0+s1], $0x80, $0x38;
	[tilespmem:$0x11080] =	vst v63  }
0x5e0: {  	s9 =	simm.s32 $0x9080;
	s8 =	sadd.s32 $0x10, s0  }
0x5e1: {  	[tilespmem:s9], [sflag:$0x2] =	stream.linear.gather [hbm4b:s8+s1], $0x80, $0x38;
	[tilespmem:$0x11080] =	vst v63  }
0x5e2: {  	s10 =	sadd.s32 $0x20, s0;
	s11 =	simm.s32 $0xA080  }
0x5e3: {  	[tilespmem:s11], [sflag:$0x2] =	stream.linear.gather [hbm4b:s10+s1], $0x80, $0x38;
	[tilespmem:$0x11080] =	vst v63  }
0x5e4: {  	s8 =	sadd.s32 $0x30, s0;
	s9 =	simm.s32 $0xB080  }
0x5e5: {  	[tilespmem:s9], [sflag:$0x2] =	stream.linear.gather [hbm4b:s8+s1], $0x80, $0x38;
	[tilespmem:$0x11080] =	vst v63  }
0x5e6: {  	s10 =	sadd.s32 $0x40, s0;
	s11 =	simm.s32 $0xC080  }
0x5e7: {  	[tilespmem:s11], [sflag:$0x2] =	stream.linear.gather [hbm4b:s10+s1], $0x80, $0x38;
	[tilespmem:$0x11080] =	vst v63  }
0x5e8: {  	s6 =	simm.s32 $0x200;
	s8 =	sadd.s32 $0x50, s0;
	s9 =	simm.s32 $0xD080  }
0x5e9: {  	[tilespmem:s9], [sflag:$0x2] =	stream.linear.gather [hbm4b:s8+s1], $0x80, $0x38;
	[tilespmem:$0x11080] =	vst v63  }
0x5ea: {  	s7 =	sadd.s32 $0x80, s0;
	s10 =	sadd.s32 $0x60, s0;
	s11 =	simm.s32 $0xE080  }
0x5eb: {  	[tilespmem:s11], [sflag:$0x2] =	stream.linear.gather [hbm4b:s10+s1], $0x80, $0x38;
	[tilespmem:$0x11080] =	vst v63  }
0x5ec: {  	s8 =	simm.s32 $0x1000;
	s9 =	sadd.s32 $0x70, s0;
	s10 =	simm.s32 $0xF080  }
.LBB2_60:
0x5ed: {  	[tilespmem:s10], [sflag:$0x2] =	stream.linear.gather [hbm4b:s9+s1], $0x80, $0x38;
	[tilespmem:$0x11080] =	vst v63  }
0x5ee: {  	s10 =	smov.u32 s6;
	s6 =	smov.u32 s8  }
0x5ef: {  	s11 =	sadd.s32 $0x800, s8;
	s6 =	sshra.s32 s6, $0x2;
	s9 =	sadd.s32 $0x8080, s10  }
0x5f0: {  	[tilespmem:s9], [sflag:$0x2] =	stream.linear.gather [hbm4b:s7+s1], $0x80, $0x38;
	[tilespmem:$0x11080] =	vst v63  }
0x5f1: {  	p1 =	sne.s32 s8, $0x3800;
	s8 =	sadd.s32 $0x10, s7;
	s9 =	sadd.s32 $0x9080, s10  }
0x5f2: {  	[tilespmem:s9], [sflag:$0x2] =	stream.linear.gather [hbm4b:s8+s1], $0x80, $0x38;
	[tilespmem:$0x11080] =	vst v63  }
0x5f3: {  	s8 =	sadd.s32 $0x20, s7;
	s9 =	sadd.s32 $0xA080, s10  }
0x5f4: {  	[tilespmem:s9], [sflag:$0x2] =	stream.linear.gather [hbm4b:s8+s1], $0x80, $0x38;
	[tilespmem:$0x11080] =	vst v63  }
0x5f5: {  	s8 =	sadd.s32 $0x30, s7;
	s9 =	sadd.s32 $0xB080, s10  }
0x5f6: {  	[tilespmem:s9], [sflag:$0x2] =	stream.linear.gather [hbm4b:s8+s1], $0x80, $0x38;
	[tilespmem:$0x11080] =	vst v63  }
0x5f7: {  	s8 =	sadd.s32 $0x40, s7;
	s9 =	sadd.s32 $0xC080, s10  }
0x5f8: {  	[tilespmem:s9], [sflag:$0x2] =	stream.linear.gather [hbm4b:s8+s1], $0x80, $0x38;
	[tilespmem:$0x11080] =	vst v63  }
.Ltmp29:
0x5f9: {  	s8 =	sadd.s32 $0x50, s7;
	s9 =	sadd.s32 $0xD080, s10;
	(pc) =	sbr.rel @p1 .LBB2_60-.Ltmp29, $4  }
0x5fa: {  	[tilespmem:s9], [sflag:$0x2] =	stream.linear.gather [hbm4b:s8+s1], $0x80, $0x38;
	[tilespmem:$0x11080] =	vst v63  }
0x5fb: {  	s8 =	sadd.s32 $0x60, s7;
	s9 =	sadd.s32 $0xE080, s10;
	s10 =	sadd.s32 $0xF080, s10  }
0x5fc: {  	[tilespmem:s9], [sflag:$0x2] =	stream.linear.gather [hbm4b:s8+s1], $0x80, $0x38;
	[tilespmem:$0x11080] =	vst v63  }
0x5fd: {  	s9 =	sadd.s32 $0x70, s7;
	s7 =	sadd.s32 $0x80, s7;
	s8 =	smov.u32 s11  }
0x5fe: {  	[tilespmem:s10], [sflag:$0x2] =	stream.linear.gather [hbm4b:s9+s1], $0x80, $0x38;
	[tilespmem:$0x11080] =	vst v63  }
0x5ff: {  	s8 =	sadd.s32 $0x8080, s6  }
0x600: {  	[tilespmem:s8], [sflag:$0x2] =	stream.linear.gather [hbm4b:s7+s1], $0x80, $0x38;
	[tilespmem:$0x11080] =	vst v63  }
0x601: {  	s10 =	sadd.s32 $0x10, s7;
	s11 =	sadd.s32 $0x9080, s6  }
0x602: {  	[tilespmem:s11], [sflag:$0x2] =	stream.linear.gather [hbm4b:s10+s1], $0x80, $0x38;
	[tilespmem:$0x11080] =	vst v63  }
0x603: {  	s10 =	sadd.s32 $0x20, s7;
	s11 =	sadd.s32 $0xA080, s6  }
0x604: {  	[tilespmem:s11], [sflag:$0x2] =	stream.linear.gather [hbm4b:s10+s1], $0x80, $0x38;
	[tilespmem:$0x11080] =	vst v63  }
0x605: {  	s10 =	sadd.s32 $0x30, s7;
	s11 =	sadd.s32 $0xB080, s6  }
0x606: {  	[tilespmem:s11], [sflag:$0x2] =	stream.linear.gather [hbm4b:s10+s1], $0x80, $0x38;
	[tilespmem:$0x11080] =	vst v63  }
0x607: {  	s10 =	sadd.s32 $0x40, s7;
	s11 =	sadd.s32 $0xC080, s6  }
0x608: {  	[tilespmem:s11], [sflag:$0x2] =	stream.linear.gather [hbm4b:s10+s1], $0x80, $0x38;
	[tilespmem:$0x11080] =	vst v63  }
0x609: {  	s10 =	sadd.s32 $0x50, s7;
	s11 =	sadd.s32 $0xD080, s6  }
0x60a: {  	[tilespmem:s11], [sflag:$0x2] =	stream.linear.gather [hbm4b:s10+s1], $0x80, $0x38;
	[tilespmem:$0x11080] =	vst v63  }
0x60b: {  	s10 =	sadd.s32 $0x60, s7;
	s11 =	sadd.s32 $0xE080, s6  }
0x60c: {  	[tilespmem:s11], [sflag:$0x2] =	stream.linear.gather [hbm4b:s10+s1], $0x80, $0x38;
	[tilespmem:$0x11080] =	vst v63  }
0x60d: {  	s10 =	sadd.s32 $0x70, s7;
	s11 =	sadd.s32 $0xF080, s6  }
0x60e: {  	[tilespmem:s11], [sflag:$0x2] =	stream.linear.gather [hbm4b:s10+s1], $0x80, $0x38;
	[tilespmem:$0x11080] =	vst v63  }
0x60f: {  	s7 =	simm.s32 $0x8100  }
0x610: {  	[tilespmem:s7], [sflag:$0x2] =	stream.linear.gather [hbm4b:s2+s1], $0x80, $0x38;
	[tilespmem:$0x11080] =	vst v63  }
0x611: {  	s9 =	simm.s32 $0x9100;
	s8 =	sadd.s32 $0x10, s2  }
0x612: {  	[tilespmem:s9], [sflag:$0x2] =	stream.linear.gather [hbm4b:s8+s1], $0x80, $0x38;
	[tilespmem:$0x11080] =	vst v63  }
0x613: {  	s10 =	sadd.s32 $0x20, s2;
	s11 =	simm.s32 $0xA100  }
0x614: {  	[tilespmem:s11], [sflag:$0x2] =	stream.linear.gather [hbm4b:s10+s1], $0x80, $0x38;
	[tilespmem:$0x11080] =	vst v63  }
0x615: {  	s8 =	sadd.s32 $0x30, s2;
	s9 =	simm.s32 $0xB100  }
0x616: {  	[tilespmem:s9], [sflag:$0x2] =	stream.linear.gather [hbm4b:s8+s1], $0x80, $0x38;
	[tilespmem:$0x11080] =	vst v63  }
0x617: {  	s10 =	sadd.s32 $0x40, s2;
	s11 =	simm.s32 $0xC100  }
0x618: {  	[tilespmem:s11], [sflag:$0x2] =	stream.linear.gather [hbm4b:s10+s1], $0x80, $0x38;
	[tilespmem:$0x11080] =	vst v63  }
0x619: {  	s6 =	simm.s32 $0x200;
	s8 =	sadd.s32 $0x50, s2;
	s9 =	simm.s32 $0xD100  }
0x61a: {  	[tilespmem:s9], [sflag:$0x2] =	stream.linear.gather [hbm4b:s8+s1], $0x80, $0x38;
	[tilespmem:$0x11080] =	vst v63  }
0x61b: {  	s7 =	sadd.s32 $0x80, s2;
	s10 =	sadd.s32 $0x60, s2;
	s11 =	simm.s32 $0xE100  }
0x61c: {  	[tilespmem:s11], [sflag:$0x2] =	stream.linear.gather [hbm4b:s10+s1], $0x80, $0x38;
	[tilespmem:$0x11080] =	vst v63  }
0x61d: {  	s8 =	simm.s32 $0x1000;
	s9 =	sadd.s32 $0x70, s2;
	s10 =	simm.s32 $0xF100  }
.LBB2_62:
0x61e: {  	[tilespmem:s10], [sflag:$0x2] =	stream.linear.gather [hbm4b:s9+s1], $0x80, $0x38;
	[tilespmem:$0x11080] =	vst v63  }
0x61f: {  	s10 =	smov.u32 s6;
	s6 =	smov.u32 s8  }
0x620: {  	s11 =	sadd.s32 $0x800, s8;
	s6 =	sshra.s32 s6, $0x2;
	s9 =	sadd.s32 $0x8100, s10  }
0x621: {  	[tilespmem:s9], [sflag:$0x2] =	stream.linear.gather [hbm4b:s7+s1], $0x80, $0x38;
	[tilespmem:$0x11080] =	vst v63  }
0x622: {  	p1 =	sne.s32 s8, $0x3800;
	s8 =	sadd.s32 $0x10, s7;
	s9 =	sadd.s32 $0x9100, s10  }
0x623: {  	[tilespmem:s9], [sflag:$0x2] =	stream.linear.gather [hbm4b:s8+s1], $0x80, $0x38;
	[tilespmem:$0x11080] =	vst v63  }
0x624: {  	s8 =	sadd.s32 $0x20, s7;
	s9 =	sadd.s32 $0xA100, s10  }
0x625: {  	[tilespmem:s9], [sflag:$0x2] =	stream.linear.gather [hbm4b:s8+s1], $0x80, $0x38;
	[tilespmem:$0x11080] =	vst v63  }
0x626: {  	s8 =	sadd.s32 $0x30, s7;
	s9 =	sadd.s32 $0xB100, s10  }
0x627: {  	[tilespmem:s9], [sflag:$0x2] =	stream.linear.gather [hbm4b:s8+s1], $0x80, $0x38;
	[tilespmem:$0x11080] =	vst v63  }
0x628: {  	s8 =	sadd.s32 $0x40, s7;
	s9 =	sadd.s32 $0xC100, s10  }
0x629: {  	[tilespmem:s9], [sflag:$0x2] =	stream.linear.gather [hbm4b:s8+s1], $0x80, $0x38;
	[tilespmem:$0x11080] =	vst v63  }
.Ltmp30:
0x62a: {  	s8 =	sadd.s32 $0x50, s7;
	s9 =	sadd.s32 $0xD100, s10;
	(pc) =	sbr.rel @p1 .LBB2_62-.Ltmp30, $4  }
0x62b: {  	[tilespmem:s9], [sflag:$0x2] =	stream.linear.gather [hbm4b:s8+s1], $0x80, $0x38;
	[tilespmem:$0x11080] =	vst v63  }
0x62c: {  	s8 =	sadd.s32 $0x60, s7;
	s9 =	sadd.s32 $0xE100, s10;
	s10 =	sadd.s32 $0xF100, s10  }
0x62d: {  	[tilespmem:s9], [sflag:$0x2] =	stream.linear.gather [hbm4b:s8+s1], $0x80, $0x38;
	[tilespmem:$0x11080] =	vst v63  }
0x62e: {  	s9 =	sadd.s32 $0x70, s7;
	s7 =	sadd.s32 $0x80, s7;
	s8 =	smov.u32 s11  }
0x62f: {  	[tilespmem:s10], [sflag:$0x2] =	stream.linear.gather [hbm4b:s9+s1], $0x80, $0x38;
	[tilespmem:$0x11080] =	vst v63  }
0x630: {  	s8 =	sadd.s32 $0x8100, s6  }
0x631: {  	[tilespmem:s8], [sflag:$0x2] =	stream.linear.gather [hbm4b:s7+s1], $0x80, $0x38;
	[tilespmem:$0x11080] =	vst v63  }
0x632: {  	s10 =	sadd.s32 $0x10, s7;
	s11 =	sadd.s32 $0x9100, s6  }
0x633: {  	[tilespmem:s11], [sflag:$0x2] =	stream.linear.gather [hbm4b:s10+s1], $0x80, $0x38;
	[tilespmem:$0x11080] =	vst v63  }
0x634: {  	s10 =	sadd.s32 $0x20, s7;
	s11 =	sadd.s32 $0xA100, s6  }
0x635: {  	[tilespmem:s11], [sflag:$0x2] =	stream.linear.gather [hbm4b:s10+s1], $0x80, $0x38;
	[tilespmem:$0x11080] =	vst v63  }
0x636: {  	s10 =	sadd.s32 $0x30, s7;
	s11 =	sadd.s32 $0xB100, s6  }
0x637: {  	[tilespmem:s11], [sflag:$0x2] =	stream.linear.gather [hbm4b:s10+s1], $0x80, $0x38;
	[tilespmem:$0x11080] =	vst v63  }
0x638: {  	s10 =	sadd.s32 $0x40, s7;
	s11 =	sadd.s32 $0xC100, s6  }
0x639: {  	[tilespmem:s11], [sflag:$0x2] =	stream.linear.gather [hbm4b:s10+s1], $0x80, $0x38;
	[tilespmem:$0x11080] =	vst v63  }
0x63a: {  	s10 =	sadd.s32 $0x50, s7;
	s11 =	sadd.s32 $0xD100, s6  }
0x63b: {  	[tilespmem:s11], [sflag:$0x2] =	stream.linear.gather [hbm4b:s10+s1], $0x80, $0x38;
	[tilespmem:$0x11080] =	vst v63  }
0x63c: {  	s10 =	sadd.s32 $0x60, s7;
	s11 =	sadd.s32 $0xE100, s6  }
0x63d: {  	[tilespmem:s11], [sflag:$0x2] =	stream.linear.gather [hbm4b:s10+s1], $0x80, $0x38;
	[tilespmem:$0x11080] =	vst v63  }
0x63e: {  	s10 =	sadd.s32 $0x70, s7;
	s11 =	sadd.s32 $0xF100, s6  }
0x63f: {  	[tilespmem:s11], [sflag:$0x2] =	stream.linear.gather [hbm4b:s10+s1], $0x80, $0x38;
	[tilespmem:$0x11080] =	vst v63  }
0x640: {  	s7 =	simm.s32 $0x8180  }
0x641: {  	[tilespmem:s7], [sflag:$0x2] =	stream.linear.gather [hbm4b:s3+s1], $0x80, $0x38;
	[tilespmem:$0x11080] =	vst v63  }
0x642: {  	s9 =	simm.s32 $0x9180;
	s8 =	sadd.s32 $0x10, s3  }
0x643: {  	[tilespmem:s9], [sflag:$0x2] =	stream.linear.gather [hbm4b:s8+s1], $0x80, $0x38;
	[tilespmem:$0x11080] =	vst v63  }
0x644: {  	s10 =	sadd.s32 $0x20, s3;
	s11 =	simm.s32 $0xA180  }
0x645: {  	[tilespmem:s11], [sflag:$0x2] =	stream.linear.gather [hbm4b:s10+s1], $0x80, $0x38;
	[tilespmem:$0x11080] =	vst v63  }
0x646: {  	s8 =	sadd.s32 $0x30, s3;
	s9 =	simm.s32 $0xB180  }
0x647: {  	[tilespmem:s9], [sflag:$0x2] =	stream.linear.gather [hbm4b:s8+s1], $0x80, $0x38;
	[tilespmem:$0x11080] =	vst v63  }
0x648: {  	s10 =	sadd.s32 $0x40, s3;
	s11 =	simm.s32 $0xC180  }
0x649: {  	[tilespmem:s11], [sflag:$0x2] =	stream.linear.gather [hbm4b:s10+s1], $0x80, $0x38;
	[tilespmem:$0x11080] =	vst v63  }
0x64a: {  	s6 =	simm.s32 $0x200;
	s8 =	sadd.s32 $0x50, s3;
	s9 =	simm.s32 $0xD180  }
0x64b: {  	[tilespmem:s9], [sflag:$0x2] =	stream.linear.gather [hbm4b:s8+s1], $0x80, $0x38;
	[tilespmem:$0x11080] =	vst v63  }
0x64c: {  	s7 =	sadd.s32 $0x80, s3;
	s10 =	sadd.s32 $0x60, s3;
	s11 =	simm.s32 $0xE180  }
0x64d: {  	[tilespmem:s11], [sflag:$0x2] =	stream.linear.gather [hbm4b:s10+s1], $0x80, $0x38;
	[tilespmem:$0x11080] =	vst v63  }
0x64e: {  	s8 =	simm.s32 $0x1000;
	s9 =	sadd.s32 $0x70, s3;
	s10 =	simm.s32 $0xF180  }
.LBB2_64:
0x64f: {  	[tilespmem:s10], [sflag:$0x2] =	stream.linear.gather [hbm4b:s9+s1], $0x80, $0x38;
	[tilespmem:$0x11080] =	vst v63  }
0x650: {  	s10 =	smov.u32 s6;
	s6 =	smov.u32 s8  }
0x651: {  	s11 =	sadd.s32 $0x800, s8;
	s6 =	sshra.s32 s6, $0x2;
	s9 =	sadd.s32 $0x8180, s10  }
0x652: {  	[tilespmem:s9], [sflag:$0x2] =	stream.linear.gather [hbm4b:s7+s1], $0x80, $0x38;
	[tilespmem:$0x11080] =	vst v63  }
0x653: {  	p1 =	sne.s32 s8, $0x3800;
	s8 =	sadd.s32 $0x10, s7;
	s9 =	sadd.s32 $0x9180, s10  }
0x654: {  	[tilespmem:s9], [sflag:$0x2] =	stream.linear.gather [hbm4b:s8+s1], $0x80, $0x38;
	[tilespmem:$0x11080] =	vst v63  }
0x655: {  	s8 =	sadd.s32 $0x20, s7;
	s9 =	sadd.s32 $0xA180, s10  }
0x656: {  	[tilespmem:s9], [sflag:$0x2] =	stream.linear.gather [hbm4b:s8+s1], $0x80, $0x38;
	[tilespmem:$0x11080] =	vst v63  }
0x657: {  	s8 =	sadd.s32 $0x30, s7;
	s9 =	sadd.s32 $0xB180, s10  }
0x658: {  	[tilespmem:s9], [sflag:$0x2] =	stream.linear.gather [hbm4b:s8+s1], $0x80, $0x38;
	[tilespmem:$0x11080] =	vst v63  }
0x659: {  	s8 =	sadd.s32 $0x40, s7;
	s9 =	sadd.s32 $0xC180, s10  }
0x65a: {  	[tilespmem:s9], [sflag:$0x2] =	stream.linear.gather [hbm4b:s8+s1], $0x80, $0x38;
	[tilespmem:$0x11080] =	vst v63  }
.Ltmp31:
0x65b: {  	s8 =	sadd.s32 $0x50, s7;
	s9 =	sadd.s32 $0xD180, s10;
	(pc) =	sbr.rel @p1 .LBB2_64-.Ltmp31, $4  }
0x65c: {  	[tilespmem:s9], [sflag:$0x2] =	stream.linear.gather [hbm4b:s8+s1], $0x80, $0x38;
	[tilespmem:$0x11080] =	vst v63  }
0x65d: {  	s8 =	sadd.s32 $0x60, s7;
	s9 =	sadd.s32 $0xE180, s10;
	s10 =	sadd.s32 $0xF180, s10  }
0x65e: {  	[tilespmem:s9], [sflag:$0x2] =	stream.linear.gather [hbm4b:s8+s1], $0x80, $0x38;
	[tilespmem:$0x11080] =	vst v63  }
0x65f: {  	s9 =	sadd.s32 $0x70, s7;
	s7 =	sadd.s32 $0x80, s7;
	s8 =	smov.u32 s11  }
0x660: {  	[tilespmem:s10], [sflag:$0x2] =	stream.linear.gather [hbm4b:s9+s1], $0x80, $0x38;
	[tilespmem:$0x11080] =	vst v63  }
0x661: {  	s8 =	sadd.s32 $0x8180, s6  }
0x662: {  	[tilespmem:s8], [sflag:$0x2] =	stream.linear.gather [hbm4b:s7+s1], $0x80, $0x38;
	[tilespmem:$0x11080] =	vst v63  }
0x663: {  	s10 =	sadd.s32 $0x10, s7;
	s11 =	sadd.s32 $0x9180, s6  }
0x664: {  	[tilespmem:s11], [sflag:$0x2] =	stream.linear.gather [hbm4b:s10+s1], $0x80, $0x38;
	[tilespmem:$0x11080] =	vst v63  }
0x665: {  	s10 =	sadd.s32 $0x20, s7;
	s11 =	sadd.s32 $0xA180, s6  }
0x666: {  	[tilespmem:s11], [sflag:$0x2] =	stream.linear.gather [hbm4b:s10+s1], $0x80, $0x38;
	[tilespmem:$0x11080] =	vst v63  }
0x667: {  	s10 =	sadd.s32 $0x30, s7;
	s11 =	sadd.s32 $0xB180, s6  }
0x668: {  	[tilespmem:s11], [sflag:$0x2] =	stream.linear.gather [hbm4b:s10+s1], $0x80, $0x38;
	[tilespmem:$0x11080] =	vst v63  }
0x669: {  	s10 =	sadd.s32 $0x40, s7;
	s11 =	sadd.s32 $0xC180, s6  }
0x66a: {  	[tilespmem:s11], [sflag:$0x2] =	stream.linear.gather [hbm4b:s10+s1], $0x80, $0x38;
	[tilespmem:$0x11080] =	vst v63  }
0x66b: {  	s10 =	sadd.s32 $0x50, s7;
	s11 =	sadd.s32 $0xD180, s6  }
0x66c: {  	[tilespmem:s11], [sflag:$0x2] =	stream.linear.gather [hbm4b:s10+s1], $0x80, $0x38;
	[tilespmem:$0x11080] =	vst v63  }
0x66d: {  	s9 =	sadd.s32 $0x60, s7;
	s10 =	sadd.s32 $0xE180, s6  }
0x66e: {  	[tilespmem:s10], [sflag:$0x2] =	stream.linear.gather [hbm4b:s9+s1], $0x80, $0x38;
	[tilespmem:$0x11080] =	vst v63  }
0x66f: {  	s8 =	sadd.s32 $0xF180, s6;
	s11 =	sadd.s32 $0x70, s7  }
0x670: {  	[tilespmem:s8], [sflag:$0x2] =	stream.linear.gather [hbm4b:s11+s1], $0x80, $0x38;
	[tilespmem:$0x11080] =	vst v63  }
0x671: {  	_ =	swait.ge [sflag:s4], $0x2000  }
0x672: {  	[sflag:s4] =	ssyncset.done $0x0  }
0x673: {  	[sflag:s4] =	ssyncadd.s32 $0xFFFFE000  }
0x674: {  	_ =	swait.ge [sflag:s4], $0x2000  }
0x675: {  	[sflag:s4] =	ssyncset.done $0x0  }
0x676: {  	[sflag:s4] =	ssyncadd.s32 $0xFFFFE000  }
0x677: {  	_ =	swait.ge [sflag:s4], $0x2000  }
0x678: {  	[sflag:s4] =	ssyncset.done $0x0  }
0x679: {  	[sflag:s4] =	ssyncadd.s32 $0xFFFFE000  }
0x67a: {  	_ =	swait.ge [sflag:s4], $0x2000  }
0x67b: {  	[sflag:s4] =	ssyncset.done $0x0  }
0x67c: {  	s9 =	rddreg [dreg:$0x15];
	[sflag:s4] =	ssyncadd.s32 $0xFFFFE000  }
0x67d: {  	[hbm4b:s9+s1] =	stream.linear.scatter [tilespmem:s1], [sflag:$0x3], $0x8000, $0x38;
	[tilespmem:$0x11080] =	vst v63  }
0x67e: {  	_ =	swait.ge [sflag:s5], $0x2000  }
0x67f: {  	[sflag:s5] =	ssyncset.done $0x0  }
0x680: {  	[sflag:s5] =	ssyncadd.s32 $0xFFFFE000  }
0x681: {  	_ =	swait.ge [sflag:s5], $0x2000  }
0x682: {  	[sflag:s5] =	ssyncset.done $0x0  }
0x683: {  	[sflag:s5] =	ssyncadd.s32 $0xFFFFE000  }
0x684: {  	_ =	swait.ge [sflag:s5], $0x2000  }
0x685: {  	[sflag:s5] =	ssyncset.done $0x0  }
0x686: {  	[sflag:s5] =	ssyncadd.s32 $0xFFFFE000  }
0x687: {  	_ =	swait.ge [sflag:s5], $0x2000  }
0x688: {  	s11 =	simm.s32 $0x8000;
	[sflag:s5] =	ssyncset.done $0x0  }
0x689: {  	s8 =	simm.s32 $0x3;
	s10 =	rddreg [dreg:$0x16];
	[sflag:s5] =	ssyncadd.s32 $0xFFFFE000  }
0x68a: {  	[hbm4b:s10+s1] =	stream.linear.scatter [tilespmem:s11], [sflag:$0x4], $0x8000, $0x38;
	[tilespmem:$0x11080] =	vst v63  }
0x68b: {  	_ =	swait.ge [sflag:s8], $0x8000  }
0x68c: {  	[sflag:s8] =	ssyncset.done $0x0  }
0x68d: {  	s9 =	simm.s32 $0x4;
	[sflag:s8] =	ssyncadd.s32 $0xFFFF8000  }
0x68e: {  	_ =	swait.ge [sflag:s9], $0x8000  }
0x68f: {  	[sflag:s9] =	ssyncset.done $0x0  }
0x690: {  	s6 =	simm.s32 @!p0 $0x5;
	[sflag:s9] =	ssyncadd.s32 $0xFFFF8000  }
0x691: {  	_ =	swait.ge @!p0 [sflag:s6], $0x1000  }
0x692: {  	s7 =	simm.s32 @!p0 $0x10080;
	[sflag:s6] =	ssyncset.done @!p0 $0x0  }
0x693: {  	s8 =	rddreg [dreg:$0x17];
	[sflag:s6] =	ssyncadd.s32 @!p0 $0xFFFFF000;
	s6 =	simm.s32 @!p0 $0x0  }
0x694: {  	[hbm4b:s8+s6] =	stream.linear.scatter @!p0 [tilespmem:s7], [sflag:$0x6], $0x1000, $0x38;
	[tilespmem:$0x11080] =	vst v63  }
0x695: {  	s6 =	simm.s32 @!p0 $0x6  }
0x696: {  	_ =	swait.ge @!p0 [sflag:s6], $0x1000  }
0x697: {  	s10 =	rddreg [dreg:$0x1a]  }
0x698: {  	s11 =	rddreg [dreg:$0x18];
	s8 =	sadd.s32 $0x1, s10  }
0x699: {  	p1 =	sne.s32 s8, s11  }
.Ltmp32:
0x69a: {  	_ = 	snop;
	(pc) =	sbr.rel @p1 .LBB2_1-.Ltmp32, $3  }
0x69b: {  	_ =	sdelay $0x1  }
0x69c: {  	[sflag:s6] =	ssyncset.done @!p0 $0x0  }
0x69d: {  	[sflag:s6] =	ssyncadd.s32 @!p0 $0xFFFFF000  }
0x69e: {  	_ =	sfence.sel $0x180000  }
0x69f: {  	[bflag:$0x0] =	sbarrier.arrive $0xFFFF  }
0x6a0: {  	_ =	strace $0x90000047  }
0x6a1: {  	s0 =	stileid.u32;
	[bflag:$0x2] =	sbarrier.arrive $0xFFFF  }
0x6a2: {  	p0 =	sne.s32 s0, $0x0;
	s0 =	rddreg [dreg:$0x4]  }
0x6a3: {  	s0 =	sadd.s32 @!p0 $0x100000, s0  }
0x6a4: {  	[sflag:s0] =	ssyncadd.tile.s32 @!p0 $0x1;
	_ =	shalt  }
.Lfunc_end2:
_tile_overlayer_lowered:
.L_overlay_start_2:
0x6a5: {  	(tag) =	ssettag $0x2  }
0x6a6: {  	s0 =	rddreg [dreg:$0x0];
	s2 =	stileid.u32  }
0x6a7: {  	s1 =	rddreg [dreg:$0x1];
	p0 =	sne.s32 s2, $0x0  }
0x6a8: {  	s3 =	rddreg [dreg:$0x2];
	[bflag:$0x3] =	sbarrier.arrive $0xFFFF;
	s2 =	simm.s32 @!p0 $0x1C06  }
0x6a9: {  	[timem:s3], [sflag:s2] =	dma.local @!p0 [hbm:s0], s1  }
0x6aa: {  	s0 =	simm.s32 @!p0 $0x6  }
0x6ab: {  	_ =	swait.ge @!p0 [sflag:s0], s1  }
0x6ac: {  	s1 =	ssub.s32 @!p0 $0x0, s1;
	[sflag:s0] =	ssyncset.done @!p0 $0x0  }
0x6ad: {  	[sflag:s0] =	ssyncadd.s32 @!p0 s1  }
0x6ae: {  	[bflag:$0x3] =	sbarrier.arrive $0xFFFF  }
0x6af: {  	_ =	shalt  }

</sc_bundles>
